<compile_context>
chip_gen: v7x
topology: tpu7x:2x2x1
jax: 0.10.2.dev20260603
libtpu: 0.0.44.dev20260713+nightly
codegen_flags: <defaults>
</compile_context>

<pallas_src>
import functools

import jax
import jax.numpy as jnp
import numpy as np
from jax.experimental import pallas as pl
from jax.experimental.pallas import tpu as pltpu
from jax.experimental.pallas import tpu_sc as plsc

_N_HEADS = 16
_HEAD_DIM = 128
_ROPE_DIM = 64
_S = 2048
_DIM = 3072
_QLORA = 1536
_EPS = 1e-6
_SCALE = _HEAD_DIM ** (-0.5)
_MINVAL = float(jnp.finfo(jnp.bfloat16).min)
_WSCALE = 0.0220947265625

_PERM = np.concatenate([np.arange(0, 64, 2), np.arange(1, 64, 2), np.arange(64, 128)])


def _kprep_body(x_ref, wk_ref, g_ref, cos_ref, sin_ref, k_out):
    k32 = jax.lax.dot_general(x_ref[...], wk_ref[...],
                              dimension_numbers=(((1,), (1,)), ((), ())),
                              preferred_element_type=jnp.float32)
    ms = jnp.mean(k32 * k32, axis=-1, keepdims=True)
    kr = k32 * jax.lax.rsqrt(ms + _EPS) * g_ref[...]
    kp = kr[:, :_ROPE_DIM]
    rot = jnp.concatenate([-kp[:, 32:], kp[:, :32]], axis=1)
    kpe = kp * cos_ref[...] + rot * sin_ref[...]
    k_out[...] = jnp.concatenate([kpe, kr[:, _ROPE_DIM:]], axis=1)


def _score_body(qr_ref, wq_ref, x_ref, wp_ref, cos_ref, sin_ref, k_ref, mask_ref,
                score_out, key_out):
    q32 = jax.lax.dot_general(qr_ref[...], wq_ref[...],
                              dimension_numbers=(((1,), (1,)), ((), ())),
                              preferred_element_type=jnp.float32)
    pw = jax.lax.dot_general(x_ref[...], wp_ref[...],
                             dimension_numbers=(((1,), (1,)), ((), ())),
                             preferred_element_type=jnp.float32)
    w = pw * jnp.float32(_WSCALE)
    cos = cos_ref[...]
    sin = sin_ref[...]
    kb16 = k_ref[...].astype(jnp.bfloat16)
    acc = mask_ref[...]
    for h in range(_N_HEADS):
        base = h * _HEAD_DIM
        qpe = q32[:, base:base + _ROPE_DIM]
        rot = jnp.concatenate([-qpe[:, 32:], qpe[:, :32]], axis=1)
        qpe = qpe * cos + rot * sin
        qh = jnp.concatenate([qpe, q32[:, base + _ROPE_DIM:base + _HEAD_DIM]], axis=1)
        sh = jax.lax.dot_general(qh.astype(jnp.bfloat16), kb16,
                                 dimension_numbers=(((1,), (1,)), ((), ())),
                                 preferred_element_type=jnp.float32)
        acc = acc + w[:, h:h + 1] * jnp.maximum(sh, 0.0)
    score_out[...] = acc
    b = jax.lax.bitcast_convert_type(acc, jnp.int32)
    key_out[...] = jnp.where(b < 0, b ^ np.int32(-2 ** 31), ~b)


def _compute_scores(x2, qr2, cos2, sin2, mask2, wq_p, wk_p, wp, g_p):
    KB = 512
    k_all = pl.pallas_call(
        _kprep_body,
        grid=(_S // KB,),
        in_specs=[
            pl.BlockSpec((KB, _DIM), lambda i: (i, 0)),
            pl.BlockSpec((_HEAD_DIM, _DIM), lambda i: (0, 0)),
            pl.BlockSpec((1, _HEAD_DIM), lambda i: (0, 0)),
            pl.BlockSpec((KB, _ROPE_DIM), lambda i: (i, 0)),
            pl.BlockSpec((KB, _ROPE_DIM), lambda i: (i, 0)),
        ],
        out_specs=pl.BlockSpec((KB, _HEAD_DIM), lambda i: (i, 0)),
        out_shape=jax.ShapeDtypeStruct((_S, _HEAD_DIM), jnp.float32),
    )(x2, wk_p, g_p, cos2, sin2)

    RB = 256
    score, key = pl.pallas_call(
        _score_body,
        grid=(_S // RB,),
        in_specs=[
            pl.BlockSpec((RB, _QLORA), lambda i: (i, 0)),
            pl.BlockSpec((_N_HEADS * _HEAD_DIM, _QLORA), lambda i: (0, 0)),
            pl.BlockSpec((RB, _DIM), lambda i: (i, 0)),
            pl.BlockSpec((_N_HEADS, _DIM), lambda i: (0, 0)),
            pl.BlockSpec((RB, _ROPE_DIM), lambda i: (i, 0)),
            pl.BlockSpec((RB, _ROPE_DIM), lambda i: (i, 0)),
            pl.BlockSpec((_S, _HEAD_DIM), lambda i: (0, 0)),
            pl.BlockSpec((RB, _S), lambda i: (i, 0)),
        ],
        out_specs=(pl.BlockSpec((RB, _S), lambda i: (i, 0)),
                   pl.BlockSpec((RB, _S), lambda i: (i, 0))),
        out_shape=(jax.ShapeDtypeStruct((_S, _S), jnp.float32),
                   jax.ShapeDtypeStruct((_S, _S), jnp.int32)),
    )(qr2, wq_p, x2, wp, cos2, sin2, k_all, mask2)
    return score, key


_NW = 32
_RPW = _S // _NW
_RB = 4


def _sc_sort_rows(score_flat, key_flat):
    mesh = plsc.VectorSubcoreMesh(core_axis_name="c", subcore_axis_name="s")

    @functools.partial(
        pl.kernel,
        mesh=mesh,
        out_type=(jax.ShapeDtypeStruct((_S * _S,), jnp.int32),
                  jax.ShapeDtypeStruct((_S * _S,), jnp.float32),
                  jax.ShapeDtypeStruct((_S * _S,), jnp.float32)),
        scratch_types=[
            pltpu.VMEM((_RB * _S,), jnp.float32),
            pltpu.VMEM((_RB * _S,), jnp.int32),
            pltpu.VMEM((_S,), jnp.int32),
            pltpu.VMEM((_S,), jnp.int32),
            pltpu.VMEM((_S,), jnp.int32),
            pltpu.VMEM((_S,), jnp.int32),
            pltpu.VMEM((512,), jnp.int32),
            pltpu.VMEM((512,), jnp.int32),
            pltpu.VMEM((2 * _S,), jnp.int32),
            pltpu.VMEM((_S,), jnp.int32),
            pltpu.VMEM((_S,), jnp.int32),
            pltpu.VMEM((_S,), jnp.int32),
            pltpu.VMEM((_S,), jnp.int32),
            pltpu.VMEM((512,), jnp.int32),
            pltpu.VMEM((512,), jnp.int32),
            pltpu.VMEM((_RB * _S,), jnp.int32),
            pltpu.VMEM((_RB * _S,), jnp.float32),
            pltpu.VMEM((_RB * _S,), jnp.float32),
        ],
        compiler_params=pltpu.CompilerParams(needs_layout_passes=False),
    )
    def sorter(score_hbm, key_hbm, idx_hbm, mask_hbm, sco_hbm,
               sslab, kslab, key_a, key_b, idx_a, idx_b, hist, hoff, kept,
               key_a2, key_b2, idx_a2, idx_b2, hist2, hoff2,
               islab, mslab, oslab):
        lane = jax.lax.iota(jnp.int32, 16)
        gidx0 = lane * 128
        ones = jnp.ones((16,), jnp.int32)
        zeros = jnp.zeros((16,), jnp.int32)
        minv = jnp.full((16,), _MINVAL, jnp.float32)
        zf = jnp.zeros((16,), jnp.float32)
        wid = jax.lax.axis_index("s") * 2 + jax.lax.axis_index("c")
        base_row = wid * _RPW

        def radix_pass2(sk1, sb1, si1, dk1, di1, sk2, sb2, si2, dk2, di2, p):
            shift = 5 * p
            nb = 32 if p < 6 else 4

            def digit(kv):
                dg = jax.lax.shift_right_logical(kv, shift) & 31
                if p == 6:
                    dg = (dg & 3) ^ 2
                return dg

            @plsc.parallel_loop(0, 128, unroll=4)
            def histf(i):
                kv1 = plsc.load_gather(sk1, [sb1 + gidx0 + i])
                kv2 = plsc.load_gather(sk2, [sb2 + gidx0 + i])
                plsc.addupdate_scatter(hist, [digit(kv1) * 16 + lane], ones)
                plsc.addupdate_scatter(hist2, [digit(kv2) * 16 + lane], ones)

            def scanf(i, carry):
                c1, c2 = carry
                for u in range(4):
                    o = i * 64 + u * 16
                    v1 = hist[pl.ds(o, 16)]
                    v2 = hist2[pl.ds(o, 16)]
                    hist[pl.ds(o, 16)] = zeros
                    hist2[pl.ds(o, 16)] = zeros
                    cs1 = plsc.cumsum(v1)
                    cs2 = plsc.cumsum(v2)
                    hoff[pl.ds(o, 16)] = cs1 - v1 + c1
                    hoff2[pl.ds(o, 16)] = cs2 - v2 + c2
                    c1 = c1 + jnp.sum(v1)
                    c2 = c2 + jnp.sum(v2)
                return c1, c2
            jax.lax.fori_loop(0, nb // 4, scanf, (jnp.int32(0), jnp.int32(0)))

            def permf(i, c):
                gi = gidx0 + i
                kv1 = plsc.load_gather(sk1, [sb1 + gi])
                kv2 = plsc.load_gather(sk2, [sb2 + gi])
                iv1 = gi if si1 is None else plsc.load_gather(si1, [gi])
                iv2 = gi if si2 is None else plsc.load_gather(si2, [gi])
                b1 = digit(kv1) * 16 + lane
                b2 = digit(kv2) * 16 + lane
                o1 = plsc.load_gather(hoff, [b1])
                o2 = plsc.load_gather(hoff2, [b2])
                plsc.store_scatter(dk1, [o1], kv1)
                plsc.store_scatter(dk2, [o2], kv2)
                plsc.store_scatter(di1, [o1], iv1)
                plsc.store_scatter(di2, [o2], iv2)
                plsc.addupdate_scatter(hoff, [b1], ones)
                plsc.addupdate_scatter(hoff2, [b2], ones)
                return c
            jax.lax.fori_loop(0, 128, permf, 0)

        @plsc.parallel_loop(0, 512, step=16, unroll=8)
        def clear0(o):
            hist[pl.ds(o, 16)] = zeros
            hist2[pl.ds(o, 16)] = zeros

        def do_batch(bi, c):
            rb = base_row + bi * _RB
            pltpu.sync_copy(score_hbm.at[pl.ds(rb * _S, _RB * _S)], sslab)
            pltpu.sync_copy(key_hbm.at[pl.ds(rb * _S, _RB * _S)], kslab)

            def do_pair(po, cc):
                ro = po * 2
                r = rb + ro
                r2 = r + 1
                bo = ro * _S
                bo2 = bo + _S

                radix_pass2(kslab, bo, None, key_b, idx_b,
                            kslab, bo2, None, key_b2, idx_b2, 0)
                radix_pass2(key_b, 0, idx_b, key_a, idx_a,
                            key_b2, 0, idx_b2, key_a2, idx_a2, 1)
                radix_pass2(key_a, 0, idx_a, key_b, idx_b,
                            key_a2, 0, idx_a2, key_b2, idx_b2, 2)
                radix_pass2(key_b, 0, idx_b, key_a, idx_a,
                            key_b2, 0, idx_b2, key_a2, idx_a2, 3)
                radix_pass2(key_a, 0, idx_a, key_b, idx_b,
                            key_a2, 0, idx_a2, key_b2, idx_b2, 4)
                radix_pass2(key_b, 0, idx_b, key_a, idx_a,
                            key_b2, 0, idx_b2, key_a2, idx_a2, 5)
                radix_pass2(key_a, 0, idx_a, key_b, idx_b,
                            key_a2, 0, idx_a2, key_b2, idx_b2, 6)

                @plsc.parallel_loop(0, 2048, step=16, unroll=8)
                def tailf(o):
                    pos = lane + o
                    v = idx_b[pl.ds(o, 16)]
                    v2 = idx_b2[pl.ds(o, 16)]
                    islab[pl.ds(bo + o, 16)] = jnp.where(pos <= r, v, jnp.int32(_S))
                    islab[pl.ds(bo2 + o, 16)] = jnp.where(pos <= r2, v2, jnp.int32(_S))
                    kept[pl.ds(o, 16)] = zeros
                    kept[pl.ds(_S + o, 16)] = zeros

                @plsc.parallel_loop(0, ((r2 >> 4) + 1) * 16, step=16, unroll=8)
                def ksetf(o):
                    t = lane + o
                    idv = idx_b[pl.ds(o, 16)]
                    idv2 = idx_b2[pl.ds(o, 16)]
                    plsc.store_scatter(kept, [idv], ones, mask=t <= r)
                    plsc.store_scatter(kept, [idv2 + _S], ones, mask=t <= r2)

                @plsc.parallel_loop(0, 2048, step=16, unroll=8)
                def emitf(o):
                    keep = kept[pl.ds(o, 16)] > 0
                    keep2 = kept[pl.ds(_S + o, 16)] > 0
                    sv = sslab[pl.ds(bo + o, 16)]
                    sv2 = sslab[pl.ds(bo2 + o, 16)]
                    mslab[pl.ds(bo + o, 16)] = jnp.where(keep, zf, minv)
                    mslab[pl.ds(bo2 + o, 16)] = jnp.where(keep2, zf, minv)
                    oslab[pl.ds(bo + o, 16)] = jnp.where(keep, sv, minv)
                    oslab[pl.ds(bo2 + o, 16)] = jnp.where(keep2, sv2, minv)
                return cc

            jax.lax.fori_loop(0, _RB // 2, do_pair, 0)
            pltpu.sync_copy(islab, idx_hbm.at[pl.ds(rb * _S, _RB * _S)])
            pltpu.sync_copy(mslab, mask_hbm.at[pl.ds(rb * _S, _RB * _S)])
            pltpu.sync_copy(oslab, sco_hbm.at[pl.ds(rb * _S, _RB * _S)])
            return c

        jax.lax.fori_loop(0, _RPW // _RB, do_batch, 0)

    return sorter(score_flat, key_flat)


def kernel(x, qr, cos, sin, mask, Wq, Wk, Wp, g):
    B, S, _ = x.shape
    x2 = x.reshape(S, _DIM)
    qr2 = qr.reshape(S, _QLORA)
    cos2 = cos.reshape(S, _ROPE_DIM)
    sin2 = sin.reshape(S, _ROPE_DIM)
    mask2 = mask.reshape(S, S)
    perm = jnp.asarray(_PERM)
    wq_p = Wq.reshape(_N_HEADS, _HEAD_DIM, _QLORA)[:, perm, :].reshape(
        _N_HEADS * _HEAD_DIM, _QLORA)
    wk_p = Wk[perm, :]
    g_p = g[perm].reshape(1, _HEAD_DIM)

    score, key = _compute_scores(x2, qr2, cos2, sin2, mask2, wq_p, wk_p, Wp, g_p)

    idx2d, mask2d, sco2d = _sc_sort_rows(score.reshape(-1), key.reshape(-1))
    return (idx2d.reshape(B, 1, S, S),
            sco2d.reshape(B, 1, S, S),
            mask2d.reshape(B, 1, S, S))

# --- scband reference (transcript-rebuilt; emitter-appended) ---
"""Pipeline reference for scband-ref-indexer-88235808129232 (READ-ONLY COPY).

The authoritative reference and input builder live on the scoring server;
editing this copy changes nothing except your own understanding.
"""

import jax, jax.numpy as jnp
import numpy as np

N_HEADS = 16
HEAD_DIM = 128
ROPE_DIM = 64
TOPK = 2048
DIM = 3072
QLORA = 1536
EPS = 1e-6
SCALE = HEAD_DIM ** (-0.5)


def rotate_half(t):
    d = t.shape[-1] // 2
    return jnp.concatenate([-t[..., d:], t[..., :d]], axis=-1)


def apply_rope_mla(t, cos, sin):
    b, s, h, d = t.shape
    t = t.reshape(b, s, h, d // 2, 2).transpose(0, 1, 2, 4, 3).reshape(b, s, h, d)
    return t * cos + rotate_half(t) * sin


def setup_inputs(seed: int = 0) -> dict:
    key = jax.random.key(seed)
    ks = jax.random.split(key, 8)
    B, S = 1, 2048
    x = jax.random.normal(ks[0], (B, S, DIM), dtype=jnp.bfloat16)
    qr = jax.random.normal(ks[1], (B, S, QLORA), dtype=jnp.bfloat16)
    cos = jax.random.uniform(ks[2], (1, S, 1, ROPE_DIM), dtype=jnp.float32)
    sin = jax.random.uniform(ks[3], (1, S, 1, ROPE_DIM), dtype=jnp.float32)
    mask = jnp.zeros((B, 1, S, S), dtype=jnp.float32)
    Wq = (jax.random.normal(ks[4], (N_HEADS * HEAD_DIM, QLORA), dtype=jnp.float32) * 0.02).astype(jnp.bfloat16)
    Wk = (jax.random.normal(ks[5], (HEAD_DIM, DIM), dtype=jnp.float32) * 0.02).astype(jnp.bfloat16)
    Wp = (jax.random.normal(ks[6], (N_HEADS, DIM), dtype=jnp.float32) * 0.02).astype(jnp.bfloat16)
    g = jnp.ones((HEAD_DIM,), dtype=jnp.float32)
    return {"x": x, "qr": qr, "cos": cos, "sin": sin, "mask": mask, "Wq": Wq, "Wk": Wk, "Wp": Wp, "g": g}


def reference(x, qr, cos, sin, mask, Wq, Wk, Wp, g):
    B, S, _ = x.shape
    # q projection from low-rank query latent
    q = (qr @ Wq.T).reshape(B, S, N_HEADS, HEAD_DIM)
    # k projection + RMSNorm (computed in fp32 like torch RMSNorm upcast)
    k = x @ Wk.T
    k32 = k.astype(jnp.float32)
    k = k32 * jax.lax.rsqrt(jnp.mean(k32 * k32, axis=-1, keepdims=True) + EPS) * g
    k = k[:, :, None, :]  # [B, S, 1, D]
    q = q.transpose(0, 2, 1, 3).astype(jnp.float32)  # [B, H, S, D]
    k = k.transpose(0, 2, 1, 3)  # [B, 1, S, D]
    q_pe, q_nope = q[..., :ROPE_DIM], q[..., ROPE_DIM:]
    k_pe, k_nope = k[..., :ROPE_DIM], k[..., ROPE_DIM:]
    q_pe = apply_rope_mla(q_pe.transpose(0, 2, 1, 3), cos, sin).transpose(0, 2, 1, 3)
    k_pe = apply_rope_mla(k_pe.transpose(0, 2, 1, 3), cos, sin).transpose(0, 2, 1, 3)
    q = jnp.concatenate([q_pe, q_nope], axis=-1)
    k = jnp.concatenate([k_pe, k_nope], axis=-1)
    # per-head gating weights
    w = (x @ Wp.T) * (N_HEADS ** (-0.5))
    w = (w[..., None] * SCALE).transpose(0, 2, 1, 3).astype(jnp.float32)  # [B, H, S, 1]
    kb = jnp.broadcast_to(k, (B, N_HEADS, S, HEAD_DIM))
    index_score = q @ kb.transpose(0, 1, 3, 2)  # [B, H, S, S]
    index_score = (w * jax.nn.relu(index_score)).sum(axis=1, keepdims=True)  # [B, 1, S, S]
    index_score = index_score + mask
    topk = min(TOPK, S)
    _, topk_indices = jax.lax.top_k(index_score, topk)
    future_mask = jnp.arange(S)[None, None, :, None] < jnp.arange(topk)[None, None, None, :]
    topk_indices = jnp.where(future_mask, S, topk_indices)
    minval = float(jnp.finfo(jnp.bfloat16).min)
    index_mask = jnp.full((B, 1, S + 1, S + 1), minval, dtype=jnp.float32)
    bi = jnp.arange(B)[:, None, None, None]
    hi = jnp.zeros((1, 1, 1, 1), dtype=jnp.int32)
    ri = jnp.arange(S)[None, None, :, None]
    index_mask = index_mask.at[bi, hi, ri, topk_indices].set(0.0)
    index_mask = index_mask[:, :, :S, :S]
    index_score = index_score + index_mask
    index_score = jnp.clip(index_score, minval, None)
    return topk_indices, index_score, index_mask

if __name__ == "__main__":
    import jax
    _d = setup_inputs()
    print(jax.jit(kernel)(*tuple(_d.values())))

</pallas_src>

<mosaic_0001>
#map = affine_map<(d0, d1) -> (0)>
module attributes {stable_mosaic.version = 14 : i64} {
  func.func @sorter(%arg0: i32, %arg1: i32, %arg2: memref<4194304xf32, #tpu.memory_space<hbm>>, %arg3: memref<4194304xi32, #tpu.memory_space<hbm>>, %arg4: memref<4194304xi32, #tpu.memory_space<hbm>>, %arg5: memref<4194304xf32, #tpu.memory_space<hbm>>, %arg6: memref<4194304xf32, #tpu.memory_space<hbm>>, %arg7: memref<8192xf32, #tpu.memory_space<vmem>>, %arg8: memref<8192xi32, #tpu.memory_space<vmem>>, %arg9: memref<2048xi32, #tpu.memory_space<vmem>>, %arg10: memref<2048xi32, #tpu.memory_space<vmem>>, %arg11: memref<2048xi32, #tpu.memory_space<vmem>>, %arg12: memref<2048xi32, #tpu.memory_space<vmem>>, %arg13: memref<512xi32, #tpu.memory_space<vmem>>, %arg14: memref<512xi32, #tpu.memory_space<vmem>>, %arg15: memref<4096xi32, #tpu.memory_space<vmem>>, %arg16: memref<2048xi32, #tpu.memory_space<vmem>>, %arg17: memref<2048xi32, #tpu.memory_space<vmem>>, %arg18: memref<2048xi32, #tpu.memory_space<vmem>>, %arg19: memref<2048xi32, #tpu.memory_space<vmem>>, %arg20: memref<512xi32, #tpu.memory_space<vmem>>, %arg21: memref<512xi32, #tpu.memory_space<vmem>>, %arg22: memref<8192xi32, #tpu.memory_space<vmem>>, %arg23: memref<8192xf32, #tpu.memory_space<vmem>>, %arg24: memref<8192xf32, #tpu.memory_space<vmem>>) attributes {dimension_semantics = [#tpu.dimension_semantics<core_parallel>, #tpu.dimension_semantics<subcore_parallel>], iteration_bounds = array<i64: 2, 16>, scalar_prefetch = 0 : i64, scratch_operands = 18 : i64, tpu.core_type = #tpu.core_type<sc_vector_subcore>, window_params = [{transform_indices = #map}, {transform_indices = #map}, {transform_indices = #map}, {transform_indices = #map}, {transform_indices = #map}]} {
    %iota3A = tpu.iota {dimensions = array<i32: 0>} : vector<16xi32>
    %mul3A = arith.constant 128 : i32
    %mul3A_0 = vector.broadcast %mul3A : i32 to vector<16xi32>
    %mul3A_1 = arith.muli %iota3A, %mul3A_0 : vector<16xi32>
    %broadcast_in_dim3A = arith.constant 1 : i32
    %broadcast_in_dim3A_2 = vector.broadcast %broadcast_in_dim3A : i32 to vector<16xi32>
    %broadcast_in_dim3A_3 = arith.constant 0 : i32
    %broadcast_in_dim3A_4 = vector.broadcast %broadcast_in_dim3A_3 : i32 to vector<16xi32>
    %broadcast_in_dim3A_5 = arith.constant -3.38953139E+38 : f32
    %broadcast_in_dim3A_6 = vector.broadcast %broadcast_in_dim3A_5 : f32 to vector<16xf32>
    %broadcast_in_dim3A_7 = arith.constant 0.000000e+00 : f32
    %broadcast_in_dim3A_8 = vector.broadcast %broadcast_in_dim3A_7 : f32 to vector<16xf32>
    %mul3A_9 = arith.constant 2 : i32
    %mul3A_10 = arith.muli %arg1, %mul3A_9 : i32
    %add3A = arith.addi %mul3A_10, %arg0 : i32
    %mul3A_11 = arith.constant 64 : i32
    %mul3A_12 = arith.muli %add3A, %mul3A_11 : i32
    %parallel_loop3A = arith.constant 0 : i32
    %parallel_loop3A_13 = arith.constant 512 : i32
    %parallel_loop3A_14 = arith.constant 16 : i32
    scf.for %parallel_loop3A_20 = %parallel_loop3A to %parallel_loop3A_13 step %parallel_loop3A_14  : i32 {
      %parallel_loop3A_21 = arith.index_cast %parallel_loop3A_20 : i32 to index
      %parallel_loop3A_22 = tpu.vector_load %arg13[%parallel_loop3A_21] {strides = array<i32>} : memref<512xi32, #tpu.memory_space<vmem>>, vector<16xi32>,
      tpu.vector_store %arg13[%parallel_loop3A_21], %broadcast_in_dim3A_4 {strides = array<i32>} : memref<512xi32, #tpu.memory_space<vmem>>, vector<16xi32>,
      %parallel_loop3A_23 = arith.index_cast %parallel_loop3A_20 : i32 to index
      %parallel_loop3A_24 = tpu.vector_load %arg20[%parallel_loop3A_23] {strides = array<i32>} : memref<512xi32, #tpu.memory_space<vmem>>, vector<16xi32>,
      tpu.vector_store %arg20[%parallel_loop3A_23], %broadcast_in_dim3A_4 {strides = array<i32>} : memref<512xi32, #tpu.memory_space<vmem>>, vector<16xi32>,
    } {sc.loop_unroll_factor = 8 : i64, sc.parallel_access}
    %scan3A = arith.constant 0 : i32
    %scan3A_15 = arith.constant 0 : i32
    %scan3A_16 = arith.constant 16 : i32
    %scan3A_17 = arith.addi %scan3A_15, %scan3A_16 : i32
    %scan3A_18 = arith.constant 1 : i32
    scf.for %scan3A_20 = %scan3A_15 to %scan3A_17 step %scan3A_18  : i32 {
      %mul3A_21 = arith.constant 4 : i32
      %mul3A_22 = arith.muli %scan3A_20, %mul3A_21 : i32
      %add3A_23 = arith.addi %mul3A_12, %mul3A_22 : i32
      %mul3A_24 = arith.constant 2048 : i32
      %mul3A_25 = arith.muli %add3A_23, %mul3A_24 : i32
      "tpu.region"() ({
        %run_scoped3A = tpu.sem_alloc : memref<!tpu.dma_semaphore, #tpu.memory_space<semaphore_mem>>
        %dma_start3A = tpu.memref_slice %arg2[%mul3A_25] : memref<4194304xf32, #tpu.memory_space<hbm>> -> memref<8192xf32, #tpu.memory_space<hbm>>
        %dma_start3A_40 = tpu.memref_slice %arg2[%mul3A_25] : memref<4194304xf32, #tpu.memory_space<hbm>> -> memref<8192xf32, #tpu.memory_space<hbm>>
        tpu.enqueue_dma source(%dma_start3A_40 : memref<8192xf32, #tpu.memory_space<hbm>>) target(%arg7 : memref<8192xf32, #tpu.memory_space<vmem>>) target_semaphore(%run_scoped3A : memref<!tpu.dma_semaphore, #tpu.memory_space<semaphore_mem>>)
        %dma_wait3A = tpu.memref_slice %arg2[%mul3A_25] : memref<4194304xf32, #tpu.memory_space<hbm>> -> memref<8192xf32, #tpu.memory_space<hbm>>
        %dma_wait3A_41 = tpu.memref_slice %arg2[%mul3A_25] : memref<4194304xf32, #tpu.memory_space<hbm>> -> memref<8192xf32, #tpu.memory_space<hbm>>
        tpu.wait_dma2 semaphore(%run_scoped3A : memref<!tpu.dma_semaphore, #tpu.memory_space<semaphore_mem>>) src(%dma_wait3A_41 : memref<8192xf32, #tpu.memory_space<hbm>>) dst(%arg7 : memref<8192xf32, #tpu.memory_space<vmem>>)
        tpu.yield
      }) : () -> ()
      %mul3A_26 = arith.constant 2048 : i32
      %mul3A_27 = arith.muli %add3A_23, %mul3A_26 : i32
      "tpu.region"() ({
        %run_scoped3A = tpu.sem_alloc : memref<!tpu.dma_semaphore, #tpu.memory_space<semaphore_mem>>
        %dma_start3A = tpu.memref_slice %arg3[%mul3A_27] : memref<4194304xi32, #tpu.memory_space<hbm>> -> memref<8192xi32, #tpu.memory_space<hbm>>
        %dma_start3A_40 = tpu.memref_slice %arg3[%mul3A_27] : memref<4194304xi32, #tpu.memory_space<hbm>> -> memref<8192xi32, #tpu.memory_space<hbm>>
        tpu.enqueue_dma source(%dma_start3A_40 : memref<8192xi32, #tpu.memory_space<hbm>>) target(%arg8 : memref<8192xi32, #tpu.memory_space<vmem>>) target_semaphore(%run_scoped3A : memref<!tpu.dma_semaphore, #tpu.memory_space<semaphore_mem>>)
        %dma_wait3A = tpu.memref_slice %arg3[%mul3A_27] : memref<4194304xi32, #tpu.memory_space<hbm>> -> memref<8192xi32, #tpu.memory_space<hbm>>
        %dma_wait3A_41 = tpu.memref_slice %arg3[%mul3A_27] : memref<4194304xi32, #tpu.memory_space<hbm>> -> memref<8192xi32, #tpu.memory_space<hbm>>
        tpu.wait_dma2 semaphore(%run_scoped3A : memref<!tpu.dma_semaphore, #tpu.memory_space<semaphore_mem>>) src(%dma_wait3A_41 : memref<8192xi32, #tpu.memory_space<hbm>>) dst(%arg8 : memref<8192xi32, #tpu.memory_space<vmem>>)
        tpu.yield
      }) : () -> ()
      %scan3A_28 = arith.constant 0 : i32
      %scan3A_29 = arith.constant 0 : i32
      %scan3A_30 = arith.constant 2 : i32
      %scan3A_31 = arith.addi %scan3A_29, %scan3A_30 : i32
      %scan3A_32 = arith.constant 1 : i32
      scf.for %scan3A_40 = %scan3A_29 to %scan3A_31 step %scan3A_32  : i32 {
        %mul3A_41 = arith.constant 2 : i32
        %mul3A_42 = arith.muli %scan3A_40, %mul3A_41 : i32
        %add3A_43 = arith.addi %add3A_23, %mul3A_42 : i32
        %add3A_44 = arith.constant 1 : i32
        %add3A_45 = arith.addi %add3A_43, %add3A_44 : i32
        %mul3A_46 = arith.constant 2048 : i32
        %mul3A_47 = arith.muli %mul3A_42, %mul3A_46 : i32
        %add3A_48 = arith.constant 2048 : i32
        %add3A_49 = arith.addi %mul3A_47, %add3A_48 : i32
        %parallel_loop3A_50 = arith.constant 0 : i32
        %parallel_loop3A_51 = arith.constant 128 : i32
        %parallel_loop3A_52 = arith.constant 1 : i32
        scf.for %parallel_loop3A_325 = %parallel_loop3A_50 to %parallel_loop3A_51 step %parallel_loop3A_52  : i32 {
          %parallel_loop3A_326 = vector.broadcast %mul3A_47 : i32 to vector<16xi32>
          %parallel_loop3A_327 = arith.addi %parallel_loop3A_326, %mul3A_1 : vector<16xi32>
          %parallel_loop3A_328 = vector.broadcast %parallel_loop3A_325 : i32 to vector<16xi32>
          %parallel_loop3A_329 = arith.addi %parallel_loop3A_327, %parallel_loop3A_328 : vector<16xi32>
          %parallel_loop3A_330 = tpu.vector_load_idx %arg8[%parallel_loop3A_329] : memref<8192xi32, #tpu.memory_space<vmem>>[vector<16xi32>], vector<16xi32>,
          %parallel_loop3A_331 = vector.broadcast %add3A_49 : i32 to vector<16xi32>
          %parallel_loop3A_332 = arith.addi %parallel_loop3A_331, %mul3A_1 : vector<16xi32>
          %parallel_loop3A_333 = vector.broadcast %parallel_loop3A_325 : i32 to vector<16xi32>
          %parallel_loop3A_334 = arith.addi %parallel_loop3A_332, %parallel_loop3A_333 : vector<16xi32>
          %parallel_loop3A_335 = tpu.vector_load_idx %arg8[%parallel_loop3A_334] : memref<8192xi32, #tpu.memory_space<vmem>>[vector<16xi32>], vector<16xi32>,
          %parallel_loop3A_336 = arith.constant 0 : i32
          %parallel_loop3A_337 = vector.broadcast %parallel_loop3A_336 : i32 to vector<16xi32>
          %parallel_loop3A_338 = arith.shrui %parallel_loop3A_330, %parallel_loop3A_337 : vector<16xi32>
          %parallel_loop3A_339 = arith.constant 31 : i32
          %parallel_loop3A_340 = vector.broadcast %parallel_loop3A_339 : i32 to vector<16xi32>
          %parallel_loop3A_341 = arith.andi %parallel_loop3A_338, %parallel_loop3A_340 : vector<16xi32>
          %parallel_loop3A_342 = arith.constant 16 : i32
          %parallel_loop3A_343 = vector.broadcast %parallel_loop3A_342 : i32 to vector<16xi32>
          %parallel_loop3A_344 = arith.muli %parallel_loop3A_341, %parallel_loop3A_343 : vector<16xi32>
          %parallel_loop3A_345 = arith.addi %parallel_loop3A_344, %iota3A : vector<16xi32>
          tpu.vector_store_idx %arg13[%parallel_loop3A_345], %broadcast_in_dim3A_2 {add = true} : memref<512xi32, #tpu.memory_space<vmem>>[vector<16xi32>], vector<16xi32>,
          %parallel_loop3A_346 = arith.constant 0 : i32
          %parallel_loop3A_347 = vector.broadcast %parallel_loop3A_346 : i32 to vector<16xi32>
          %parallel_loop3A_348 = arith.shrui %parallel_loop3A_335, %parallel_loop3A_347 : vector<16xi32>
          %parallel_loop3A_349 = arith.constant 31 : i32
          %parallel_loop3A_350 = vector.broadcast %parallel_loop3A_349 : i32 to vector<16xi32>
          %parallel_loop3A_351 = arith.andi %parallel_loop3A_348, %parallel_loop3A_350 : vector<16xi32>
          %parallel_loop3A_352 = arith.constant 16 : i32
          %parallel_loop3A_353 = vector.broadcast %parallel_loop3A_352 : i32 to vector<16xi32>
          %parallel_loop3A_354 = arith.muli %parallel_loop3A_351, %parallel_loop3A_353 : vector<16xi32>
          %parallel_loop3A_355 = arith.addi %parallel_loop3A_354, %iota3A : vector<16xi32>
          tpu.vector_store_idx %arg20[%parallel_loop3A_355], %broadcast_in_dim3A_2 {add = true} : memref<512xi32, #tpu.memory_space<vmem>>[vector<16xi32>], vector<16xi32>,
        } {sc.loop_unroll_factor = 4 : i64, sc.parallel_access}
        %scan3A_53 = arith.constant 0 : i32
        %scan3A_54 = arith.constant 0 : i32
        %scan3A_55 = arith.constant 0 : i32
        %scan3A_56 = arith.constant 8 : i32
        %scan3A_57 = arith.addi %scan3A_55, %scan3A_56 : i32
        %scan3A_58 = arith.constant 1 : i32
        %scan3A_59:2 = scf.for %scan3A_325 = %scan3A_55 to %scan3A_57 step %scan3A_58 iter_args(%scan3A_326 = %scan3A_53, %scan3A_327 = %scan3A_54) -> (i32, i32)  : i32 {
          %mul3A_328 = arith.constant 64 : i32
          %mul3A_329 = arith.muli %scan3A_325, %mul3A_328 : i32
          %add3A_330 = arith.constant 0 : i32
          %add3A_331 = arith.addi %mul3A_329, %add3A_330 : i32
          %get3A_332 = arith.index_cast %add3A_331 : i32 to index
          %get3A_333 = tpu.vector_load %arg13[%get3A_332] {strides = array<i32>} : memref<512xi32, #tpu.memory_space<vmem>>, vector<16xi32>,
          %get3A_334 = arith.index_cast %add3A_331 : i32 to index
          %get3A_335 = tpu.vector_load %arg20[%get3A_334] {strides = array<i32>} : memref<512xi32, #tpu.memory_space<vmem>>, vector<16xi32>,
          %swap3A_336 = arith.index_cast %add3A_331 : i32 to index
          %swap3A_337 = tpu.vector_load %arg13[%swap3A_336] {strides = array<i32>} : memref<512xi32, #tpu.memory_space<vmem>>, vector<16xi32>,
          tpu.vector_store %arg13[%swap3A_336], %broadcast_in_dim3A_4 {strides = array<i32>} : memref<512xi32, #tpu.memory_space<vmem>>, vector<16xi32>,
          %swap3A_338 = arith.index_cast %add3A_331 : i32 to index
          %swap3A_339 = tpu.vector_load %arg20[%swap3A_338] {strides = array<i32>} : memref<512xi32, #tpu.memory_space<vmem>>, vector<16xi32>,
          tpu.vector_store %arg20[%swap3A_338], %broadcast_in_dim3A_4 {strides = array<i32>} : memref<512xi32, #tpu.memory_space<vmem>>, vector<16xi32>,
          %broadcast_in_dim3A_340 = arith.constant true
          %broadcast_in_dim3A_341 = vector.broadcast %broadcast_in_dim3A_340 : i1 to vector<16xi1>
          %masked_cumsum3A_342 = tpu.scan <sum>, %get3A_333 masked %broadcast_in_dim3A_341 : vector<16xi32>, vector<16xi1> -> vector<16xi32>
          %broadcast_in_dim3A_343 = arith.constant true
          %broadcast_in_dim3A_344 = vector.broadcast %broadcast_in_dim3A_343 : i1 to vector<16xi1>
          %masked_cumsum3A_345 = tpu.scan <sum>, %get3A_335 masked %broadcast_in_dim3A_344 : vector<16xi32>, vector<16xi1> -> vector<16xi32>
          %sub3A_346 = arith.subi %masked_cumsum3A_342, %get3A_333 : vector<16xi32>
          %add3A_347 = vector.broadcast %scan3A_326 : i32 to vector<16xi32>
          %add3A_348 = arith.addi %sub3A_346, %add3A_347 : vector<16xi32>
          %swap3A_349 = arith.index_cast %add3A_331 : i32 to index
          %swap3A_350 = tpu.vector_load %arg14[%swap3A_349] {strides = array<i32>} : memref<512xi32, #tpu.memory_space<vmem>>, vector<16xi32>,
          tpu.vector_store %arg14[%swap3A_349], %add3A_348 {strides = array<i32>} : memref<512xi32, #tpu.memory_space<vmem>>, vector<16xi32>,
          %sub3A_351 = arith.subi %masked_cumsum3A_345, %get3A_335 : vector<16xi32>
          %add3A_352 = vector.broadcast %scan3A_327 : i32 to vector<16xi32>
          %add3A_353 = arith.addi %sub3A_351, %add3A_352 : vector<16xi32>
          %swap3A_354 = arith.index_cast %add3A_331 : i32 to index
          %swap3A_355 = tpu.vector_load %arg21[%swap3A_354] {strides = array<i32>} : memref<512xi32, #tpu.memory_space<vmem>>, vector<16xi32>,
          tpu.vector_store %arg21[%swap3A_354], %add3A_353 {strides = array<i32>} : memref<512xi32, #tpu.memory_space<vmem>>, vector<16xi32>,
          %reduce_sum3A_356 = arith.constant true
          %reduce_sum3A_357 = vector.broadcast %reduce_sum3A_356 : i1 to vector<16xi1>
          %reduce_sum3A_358 = tpu.scan <sum>, %get3A_333 masked %reduce_sum3A_357 : vector<16xi32>, vector<16xi1> -> vector<16xi32>
          %reduce_sum3A_359 = vector.extract %reduce_sum3A_358[15] : i32 from vector<16xi32>
          %add3A_360 = arith.addi %scan3A_326, %reduce_sum3A_359 : i32
          %reduce_sum3A_361 = arith.constant true
          %reduce_sum3A_362 = vector.broadcast %reduce_sum3A_361 : i1 to vector<16xi1>
          %reduce_sum3A_363 = tpu.scan <sum>, %get3A_335 masked %reduce_sum3A_362 : vector<16xi32>, vector<16xi1> -> vector<16xi32>
          %reduce_sum3A_364 = vector.extract %reduce_sum3A_363[15] : i32 from vector<16xi32>
          %add3A_365 = arith.addi %scan3A_327, %reduce_sum3A_364 : i32
          %mul3A_366 = arith.constant 64 : i32
          %mul3A_367 = arith.muli %scan3A_325, %mul3A_366 : i32
          %add3A_368 = arith.constant 16 : i32
          %add3A_369 = arith.addi %mul3A_367, %add3A_368 : i32
          %get3A_370 = arith.index_cast %add3A_369 : i32 to index
          %get3A_371 = tpu.vector_load %arg13[%get3A_370] {strides = array<i32>} : memref<512xi32, #tpu.memory_space<vmem>>, vector<16xi32>,
          %get3A_372 = arith.index_cast %add3A_369 : i32 to index
          %get3A_373 = tpu.vector_load %arg20[%get3A_372] {strides = array<i32>} : memref<512xi32, #tpu.memory_space<vmem>>, vector<16xi32>,
          %swap3A_374 = arith.index_cast %add3A_369 : i32 to index
          %swap3A_375 = tpu.vector_load %arg13[%swap3A_374] {strides = array<i32>} : memref<512xi32, #tpu.memory_space<vmem>>, vector<16xi32>,
          tpu.vector_store %arg13[%swap3A_374], %broadcast_in_dim3A_4 {strides = array<i32>} : memref<512xi32, #tpu.memory_space<vmem>>, vector<16xi32>,
          %swap3A_376 = arith.index_cast %add3A_369 : i32 to index
          %swap3A_377 = tpu.vector_load %arg20[%swap3A_376] {strides = array<i32>} : memref<512xi32, #tpu.memory_space<vmem>>, vector<16xi32>,
          tpu.vector_store %arg20[%swap3A_376], %broadcast_in_dim3A_4 {strides = array<i32>} : memref<512xi32, #tpu.memory_space<vmem>>, vector<16xi32>,
          %broadcast_in_dim3A_378 = arith.constant true
          %broadcast_in_dim3A_379 = vector.broadcast %broadcast_in_dim3A_378 : i1 to vector<16xi1>
          %masked_cumsum3A_380 = tpu.scan <sum>, %get3A_371 masked %broadcast_in_dim3A_379 : vector<16xi32>, vector<16xi1> -> vector<16xi32>
          %broadcast_in_dim3A_381 = arith.constant true
          %broadcast_in_dim3A_382 = vector.broadcast %broadcast_in_dim3A_381 : i1 to vector<16xi1>
          %masked_cumsum3A_383 = tpu.scan <sum>, %get3A_373 masked %broadcast_in_dim3A_382 : vector<16xi32>, vector<16xi1> -> vector<16xi32>
          %sub3A_384 = arith.subi %masked_cumsum3A_380, %get3A_371 : vector<16xi32>
          %add3A_385 = vector.broadcast %add3A_360 : i32 to vector<16xi32>
          %add3A_386 = arith.addi %sub3A_384, %add3A_385 : vector<16xi32>
          %swap3A_387 = arith.index_cast %add3A_369 : i32 to index
          %swap3A_388 = tpu.vector_load %arg14[%swap3A_387] {strides = array<i32>} : memref<512xi32, #tpu.memory_space<vmem>>, vector<16xi32>,
          tpu.vector_store %arg14[%swap3A_387], %add3A_386 {strides = array<i32>} : memref<512xi32, #tpu.memory_space<vmem>>, vector<16xi32>,
          %sub3A_389 = arith.subi %masked_cumsum3A_383, %get3A_373 : vector<16xi32>
          %add3A_390 = vector.broadcast %add3A_365 : i32 to vector<16xi32>
          %add3A_391 = arith.addi %sub3A_389, %add3A_390 : vector<16xi32>
          %swap3A_392 = arith.index_cast %add3A_369 : i32 to index
          %swap3A_393 = tpu.vector_load %arg21[%swap3A_392] {strides = array<i32>} : memref<512xi32, #tpu.memory_space<vmem>>, vector<16xi32>,
          tpu.vector_store %arg21[%swap3A_392], %add3A_391 {strides = array<i32>} : memref<512xi32, #tpu.memory_space<vmem>>, vector<16xi32>,
          %reduce_sum3A_394 = arith.constant true
          %reduce_sum3A_395 = vector.broadcast %reduce_sum3A_394 : i1 to vector<16xi1>
          %reduce_sum3A_396 = tpu.scan <sum>, %get3A_371 masked %reduce_sum3A_395 : vector<16xi32>, vector<16xi1> -> vector<16xi32>
          %reduce_sum3A_397 = vector.extract %reduce_sum3A_396[15] : i32 from vector<16xi32>
          %add3A_398 = arith.addi %add3A_360, %reduce_sum3A_397 : i32
          %reduce_sum3A_399 = arith.constant true
          %reduce_sum3A_400 = vector.broadcast %reduce_sum3A_399 : i1 to vector<16xi1>
          %reduce_sum3A_401 = tpu.scan <sum>, %get3A_373 masked %reduce_sum3A_400 : vector<16xi32>, vector<16xi1> -> vector<16xi32>
          %reduce_sum3A_402 = vector.extract %reduce_sum3A_401[15] : i32 from vector<16xi32>
          %add3A_403 = arith.addi %add3A_365, %reduce_sum3A_402 : i32
          %mul3A_404 = arith.constant 64 : i32
          %mul3A_405 = arith.muli %scan3A_325, %mul3A_404 : i32
          %add3A_406 = arith.constant 32 : i32
          %add3A_407 = arith.addi %mul3A_405, %add3A_406 : i32
          %get3A_408 = arith.index_cast %add3A_407 : i32 to index
          %get3A_409 = tpu.vector_load %arg13[%get3A_408] {strides = array<i32>} : memref<512xi32, #tpu.memory_space<vmem>>, vector<16xi32>,
          %get3A_410 = arith.index_cast %add3A_407 : i32 to index
          %get3A_411 = tpu.vector_load %arg20[%get3A_410] {strides = array<i32>} : memref<512xi32, #tpu.memory_space<vmem>>, vector<16xi32>,
          %swap3A_412 = arith.index_cast %add3A_407 : i32 to index
          %swap3A_413 = tpu.vector_load %arg13[%swap3A_412] {strides = array<i32>} : memref<512xi32, #tpu.memory_space<vmem>>, vector<16xi32>,
          tpu.vector_store %arg13[%swap3A_412], %broadcast_in_dim3A_4 {strides = array<i32>} : memref<512xi32, #tpu.memory_space<vmem>>, vector<16xi32>,
          %swap3A_414 = arith.index_cast %add3A_407 : i32 to index
          %swap3A_415 = tpu.vector_load %arg20[%swap3A_414] {strides = array<i32>} : memref<512xi32, #tpu.memory_space<vmem>>, vector<16xi32>,
          tpu.vector_store %arg20[%swap3A_414], %broadcast_in_dim3A_4 {strides = array<i32>} : memref<512xi32, #tpu.memory_space<vmem>>, vector<16xi32>,
          %broadcast_in_dim3A_416 = arith.constant true
          %broadcast_in_dim3A_417 = vector.broadcast %broadcast_in_dim3A_416 : i1 to vector<16xi1>
          %masked_cumsum3A_418 = tpu.scan <sum>, %get3A_409 masked %broadcast_in_dim3A_417 : vector<16xi32>, vector<16xi1> -> vector<16xi32>
          %broadcast_in_dim3A_419 = arith.constant true
          %broadcast_in_dim3A_420 = vector.broadcast %broadcast_in_dim3A_419 : i1 to vector<16xi1>
          %masked_cumsum3A_421 = tpu.scan <sum>, %get3A_411 masked %broadcast_in_dim3A_420 : vector<16xi32>, vector<16xi1> -> vector<16xi32>
          %sub3A_422 = arith.subi %masked_cumsum3A_418, %get3A_409 : vector<16xi32>
          %add3A_423 = vector.broadcast %add3A_398 : i32 to vector<16xi32>
          %add3A_424 = arith.addi %sub3A_422, %add3A_423 : vector<16xi32>
          %swap3A_425 = arith.index_cast %add3A_407 : i32 to index
          %swap3A_426 = tpu.vector_load %arg14[%swap3A_425] {strides = array<i32>} : memref<512xi32, #tpu.memory_space<vmem>>, vector<16xi32>,
          tpu.vector_store %arg14[%swap3A_425], %add3A_424 {strides = array<i32>} : memref<512xi32, #tpu.memory_space<vmem>>, vector<16xi32>,
          %sub3A_427 = arith.subi %masked_cumsum3A_421, %get3A_411 : vector<16xi32>
          %add3A_428 = vector.broadcast %add3A_403 : i32 to vector<16xi32>
          %add3A_429 = arith.addi %sub3A_427, %add3A_428 : vector<16xi32>
          %swap3A_430 = arith.index_cast %add3A_407 : i32 to index
          %swap3A_431 = tpu.vector_load %arg21[%swap3A_430] {strides = array<i32>} : memref<512xi32, #tpu.memory_space<vmem>>, vector<16xi32>,
          tpu.vector_store %arg21[%swap3A_430], %add3A_429 {strides = array<i32>} : memref<512xi32, #tpu.memory_space<vmem>>, vector<16xi32>,
          %reduce_sum3A_432 = arith.constant true
          %reduce_sum3A_433 = vector.broadcast %reduce_sum3A_432 : i1 to vector<16xi1>
          %reduce_sum3A_434 = tpu.scan <sum>, %get3A_409 masked %reduce_sum3A_433 : vector<16xi32>, vector<16xi1> -> vector<16xi32>
          %reduce_sum3A_435 = vector.extract %reduce_sum3A_434[15] : i32 from vector<16xi32>
          %add3A_436 = arith.addi %add3A_398, %reduce_sum3A_435 : i32
          %reduce_sum3A_437 = arith.constant true
          %reduce_sum3A_438 = vector.broadcast %reduce_sum3A_437 : i1 to vector<16xi1>
          %reduce_sum3A_439 = tpu.scan <sum>, %get3A_411 masked %reduce_sum3A_438 : vector<16xi32>, vector<16xi1> -> vector<16xi32>
          %reduce_sum3A_440 = vector.extract %reduce_sum3A_439[15] : i32 from vector<16xi32>
          %add3A_441 = arith.addi %add3A_403, %reduce_sum3A_440 : i32
          %mul3A_442 = arith.constant 64 : i32
          %mul3A_443 = arith.muli %scan3A_325, %mul3A_442 : i32
          %add3A_444 = arith.constant 48 : i32
          %add3A_445 = arith.addi %mul3A_443, %add3A_444 : i32
          %get3A_446 = arith.index_cast %add3A_445 : i32 to index
          %get3A_447 = tpu.vector_load %arg13[%get3A_446] {strides = array<i32>} : memref<512xi32, #tpu.memory_space<vmem>>, vector<16xi32>,
          %get3A_448 = arith.index_cast %add3A_445 : i32 to index
          %get3A_449 = tpu.vector_load %arg20[%get3A_448] {strides = array<i32>} : memref<512xi32, #tpu.memory_space<vmem>>, vector<16xi32>,
          %swap3A_450 = arith.index_cast %add3A_445 : i32 to index
          %swap3A_451 = tpu.vector_load %arg13[%swap3A_450] {strides = array<i32>} : memref<512xi32, #tpu.memory_space<vmem>>, vector<16xi32>,
          tpu.vector_store %arg13[%swap3A_450], %broadcast_in_dim3A_4 {strides = array<i32>} : memref<512xi32, #tpu.memory_space<vmem>>, vector<16xi32>,
          %swap3A_452 = arith.index_cast %add3A_445 : i32 to index
          %swap3A_453 = tpu.vector_load %arg20[%swap3A_452] {strides = array<i32>} : memref<512xi32, #tpu.memory_space<vmem>>, vector<16xi32>,
          tpu.vector_store %arg20[%swap3A_452], %broadcast_in_dim3A_4 {strides = array<i32>} : memref<512xi32, #tpu.memory_space<vmem>>, vector<16xi32>,
          %broadcast_in_dim3A_454 = arith.constant true
          %broadcast_in_dim3A_455 = vector.broadcast %broadcast_in_dim3A_454 : i1 to vector<16xi1>
          %masked_cumsum3A_456 = tpu.scan <sum>, %get3A_447 masked %broadcast_in_dim3A_455 : vector<16xi32>, vector<16xi1> -> vector<16xi32>
          %broadcast_in_dim3A_457 = arith.constant true
          %broadcast_in_dim3A_458 = vector.broadcast %broadcast_in_dim3A_457 : i1 to vector<16xi1>
          %masked_cumsum3A_459 = tpu.scan <sum>, %get3A_449 masked %broadcast_in_dim3A_458 : vector<16xi32>, vector<16xi1> -> vector<16xi32>
          %sub3A_460 = arith.subi %masked_cumsum3A_456, %get3A_447 : vector<16xi32>
          %add3A_461 = vector.broadcast %add3A_436 : i32 to vector<16xi32>
          %add3A_462 = arith.addi %sub3A_460, %add3A_461 : vector<16xi32>
          %swap3A_463 = arith.index_cast %add3A_445 : i32 to index
          %swap3A_464 = tpu.vector_load %arg14[%swap3A_463] {strides = array<i32>} : memref<512xi32, #tpu.memory_space<vmem>>, vector<16xi32>,
          tpu.vector_store %arg14[%swap3A_463], %add3A_462 {strides = array<i32>} : memref<512xi32, #tpu.memory_space<vmem>>, vector<16xi32>,
          %sub3A_465 = arith.subi %masked_cumsum3A_459, %get3A_449 : vector<16xi32>
          %add3A_466 = vector.broadcast %add3A_441 : i32 to vector<16xi32>
          %add3A_467 = arith.addi %sub3A_465, %add3A_466 : vector<16xi32>
          %swap3A_468 = arith.index_cast %add3A_445 : i32 to index
          %swap3A_469 = tpu.vector_load %arg21[%swap3A_468] {strides = array<i32>} : memref<512xi32, #tpu.memory_space<vmem>>, vector<16xi32>,
          tpu.vector_store %arg21[%swap3A_468], %add3A_467 {strides = array<i32>} : memref<512xi32, #tpu.memory_space<vmem>>, vector<16xi32>,
          %reduce_sum3A_470 = arith.constant true
          %reduce_sum3A_471 = vector.broadcast %reduce_sum3A_470 : i1 to vector<16xi1>
          %reduce_sum3A_472 = tpu.scan <sum>, %get3A_447 masked %reduce_sum3A_471 : vector<16xi32>, vector<16xi1> -> vector<16xi32>
          %reduce_sum3A_473 = vector.extract %reduce_sum3A_472[15] : i32 from vector<16xi32>
          %add3A_474 = arith.addi %add3A_436, %reduce_sum3A_473 : i32
          %reduce_sum3A_475 = arith.constant true
          %reduce_sum3A_476 = vector.broadcast %reduce_sum3A_475 : i1 to vector<16xi1>
          %reduce_sum3A_477 = tpu.scan <sum>, %get3A_449 masked %reduce_sum3A_476 : vector<16xi32>, vector<16xi1> -> vector<16xi32>
          %reduce_sum3A_478 = vector.extract %reduce_sum3A_477[15] : i32 from vector<16xi32>
          %add3A_479 = arith.addi %add3A_441, %reduce_sum3A_478 : i32
          scf.yield %add3A_474, %add3A_479 : i32, i32
        }
        %scan3A_60 = arith.constant 8 : i32
        %scan3A_61 = arith.constant 0 : i32
        %scan3A_62 = arith.constant 0 : i32
        %scan3A_63 = arith.constant 128 : i32
        %scan3A_64 = arith.addi %scan3A_62, %scan3A_63 : i32
        %scan3A_65 = arith.constant 1 : i32
        scf.for %scan3A_325 = %scan3A_62 to %scan3A_64 step %scan3A_65  : i32 {
          %add3A_326 = vector.broadcast %scan3A_325 : i32 to vector<16xi32>
          %add3A_327 = arith.addi %mul3A_1, %add3A_326 : vector<16xi32>
          %add3A_328 = vector.broadcast %mul3A_47 : i32 to vector<16xi32>
          %add3A_329 = arith.addi %add3A_328, %add3A_327 : vector<16xi32>
          %gather3A = tpu.vector_load_idx %arg8[%add3A_329] : memref<8192xi32, #tpu.memory_space<vmem>>[vector<16xi32>], vector<16xi32>,
          %add3A_330 = vector.broadcast %add3A_49 : i32 to vector<16xi32>
          %add3A_331 = arith.addi %add3A_330, %add3A_327 : vector<16xi32>
          %gather3A_332 = tpu.vector_load_idx %arg8[%add3A_331] : memref<8192xi32, #tpu.memory_space<vmem>>[vector<16xi32>], vector<16xi32>,
          %shift_right_logical3A = arith.constant 0 : i32
          %shift_right_logical3A_333 = vector.broadcast %shift_right_logical3A : i32 to vector<16xi32>
          %shift_right_logical3A_334 = arith.shrui %gather3A, %shift_right_logical3A_333 : vector<16xi32>
          %and3A = arith.constant 31 : i32
          %and3A_335 = vector.broadcast %and3A : i32 to vector<16xi32>
          %and3A_336 = arith.andi %shift_right_logical3A_334, %and3A_335 : vector<16xi32>
          %mul3A_337 = arith.constant 16 : i32
          %mul3A_338 = vector.broadcast %mul3A_337 : i32 to vector<16xi32>
          %mul3A_339 = arith.muli %and3A_336, %mul3A_338 : vector<16xi32>
          %add3A_340 = arith.addi %mul3A_339, %iota3A : vector<16xi32>
          %shift_right_logical3A_341 = arith.constant 0 : i32
          %shift_right_logical3A_342 = vector.broadcast %shift_right_logical3A_341 : i32 to vector<16xi32>
          %shift_right_logical3A_343 = arith.shrui %gather3A_332, %shift_right_logical3A_342 : vector<16xi32>
          %and3A_344 = arith.constant 31 : i32
          %and3A_345 = vector.broadcast %and3A_344 : i32 to vector<16xi32>
          %and3A_346 = arith.andi %shift_right_logical3A_343, %and3A_345 : vector<16xi32>
          %mul3A_347 = arith.constant 16 : i32
          %mul3A_348 = vector.broadcast %mul3A_347 : i32 to vector<16xi32>
          %mul3A_349 = arith.muli %and3A_346, %mul3A_348 : vector<16xi32>
          %add3A_350 = arith.addi %mul3A_349, %iota3A : vector<16xi32>
          %gather3A_351 = tpu.vector_load_idx %arg14[%add3A_340] : memref<512xi32, #tpu.memory_space<vmem>>[vector<16xi32>], vector<16xi32>,
          %gather3A_352 = tpu.vector_load_idx %arg21[%add3A_350] : memref<512xi32, #tpu.memory_space<vmem>>[vector<16xi32>], vector<16xi32>,
          tpu.vector_store_idx %arg10[%gather3A_351], %gather3A : memref<2048xi32, #tpu.memory_space<vmem>>[vector<16xi32>], vector<16xi32>,
          tpu.vector_store_idx %arg17[%gather3A_352], %gather3A_332 : memref<2048xi32, #tpu.memory_space<vmem>>[vector<16xi32>], vector<16xi32>,
          tpu.vector_store_idx %arg12[%gather3A_351], %add3A_327 : memref<2048xi32, #tpu.memory_space<vmem>>[vector<16xi32>], vector<16xi32>,
          tpu.vector_store_idx %arg19[%gather3A_352], %add3A_327 : memref<2048xi32, #tpu.memory_space<vmem>>[vector<16xi32>], vector<16xi32>,
          tpu.vector_store_idx %arg14[%add3A_340], %broadcast_in_dim3A_2 {add = true} : memref<512xi32, #tpu.memory_space<vmem>>[vector<16xi32>], vector<16xi32>,
          tpu.vector_store_idx %arg21[%add3A_350], %broadcast_in_dim3A_2 {add = true} : memref<512xi32, #tpu.memory_space<vmem>>[vector<16xi32>], vector<16xi32>,
        }
        %scan3A_66 = arith.constant 128 : i32
        %parallel_loop3A_67 = arith.constant 0 : i32
        %parallel_loop3A_68 = arith.constant 128 : i32
        %parallel_loop3A_69 = arith.constant 1 : i32
        scf.for %parallel_loop3A_325 = %parallel_loop3A_67 to %parallel_loop3A_68 step %parallel_loop3A_69  : i32 {
          %parallel_loop3A_326 = arith.constant 0 : i32
          %parallel_loop3A_327 = vector.broadcast %parallel_loop3A_326 : i32 to vector<16xi32>
          %parallel_loop3A_328 = arith.addi %parallel_loop3A_327, %mul3A_1 : vector<16xi32>
          %parallel_loop3A_329 = vector.broadcast %parallel_loop3A_325 : i32 to vector<16xi32>
          %parallel_loop3A_330 = arith.addi %parallel_loop3A_328, %parallel_loop3A_329 : vector<16xi32>
          %parallel_loop3A_331 = tpu.vector_load_idx %arg10[%parallel_loop3A_330] : memref<2048xi32, #tpu.memory_space<vmem>>[vector<16xi32>], vector<16xi32>,
          %parallel_loop3A_332 = arith.constant 0 : i32
          %parallel_loop3A_333 = vector.broadcast %parallel_loop3A_332 : i32 to vector<16xi32>
          %parallel_loop3A_334 = arith.addi %parallel_loop3A_333, %mul3A_1 : vector<16xi32>
          %parallel_loop3A_335 = vector.broadcast %parallel_loop3A_325 : i32 to vector<16xi32>
          %parallel_loop3A_336 = arith.addi %parallel_loop3A_334, %parallel_loop3A_335 : vector<16xi32>
          %parallel_loop3A_337 = tpu.vector_load_idx %arg17[%parallel_loop3A_336] : memref<2048xi32, #tpu.memory_space<vmem>>[vector<16xi32>], vector<16xi32>,
          %parallel_loop3A_338 = arith.constant 5 : i32
          %parallel_loop3A_339 = vector.broadcast %parallel_loop3A_338 : i32 to vector<16xi32>
          %parallel_loop3A_340 = arith.shrui %parallel_loop3A_331, %parallel_loop3A_339 : vector<16xi32>
          %parallel_loop3A_341 = arith.constant 31 : i32
          %parallel_loop3A_342 = vector.broadcast %parallel_loop3A_341 : i32 to vector<16xi32>
          %parallel_loop3A_343 = arith.andi %parallel_loop3A_340, %parallel_loop3A_342 : vector<16xi32>
          %parallel_loop3A_344 = arith.constant 16 : i32
          %parallel_loop3A_345 = vector.broadcast %parallel_loop3A_344 : i32 to vector<16xi32>
          %parallel_loop3A_346 = arith.muli %parallel_loop3A_343, %parallel_loop3A_345 : vector<16xi32>
          %parallel_loop3A_347 = arith.addi %parallel_loop3A_346, %iota3A : vector<16xi32>
          tpu.vector_store_idx %arg13[%parallel_loop3A_347], %broadcast_in_dim3A_2 {add = true} : memref<512xi32, #tpu.memory_space<vmem>>[vector<16xi32>], vector<16xi32>,
          %parallel_loop3A_348 = arith.constant 5 : i32
          %parallel_loop3A_349 = vector.broadcast %parallel_loop3A_348 : i32 to vector<16xi32>
          %parallel_loop3A_350 = arith.shrui %parallel_loop3A_337, %parallel_loop3A_349 : vector<16xi32>
          %parallel_loop3A_351 = arith.constant 31 : i32
          %parallel_loop3A_352 = vector.broadcast %parallel_loop3A_351 : i32 to vector<16xi32>
          %parallel_loop3A_353 = arith.andi %parallel_loop3A_350, %parallel_loop3A_352 : vector<16xi32>
          %parallel_loop3A_354 = arith.constant 16 : i32
          %parallel_loop3A_355 = vector.broadcast %parallel_loop3A_354 : i32 to vector<16xi32>
          %parallel_loop3A_356 = arith.muli %parallel_loop3A_353, %parallel_loop3A_355 : vector<16xi32>
          %parallel_loop3A_357 = arith.addi %parallel_loop3A_356, %iota3A : vector<16xi32>
          tpu.vector_store_idx %arg20[%parallel_loop3A_357], %broadcast_in_dim3A_2 {add = true} : memref<512xi32, #tpu.memory_space<vmem>>[vector<16xi32>], vector<16xi32>,
        } {sc.loop_unroll_factor = 4 : i64, sc.parallel_access}
        %scan3A_70 = arith.constant 0 : i32
        %scan3A_71 = arith.constant 0 : i32
        %scan3A_72 = arith.constant 0 : i32
        %scan3A_73 = arith.constant 8 : i32
        %scan3A_74 = arith.addi %scan3A_72, %scan3A_73 : i32
        %scan3A_75 = arith.constant 1 : i32
        %scan3A_76:2 = scf.for %scan3A_325 = %scan3A_72 to %scan3A_74 step %scan3A_75 iter_args(%scan3A_326 = %scan3A_70, %scan3A_327 = %scan3A_71) -> (i32, i32)  : i32 {
          %mul3A_328 = arith.constant 64 : i32
          %mul3A_329 = arith.muli %scan3A_325, %mul3A_328 : i32
          %add3A_330 = arith.constant 0 : i32
          %add3A_331 = arith.addi %mul3A_329, %add3A_330 : i32
          %get3A_332 = arith.index_cast %add3A_331 : i32 to index
          %get3A_333 = tpu.vector_load %arg13[%get3A_332] {strides = array<i32>} : memref<512xi32, #tpu.memory_space<vmem>>, vector<16xi32>,
          %get3A_334 = arith.index_cast %add3A_331 : i32 to index
          %get3A_335 = tpu.vector_load %arg20[%get3A_334] {strides = array<i32>} : memref<512xi32, #tpu.memory_space<vmem>>, vector<16xi32>,
          %swap3A_336 = arith.index_cast %add3A_331 : i32 to index
          %swap3A_337 = tpu.vector_load %arg13[%swap3A_336] {strides = array<i32>} : memref<512xi32, #tpu.memory_space<vmem>>, vector<16xi32>,
          tpu.vector_store %arg13[%swap3A_336], %broadcast_in_dim3A_4 {strides = array<i32>} : memref<512xi32, #tpu.memory_space<vmem>>, vector<16xi32>,
          %swap3A_338 = arith.index_cast %add3A_331 : i32 to index
          %swap3A_339 = tpu.vector_load %arg20[%swap3A_338] {strides = array<i32>} : memref<512xi32, #tpu.memory_space<vmem>>, vector<16xi32>,
          tpu.vector_store %arg20[%swap3A_338], %broadcast_in_dim3A_4 {strides = array<i32>} : memref<512xi32, #tpu.memory_space<vmem>>, vector<16xi32>,
          %broadcast_in_dim3A_340 = arith.constant true
          %broadcast_in_dim3A_341 = vector.broadcast %broadcast_in_dim3A_340 : i1 to vector<16xi1>
          %masked_cumsum3A_342 = tpu.scan <sum>, %get3A_333 masked %broadcast_in_dim3A_341 : vector<16xi32>, vector<16xi1> -> vector<16xi32>
          %broadcast_in_dim3A_343 = arith.constant true
          %broadcast_in_dim3A_344 = vector.broadcast %broadcast_in_dim3A_343 : i1 to vector<16xi1>
          %masked_cumsum3A_345 = tpu.scan <sum>, %get3A_335 masked %broadcast_in_dim3A_344 : vector<16xi32>, vector<16xi1> -> vector<16xi32>
          %sub3A_346 = arith.subi %masked_cumsum3A_342, %get3A_333 : vector<16xi32>
          %add3A_347 = vector.broadcast %scan3A_326 : i32 to vector<16xi32>
          %add3A_348 = arith.addi %sub3A_346, %add3A_347 : vector<16xi32>
          %swap3A_349 = arith.index_cast %add3A_331 : i32 to index
          %swap3A_350 = tpu.vector_load %arg14[%swap3A_349] {strides = array<i32>} : memref<512xi32, #tpu.memory_space<vmem>>, vector<16xi32>,
          tpu.vector_store %arg14[%swap3A_349], %add3A_348 {strides = array<i32>} : memref<512xi32, #tpu.memory_space<vmem>>, vector<16xi32>,
          %sub3A_351 = arith.subi %masked_cumsum3A_345, %get3A_335 : vector<16xi32>
          %add3A_352 = vector.broadcast %scan3A_327 : i32 to vector<16xi32>
          %add3A_353 = arith.addi %sub3A_351, %add3A_352 : vector<16xi32>
          %swap3A_354 = arith.index_cast %add3A_331 : i32 to index
          %swap3A_355 = tpu.vector_load %arg21[%swap3A_354] {strides = array<i32>} : memref<512xi32, #tpu.memory_space<vmem>>, vector<16xi32>,
          tpu.vector_store %arg21[%swap3A_354], %add3A_353 {strides = array<i32>} : memref<512xi32, #tpu.memory_space<vmem>>, vector<16xi32>,
          %reduce_sum3A_356 = arith.constant true
          %reduce_sum3A_357 = vector.broadcast %reduce_sum3A_356 : i1 to vector<16xi1>
          %reduce_sum3A_358 = tpu.scan <sum>, %get3A_333 masked %reduce_sum3A_357 : vector<16xi32>, vector<16xi1> -> vector<16xi32>
          %reduce_sum3A_359 = vector.extract %reduce_sum3A_358[15] : i32 from vector<16xi32>
          %add3A_360 = arith.addi %scan3A_326, %reduce_sum3A_359 : i32
          %reduce_sum3A_361 = arith.constant true
          %reduce_sum3A_362 = vector.broadcast %reduce_sum3A_361 : i1 to vector<16xi1>
          %reduce_sum3A_363 = tpu.scan <sum>, %get3A_335 masked %reduce_sum3A_362 : vector<16xi32>, vector<16xi1> -> vector<16xi32>
          %reduce_sum3A_364 = vector.extract %reduce_sum3A_363[15] : i32 from vector<16xi32>
          %add3A_365 = arith.addi %scan3A_327, %reduce_sum3A_364 : i32
          %mul3A_366 = arith.constant 64 : i32
          %mul3A_367 = arith.muli %scan3A_325, %mul3A_366 : i32
          %add3A_368 = arith.constant 16 : i32
          %add3A_369 = arith.addi %mul3A_367, %add3A_368 : i32
          %get3A_370 = arith.index_cast %add3A_369 : i32 to index
          %get3A_371 = tpu.vector_load %arg13[%get3A_370] {strides = array<i32>} : memref<512xi32, #tpu.memory_space<vmem>>, vector<16xi32>,
          %get3A_372 = arith.index_cast %add3A_369 : i32 to index
          %get3A_373 = tpu.vector_load %arg20[%get3A_372] {strides = array<i32>} : memref<512xi32, #tpu.memory_space<vmem>>, vector<16xi32>,
          %swap3A_374 = arith.index_cast %add3A_369 : i32 to index
          %swap3A_375 = tpu.vector_load %arg13[%swap3A_374] {strides = array<i32>} : memref<512xi32, #tpu.memory_space<vmem>>, vector<16xi32>,
          tpu.vector_store %arg13[%swap3A_374], %broadcast_in_dim3A_4 {strides = array<i32>} : memref<512xi32, #tpu.memory_space<vmem>>, vector<16xi32>,
          %swap3A_376 = arith.index_cast %add3A_369 : i32 to index
          %swap3A_377 = tpu.vector_load %arg20[%swap3A_376] {strides = array<i32>} : memref<512xi32, #tpu.memory_space<vmem>>, vector<16xi32>,
          tpu.vector_store %arg20[%swap3A_376], %broadcast_in_dim3A_4 {strides = array<i32>} : memref<512xi32, #tpu.memory_space<vmem>>, vector<16xi32>,
          %broadcast_in_dim3A_378 = arith.constant true
          %broadcast_in_dim3A_379 = vector.broadcast %broadcast_in_dim3A_378 : i1 to vector<16xi1>
          %masked_cumsum3A_380 = tpu.scan <sum>, %get3A_371 masked %broadcast_in_dim3A_379 : vector<16xi32>, vector<16xi1> -> vector<16xi32>
          %broadcast_in_dim3A_381 = arith.constant true
          %broadcast_in_dim3A_382 = vector.broadcast %broadcast_in_dim3A_381 : i1 to vector<16xi1>
          %masked_cumsum3A_383 = tpu.scan <sum>, %get3A_373 masked %broadcast_in_dim3A_382 : vector<16xi32>, vector<16xi1> -> vector<16xi32>
          %sub3A_384 = arith.subi %masked_cumsum3A_380, %get3A_371 : vector<16xi32>
          %add3A_385 = vector.broadcast %add3A_360 : i32 to vector<16xi32>
          %add3A_386 = arith.addi %sub3A_384, %add3A_385 : vector<16xi32>
          %swap3A_387 = arith.index_cast %add3A_369 : i32 to index
          %swap3A_388 = tpu.vector_load %arg14[%swap3A_387] {strides = array<i32>} : memref<512xi32, #tpu.memory_space<vmem>>, vector<16xi32>,
          tpu.vector_store %arg14[%swap3A_387], %add3A_386 {strides = array<i32>} : memref<512xi32, #tpu.memory_space<vmem>>, vector<16xi32>,
          %sub3A_389 = arith.subi %masked_cumsum3A_383, %get3A_373 : vector<16xi32>
          %add3A_390 = vector.broadcast %add3A_365 : i32 to vector<16xi32>
          %add3A_391 = arith.addi %sub3A_389, %add3A_390 : vector<16xi32>
          %swap3A_392 = arith.index_cast %add3A_369 : i32 to index
          %swap3A_393 = tpu.vector_load %arg21[%swap3A_392] {strides = array<i32>} : memref<512xi32, #tpu.memory_space<vmem>>, vector<16xi32>,
          tpu.vector_store %arg21[%swap3A_392], %add3A_391 {strides = array<i32>} : memref<512xi32, #tpu.memory_space<vmem>>, vector<16xi32>,
          %reduce_sum3A_394 = arith.constant true
          %reduce_sum3A_395 = vector.broadcast %reduce_sum3A_394 : i1 to vector<16xi1>
          %reduce_sum3A_396 = tpu.scan <sum>, %get3A_371 masked %reduce_sum3A_395 : vector<16xi32>, vector<16xi1> -> vector<16xi32>
          %reduce_sum3A_397 = vector.extract %reduce_sum3A_396[15] : i32 from vector<16xi32>
          %add3A_398 = arith.addi %add3A_360, %reduce_sum3A_397 : i32
          %reduce_sum3A_399 = arith.constant true
          %reduce_sum3A_400 = vector.broadcast %reduce_sum3A_399 : i1 to vector<16xi1>
          %reduce_sum3A_401 = tpu.scan <sum>, %get3A_373 masked %reduce_sum3A_400 : vector<16xi32>, vector<16xi1> -> vector<16xi32>
          %reduce_sum3A_402 = vector.extract %reduce_sum3A_401[15] : i32 from vector<16xi32>
          %add3A_403 = arith.addi %add3A_365, %reduce_sum3A_402 : i32
          %mul3A_404 = arith.constant 64 : i32
          %mul3A_405 = arith.muli %scan3A_325, %mul3A_404 : i32
          %add3A_406 = arith.constant 32 : i32
          %add3A_407 = arith.addi %mul3A_405, %add3A_406 : i32
          %get3A_408 = arith.index_cast %add3A_407 : i32 to index
          %get3A_409 = tpu.vector_load %arg13[%get3A_408] {strides = array<i32>} : memref<512xi32, #tpu.memory_space<vmem>>, vector<16xi32>,
          %get3A_410 = arith.index_cast %add3A_407 : i32 to index
          %get3A_411 = tpu.vector_load %arg20[%get3A_410] {strides = array<i32>} : memref<512xi32, #tpu.memory_space<vmem>>, vector<16xi32>,
          %swap3A_412 = arith.index_cast %add3A_407 : i32 to index
          %swap3A_413 = tpu.vector_load %arg13[%swap3A_412] {strides = array<i32>} : memref<512xi32, #tpu.memory_space<vmem>>, vector<16xi32>,
          tpu.vector_store %arg13[%swap3A_412], %broadcast_in_dim3A_4 {strides = array<i32>} : memref<512xi32, #tpu.memory_space<vmem>>, vector<16xi32>,
          %swap3A_414 = arith.index_cast %add3A_407 : i32 to index
          %swap3A_415 = tpu.vector_load %arg20[%swap3A_414] {strides = array<i32>} : memref<512xi32, #tpu.memory_space<vmem>>, vector<16xi32>,
          tpu.vector_store %arg20[%swap3A_414], %broadcast_in_dim3A_4 {strides = array<i32>} : memref<512xi32, #tpu.memory_space<vmem>>, vector<16xi32>,
          %broadcast_in_dim3A_416 = arith.constant true
          %broadcast_in_dim3A_417 = vector.broadcast %broadcast_in_dim3A_416 : i1 to vector<16xi1>
          %masked_cumsum3A_418 = tpu.scan <sum>, %get3A_409 masked %broadcast_in_dim3A_417 : vector<16xi32>, vector<16xi1> -> vector<16xi32>
          %broadcast_in_dim3A_419 = arith.constant true
          %broadcast_in_dim3A_420 = vector.broadcast %broadcast_in_dim3A_419 : i1 to vector<16xi1>
          %masked_cumsum3A_421 = tpu.scan <sum>, %get3A_411 masked %broadcast_in_dim3A_420 : vector<16xi32>, vector<16xi1> -> vector<16xi32>
          %sub3A_422 = arith.subi %masked_cumsum3A_418, %get3A_409 : vector<16xi32>
          %add3A_423 = vector.broadcast %add3A_398 : i32 to vector<16xi32>
          %add3A_424 = arith.addi %sub3A_422, %add3A_423 : vector<16xi32>
          %swap3A_425 = arith.index_cast %add3A_407 : i32 to index
          %swap3A_426 = tpu.vector_load %arg14[%swap3A_425] {strides = array<i32>} : memref<512xi32, #tpu.memory_space<vmem>>, vector<16xi32>,
          tpu.vector_store %arg14[%swap3A_425], %add3A_424 {strides = array<i32>} : memref<512xi32, #tpu.memory_space<vmem>>, vector<16xi32>,
          %sub3A_427 = arith.subi %masked_cumsum3A_421, %get3A_411 : vector<16xi32>
          %add3A_428 = vector.broadcast %add3A_403 : i32 to vector<16xi32>
          %add3A_429 = arith.addi %sub3A_427, %add3A_428 : vector<16xi32>
          %swap3A_430 = arith.index_cast %add3A_407 : i32 to index
          %swap3A_431 = tpu.vector_load %arg21[%swap3A_430] {strides = array<i32>} : memref<512xi32, #tpu.memory_space<vmem>>, vector<16xi32>,
          tpu.vector_store %arg21[%swap3A_430], %add3A_429 {strides = array<i32>} : memref<512xi32, #tpu.memory_space<vmem>>, vector<16xi32>,
          %reduce_sum3A_432 = arith.constant true
          %reduce_sum3A_433 = vector.broadcast %reduce_sum3A_432 : i1 to vector<16xi1>
          %reduce_sum3A_434 = tpu.scan <sum>, %get3A_409 masked %reduce_sum3A_433 : vector<16xi32>, vector<16xi1> -> vector<16xi32>
          %reduce_sum3A_435 = vector.extract %reduce_sum3A_434[15] : i32 from vector<16xi32>
          %add3A_436 = arith.addi %add3A_398, %reduce_sum3A_435 : i32
          %reduce_sum3A_437 = arith.constant true
          %reduce_sum3A_438 = vector.broadcast %reduce_sum3A_437 : i1 to vector<16xi1>
          %reduce_sum3A_439 = tpu.scan <sum>, %get3A_411 masked %reduce_sum3A_438 : vector<16xi32>, vector<16xi1> -> vector<16xi32>
          %reduce_sum3A_440 = vector.extract %reduce_sum3A_439[15] : i32 from vector<16xi32>
          %add3A_441 = arith.addi %add3A_403, %reduce_sum3A_440 : i32
          %mul3A_442 = arith.constant 64 : i32
          %mul3A_443 = arith.muli %scan3A_325, %mul3A_442 : i32
          %add3A_444 = arith.constant 48 : i32
          %add3A_445 = arith.addi %mul3A_443, %add3A_444 : i32
          %get3A_446 = arith.index_cast %add3A_445 : i32 to index
          %get3A_447 = tpu.vector_load %arg13[%get3A_446] {strides = array<i32>} : memref<512xi32, #tpu.memory_space<vmem>>, vector<16xi32>,
          %get3A_448 = arith.index_cast %add3A_445 : i32 to index
          %get3A_449 = tpu.vector_load %arg20[%get3A_448] {strides = array<i32>} : memref<512xi32, #tpu.memory_space<vmem>>, vector<16xi32>,
          %swap3A_450 = arith.index_cast %add3A_445 : i32 to index
          %swap3A_451 = tpu.vector_load %arg13[%swap3A_450] {strides = array<i32>} : memref<512xi32, #tpu.memory_space<vmem>>, vector<16xi32>,
          tpu.vector_store %arg13[%swap3A_450], %broadcast_in_dim3A_4 {strides = array<i32>} : memref<512xi32, #tpu.memory_space<vmem>>, vector<16xi32>,
          %swap3A_452 = arith.index_cast %add3A_445 : i32 to index
          %swap3A_453 = tpu.vector_load %arg20[%swap3A_452] {strides = array<i32>} : memref<512xi32, #tpu.memory_space<vmem>>, vector<16xi32>,
          tpu.vector_store %arg20[%swap3A_452], %broadcast_in_dim3A_4 {strides = array<i32>} : memref<512xi32, #tpu.memory_space<vmem>>, vector<16xi32>,
          %broadcast_in_dim3A_454 = arith.constant true
          %broadcast_in_dim3A_455 = vector.broadcast %broadcast_in_dim3A_454 : i1 to vector<16xi1>
          %masked_cumsum3A_456 = tpu.scan <sum>, %get3A_447 masked %broadcast_in_dim3A_455 : vector<16xi32>, vector<16xi1> -> vector<16xi32>
          %broadcast_in_dim3A_457 = arith.constant true
          %broadcast_in_dim3A_458 = vector.broadcast %broadcast_in_dim3A_457 : i1 to vector<16xi1>
          %masked_cumsum3A_459 = tpu.scan <sum>, %get3A_449 masked %broadcast_in_dim3A_458 : vector<16xi32>, vector<16xi1> -> vector<16xi32>
          %sub3A_460 = arith.subi %masked_cumsum3A_456, %get3A_447 : vector<16xi32>
          %add3A_461 = vector.broadcast %add3A_436 : i32 to vector<16xi32>
          %add3A_462 = arith.addi %sub3A_460, %add3A_461 : vector<16xi32>
          %swap3A_463 = arith.index_cast %add3A_445 : i32 to index
          %swap3A_464 = tpu.vector_load %arg14[%swap3A_463] {strides = array<i32>} : memref<512xi32, #tpu.memory_space<vmem>>, vector<16xi32>,
          tpu.vector_store %arg14[%swap3A_463], %add3A_462 {strides = array<i32>} : memref<512xi32, #tpu.memory_space<vmem>>, vector<16xi32>,
          %sub3A_465 = arith.subi %masked_cumsum3A_459, %get3A_449 : vector<16xi32>
          %add3A_466 = vector.broadcast %add3A_441 : i32 to vector<16xi32>
          %add3A_467 = arith.addi %sub3A_465, %add3A_466 : vector<16xi32>
          %swap3A_468 = arith.index_cast %add3A_445 : i32 to index
          %swap3A_469 = tpu.vector_load %arg21[%swap3A_468] {strides = array<i32>} : memref<512xi32, #tpu.memory_space<vmem>>, vector<16xi32>,
          tpu.vector_store %arg21[%swap3A_468], %add3A_467 {strides = array<i32>} : memref<512xi32, #tpu.memory_space<vmem>>, vector<16xi32>,
          %reduce_sum3A_470 = arith.constant true
          %reduce_sum3A_471 = vector.broadcast %reduce_sum3A_470 : i1 to vector<16xi1>
          %reduce_sum3A_472 = tpu.scan <sum>, %get3A_447 masked %reduce_sum3A_471 : vector<16xi32>, vector<16xi1> -> vector<16xi32>
          %reduce_sum3A_473 = vector.extract %reduce_sum3A_472[15] : i32 from vector<16xi32>
          %add3A_474 = arith.addi %add3A_436, %reduce_sum3A_473 : i32
          %reduce_sum3A_475 = arith.constant true
          %reduce_sum3A_476 = vector.broadcast %reduce_sum3A_475 : i1 to vector<16xi1>
          %reduce_sum3A_477 = tpu.scan <sum>, %get3A_449 masked %reduce_sum3A_476 : vector<16xi32>, vector<16xi1> -> vector<16xi32>
          %reduce_sum3A_478 = vector.extract %reduce_sum3A_477[15] : i32 from vector<16xi32>
          %add3A_479 = arith.addi %add3A_441, %reduce_sum3A_478 : i32
          scf.yield %add3A_474, %add3A_479 : i32, i32
        }
        %scan3A_77 = arith.constant 8 : i32
        %scan3A_78 = arith.constant 0 : i32
        %scan3A_79 = arith.constant 0 : i32
        %scan3A_80 = arith.constant 128 : i32
        %scan3A_81 = arith.addi %scan3A_79, %scan3A_80 : i32
        %scan3A_82 = arith.constant 1 : i32
        scf.for %scan3A_325 = %scan3A_79 to %scan3A_81 step %scan3A_82  : i32 {
          %add3A_326 = vector.broadcast %scan3A_325 : i32 to vector<16xi32>
          %add3A_327 = arith.addi %mul3A_1, %add3A_326 : vector<16xi32>
          %add3A_328 = arith.constant 0 : i32
          %add3A_329 = vector.broadcast %add3A_328 : i32 to vector<16xi32>
          %add3A_330 = arith.addi %add3A_329, %add3A_327 : vector<16xi32>
          %gather3A = tpu.vector_load_idx %arg10[%add3A_330] : memref<2048xi32, #tpu.memory_space<vmem>>[vector<16xi32>], vector<16xi32>,
          %add3A_331 = arith.constant 0 : i32
          %add3A_332 = vector.broadcast %add3A_331 : i32 to vector<16xi32>
          %add3A_333 = arith.addi %add3A_332, %add3A_327 : vector<16xi32>
          %gather3A_334 = tpu.vector_load_idx %arg17[%add3A_333] : memref<2048xi32, #tpu.memory_space<vmem>>[vector<16xi32>], vector<16xi32>,
          %gather3A_335 = tpu.vector_load_idx %arg12[%add3A_327] : memref<2048xi32, #tpu.memory_space<vmem>>[vector<16xi32>], vector<16xi32>,
          %gather3A_336 = tpu.vector_load_idx %arg19[%add3A_327] : memref<2048xi32, #tpu.memory_space<vmem>>[vector<16xi32>], vector<16xi32>,
          %shift_right_logical3A = arith.constant 5 : i32
          %shift_right_logical3A_337 = vector.broadcast %shift_right_logical3A : i32 to vector<16xi32>
          %shift_right_logical3A_338 = arith.shrui %gather3A, %shift_right_logical3A_337 : vector<16xi32>
          %and3A = arith.constant 31 : i32
          %and3A_339 = vector.broadcast %and3A : i32 to vector<16xi32>
          %and3A_340 = arith.andi %shift_right_logical3A_338, %and3A_339 : vector<16xi32>
          %mul3A_341 = arith.constant 16 : i32
          %mul3A_342 = vector.broadcast %mul3A_341 : i32 to vector<16xi32>
          %mul3A_343 = arith.muli %and3A_340, %mul3A_342 : vector<16xi32>
          %add3A_344 = arith.addi %mul3A_343, %iota3A : vector<16xi32>
          %shift_right_logical3A_345 = arith.constant 5 : i32
          %shift_right_logical3A_346 = vector.broadcast %shift_right_logical3A_345 : i32 to vector<16xi32>
          %shift_right_logical3A_347 = arith.shrui %gather3A_334, %shift_right_logical3A_346 : vector<16xi32>
          %and3A_348 = arith.constant 31 : i32
          %and3A_349 = vector.broadcast %and3A_348 : i32 to vector<16xi32>
          %and3A_350 = arith.andi %shift_right_logical3A_347, %and3A_349 : vector<16xi32>
          %mul3A_351 = arith.constant 16 : i32
          %mul3A_352 = vector.broadcast %mul3A_351 : i32 to vector<16xi32>
          %mul3A_353 = arith.muli %and3A_350, %mul3A_352 : vector<16xi32>
          %add3A_354 = arith.addi %mul3A_353, %iota3A : vector<16xi32>
          %gather3A_355 = tpu.vector_load_idx %arg14[%add3A_344] : memref<512xi32, #tpu.memory_space<vmem>>[vector<16xi32>], vector<16xi32>,
          %gather3A_356 = tpu.vector_load_idx %arg21[%add3A_354] : memref<512xi32, #tpu.memory_space<vmem>>[vector<16xi32>], vector<16xi32>,
          tpu.vector_store_idx %arg9[%gather3A_355], %gather3A : memref<2048xi32, #tpu.memory_space<vmem>>[vector<16xi32>], vector<16xi32>,
          tpu.vector_store_idx %arg16[%gather3A_356], %gather3A_334 : memref<2048xi32, #tpu.memory_space<vmem>>[vector<16xi32>], vector<16xi32>,
          tpu.vector_store_idx %arg11[%gather3A_355], %gather3A_335 : memref<2048xi32, #tpu.memory_space<vmem>>[vector<16xi32>], vector<16xi32>,
          tpu.vector_store_idx %arg18[%gather3A_356], %gather3A_336 : memref<2048xi32, #tpu.memory_space<vmem>>[vector<16xi32>], vector<16xi32>,
          tpu.vector_store_idx %arg14[%add3A_344], %broadcast_in_dim3A_2 {add = true} : memref<512xi32, #tpu.memory_space<vmem>>[vector<16xi32>], vector<16xi32>,
          tpu.vector_store_idx %arg21[%add3A_354], %broadcast_in_dim3A_2 {add = true} : memref<512xi32, #tpu.memory_space<vmem>>[vector<16xi32>], vector<16xi32>,
        }
        %scan3A_83 = arith.constant 128 : i32
        %parallel_loop3A_84 = arith.constant 0 : i32
        %parallel_loop3A_85 = arith.constant 128 : i32
        %parallel_loop3A_86 = arith.constant 1 : i32
        scf.for %parallel_loop3A_325 = %parallel_loop3A_84 to %parallel_loop3A_85 step %parallel_loop3A_86  : i32 {
          %parallel_loop3A_326 = arith.constant 0 : i32
          %parallel_loop3A_327 = vector.broadcast %parallel_loop3A_326 : i32 to vector<16xi32>
          %parallel_loop3A_328 = arith.addi %parallel_loop3A_327, %mul3A_1 : vector<16xi32>
          %parallel_loop3A_329 = vector.broadcast %parallel_loop3A_325 : i32 to vector<16xi32>
          %parallel_loop3A_330 = arith.addi %parallel_loop3A_328, %parallel_loop3A_329 : vector<16xi32>
          %parallel_loop3A_331 = tpu.vector_load_idx %arg9[%parallel_loop3A_330] : memref<2048xi32, #tpu.memory_space<vmem>>[vector<16xi32>], vector<16xi32>,
          %parallel_loop3A_332 = arith.constant 0 : i32
          %parallel_loop3A_333 = vector.broadcast %parallel_loop3A_332 : i32 to vector<16xi32>
          %parallel_loop3A_334 = arith.addi %parallel_loop3A_333, %mul3A_1 : vector<16xi32>
          %parallel_loop3A_335 = vector.broadcast %parallel_loop3A_325 : i32 to vector<16xi32>
          %parallel_loop3A_336 = arith.addi %parallel_loop3A_334, %parallel_loop3A_335 : vector<16xi32>
          %parallel_loop3A_337 = tpu.vector_load_idx %arg16[%parallel_loop3A_336] : memref<2048xi32, #tpu.memory_space<vmem>>[vector<16xi32>], vector<16xi32>,
          %parallel_loop3A_338 = arith.constant 10 : i32
          %parallel_loop3A_339 = vector.broadcast %parallel_loop3A_338 : i32 to vector<16xi32>
          %parallel_loop3A_340 = arith.shrui %parallel_loop3A_331, %parallel_loop3A_339 : vector<16xi32>
          %parallel_loop3A_341 = arith.constant 31 : i32
          %parallel_loop3A_342 = vector.broadcast %parallel_loop3A_341 : i32 to vector<16xi32>
          %parallel_loop3A_343 = arith.andi %parallel_loop3A_340, %parallel_loop3A_342 : vector<16xi32>
          %parallel_loop3A_344 = arith.constant 16 : i32
          %parallel_loop3A_345 = vector.broadcast %parallel_loop3A_344 : i32 to vector<16xi32>
          %parallel_loop3A_346 = arith.muli %parallel_loop3A_343, %parallel_loop3A_345 : vector<16xi32>
          %parallel_loop3A_347 = arith.addi %parallel_loop3A_346, %iota3A : vector<16xi32>
          tpu.vector_store_idx %arg13[%parallel_loop3A_347], %broadcast_in_dim3A_2 {add = true} : memref<512xi32, #tpu.memory_space<vmem>>[vector<16xi32>], vector<16xi32>,
          %parallel_loop3A_348 = arith.constant 10 : i32
          %parallel_loop3A_349 = vector.broadcast %parallel_loop3A_348 : i32 to vector<16xi32>
          %parallel_loop3A_350 = arith.shrui %parallel_loop3A_337, %parallel_loop3A_349 : vector<16xi32>
          %parallel_loop3A_351 = arith.constant 31 : i32
          %parallel_loop3A_352 = vector.broadcast %parallel_loop3A_351 : i32 to vector<16xi32>
          %parallel_loop3A_353 = arith.andi %parallel_loop3A_350, %parallel_loop3A_352 : vector<16xi32>
          %parallel_loop3A_354 = arith.constant 16 : i32
          %parallel_loop3A_355 = vector.broadcast %parallel_loop3A_354 : i32 to vector<16xi32>
          %parallel_loop3A_356 = arith.muli %parallel_loop3A_353, %parallel_loop3A_355 : vector<16xi32>
          %parallel_loop3A_357 = arith.addi %parallel_loop3A_356, %iota3A : vector<16xi32>
          tpu.vector_store_idx %arg20[%parallel_loop3A_357], %broadcast_in_dim3A_2 {add = true} : memref<512xi32, #tpu.memory_space<vmem>>[vector<16xi32>], vector<16xi32>,
        } {sc.loop_unroll_factor = 4 : i64, sc.parallel_access}
        %scan3A_87 = arith.constant 0 : i32
        %scan3A_88 = arith.constant 0 : i32
        %scan3A_89 = arith.constant 0 : i32
        %scan3A_90 = arith.constant 8 : i32
        %scan3A_91 = arith.addi %scan3A_89, %scan3A_90 : i32
        %scan3A_92 = arith.constant 1 : i32
        %scan3A_93:2 = scf.for %scan3A_325 = %scan3A_89 to %scan3A_91 step %scan3A_92 iter_args(%scan3A_326 = %scan3A_87, %scan3A_327 = %scan3A_88) -> (i32, i32)  : i32 {
          %mul3A_328 = arith.constant 64 : i32
          %mul3A_329 = arith.muli %scan3A_325, %mul3A_328 : i32
          %add3A_330 = arith.constant 0 : i32
          %add3A_331 = arith.addi %mul3A_329, %add3A_330 : i32
          %get3A_332 = arith.index_cast %add3A_331 : i32 to index
          %get3A_333 = tpu.vector_load %arg13[%get3A_332] {strides = array<i32>} : memref<512xi32, #tpu.memory_space<vmem>>, vector<16xi32>,
          %get3A_334 = arith.index_cast %add3A_331 : i32 to index
          %get3A_335 = tpu.vector_load %arg20[%get3A_334] {strides = array<i32>} : memref<512xi32, #tpu.memory_space<vmem>>, vector<16xi32>,
          %swap3A_336 = arith.index_cast %add3A_331 : i32 to index
          %swap3A_337 = tpu.vector_load %arg13[%swap3A_336] {strides = array<i32>} : memref<512xi32, #tpu.memory_space<vmem>>, vector<16xi32>,
          tpu.vector_store %arg13[%swap3A_336], %broadcast_in_dim3A_4 {strides = array<i32>} : memref<512xi32, #tpu.memory_space<vmem>>, vector<16xi32>,
          %swap3A_338 = arith.index_cast %add3A_331 : i32 to index
          %swap3A_339 = tpu.vector_load %arg20[%swap3A_338] {strides = array<i32>} : memref<512xi32, #tpu.memory_space<vmem>>, vector<16xi32>,
          tpu.vector_store %arg20[%swap3A_338], %broadcast_in_dim3A_4 {strides = array<i32>} : memref<512xi32, #tpu.memory_space<vmem>>, vector<16xi32>,
          %broadcast_in_dim3A_340 = arith.constant true
          %broadcast_in_dim3A_341 = vector.broadcast %broadcast_in_dim3A_340 : i1 to vector<16xi1>
          %masked_cumsum3A_342 = tpu.scan <sum>, %get3A_333 masked %broadcast_in_dim3A_341 : vector<16xi32>, vector<16xi1> -> vector<16xi32>
          %broadcast_in_dim3A_343 = arith.constant true
          %broadcast_in_dim3A_344 = vector.broadcast %broadcast_in_dim3A_343 : i1 to vector<16xi1>
          %masked_cumsum3A_345 = tpu.scan <sum>, %get3A_335 masked %broadcast_in_dim3A_344 : vector<16xi32>, vector<16xi1> -> vector<16xi32>
          %sub3A_346 = arith.subi %masked_cumsum3A_342, %get3A_333 : vector<16xi32>
          %add3A_347 = vector.broadcast %scan3A_326 : i32 to vector<16xi32>
          %add3A_348 = arith.addi %sub3A_346, %add3A_347 : vector<16xi32>
          %swap3A_349 = arith.index_cast %add3A_331 : i32 to index
          %swap3A_350 = tpu.vector_load %arg14[%swap3A_349] {strides = array<i32>} : memref<512xi32, #tpu.memory_space<vmem>>, vector<16xi32>,
          tpu.vector_store %arg14[%swap3A_349], %add3A_348 {strides = array<i32>} : memref<512xi32, #tpu.memory_space<vmem>>, vector<16xi32>,
          %sub3A_351 = arith.subi %masked_cumsum3A_345, %get3A_335 : vector<16xi32>
          %add3A_352 = vector.broadcast %scan3A_327 : i32 to vector<16xi32>
          %add3A_353 = arith.addi %sub3A_351, %add3A_352 : vector<16xi32>
          %swap3A_354 = arith.index_cast %add3A_331 : i32 to index
          %swap3A_355 = tpu.vector_load %arg21[%swap3A_354] {strides = array<i32>} : memref<512xi32, #tpu.memory_space<vmem>>, vector<16xi32>,
          tpu.vector_store %arg21[%swap3A_354], %add3A_353 {strides = array<i32>} : memref<512xi32, #tpu.memory_space<vmem>>, vector<16xi32>,
          %reduce_sum3A_356 = arith.constant true
          %reduce_sum3A_357 = vector.broadcast %reduce_sum3A_356 : i1 to vector<16xi1>
          %reduce_sum3A_358 = tpu.scan <sum>, %get3A_333 masked %reduce_sum3A_357 : vector<16xi32>, vector<16xi1> -> vector<16xi32>
          %reduce_sum3A_359 = vector.extract %reduce_sum3A_358[15] : i32 from vector<16xi32>
          %add3A_360 = arith.addi %scan3A_326, %reduce_sum3A_359 : i32
          %reduce_sum3A_361 = arith.constant true
          %reduce_sum3A_362 = vector.broadcast %reduce_sum3A_361 : i1 to vector<16xi1>
          %reduce_sum3A_363 = tpu.scan <sum>, %get3A_335 masked %reduce_sum3A_362 : vector<16xi32>, vector<16xi1> -> vector<16xi32>
          %reduce_sum3A_364 = vector.extract %reduce_sum3A_363[15] : i32 from vector<16xi32>
          %add3A_365 = arith.addi %scan3A_327, %reduce_sum3A_364 : i32
          %mul3A_366 = arith.constant 64 : i32
          %mul3A_367 = arith.muli %scan3A_325, %mul3A_366 : i32
          %add3A_368 = arith.constant 16 : i32
          %add3A_369 = arith.addi %mul3A_367, %add3A_368 : i32
          %get3A_370 = arith.index_cast %add3A_369 : i32 to index
          %get3A_371 = tpu.vector_load %arg13[%get3A_370] {strides = array<i32>} : memref<512xi32, #tpu.memory_space<vmem>>, vector<16xi32>,
          %get3A_372 = arith.index_cast %add3A_369 : i32 to index
          %get3A_373 = tpu.vector_load %arg20[%get3A_372] {strides = array<i32>} : memref<512xi32, #tpu.memory_space<vmem>>, vector<16xi32>,
          %swap3A_374 = arith.index_cast %add3A_369 : i32 to index
          %swap3A_375 = tpu.vector_load %arg13[%swap3A_374] {strides = array<i32>} : memref<512xi32, #tpu.memory_space<vmem>>, vector<16xi32>,
          tpu.vector_store %arg13[%swap3A_374], %broadcast_in_dim3A_4 {strides = array<i32>} : memref<512xi32, #tpu.memory_space<vmem>>, vector<16xi32>,
          %swap3A_376 = arith.index_cast %add3A_369 : i32 to index
          %swap3A_377 = tpu.vector_load %arg20[%swap3A_376] {strides = array<i32>} : memref<512xi32, #tpu.memory_space<vmem>>, vector<16xi32>,
          tpu.vector_store %arg20[%swap3A_376], %broadcast_in_dim3A_4 {strides = array<i32>} : memref<512xi32, #tpu.memory_space<vmem>>, vector<16xi32>,
          %broadcast_in_dim3A_378 = arith.constant true
          %broadcast_in_dim3A_379 = vector.broadcast %broadcast_in_dim3A_378 : i1 to vector<16xi1>
          %masked_cumsum3A_380 = tpu.scan <sum>, %get3A_371 masked %broadcast_in_dim3A_379 : vector<16xi32>, vector<16xi1> -> vector<16xi32>
          %broadcast_in_dim3A_381 = arith.constant true
          %broadcast_in_dim3A_382 = vector.broadcast %broadcast_in_dim3A_381 : i1 to vector<16xi1>
          %masked_cumsum3A_383 = tpu.scan <sum>, %get3A_373 masked %broadcast_in_dim3A_382 : vector<16xi32>, vector<16xi1> -> vector<16xi32>
          %sub3A_384 = arith.subi %masked_cumsum3A_380, %get3A_371 : vector<16xi32>
          %add3A_385 = vector.broadcast %add3A_360 : i32 to vector<16xi32>
          %add3A_386 = arith.addi %sub3A_384, %add3A_385 : vector<16xi32>
          %swap3A_387 = arith.index_cast %add3A_369 : i32 to index
          %swap3A_388 = tpu.vector_load %arg14[%swap3A_387] {strides = array<i32>} : memref<512xi32, #tpu.memory_space<vmem>>, vector<16xi32>,
          tpu.vector_store %arg14[%swap3A_387], %add3A_386 {strides = array<i32>} : memref<512xi32, #tpu.memory_space<vmem>>, vector<16xi32>,
          %sub3A_389 = arith.subi %masked_cumsum3A_383, %get3A_373 : vector<16xi32>
          %add3A_390 = vector.broadcast %add3A_365 : i32 to vector<16xi32>
          %add3A_391 = arith.addi %sub3A_389, %add3A_390 : vector<16xi32>
          %swap3A_392 = arith.index_cast %add3A_369 : i32 to index
          %swap3A_393 = tpu.vector_load %arg21[%swap3A_392] {strides = array<i32>} : memref<512xi32, #tpu.memory_space<vmem>>, vector<16xi32>,
          tpu.vector_store %arg21[%swap3A_392], %add3A_391 {strides = array<i32>} : memref<512xi32, #tpu.memory_space<vmem>>, vector<16xi32>,
          %reduce_sum3A_394 = arith.constant true
          %reduce_sum3A_395 = vector.broadcast %reduce_sum3A_394 : i1 to vector<16xi1>
          %reduce_sum3A_396 = tpu.scan <sum>, %get3A_371 masked %reduce_sum3A_395 : vector<16xi32>, vector<16xi1> -> vector<16xi32>
          %reduce_sum3A_397 = vector.extract %reduce_sum3A_396[15] : i32 from vector<16xi32>
          %add3A_398 = arith.addi %add3A_360, %reduce_sum3A_397 : i32
          %reduce_sum3A_399 = arith.constant true
          %reduce_sum3A_400 = vector.broadcast %reduce_sum3A_399 : i1 to vector<16xi1>
          %reduce_sum3A_401 = tpu.scan <sum>, %get3A_373 masked %reduce_sum3A_400 : vector<16xi32>, vector<16xi1> -> vector<16xi32>
          %reduce_sum3A_402 = vector.extract %reduce_sum3A_401[15] : i32 from vector<16xi32>
          %add3A_403 = arith.addi %add3A_365, %reduce_sum3A_402 : i32
          %mul3A_404 = arith.constant 64 : i32
          %mul3A_405 = arith.muli %scan3A_325, %mul3A_404 : i32
          %add3A_406 = arith.constant 32 : i32
          %add3A_407 = arith.addi %mul3A_405, %add3A_406 : i32
          %get3A_408 = arith.index_cast %add3A_407 : i32 to index
          %get3A_409 = tpu.vector_load %arg13[%get3A_408] {strides = array<i32>} : memref<512xi32, #tpu.memory_space<vmem>>, vector<16xi32>,
          %get3A_410 = arith.index_cast %add3A_407 : i32 to index
          %get3A_411 = tpu.vector_load %arg20[%get3A_410] {strides = array<i32>} : memref<512xi32, #tpu.memory_space<vmem>>, vector<16xi32>,
          %swap3A_412 = arith.index_cast %add3A_407 : i32 to index
          %swap3A_413 = tpu.vector_load %arg13[%swap3A_412] {strides = array<i32>} : memref<512xi32, #tpu.memory_space<vmem>>, vector<16xi32>,
          tpu.vector_store %arg13[%swap3A_412], %broadcast_in_dim3A_4 {strides = array<i32>} : memref<512xi32, #tpu.memory_space<vmem>>, vector<16xi32>,
          %swap3A_414 = arith.index_cast %add3A_407 : i32 to index
          %swap3A_415 = tpu.vector_load %arg20[%swap3A_414] {strides = array<i32>} : memref<512xi32, #tpu.memory_space<vmem>>, vector<16xi32>,
          tpu.vector_store %arg20[%swap3A_414], %broadcast_in_dim3A_4 {strides = array<i32>} : memref<512xi32, #tpu.memory_space<vmem>>, vector<16xi32>,
          %broadcast_in_dim3A_416 = arith.constant true
          %broadcast_in_dim3A_417 = vector.broadcast %broadcast_in_dim3A_416 : i1 to vector<16xi1>
          %masked_cumsum3A_418 = tpu.scan <sum>, %get3A_409 masked %broadcast_in_dim3A_417 : vector<16xi32>, vector<16xi1> -> vector<16xi32>
          %broadcast_in_dim3A_419 = arith.constant true
          %broadcast_in_dim3A_420 = vector.broadcast %broadcast_in_dim3A_419 : i1 to vector<16xi1>
          %masked_cumsum3A_421 = tpu.scan <sum>, %get3A_411 masked %broadcast_in_dim3A_420 : vector<16xi32>, vector<16xi1> -> vector<16xi32>
          %sub3A_422 = arith.subi %masked_cumsum3A_418, %get3A_409 : vector<16xi32>
          %add3A_423 = vector.broadcast %add3A_398 : i32 to vector<16xi32>
          %add3A_424 = arith.addi %sub3A_422, %add3A_423 : vector<16xi32>
          %swap3A_425 = arith.index_cast %add3A_407 : i32 to index
          %swap3A_426 = tpu.vector_load %arg14[%swap3A_425] {strides = array<i32>} : memref<512xi32, #tpu.memory_space<vmem>>, vector<16xi32>,
          tpu.vector_store %arg14[%swap3A_425], %add3A_424 {strides = array<i32>} : memref<512xi32, #tpu.memory_space<vmem>>, vector<16xi32>,
          %sub3A_427 = arith.subi %masked_cumsum3A_421, %get3A_411 : vector<16xi32>
          %add3A_428 = vector.broadcast %add3A_403 : i32 to vector<16xi32>
          %add3A_429 = arith.addi %sub3A_427, %add3A_428 : vector<16xi32>
          %swap3A_430 = arith.index_cast %add3A_407 : i32 to index
          %swap3A_431 = tpu.vector_load %arg21[%swap3A_430] {strides = array<i32>} : memref<512xi32, #tpu.memory_space<vmem>>, vector<16xi32>,
          tpu.vector_store %arg21[%swap3A_430], %add3A_429 {strides = array<i32>} : memref<512xi32, #tpu.memory_space<vmem>>, vector<16xi32>,
          %reduce_sum3A_432 = arith.constant true
          %reduce_sum3A_433 = vector.broadcast %reduce_sum3A_432 : i1 to vector<16xi1>
          %reduce_sum3A_434 = tpu.scan <sum>, %get3A_409 masked %reduce_sum3A_433 : vector<16xi32>, vector<16xi1> -> vector<16xi32>
          %reduce_sum3A_435 = vector.extract %reduce_sum3A_434[15] : i32 from vector<16xi32>
          %add3A_436 = arith.addi %add3A_398, %reduce_sum3A_435 : i32
          %reduce_sum3A_437 = arith.constant true
          %reduce_sum3A_438 = vector.broadcast %reduce_sum3A_437 : i1 to vector<16xi1>
          %reduce_sum3A_439 = tpu.scan <sum>, %get3A_411 masked %reduce_sum3A_438 : vector<16xi32>, vector<16xi1> -> vector<16xi32>
          %reduce_sum3A_440 = vector.extract %reduce_sum3A_439[15] : i32 from vector<16xi32>
          %add3A_441 = arith.addi %add3A_403, %reduce_sum3A_440 : i32
          %mul3A_442 = arith.constant 64 : i32
          %mul3A_443 = arith.muli %scan3A_325, %mul3A_442 : i32
          %add3A_444 = arith.constant 48 : i32
          %add3A_445 = arith.addi %mul3A_443, %add3A_444 : i32
          %get3A_446 = arith.index_cast %add3A_445 : i32 to index
          %get3A_447 = tpu.vector_load %arg13[%get3A_446] {strides = array<i32>} : memref<512xi32, #tpu.memory_space<vmem>>, vector<16xi32>,
          %get3A_448 = arith.index_cast %add3A_445 : i32 to index
          %get3A_449 = tpu.vector_load %arg20[%get3A_448] {strides = array<i32>} : memref<512xi32, #tpu.memory_space<vmem>>, vector<16xi32>,
          %swap3A_450 = arith.index_cast %add3A_445 : i32 to index
          %swap3A_451 = tpu.vector_load %arg13[%swap3A_450] {strides = array<i32>} : memref<512xi32, #tpu.memory_space<vmem>>, vector<16xi32>,
          tpu.vector_store %arg13[%swap3A_450], %broadcast_in_dim3A_4 {strides = array<i32>} : memref<512xi32, #tpu.memory_space<vmem>>, vector<16xi32>,
          %swap3A_452 = arith.index_cast %add3A_445 : i32 to index
          %swap3A_453 = tpu.vector_load %arg20[%swap3A_452] {strides = array<i32>} : memref<512xi32, #tpu.memory_space<vmem>>, vector<16xi32>,
          tpu.vector_store %arg20[%swap3A_452], %broadcast_in_dim3A_4 {strides = array<i32>} : memref<512xi32, #tpu.memory_space<vmem>>, vector<16xi32>,
          %broadcast_in_dim3A_454 = arith.constant true
          %broadcast_in_dim3A_455 = vector.broadcast %broadcast_in_dim3A_454 : i1 to vector<16xi1>
          %masked_cumsum3A_456 = tpu.scan <sum>, %get3A_447 masked %broadcast_in_dim3A_455 : vector<16xi32>, vector<16xi1> -> vector<16xi32>
          %broadcast_in_dim3A_457 = arith.constant true
          %broadcast_in_dim3A_458 = vector.broadcast %broadcast_in_dim3A_457 : i1 to vector<16xi1>
          %masked_cumsum3A_459 = tpu.scan <sum>, %get3A_449 masked %broadcast_in_dim3A_458 : vector<16xi32>, vector<16xi1> -> vector<16xi32>
          %sub3A_460 = arith.subi %masked_cumsum3A_456, %get3A_447 : vector<16xi32>
          %add3A_461 = vector.broadcast %add3A_436 : i32 to vector<16xi32>
          %add3A_462 = arith.addi %sub3A_460, %add3A_461 : vector<16xi32>
          %swap3A_463 = arith.index_cast %add3A_445 : i32 to index
          %swap3A_464 = tpu.vector_load %arg14[%swap3A_463] {strides = array<i32>} : memref<512xi32, #tpu.memory_space<vmem>>, vector<16xi32>,
          tpu.vector_store %arg14[%swap3A_463], %add3A_462 {strides = array<i32>} : memref<512xi32, #tpu.memory_space<vmem>>, vector<16xi32>,
          %sub3A_465 = arith.subi %masked_cumsum3A_459, %get3A_449 : vector<16xi32>
          %add3A_466 = vector.broadcast %add3A_441 : i32 to vector<16xi32>
          %add3A_467 = arith.addi %sub3A_465, %add3A_466 : vector<16xi32>
          %swap3A_468 = arith.index_cast %add3A_445 : i32 to index
          %swap3A_469 = tpu.vector_load %arg21[%swap3A_468] {strides = array<i32>} : memref<512xi32, #tpu.memory_space<vmem>>, vector<16xi32>,
          tpu.vector_store %arg21[%swap3A_468], %add3A_467 {strides = array<i32>} : memref<512xi32, #tpu.memory_space<vmem>>, vector<16xi32>,
          %reduce_sum3A_470 = arith.constant true
          %reduce_sum3A_471 = vector.broadcast %reduce_sum3A_470 : i1 to vector<16xi1>
          %reduce_sum3A_472 = tpu.scan <sum>, %get3A_447 masked %reduce_sum3A_471 : vector<16xi32>, vector<16xi1> -> vector<16xi32>
          %reduce_sum3A_473 = vector.extract %reduce_sum3A_472[15] : i32 from vector<16xi32>
          %add3A_474 = arith.addi %add3A_436, %reduce_sum3A_473 : i32
          %reduce_sum3A_475 = arith.constant true
          %reduce_sum3A_476 = vector.broadcast %reduce_sum3A_475 : i1 to vector<16xi1>
          %reduce_sum3A_477 = tpu.scan <sum>, %get3A_449 masked %reduce_sum3A_476 : vector<16xi32>, vector<16xi1> -> vector<16xi32>
          %reduce_sum3A_478 = vector.extract %reduce_sum3A_477[15] : i32 from vector<16xi32>
          %add3A_479 = arith.addi %add3A_441, %reduce_sum3A_478 : i32
          scf.yield %add3A_474, %add3A_479 : i32, i32
        }
        %scan3A_94 = arith.constant 8 : i32
        %scan3A_95 = arith.constant 0 : i32
        %scan3A_96 = arith.constant 0 : i32
        %scan3A_97 = arith.constant 128 : i32
        %scan3A_98 = arith.addi %scan3A_96, %scan3A_97 : i32
        %scan3A_99 = arith.constant 1 : i32
        scf.for %scan3A_325 = %scan3A_96 to %scan3A_98 step %scan3A_99  : i32 {
          %add3A_326 = vector.broadcast %scan3A_325 : i32 to vector<16xi32>
          %add3A_327 = arith.addi %mul3A_1, %add3A_326 : vector<16xi32>
          %add3A_328 = arith.constant 0 : i32
          %add3A_329 = vector.broadcast %add3A_328 : i32 to vector<16xi32>
          %add3A_330 = arith.addi %add3A_329, %add3A_327 : vector<16xi32>
          %gather3A = tpu.vector_load_idx %arg9[%add3A_330] : memref<2048xi32, #tpu.memory_space<vmem>>[vector<16xi32>], vector<16xi32>,
          %add3A_331 = arith.constant 0 : i32
          %add3A_332 = vector.broadcast %add3A_331 : i32 to vector<16xi32>
          %add3A_333 = arith.addi %add3A_332, %add3A_327 : vector<16xi32>
          %gather3A_334 = tpu.vector_load_idx %arg16[%add3A_333] : memref<2048xi32, #tpu.memory_space<vmem>>[vector<16xi32>], vector<16xi32>,
          %gather3A_335 = tpu.vector_load_idx %arg11[%add3A_327] : memref<2048xi32, #tpu.memory_space<vmem>>[vector<16xi32>], vector<16xi32>,
          %gather3A_336 = tpu.vector_load_idx %arg18[%add3A_327] : memref<2048xi32, #tpu.memory_space<vmem>>[vector<16xi32>], vector<16xi32>,
          %shift_right_logical3A = arith.constant 10 : i32
          %shift_right_logical3A_337 = vector.broadcast %shift_right_logical3A : i32 to vector<16xi32>
          %shift_right_logical3A_338 = arith.shrui %gather3A, %shift_right_logical3A_337 : vector<16xi32>
          %and3A = arith.constant 31 : i32
          %and3A_339 = vector.broadcast %and3A : i32 to vector<16xi32>
          %and3A_340 = arith.andi %shift_right_logical3A_338, %and3A_339 : vector<16xi32>
          %mul3A_341 = arith.constant 16 : i32
          %mul3A_342 = vector.broadcast %mul3A_341 : i32 to vector<16xi32>
          %mul3A_343 = arith.muli %and3A_340, %mul3A_342 : vector<16xi32>
          %add3A_344 = arith.addi %mul3A_343, %iota3A : vector<16xi32>
          %shift_right_logical3A_345 = arith.constant 10 : i32
          %shift_right_logical3A_346 = vector.broadcast %shift_right_logical3A_345 : i32 to vector<16xi32>
          %shift_right_logical3A_347 = arith.shrui %gather3A_334, %shift_right_logical3A_346 : vector<16xi32>
          %and3A_348 = arith.constant 31 : i32
          %and3A_349 = vector.broadcast %and3A_348 : i32 to vector<16xi32>
          %and3A_350 = arith.andi %shift_right_logical3A_347, %and3A_349 : vector<16xi32>
          %mul3A_351 = arith.constant 16 : i32
          %mul3A_352 = vector.broadcast %mul3A_351 : i32 to vector<16xi32>
          %mul3A_353 = arith.muli %and3A_350, %mul3A_352 : vector<16xi32>
          %add3A_354 = arith.addi %mul3A_353, %iota3A : vector<16xi32>
          %gather3A_355 = tpu.vector_load_idx %arg14[%add3A_344] : memref<512xi32, #tpu.memory_space<vmem>>[vector<16xi32>], vector<16xi32>,
          %gather3A_356 = tpu.vector_load_idx %arg21[%add3A_354] : memref<512xi32, #tpu.memory_space<vmem>>[vector<16xi32>], vector<16xi32>,
          tpu.vector_store_idx %arg10[%gather3A_355], %gather3A : memref<2048xi32, #tpu.memory_space<vmem>>[vector<16xi32>], vector<16xi32>,
          tpu.vector_store_idx %arg17[%gather3A_356], %gather3A_334 : memref<2048xi32, #tpu.memory_space<vmem>>[vector<16xi32>], vector<16xi32>,
          tpu.vector_store_idx %arg12[%gather3A_355], %gather3A_335 : memref<2048xi32, #tpu.memory_space<vmem>>[vector<16xi32>], vector<16xi32>,
          tpu.vector_store_idx %arg19[%gather3A_356], %gather3A_336 : memref<2048xi32, #tpu.memory_space<vmem>>[vector<16xi32>], vector<16xi32>,
          tpu.vector_store_idx %arg14[%add3A_344], %broadcast_in_dim3A_2 {add = true} : memref<512xi32, #tpu.memory_space<vmem>>[vector<16xi32>], vector<16xi32>,
          tpu.vector_store_idx %arg21[%add3A_354], %broadcast_in_dim3A_2 {add = true} : memref<512xi32, #tpu.memory_space<vmem>>[vector<16xi32>], vector<16xi32>,
        }
        %scan3A_100 = arith.constant 128 : i32
        %parallel_loop3A_101 = arith.constant 0 : i32
        %parallel_loop3A_102 = arith.constant 128 : i32
        %parallel_loop3A_103 = arith.constant 1 : i32
        scf.for %parallel_loop3A_325 = %parallel_loop3A_101 to %parallel_loop3A_102 step %parallel_loop3A_103  : i32 {
          %parallel_loop3A_326 = arith.constant 0 : i32
          %parallel_loop3A_327 = vector.broadcast %parallel_loop3A_326 : i32 to vector<16xi32>
          %parallel_loop3A_328 = arith.addi %parallel_loop3A_327, %mul3A_1 : vector<16xi32>
          %parallel_loop3A_329 = vector.broadcast %parallel_loop3A_325 : i32 to vector<16xi32>
          %parallel_loop3A_330 = arith.addi %parallel_loop3A_328, %parallel_loop3A_329 : vector<16xi32>
          %parallel_loop3A_331 = tpu.vector_load_idx %arg10[%parallel_loop3A_330] : memref<2048xi32, #tpu.memory_space<vmem>>[vector<16xi32>], vector<16xi32>,
          %parallel_loop3A_332 = arith.constant 0 : i32
          %parallel_loop3A_333 = vector.broadcast %parallel_loop3A_332 : i32 to vector<16xi32>
          %parallel_loop3A_334 = arith.addi %parallel_loop3A_333, %mul3A_1 : vector<16xi32>
          %parallel_loop3A_335 = vector.broadcast %parallel_loop3A_325 : i32 to vector<16xi32>
          %parallel_loop3A_336 = arith.addi %parallel_loop3A_334, %parallel_loop3A_335 : vector<16xi32>
          %parallel_loop3A_337 = tpu.vector_load_idx %arg17[%parallel_loop3A_336] : memref<2048xi32, #tpu.memory_space<vmem>>[vector<16xi32>], vector<16xi32>,
          %parallel_loop3A_338 = arith.constant 15 : i32
          %parallel_loop3A_339 = vector.broadcast %parallel_loop3A_338 : i32 to vector<16xi32>
          %parallel_loop3A_340 = arith.shrui %parallel_loop3A_331, %parallel_loop3A_339 : vector<16xi32>
          %parallel_loop3A_341 = arith.constant 31 : i32
          %parallel_loop3A_342 = vector.broadcast %parallel_loop3A_341 : i32 to vector<16xi32>
          %parallel_loop3A_343 = arith.andi %parallel_loop3A_340, %parallel_loop3A_342 : vector<16xi32>
          %parallel_loop3A_344 = arith.constant 16 : i32
          %parallel_loop3A_345 = vector.broadcast %parallel_loop3A_344 : i32 to vector<16xi32>
          %parallel_loop3A_346 = arith.muli %parallel_loop3A_343, %parallel_loop3A_345 : vector<16xi32>
          %parallel_loop3A_347 = arith.addi %parallel_loop3A_346, %iota3A : vector<16xi32>
          tpu.vector_store_idx %arg13[%parallel_loop3A_347], %broadcast_in_dim3A_2 {add = true} : memref<512xi32, #tpu.memory_space<vmem>>[vector<16xi32>], vector<16xi32>,
          %parallel_loop3A_348 = arith.constant 15 : i32
          %parallel_loop3A_349 = vector.broadcast %parallel_loop3A_348 : i32 to vector<16xi32>
          %parallel_loop3A_350 = arith.shrui %parallel_loop3A_337, %parallel_loop3A_349 : vector<16xi32>
          %parallel_loop3A_351 = arith.constant 31 : i32
          %parallel_loop3A_352 = vector.broadcast %parallel_loop3A_351 : i32 to vector<16xi32>
          %parallel_loop3A_353 = arith.andi %parallel_loop3A_350, %parallel_loop3A_352 : vector<16xi32>
          %parallel_loop3A_354 = arith.constant 16 : i32
          %parallel_loop3A_355 = vector.broadcast %parallel_loop3A_354 : i32 to vector<16xi32>
          %parallel_loop3A_356 = arith.muli %parallel_loop3A_353, %parallel_loop3A_355 : vector<16xi32>
          %parallel_loop3A_357 = arith.addi %parallel_loop3A_356, %iota3A : vector<16xi32>
          tpu.vector_store_idx %arg20[%parallel_loop3A_357], %broadcast_in_dim3A_2 {add = true} : memref<512xi32, #tpu.memory_space<vmem>>[vector<16xi32>], vector<16xi32>,
        } {sc.loop_unroll_factor = 4 : i64, sc.parallel_access}
        %scan3A_104 = arith.constant 0 : i32
        %scan3A_105 = arith.constant 0 : i32
        %scan3A_106 = arith.constant 0 : i32
        %scan3A_107 = arith.constant 8 : i32
        %scan3A_108 = arith.addi %scan3A_106, %scan3A_107 : i32
        %scan3A_109 = arith.constant 1 : i32
        %scan3A_110:2 = scf.for %scan3A_325 = %scan3A_106 to %scan3A_108 step %scan3A_109 iter_args(%scan3A_326 = %scan3A_104, %scan3A_327 = %scan3A_105) -> (i32, i32)  : i32 {
          %mul3A_328 = arith.constant 64 : i32
          %mul3A_329 = arith.muli %scan3A_325, %mul3A_328 : i32
          %add3A_330 = arith.constant 0 : i32
          %add3A_331 = arith.addi %mul3A_329, %add3A_330 : i32
          %get3A_332 = arith.index_cast %add3A_331 : i32 to index
          %get3A_333 = tpu.vector_load %arg13[%get3A_332] {strides = array<i32>} : memref<512xi32, #tpu.memory_space<vmem>>, vector<16xi32>,
          %get3A_334 = arith.index_cast %add3A_331 : i32 to index
          %get3A_335 = tpu.vector_load %arg20[%get3A_334] {strides = array<i32>} : memref<512xi32, #tpu.memory_space<vmem>>, vector<16xi32>,
          %swap3A_336 = arith.index_cast %add3A_331 : i32 to index
          %swap3A_337 = tpu.vector_load %arg13[%swap3A_336] {strides = array<i32>} : memref<512xi32, #tpu.memory_space<vmem>>, vector<16xi32>,
          tpu.vector_store %arg13[%swap3A_336], %broadcast_in_dim3A_4 {strides = array<i32>} : memref<512xi32, #tpu.memory_space<vmem>>, vector<16xi32>,
          %swap3A_338 = arith.index_cast %add3A_331 : i32 to index
          %swap3A_339 = tpu.vector_load %arg20[%swap3A_338] {strides = array<i32>} : memref<512xi32, #tpu.memory_space<vmem>>, vector<16xi32>,
          tpu.vector_store %arg20[%swap3A_338], %broadcast_in_dim3A_4 {strides = array<i32>} : memref<512xi32, #tpu.memory_space<vmem>>, vector<16xi32>,
          %broadcast_in_dim3A_340 = arith.constant true
          %broadcast_in_dim3A_341 = vector.broadcast %broadcast_in_dim3A_340 : i1 to vector<16xi1>
          %masked_cumsum3A_342 = tpu.scan <sum>, %get3A_333 masked %broadcast_in_dim3A_341 : vector<16xi32>, vector<16xi1> -> vector<16xi32>
          %broadcast_in_dim3A_343 = arith.constant true
          %broadcast_in_dim3A_344 = vector.broadcast %broadcast_in_dim3A_343 : i1 to vector<16xi1>
          %masked_cumsum3A_345 = tpu.scan <sum>, %get3A_335 masked %broadcast_in_dim3A_344 : vector<16xi32>, vector<16xi1> -> vector<16xi32>
          %sub3A_346 = arith.subi %masked_cumsum3A_342, %get3A_333 : vector<16xi32>
          %add3A_347 = vector.broadcast %scan3A_326 : i32 to vector<16xi32>
          %add3A_348 = arith.addi %sub3A_346, %add3A_347 : vector<16xi32>
          %swap3A_349 = arith.index_cast %add3A_331 : i32 to index
          %swap3A_350 = tpu.vector_load %arg14[%swap3A_349] {strides = array<i32>} : memref<512xi32, #tpu.memory_space<vmem>>, vector<16xi32>,
          tpu.vector_store %arg14[%swap3A_349], %add3A_348 {strides = array<i32>} : memref<512xi32, #tpu.memory_space<vmem>>, vector<16xi32>,
          %sub3A_351 = arith.subi %masked_cumsum3A_345, %get3A_335 : vector<16xi32>
          %add3A_352 = vector.broadcast %scan3A_327 : i32 to vector<16xi32>
          %add3A_353 = arith.addi %sub3A_351, %add3A_352 : vector<16xi32>
          %swap3A_354 = arith.index_cast %add3A_331 : i32 to index
          %swap3A_355 = tpu.vector_load %arg21[%swap3A_354] {strides = array<i32>} : memref<512xi32, #tpu.memory_space<vmem>>, vector<16xi32>,
          tpu.vector_store %arg21[%swap3A_354], %add3A_353 {strides = array<i32>} : memref<512xi32, #tpu.memory_space<vmem>>, vector<16xi32>,
          %reduce_sum3A_356 = arith.constant true
          %reduce_sum3A_357 = vector.broadcast %reduce_sum3A_356 : i1 to vector<16xi1>
          %reduce_sum3A_358 = tpu.scan <sum>, %get3A_333 masked %reduce_sum3A_357 : vector<16xi32>, vector<16xi1> -> vector<16xi32>
          %reduce_sum3A_359 = vector.extract %reduce_sum3A_358[15] : i32 from vector<16xi32>
          %add3A_360 = arith.addi %scan3A_326, %reduce_sum3A_359 : i32
          %reduce_sum3A_361 = arith.constant true
          %reduce_sum3A_362 = vector.broadcast %reduce_sum3A_361 : i1 to vector<16xi1>
          %reduce_sum3A_363 = tpu.scan <sum>, %get3A_335 masked %reduce_sum3A_362 : vector<16xi32>, vector<16xi1> -> vector<16xi32>
          %reduce_sum3A_364 = vector.extract %reduce_sum3A_363[15] : i32 from vector<16xi32>
          %add3A_365 = arith.addi %scan3A_327, %reduce_sum3A_364 : i32
          %mul3A_366 = arith.constant 64 : i32
          %mul3A_367 = arith.muli %scan3A_325, %mul3A_366 : i32
          %add3A_368 = arith.constant 16 : i32
          %add3A_369 = arith.addi %mul3A_367, %add3A_368 : i32
          %get3A_370 = arith.index_cast %add3A_369 : i32 to index
          %get3A_371 = tpu.vector_load %arg13[%get3A_370] {strides = array<i32>} : memref<512xi32, #tpu.memory_space<vmem>>, vector<16xi32>,
          %get3A_372 = arith.index_cast %add3A_369 : i32 to index
          %get3A_373 = tpu.vector_load %arg20[%get3A_372] {strides = array<i32>} : memref<512xi32, #tpu.memory_space<vmem>>, vector<16xi32>,
          %swap3A_374 = arith.index_cast %add3A_369 : i32 to index
          %swap3A_375 = tpu.vector_load %arg13[%swap3A_374] {strides = array<i32>} : memref<512xi32, #tpu.memory_space<vmem>>, vector<16xi32>,
          tpu.vector_store %arg13[%swap3A_374], %broadcast_in_dim3A_4 {strides = array<i32>} : memref<512xi32, #tpu.memory_space<vmem>>, vector<16xi32>,
          %swap3A_376 = arith.index_cast %add3A_369 : i32 to index
          %swap3A_377 = tpu.vector_load %arg20[%swap3A_376] {strides = array<i32>} : memref<512xi32, #tpu.memory_space<vmem>>, vector<16xi32>,
          tpu.vector_store %arg20[%swap3A_376], %broadcast_in_dim3A_4 {strides = array<i32>} : memref<512xi32, #tpu.memory_space<vmem>>, vector<16xi32>,
          %broadcast_in_dim3A_378 = arith.constant true
          %broadcast_in_dim3A_379 = vector.broadcast %broadcast_in_dim3A_378 : i1 to vector<16xi1>
          %masked_cumsum3A_380 = tpu.scan <sum>, %get3A_371 masked %broadcast_in_dim3A_379 : vector<16xi32>, vector<16xi1> -> vector<16xi32>
          %broadcast_in_dim3A_381 = arith.constant true
          %broadcast_in_dim3A_382 = vector.broadcast %broadcast_in_dim3A_381 : i1 to vector<16xi1>
          %masked_cumsum3A_383 = tpu.scan <sum>, %get3A_373 masked %broadcast_in_dim3A_382 : vector<16xi32>, vector<16xi1> -> vector<16xi32>
          %sub3A_384 = arith.subi %masked_cumsum3A_380, %get3A_371 : vector<16xi32>
          %add3A_385 = vector.broadcast %add3A_360 : i32 to vector<16xi32>
          %add3A_386 = arith.addi %sub3A_384, %add3A_385 : vector<16xi32>
          %swap3A_387 = arith.index_cast %add3A_369 : i32 to index
          %swap3A_388 = tpu.vector_load %arg14[%swap3A_387] {strides = array<i32>} : memref<512xi32, #tpu.memory_space<vmem>>, vector<16xi32>,
          tpu.vector_store %arg14[%swap3A_387], %add3A_386 {strides = array<i32>} : memref<512xi32, #tpu.memory_space<vmem>>, vector<16xi32>,
          %sub3A_389 = arith.subi %masked_cumsum3A_383, %get3A_373 : vector<16xi32>
          %add3A_390 = vector.broadcast %add3A_365 : i32 to vector<16xi32>
          %add3A_391 = arith.addi %sub3A_389, %add3A_390 : vector<16xi32>
          %swap3A_392 = arith.index_cast %add3A_369 : i32 to index
          %swap3A_393 = tpu.vector_load %arg21[%swap3A_392] {strides = array<i32>} : memref<512xi32, #tpu.memory_space<vmem>>, vector<16xi32>,
          tpu.vector_store %arg21[%swap3A_392], %add3A_391 {strides = array<i32>} : memref<512xi32, #tpu.memory_space<vmem>>, vector<16xi32>,
          %reduce_sum3A_394 = arith.constant true
          %reduce_sum3A_395 = vector.broadcast %reduce_sum3A_394 : i1 to vector<16xi1>
          %reduce_sum3A_396 = tpu.scan <sum>, %get3A_371 masked %reduce_sum3A_395 : vector<16xi32>, vector<16xi1> -> vector<16xi32>
          %reduce_sum3A_397 = vector.extract %reduce_sum3A_396[15] : i32 from vector<16xi32>
          %add3A_398 = arith.addi %add3A_360, %reduce_sum3A_397 : i32
          %reduce_sum3A_399 = arith.constant true
          %reduce_sum3A_400 = vector.broadcast %reduce_sum3A_399 : i1 to vector<16xi1>
          %reduce_sum3A_401 = tpu.scan <sum>, %get3A_373 masked %reduce_sum3A_400 : vector<16xi32>, vector<16xi1> -> vector<16xi32>
          %reduce_sum3A_402 = vector.extract %reduce_sum3A_401[15] : i32 from vector<16xi32>
          %add3A_403 = arith.addi %add3A_365, %reduce_sum3A_402 : i32
          %mul3A_404 = arith.constant 64 : i32
          %mul3A_405 = arith.muli %scan3A_325, %mul3A_404 : i32
          %add3A_406 = arith.constant 32 : i32
          %add3A_407 = arith.addi %mul3A_405, %add3A_406 : i32
          %get3A_408 = arith.index_cast %add3A_407 : i32 to index
          %get3A_409 = tpu.vector_load %arg13[%get3A_408] {strides = array<i32>} : memref<512xi32, #tpu.memory_space<vmem>>, vector<16xi32>,
          %get3A_410 = arith.index_cast %add3A_407 : i32 to index
          %get3A_411 = tpu.vector_load %arg20[%get3A_410] {strides = array<i32>} : memref<512xi32, #tpu.memory_space<vmem>>, vector<16xi32>,
          %swap3A_412 = arith.index_cast %add3A_407 : i32 to index
          %swap3A_413 = tpu.vector_load %arg13[%swap3A_412] {strides = array<i32>} : memref<512xi32, #tpu.memory_space<vmem>>, vector<16xi32>,
          tpu.vector_store %arg13[%swap3A_412], %broadcast_in_dim3A_4 {strides = array<i32>} : memref<512xi32, #tpu.memory_space<vmem>>, vector<16xi32>,
          %swap3A_414 = arith.index_cast %add3A_407 : i32 to index
          %swap3A_415 = tpu.vector_load %arg20[%swap3A_414] {strides = array<i32>} : memref<512xi32, #tpu.memory_space<vmem>>, vector<16xi32>,
          tpu.vector_store %arg20[%swap3A_414], %broadcast_in_dim3A_4 {strides = array<i32>} : memref<512xi32, #tpu.memory_space<vmem>>, vector<16xi32>,
          %broadcast_in_dim3A_416 = arith.constant true
          %broadcast_in_dim3A_417 = vector.broadcast %broadcast_in_dim3A_416 : i1 to vector<16xi1>
          %masked_cumsum3A_418 = tpu.scan <sum>, %get3A_409 masked %broadcast_in_dim3A_417 : vector<16xi32>, vector<16xi1> -> vector<16xi32>
          %broadcast_in_dim3A_419 = arith.constant true
          %broadcast_in_dim3A_420 = vector.broadcast %broadcast_in_dim3A_419 : i1 to vector<16xi1>
          %masked_cumsum3A_421 = tpu.scan <sum>, %get3A_411 masked %broadcast_in_dim3A_420 : vector<16xi32>, vector<16xi1> -> vector<16xi32>
          %sub3A_422 = arith.subi %masked_cumsum3A_418, %get3A_409 : vector<16xi32>
          %add3A_423 = vector.broadcast %add3A_398 : i32 to vector<16xi32>
          %add3A_424 = arith.addi %sub3A_422, %add3A_423 : vector<16xi32>
          %swap3A_425 = arith.index_cast %add3A_407 : i32 to index
          %swap3A_426 = tpu.vector_load %arg14[%swap3A_425] {strides = array<i32>} : memref<512xi32, #tpu.memory_space<vmem>>, vector<16xi32>,
          tpu.vector_store %arg14[%swap3A_425], %add3A_424 {strides = array<i32>} : memref<512xi32, #tpu.memory_space<vmem>>, vector<16xi32>,
          %sub3A_427 = arith.subi %masked_cumsum3A_421, %get3A_411 : vector<16xi32>
          %add3A_428 = vector.broadcast %add3A_403 : i32 to vector<16xi32>
          %add3A_429 = arith.addi %sub3A_427, %add3A_428 : vector<16xi32>
          %swap3A_430 = arith.index_cast %add3A_407 : i32 to index
          %swap3A_431 = tpu.vector_load %arg21[%swap3A_430] {strides = array<i32>} : memref<512xi32, #tpu.memory_space<vmem>>, vector<16xi32>,
          tpu.vector_store %arg21[%swap3A_430], %add3A_429 {strides = array<i32>} : memref<512xi32, #tpu.memory_space<vmem>>, vector<16xi32>,
          %reduce_sum3A_432 = arith.constant true
          %reduce_sum3A_433 = vector.broadcast %reduce_sum3A_432 : i1 to vector<16xi1>
          %reduce_sum3A_434 = tpu.scan <sum>, %get3A_409 masked %reduce_sum3A_433 : vector<16xi32>, vector<16xi1> -> vector<16xi32>
          %reduce_sum3A_435 = vector.extract %reduce_sum3A_434[15] : i32 from vector<16xi32>
          %add3A_436 = arith.addi %add3A_398, %reduce_sum3A_435 : i32
          %reduce_sum3A_437 = arith.constant true
          %reduce_sum3A_438 = vector.broadcast %reduce_sum3A_437 : i1 to vector<16xi1>
          %reduce_sum3A_439 = tpu.scan <sum>, %get3A_411 masked %reduce_sum3A_438 : vector<16xi32>, vector<16xi1> -> vector<16xi32>
          %reduce_sum3A_440 = vector.extract %reduce_sum3A_439[15] : i32 from vector<16xi32>
          %add3A_441 = arith.addi %add3A_403, %reduce_sum3A_440 : i32
          %mul3A_442 = arith.constant 64 : i32
          %mul3A_443 = arith.muli %scan3A_325, %mul3A_442 : i32
          %add3A_444 = arith.constant 48 : i32
          %add3A_445 = arith.addi %mul3A_443, %add3A_444 : i32
          %get3A_446 = arith.index_cast %add3A_445 : i32 to index
          %get3A_447 = tpu.vector_load %arg13[%get3A_446] {strides = array<i32>} : memref<512xi32, #tpu.memory_space<vmem>>, vector<16xi32>,
          %get3A_448 = arith.index_cast %add3A_445 : i32 to index
          %get3A_449 = tpu.vector_load %arg20[%get3A_448] {strides = array<i32>} : memref<512xi32, #tpu.memory_space<vmem>>, vector<16xi32>,
          %swap3A_450 = arith.index_cast %add3A_445 : i32 to index
          %swap3A_451 = tpu.vector_load %arg13[%swap3A_450] {strides = array<i32>} : memref<512xi32, #tpu.memory_space<vmem>>, vector<16xi32>,
          tpu.vector_store %arg13[%swap3A_450], %broadcast_in_dim3A_4 {strides = array<i32>} : memref<512xi32, #tpu.memory_space<vmem>>, vector<16xi32>,
          %swap3A_452 = arith.index_cast %add3A_445 : i32 to index
          %swap3A_453 = tpu.vector_load %arg20[%swap3A_452] {strides = array<i32>} : memref<512xi32, #tpu.memory_space<vmem>>, vector<16xi32>,
          tpu.vector_store %arg20[%swap3A_452], %broadcast_in_dim3A_4 {strides = array<i32>} : memref<512xi32, #tpu.memory_space<vmem>>, vector<16xi32>,
          %broadcast_in_dim3A_454 = arith.constant true
          %broadcast_in_dim3A_455 = vector.broadcast %broadcast_in_dim3A_454 : i1 to vector<16xi1>
          %masked_cumsum3A_456 = tpu.scan <sum>, %get3A_447 masked %broadcast_in_dim3A_455 : vector<16xi32>, vector<16xi1> -> vector<16xi32>
          %broadcast_in_dim3A_457 = arith.constant true
          %broadcast_in_dim3A_458 = vector.broadcast %broadcast_in_dim3A_457 : i1 to vector<16xi1>
          %masked_cumsum3A_459 = tpu.scan <sum>, %get3A_449 masked %broadcast_in_dim3A_458 : vector<16xi32>, vector<16xi1> -> vector<16xi32>
          %sub3A_460 = arith.subi %masked_cumsum3A_456, %get3A_447 : vector<16xi32>
          %add3A_461 = vector.broadcast %add3A_436 : i32 to vector<16xi32>
          %add3A_462 = arith.addi %sub3A_460, %add3A_461 : vector<16xi32>
          %swap3A_463 = arith.index_cast %add3A_445 : i32 to index
          %swap3A_464 = tpu.vector_load %arg14[%swap3A_463] {strides = array<i32>} : memref<512xi32, #tpu.memory_space<vmem>>, vector<16xi32>,
          tpu.vector_store %arg14[%swap3A_463], %add3A_462 {strides = array<i32>} : memref<512xi32, #tpu.memory_space<vmem>>, vector<16xi32>,
          %sub3A_465 = arith.subi %masked_cumsum3A_459, %get3A_449 : vector<16xi32>
          %add3A_466 = vector.broadcast %add3A_441 : i32 to vector<16xi32>
          %add3A_467 = arith.addi %sub3A_465, %add3A_466 : vector<16xi32>
          %swap3A_468 = arith.index_cast %add3A_445 : i32 to index
          %swap3A_469 = tpu.vector_load %arg21[%swap3A_468] {strides = array<i32>} : memref<512xi32, #tpu.memory_space<vmem>>, vector<16xi32>,
          tpu.vector_store %arg21[%swap3A_468], %add3A_467 {strides = array<i32>} : memref<512xi32, #tpu.memory_space<vmem>>, vector<16xi32>,
          %reduce_sum3A_470 = arith.constant true
          %reduce_sum3A_471 = vector.broadcast %reduce_sum3A_470 : i1 to vector<16xi1>
          %reduce_sum3A_472 = tpu.scan <sum>, %get3A_447 masked %reduce_sum3A_471 : vector<16xi32>, vector<16xi1> -> vector<16xi32>
          %reduce_sum3A_473 = vector.extract %reduce_sum3A_472[15] : i32 from vector<16xi32>
          %add3A_474 = arith.addi %add3A_436, %reduce_sum3A_473 : i32
          %reduce_sum3A_475 = arith.constant true
          %reduce_sum3A_476 = vector.broadcast %reduce_sum3A_475 : i1 to vector<16xi1>
          %reduce_sum3A_477 = tpu.scan <sum>, %get3A_449 masked %reduce_sum3A_476 : vector<16xi32>, vector<16xi1> -> vector<16xi32>
          %reduce_sum3A_478 = vector.extract %reduce_sum3A_477[15] : i32 from vector<16xi32>
          %add3A_479 = arith.addi %add3A_441, %reduce_sum3A_478 : i32
          scf.yield %add3A_474, %add3A_479 : i32, i32
        }
        %scan3A_111 = arith.constant 8 : i32
        %scan3A_112 = arith.constant 0 : i32
        %scan3A_113 = arith.constant 0 : i32
        %scan3A_114 = arith.constant 128 : i32
        %scan3A_115 = arith.addi %scan3A_113, %scan3A_114 : i32
        %scan3A_116 = arith.constant 1 : i32
        scf.for %scan3A_325 = %scan3A_113 to %scan3A_115 step %scan3A_116  : i32 {
          %add3A_326 = vector.broadcast %scan3A_325 : i32 to vector<16xi32>
          %add3A_327 = arith.addi %mul3A_1, %add3A_326 : vector<16xi32>
          %add3A_328 = arith.constant 0 : i32
          %add3A_329 = vector.broadcast %add3A_328 : i32 to vector<16xi32>
          %add3A_330 = arith.addi %add3A_329, %add3A_327 : vector<16xi32>
          %gather3A = tpu.vector_load_idx %arg10[%add3A_330] : memref<2048xi32, #tpu.memory_space<vmem>>[vector<16xi32>], vector<16xi32>,
          %add3A_331 = arith.constant 0 : i32
          %add3A_332 = vector.broadcast %add3A_331 : i32 to vector<16xi32>
          %add3A_333 = arith.addi %add3A_332, %add3A_327 : vector<16xi32>
          %gather3A_334 = tpu.vector_load_idx %arg17[%add3A_333] : memref<2048xi32, #tpu.memory_space<vmem>>[vector<16xi32>], vector<16xi32>,
          %gather3A_335 = tpu.vector_load_idx %arg12[%add3A_327] : memref<2048xi32, #tpu.memory_space<vmem>>[vector<16xi32>], vector<16xi32>,
          %gather3A_336 = tpu.vector_load_idx %arg19[%add3A_327] : memref<2048xi32, #tpu.memory_space<vmem>>[vector<16xi32>], vector<16xi32>,
          %shift_right_logical3A = arith.constant 15 : i32
          %shift_right_logical3A_337 = vector.broadcast %shift_right_logical3A : i32 to vector<16xi32>
          %shift_right_logical3A_338 = arith.shrui %gather3A, %shift_right_logical3A_337 : vector<16xi32>
          %and3A = arith.constant 31 : i32
          %and3A_339 = vector.broadcast %and3A : i32 to vector<16xi32>
          %and3A_340 = arith.andi %shift_right_logical3A_338, %and3A_339 : vector<16xi32>
          %mul3A_341 = arith.constant 16 : i32
          %mul3A_342 = vector.broadcast %mul3A_341 : i32 to vector<16xi32>
          %mul3A_343 = arith.muli %and3A_340, %mul3A_342 : vector<16xi32>
          %add3A_344 = arith.addi %mul3A_343, %iota3A : vector<16xi32>
          %shift_right_logical3A_345 = arith.constant 15 : i32
          %shift_right_logical3A_346 = vector.broadcast %shift_right_logical3A_345 : i32 to vector<16xi32>
          %shift_right_logical3A_347 = arith.shrui %gather3A_334, %shift_right_logical3A_346 : vector<16xi32>
          %and3A_348 = arith.constant 31 : i32
          %and3A_349 = vector.broadcast %and3A_348 : i32 to vector<16xi32>
          %and3A_350 = arith.andi %shift_right_logical3A_347, %and3A_349 : vector<16xi32>
          %mul3A_351 = arith.constant 16 : i32
          %mul3A_352 = vector.broadcast %mul3A_351 : i32 to vector<16xi32>
          %mul3A_353 = arith.muli %and3A_350, %mul3A_352 : vector<16xi32>
          %add3A_354 = arith.addi %mul3A_353, %iota3A : vector<16xi32>
          %gather3A_355 = tpu.vector_load_idx %arg14[%add3A_344] : memref<512xi32, #tpu.memory_space<vmem>>[vector<16xi32>], vector<16xi32>,
          %gather3A_356 = tpu.vector_load_idx %arg21[%add3A_354] : memref<512xi32, #tpu.memory_space<vmem>>[vector<16xi32>], vector<16xi32>,
          tpu.vector_store_idx %arg9[%gather3A_355], %gather3A : memref<2048xi32, #tpu.memory_space<vmem>>[vector<16xi32>], vector<16xi32>,
          tpu.vector_store_idx %arg16[%gather3A_356], %gather3A_334 : memref<2048xi32, #tpu.memory_space<vmem>>[vector<16xi32>], vector<16xi32>,
          tpu.vector_store_idx %arg11[%gather3A_355], %gather3A_335 : memref<2048xi32, #tpu.memory_space<vmem>>[vector<16xi32>], vector<16xi32>,
          tpu.vector_store_idx %arg18[%gather3A_356], %gather3A_336 : memref<2048xi32, #tpu.memory_space<vmem>>[vector<16xi32>], vector<16xi32>,
          tpu.vector_store_idx %arg14[%add3A_344], %broadcast_in_dim3A_2 {add = true} : memref<512xi32, #tpu.memory_space<vmem>>[vector<16xi32>], vector<16xi32>,
          tpu.vector_store_idx %arg21[%add3A_354], %broadcast_in_dim3A_2 {add = true} : memref<512xi32, #tpu.memory_space<vmem>>[vector<16xi32>], vector<16xi32>,
        }
        %scan3A_117 = arith.constant 128 : i32
        %parallel_loop3A_118 = arith.constant 0 : i32
        %parallel_loop3A_119 = arith.constant 128 : i32
        %parallel_loop3A_120 = arith.constant 1 : i32
        scf.for %parallel_loop3A_325 = %parallel_loop3A_118 to %parallel_loop3A_119 step %parallel_loop3A_120  : i32 {
          %parallel_loop3A_326 = arith.constant 0 : i32
          %parallel_loop3A_327 = vector.broadcast %parallel_loop3A_326 : i32 to vector<16xi32>
          %parallel_loop3A_328 = arith.addi %parallel_loop3A_327, %mul3A_1 : vector<16xi32>
          %parallel_loop3A_329 = vector.broadcast %parallel_loop3A_325 : i32 to vector<16xi32>
          %parallel_loop3A_330 = arith.addi %parallel_loop3A_328, %parallel_loop3A_329 : vector<16xi32>
          %parallel_loop3A_331 = tpu.vector_load_idx %arg9[%parallel_loop3A_330] : memref<2048xi32, #tpu.memory_space<vmem>>[vector<16xi32>], vector<16xi32>,
          %parallel_loop3A_332 = arith.constant 0 : i32
          %parallel_loop3A_333 = vector.broadcast %parallel_loop3A_332 : i32 to vector<16xi32>
          %parallel_loop3A_334 = arith.addi %parallel_loop3A_333, %mul3A_1 : vector<16xi32>
          %parallel_loop3A_335 = vector.broadcast %parallel_loop3A_325 : i32 to vector<16xi32>
          %parallel_loop3A_336 = arith.addi %parallel_loop3A_334, %parallel_loop3A_335 : vector<16xi32>
          %parallel_loop3A_337 = tpu.vector_load_idx %arg16[%parallel_loop3A_336] : memref<2048xi32, #tpu.memory_space<vmem>>[vector<16xi32>], vector<16xi32>,
          %parallel_loop3A_338 = arith.constant 20 : i32
          %parallel_loop3A_339 = vector.broadcast %parallel_loop3A_338 : i32 to vector<16xi32>
          %parallel_loop3A_340 = arith.shrui %parallel_loop3A_331, %parallel_loop3A_339 : vector<16xi32>
          %parallel_loop3A_341 = arith.constant 31 : i32
          %parallel_loop3A_342 = vector.broadcast %parallel_loop3A_341 : i32 to vector<16xi32>
          %parallel_loop3A_343 = arith.andi %parallel_loop3A_340, %parallel_loop3A_342 : vector<16xi32>
          %parallel_loop3A_344 = arith.constant 16 : i32
          %parallel_loop3A_345 = vector.broadcast %parallel_loop3A_344 : i32 to vector<16xi32>
          %parallel_loop3A_346 = arith.muli %parallel_loop3A_343, %parallel_loop3A_345 : vector<16xi32>
          %parallel_loop3A_347 = arith.addi %parallel_loop3A_346, %iota3A : vector<16xi32>
          tpu.vector_store_idx %arg13[%parallel_loop3A_347], %broadcast_in_dim3A_2 {add = true} : memref<512xi32, #tpu.memory_space<vmem>>[vector<16xi32>], vector<16xi32>,
          %parallel_loop3A_348 = arith.constant 20 : i32
          %parallel_loop3A_349 = vector.broadcast %parallel_loop3A_348 : i32 to vector<16xi32>
          %parallel_loop3A_350 = arith.shrui %parallel_loop3A_337, %parallel_loop3A_349 : vector<16xi32>
          %parallel_loop3A_351 = arith.constant 31 : i32
          %parallel_loop3A_352 = vector.broadcast %parallel_loop3A_351 : i32 to vector<16xi32>
          %parallel_loop3A_353 = arith.andi %parallel_loop3A_350, %parallel_loop3A_352 : vector<16xi32>
          %parallel_loop3A_354 = arith.constant 16 : i32
          %parallel_loop3A_355 = vector.broadcast %parallel_loop3A_354 : i32 to vector<16xi32>
          %parallel_loop3A_356 = arith.muli %parallel_loop3A_353, %parallel_loop3A_355 : vector<16xi32>
          %parallel_loop3A_357 = arith.addi %parallel_loop3A_356, %iota3A : vector<16xi32>
          tpu.vector_store_idx %arg20[%parallel_loop3A_357], %broadcast_in_dim3A_2 {add = true} : memref<512xi32, #tpu.memory_space<vmem>>[vector<16xi32>], vector<16xi32>,
        } {sc.loop_unroll_factor = 4 : i64, sc.parallel_access}
        %scan3A_121 = arith.constant 0 : i32
        %scan3A_122 = arith.constant 0 : i32
        %scan3A_123 = arith.constant 0 : i32
        %scan3A_124 = arith.constant 8 : i32
        %scan3A_125 = arith.addi %scan3A_123, %scan3A_124 : i32
        %scan3A_126 = arith.constant 1 : i32
        %scan3A_127:2 = scf.for %scan3A_325 = %scan3A_123 to %scan3A_125 step %scan3A_126 iter_args(%scan3A_326 = %scan3A_121, %scan3A_327 = %scan3A_122) -> (i32, i32)  : i32 {
          %mul3A_328 = arith.constant 64 : i32
          %mul3A_329 = arith.muli %scan3A_325, %mul3A_328 : i32
          %add3A_330 = arith.constant 0 : i32
          %add3A_331 = arith.addi %mul3A_329, %add3A_330 : i32
          %get3A_332 = arith.index_cast %add3A_331 : i32 to index
          %get3A_333 = tpu.vector_load %arg13[%get3A_332] {strides = array<i32>} : memref<512xi32, #tpu.memory_space<vmem>>, vector<16xi32>,
          %get3A_334 = arith.index_cast %add3A_331 : i32 to index
          %get3A_335 = tpu.vector_load %arg20[%get3A_334] {strides = array<i32>} : memref<512xi32, #tpu.memory_space<vmem>>, vector<16xi32>,
          %swap3A_336 = arith.index_cast %add3A_331 : i32 to index
          %swap3A_337 = tpu.vector_load %arg13[%swap3A_336] {strides = array<i32>} : memref<512xi32, #tpu.memory_space<vmem>>, vector<16xi32>,
          tpu.vector_store %arg13[%swap3A_336], %broadcast_in_dim3A_4 {strides = array<i32>} : memref<512xi32, #tpu.memory_space<vmem>>, vector<16xi32>,
          %swap3A_338 = arith.index_cast %add3A_331 : i32 to index
          %swap3A_339 = tpu.vector_load %arg20[%swap3A_338] {strides = array<i32>} : memref<512xi32, #tpu.memory_space<vmem>>, vector<16xi32>,
          tpu.vector_store %arg20[%swap3A_338], %broadcast_in_dim3A_4 {strides = array<i32>} : memref<512xi32, #tpu.memory_space<vmem>>, vector<16xi32>,
          %broadcast_in_dim3A_340 = arith.constant true
          %broadcast_in_dim3A_341 = vector.broadcast %broadcast_in_dim3A_340 : i1 to vector<16xi1>
          %masked_cumsum3A_342 = tpu.scan <sum>, %get3A_333 masked %broadcast_in_dim3A_341 : vector<16xi32>, vector<16xi1> -> vector<16xi32>
          %broadcast_in_dim3A_343 = arith.constant true
          %broadcast_in_dim3A_344 = vector.broadcast %broadcast_in_dim3A_343 : i1 to vector<16xi1>
          %masked_cumsum3A_345 = tpu.scan <sum>, %get3A_335 masked %broadcast_in_dim3A_344 : vector<16xi32>, vector<16xi1> -> vector<16xi32>
          %sub3A_346 = arith.subi %masked_cumsum3A_342, %get3A_333 : vector<16xi32>
          %add3A_347 = vector.broadcast %scan3A_326 : i32 to vector<16xi32>
          %add3A_348 = arith.addi %sub3A_346, %add3A_347 : vector<16xi32>
          %swap3A_349 = arith.index_cast %add3A_331 : i32 to index
          %swap3A_350 = tpu.vector_load %arg14[%swap3A_349] {strides = array<i32>} : memref<512xi32, #tpu.memory_space<vmem>>, vector<16xi32>,
          tpu.vector_store %arg14[%swap3A_349], %add3A_348 {strides = array<i32>} : memref<512xi32, #tpu.memory_space<vmem>>, vector<16xi32>,
          %sub3A_351 = arith.subi %masked_cumsum3A_345, %get3A_335 : vector<16xi32>
          %add3A_352 = vector.broadcast %scan3A_327 : i32 to vector<16xi32>
          %add3A_353 = arith.addi %sub3A_351, %add3A_352 : vector<16xi32>
          %swap3A_354 = arith.index_cast %add3A_331 : i32 to index
          %swap3A_355 = tpu.vector_load %arg21[%swap3A_354] {strides = array<i32>} : memref<512xi32, #tpu.memory_space<vmem>>, vector<16xi32>,
          tpu.vector_store %arg21[%swap3A_354], %add3A_353 {strides = array<i32>} : memref<512xi32, #tpu.memory_space<vmem>>, vector<16xi32>,
          %reduce_sum3A_356 = arith.constant true
          %reduce_sum3A_357 = vector.broadcast %reduce_sum3A_356 : i1 to vector<16xi1>
          %reduce_sum3A_358 = tpu.scan <sum>, %get3A_333 masked %reduce_sum3A_357 : vector<16xi32>, vector<16xi1> -> vector<16xi32>
          %reduce_sum3A_359 = vector.extract %reduce_sum3A_358[15] : i32 from vector<16xi32>
          %add3A_360 = arith.addi %scan3A_326, %reduce_sum3A_359 : i32
          %reduce_sum3A_361 = arith.constant true
          %reduce_sum3A_362 = vector.broadcast %reduce_sum3A_361 : i1 to vector<16xi1>
          %reduce_sum3A_363 = tpu.scan <sum>, %get3A_335 masked %reduce_sum3A_362 : vector<16xi32>, vector<16xi1> -> vector<16xi32>
          %reduce_sum3A_364 = vector.extract %reduce_sum3A_363[15] : i32 from vector<16xi32>
          %add3A_365 = arith.addi %scan3A_327, %reduce_sum3A_364 : i32
          %mul3A_366 = arith.constant 64 : i32
          %mul3A_367 = arith.muli %scan3A_325, %mul3A_366 : i32
          %add3A_368 = arith.constant 16 : i32
          %add3A_369 = arith.addi %mul3A_367, %add3A_368 : i32
          %get3A_370 = arith.index_cast %add3A_369 : i32 to index
          %get3A_371 = tpu.vector_load %arg13[%get3A_370] {strides = array<i32>} : memref<512xi32, #tpu.memory_space<vmem>>, vector<16xi32>,
          %get3A_372 = arith.index_cast %add3A_369 : i32 to index
          %get3A_373 = tpu.vector_load %arg20[%get3A_372] {strides = array<i32>} : memref<512xi32, #tpu.memory_space<vmem>>, vector<16xi32>,
          %swap3A_374 = arith.index_cast %add3A_369 : i32 to index
          %swap3A_375 = tpu.vector_load %arg13[%swap3A_374] {strides = array<i32>} : memref<512xi32, #tpu.memory_space<vmem>>, vector<16xi32>,
          tpu.vector_store %arg13[%swap3A_374], %broadcast_in_dim3A_4 {strides = array<i32>} : memref<512xi32, #tpu.memory_space<vmem>>, vector<16xi32>,
          %swap3A_376 = arith.index_cast %add3A_369 : i32 to index
          %swap3A_377 = tpu.vector_load %arg20[%swap3A_376] {strides = array<i32>} : memref<512xi32, #tpu.memory_space<vmem>>, vector<16xi32>,
          tpu.vector_store %arg20[%swap3A_376], %broadcast_in_dim3A_4 {strides = array<i32>} : memref<512xi32, #tpu.memory_space<vmem>>, vector<16xi32>,
          %broadcast_in_dim3A_378 = arith.constant true
          %broadcast_in_dim3A_379 = vector.broadcast %broadcast_in_dim3A_378 : i1 to vector<16xi1>
          %masked_cumsum3A_380 = tpu.scan <sum>, %get3A_371 masked %broadcast_in_dim3A_379 : vector<16xi32>, vector<16xi1> -> vector<16xi32>
          %broadcast_in_dim3A_381 = arith.constant true
          %broadcast_in_dim3A_382 = vector.broadcast %broadcast_in_dim3A_381 : i1 to vector<16xi1>
          %masked_cumsum3A_383 = tpu.scan <sum>, %get3A_373 masked %broadcast_in_dim3A_382 : vector<16xi32>, vector<16xi1> -> vector<16xi32>
          %sub3A_384 = arith.subi %masked_cumsum3A_380, %get3A_371 : vector<16xi32>
          %add3A_385 = vector.broadcast %add3A_360 : i32 to vector<16xi32>
          %add3A_386 = arith.addi %sub3A_384, %add3A_385 : vector<16xi32>
          %swap3A_387 = arith.index_cast %add3A_369 : i32 to index
          %swap3A_388 = tpu.vector_load %arg14[%swap3A_387] {strides = array<i32>} : memref<512xi32, #tpu.memory_space<vmem>>, vector<16xi32>,
          tpu.vector_store %arg14[%swap3A_387], %add3A_386 {strides = array<i32>} : memref<512xi32, #tpu.memory_space<vmem>>, vector<16xi32>,
          %sub3A_389 = arith.subi %masked_cumsum3A_383, %get3A_373 : vector<16xi32>
          %add3A_390 = vector.broadcast %add3A_365 : i32 to vector<16xi32>
          %add3A_391 = arith.addi %sub3A_389, %add3A_390 : vector<16xi32>
          %swap3A_392 = arith.index_cast %add3A_369 : i32 to index
          %swap3A_393 = tpu.vector_load %arg21[%swap3A_392] {strides = array<i32>} : memref<512xi32, #tpu.memory_space<vmem>>, vector<16xi32>,
          tpu.vector_store %arg21[%swap3A_392], %add3A_391 {strides = array<i32>} : memref<512xi32, #tpu.memory_space<vmem>>, vector<16xi32>,
          %reduce_sum3A_394 = arith.constant true
          %reduce_sum3A_395 = vector.broadcast %reduce_sum3A_394 : i1 to vector<16xi1>
          %reduce_sum3A_396 = tpu.scan <sum>, %get3A_371 masked %reduce_sum3A_395 : vector<16xi32>, vector<16xi1> -> vector<16xi32>
          %reduce_sum3A_397 = vector.extract %reduce_sum3A_396[15] : i32 from vector<16xi32>
          %add3A_398 = arith.addi %add3A_360, %reduce_sum3A_397 : i32
          %reduce_sum3A_399 = arith.constant true
          %reduce_sum3A_400 = vector.broadcast %reduce_sum3A_399 : i1 to vector<16xi1>
          %reduce_sum3A_401 = tpu.scan <sum>, %get3A_373 masked %reduce_sum3A_400 : vector<16xi32>, vector<16xi1> -> vector<16xi32>
          %reduce_sum3A_402 = vector.extract %reduce_sum3A_401[15] : i32 from vector<16xi32>
          %add3A_403 = arith.addi %add3A_365, %reduce_sum3A_402 : i32
          %mul3A_404 = arith.constant 64 : i32
          %mul3A_405 = arith.muli %scan3A_325, %mul3A_404 : i32
          %add3A_406 = arith.constant 32 : i32
          %add3A_407 = arith.addi %mul3A_405, %add3A_406 : i32
          %get3A_408 = arith.index_cast %add3A_407 : i32 to index
          %get3A_409 = tpu.vector_load %arg13[%get3A_408] {strides = array<i32>} : memref<512xi32, #tpu.memory_space<vmem>>, vector<16xi32>,
          %get3A_410 = arith.index_cast %add3A_407 : i32 to index
          %get3A_411 = tpu.vector_load %arg20[%get3A_410] {strides = array<i32>} : memref<512xi32, #tpu.memory_space<vmem>>, vector<16xi32>,
          %swap3A_412 = arith.index_cast %add3A_407 : i32 to index
          %swap3A_413 = tpu.vector_load %arg13[%swap3A_412] {strides = array<i32>} : memref<512xi32, #tpu.memory_space<vmem>>, vector<16xi32>,
          tpu.vector_store %arg13[%swap3A_412], %broadcast_in_dim3A_4 {strides = array<i32>} : memref<512xi32, #tpu.memory_space<vmem>>, vector<16xi32>,
          %swap3A_414 = arith.index_cast %add3A_407 : i32 to index
          %swap3A_415 = tpu.vector_load %arg20[%swap3A_414] {strides = array<i32>} : memref<512xi32, #tpu.memory_space<vmem>>, vector<16xi32>,
          tpu.vector_store %arg20[%swap3A_414], %broadcast_in_dim3A_4 {strides = array<i32>} : memref<512xi32, #tpu.memory_space<vmem>>, vector<16xi32>,
          %broadcast_in_dim3A_416 = arith.constant true
          %broadcast_in_dim3A_417 = vector.broadcast %broadcast_in_dim3A_416 : i1 to vector<16xi1>
          %masked_cumsum3A_418 = tpu.scan <sum>, %get3A_409 masked %broadcast_in_dim3A_417 : vector<16xi32>, vector<16xi1> -> vector<16xi32>
          %broadcast_in_dim3A_419 = arith.constant true
          %broadcast_in_dim3A_420 = vector.broadcast %broadcast_in_dim3A_419 : i1 to vector<16xi1>
          %masked_cumsum3A_421 = tpu.scan <sum>, %get3A_411 masked %broadcast_in_dim3A_420 : vector<16xi32>, vector<16xi1> -> vector<16xi32>
          %sub3A_422 = arith.subi %masked_cumsum3A_418, %get3A_409 : vector<16xi32>
          %add3A_423 = vector.broadcast %add3A_398 : i32 to vector<16xi32>
          %add3A_424 = arith.addi %sub3A_422, %add3A_423 : vector<16xi32>
          %swap3A_425 = arith.index_cast %add3A_407 : i32 to index
          %swap3A_426 = tpu.vector_load %arg14[%swap3A_425] {strides = array<i32>} : memref<512xi32, #tpu.memory_space<vmem>>, vector<16xi32>,
          tpu.vector_store %arg14[%swap3A_425], %add3A_424 {strides = array<i32>} : memref<512xi32, #tpu.memory_space<vmem>>, vector<16xi32>,
          %sub3A_427 = arith.subi %masked_cumsum3A_421, %get3A_411 : vector<16xi32>
          %add3A_428 = vector.broadcast %add3A_403 : i32 to vector<16xi32>
          %add3A_429 = arith.addi %sub3A_427, %add3A_428 : vector<16xi32>
          %swap3A_430 = arith.index_cast %add3A_407 : i32 to index
          %swap3A_431 = tpu.vector_load %arg21[%swap3A_430] {strides = array<i32>} : memref<512xi32, #tpu.memory_space<vmem>>, vector<16xi32>,
          tpu.vector_store %arg21[%swap3A_430], %add3A_429 {strides = array<i32>} : memref<512xi32, #tpu.memory_space<vmem>>, vector<16xi32>,
          %reduce_sum3A_432 = arith.constant true
          %reduce_sum3A_433 = vector.broadcast %reduce_sum3A_432 : i1 to vector<16xi1>
          %reduce_sum3A_434 = tpu.scan <sum>, %get3A_409 masked %reduce_sum3A_433 : vector<16xi32>, vector<16xi1> -> vector<16xi32>
          %reduce_sum3A_435 = vector.extract %reduce_sum3A_434[15] : i32 from vector<16xi32>
          %add3A_436 = arith.addi %add3A_398, %reduce_sum3A_435 : i32
          %reduce_sum3A_437 = arith.constant true
          %reduce_sum3A_438 = vector.broadcast %reduce_sum3A_437 : i1 to vector<16xi1>
          %reduce_sum3A_439 = tpu.scan <sum>, %get3A_411 masked %reduce_sum3A_438 : vector<16xi32>, vector<16xi1> -> vector<16xi32>
          %reduce_sum3A_440 = vector.extract %reduce_sum3A_439[15] : i32 from vector<16xi32>
          %add3A_441 = arith.addi %add3A_403, %reduce_sum3A_440 : i32
          %mul3A_442 = arith.constant 64 : i32
          %mul3A_443 = arith.muli %scan3A_325, %mul3A_442 : i32
          %add3A_444 = arith.constant 48 : i32
          %add3A_445 = arith.addi %mul3A_443, %add3A_444 : i32
          %get3A_446 = arith.index_cast %add3A_445 : i32 to index
          %get3A_447 = tpu.vector_load %arg13[%get3A_446] {strides = array<i32>} : memref<512xi32, #tpu.memory_space<vmem>>, vector<16xi32>,
          %get3A_448 = arith.index_cast %add3A_445 : i32 to index
          %get3A_449 = tpu.vector_load %arg20[%get3A_448] {strides = array<i32>} : memref<512xi32, #tpu.memory_space<vmem>>, vector<16xi32>,
          %swap3A_450 = arith.index_cast %add3A_445 : i32 to index
          %swap3A_451 = tpu.vector_load %arg13[%swap3A_450] {strides = array<i32>} : memref<512xi32, #tpu.memory_space<vmem>>, vector<16xi32>,
          tpu.vector_store %arg13[%swap3A_450], %broadcast_in_dim3A_4 {strides = array<i32>} : memref<512xi32, #tpu.memory_space<vmem>>, vector<16xi32>,
          %swap3A_452 = arith.index_cast %add3A_445 : i32 to index
          %swap3A_453 = tpu.vector_load %arg20[%swap3A_452] {strides = array<i32>} : memref<512xi32, #tpu.memory_space<vmem>>, vector<16xi32>,
          tpu.vector_store %arg20[%swap3A_452], %broadcast_in_dim3A_4 {strides = array<i32>} : memref<512xi32, #tpu.memory_space<vmem>>, vector<16xi32>,
          %broadcast_in_dim3A_454 = arith.constant true
          %broadcast_in_dim3A_455 = vector.broadcast %broadcast_in_dim3A_454 : i1 to vector<16xi1>
          %masked_cumsum3A_456 = tpu.scan <sum>, %get3A_447 masked %broadcast_in_dim3A_455 : vector<16xi32>, vector<16xi1> -> vector<16xi32>
          %broadcast_in_dim3A_457 = arith.constant true
          %broadcast_in_dim3A_458 = vector.broadcast %broadcast_in_dim3A_457 : i1 to vector<16xi1>
          %masked_cumsum3A_459 = tpu.scan <sum>, %get3A_449 masked %broadcast_in_dim3A_458 : vector<16xi32>, vector<16xi1> -> vector<16xi32>
          %sub3A_460 = arith.subi %masked_cumsum3A_456, %get3A_447 : vector<16xi32>
          %add3A_461 = vector.broadcast %add3A_436 : i32 to vector<16xi32>
          %add3A_462 = arith.addi %sub3A_460, %add3A_461 : vector<16xi32>
          %swap3A_463 = arith.index_cast %add3A_445 : i32 to index
          %swap3A_464 = tpu.vector_load %arg14[%swap3A_463] {strides = array<i32>} : memref<512xi32, #tpu.memory_space<vmem>>, vector<16xi32>,
          tpu.vector_store %arg14[%swap3A_463], %add3A_462 {strides = array<i32>} : memref<512xi32, #tpu.memory_space<vmem>>, vector<16xi32>,
          %sub3A_465 = arith.subi %masked_cumsum3A_459, %get3A_449 : vector<16xi32>
          %add3A_466 = vector.broadcast %add3A_441 : i32 to vector<16xi32>
          %add3A_467 = arith.addi %sub3A_465, %add3A_466 : vector<16xi32>
          %swap3A_468 = arith.index_cast %add3A_445 : i32 to index
          %swap3A_469 = tpu.vector_load %arg21[%swap3A_468] {strides = array<i32>} : memref<512xi32, #tpu.memory_space<vmem>>, vector<16xi32>,
          tpu.vector_store %arg21[%swap3A_468], %add3A_467 {strides = array<i32>} : memref<512xi32, #tpu.memory_space<vmem>>, vector<16xi32>,
          %reduce_sum3A_470 = arith.constant true
          %reduce_sum3A_471 = vector.broadcast %reduce_sum3A_470 : i1 to vector<16xi1>
          %reduce_sum3A_472 = tpu.scan <sum>, %get3A_447 masked %reduce_sum3A_471 : vector<16xi32>, vector<16xi1> -> vector<16xi32>
          %reduce_sum3A_473 = vector.extract %reduce_sum3A_472[15] : i32 from vector<16xi32>
          %add3A_474 = arith.addi %add3A_436, %reduce_sum3A_473 : i32
          %reduce_sum3A_475 = arith.constant true
          %reduce_sum3A_476 = vector.broadcast %reduce_sum3A_475 : i1 to vector<16xi1>
          %reduce_sum3A_477 = tpu.scan <sum>, %get3A_449 masked %reduce_sum3A_476 : vector<16xi32>, vector<16xi1> -> vector<16xi32>
          %reduce_sum3A_478 = vector.extract %reduce_sum3A_477[15] : i32 from vector<16xi32>
          %add3A_479 = arith.addi %add3A_441, %reduce_sum3A_478 : i32
          scf.yield %add3A_474, %add3A_479 : i32, i32
        }
        %scan3A_128 = arith.constant 8 : i32
        %scan3A_129 = arith.constant 0 : i32
        %scan3A_130 = arith.constant 0 : i32
        %scan3A_131 = arith.constant 128 : i32
        %scan3A_132 = arith.addi %scan3A_130, %scan3A_131 : i32
        %scan3A_133 = arith.constant 1 : i32
        scf.for %scan3A_325 = %scan3A_130 to %scan3A_132 step %scan3A_133  : i32 {
          %add3A_326 = vector.broadcast %scan3A_325 : i32 to vector<16xi32>
          %add3A_327 = arith.addi %mul3A_1, %add3A_326 : vector<16xi32>
          %add3A_328 = arith.constant 0 : i32
          %add3A_329 = vector.broadcast %add3A_328 : i32 to vector<16xi32>
          %add3A_330 = arith.addi %add3A_329, %add3A_327 : vector<16xi32>
          %gather3A = tpu.vector_load_idx %arg9[%add3A_330] : memref<2048xi32, #tpu.memory_space<vmem>>[vector<16xi32>], vector<16xi32>,
          %add3A_331 = arith.constant 0 : i32
          %add3A_332 = vector.broadcast %add3A_331 : i32 to vector<16xi32>
          %add3A_333 = arith.addi %add3A_332, %add3A_327 : vector<16xi32>
          %gather3A_334 = tpu.vector_load_idx %arg16[%add3A_333] : memref<2048xi32, #tpu.memory_space<vmem>>[vector<16xi32>], vector<16xi32>,
          %gather3A_335 = tpu.vector_load_idx %arg11[%add3A_327] : memref<2048xi32, #tpu.memory_space<vmem>>[vector<16xi32>], vector<16xi32>,
          %gather3A_336 = tpu.vector_load_idx %arg18[%add3A_327] : memref<2048xi32, #tpu.memory_space<vmem>>[vector<16xi32>], vector<16xi32>,
          %shift_right_logical3A = arith.constant 20 : i32
          %shift_right_logical3A_337 = vector.broadcast %shift_right_logical3A : i32 to vector<16xi32>
          %shift_right_logical3A_338 = arith.shrui %gather3A, %shift_right_logical3A_337 : vector<16xi32>
          %and3A = arith.constant 31 : i32
          %and3A_339 = vector.broadcast %and3A : i32 to vector<16xi32>
          %and3A_340 = arith.andi %shift_right_logical3A_338, %and3A_339 : vector<16xi32>
          %mul3A_341 = arith.constant 16 : i32
          %mul3A_342 = vector.broadcast %mul3A_341 : i32 to vector<16xi32>
          %mul3A_343 = arith.muli %and3A_340, %mul3A_342 : vector<16xi32>
          %add3A_344 = arith.addi %mul3A_343, %iota3A : vector<16xi32>
          %shift_right_logical3A_345 = arith.constant 20 : i32
          %shift_right_logical3A_346 = vector.broadcast %shift_right_logical3A_345 : i32 to vector<16xi32>
          %shift_right_logical3A_347 = arith.shrui %gather3A_334, %shift_right_logical3A_346 : vector<16xi32>
          %and3A_348 = arith.constant 31 : i32
          %and3A_349 = vector.broadcast %and3A_348 : i32 to vector<16xi32>
          %and3A_350 = arith.andi %shift_right_logical3A_347, %and3A_349 : vector<16xi32>
          %mul3A_351 = arith.constant 16 : i32
          %mul3A_352 = vector.broadcast %mul3A_351 : i32 to vector<16xi32>
          %mul3A_353 = arith.muli %and3A_350, %mul3A_352 : vector<16xi32>
          %add3A_354 = arith.addi %mul3A_353, %iota3A : vector<16xi32>
          %gather3A_355 = tpu.vector_load_idx %arg14[%add3A_344] : memref<512xi32, #tpu.memory_space<vmem>>[vector<16xi32>], vector<16xi32>,
          %gather3A_356 = tpu.vector_load_idx %arg21[%add3A_354] : memref<512xi32, #tpu.memory_space<vmem>>[vector<16xi32>], vector<16xi32>,
          tpu.vector_store_idx %arg10[%gather3A_355], %gather3A : memref<2048xi32, #tpu.memory_space<vmem>>[vector<16xi32>], vector<16xi32>,
          tpu.vector_store_idx %arg17[%gather3A_356], %gather3A_334 : memref<2048xi32, #tpu.memory_space<vmem>>[vector<16xi32>], vector<16xi32>,
          tpu.vector_store_idx %arg12[%gather3A_355], %gather3A_335 : memref<2048xi32, #tpu.memory_space<vmem>>[vector<16xi32>], vector<16xi32>,
          tpu.vector_store_idx %arg19[%gather3A_356], %gather3A_336 : memref<2048xi32, #tpu.memory_space<vmem>>[vector<16xi32>], vector<16xi32>,
          tpu.vector_store_idx %arg14[%add3A_344], %broadcast_in_dim3A_2 {add = true} : memref<512xi32, #tpu.memory_space<vmem>>[vector<16xi32>], vector<16xi32>,
          tpu.vector_store_idx %arg21[%add3A_354], %broadcast_in_dim3A_2 {add = true} : memref<512xi32, #tpu.memory_space<vmem>>[vector<16xi32>], vector<16xi32>,
        }
        %scan3A_134 = arith.constant 128 : i32
        %parallel_loop3A_135 = arith.constant 0 : i32
        %parallel_loop3A_136 = arith.constant 128 : i32
        %parallel_loop3A_137 = arith.constant 1 : i32
        scf.for %parallel_loop3A_325 = %parallel_loop3A_135 to %parallel_loop3A_136 step %parallel_loop3A_137  : i32 {
          %parallel_loop3A_326 = arith.constant 0 : i32
          %parallel_loop3A_327 = vector.broadcast %parallel_loop3A_326 : i32 to vector<16xi32>
          %parallel_loop3A_328 = arith.addi %parallel_loop3A_327, %mul3A_1 : vector<16xi32>
          %parallel_loop3A_329 = vector.broadcast %parallel_loop3A_325 : i32 to vector<16xi32>
          %parallel_loop3A_330 = arith.addi %parallel_loop3A_328, %parallel_loop3A_329 : vector<16xi32>
          %parallel_loop3A_331 = tpu.vector_load_idx %arg10[%parallel_loop3A_330] : memref<2048xi32, #tpu.memory_space<vmem>>[vector<16xi32>], vector<16xi32>,
          %parallel_loop3A_332 = arith.constant 0 : i32
          %parallel_loop3A_333 = vector.broadcast %parallel_loop3A_332 : i32 to vector<16xi32>
          %parallel_loop3A_334 = arith.addi %parallel_loop3A_333, %mul3A_1 : vector<16xi32>
          %parallel_loop3A_335 = vector.broadcast %parallel_loop3A_325 : i32 to vector<16xi32>
          %parallel_loop3A_336 = arith.addi %parallel_loop3A_334, %parallel_loop3A_335 : vector<16xi32>
          %parallel_loop3A_337 = tpu.vector_load_idx %arg17[%parallel_loop3A_336] : memref<2048xi32, #tpu.memory_space<vmem>>[vector<16xi32>], vector<16xi32>,
          %parallel_loop3A_338 = arith.constant 25 : i32
          %parallel_loop3A_339 = vector.broadcast %parallel_loop3A_338 : i32 to vector<16xi32>
          %parallel_loop3A_340 = arith.shrui %parallel_loop3A_331, %parallel_loop3A_339 : vector<16xi32>
          %parallel_loop3A_341 = arith.constant 31 : i32
          %parallel_loop3A_342 = vector.broadcast %parallel_loop3A_341 : i32 to vector<16xi32>
          %parallel_loop3A_343 = arith.andi %parallel_loop3A_340, %parallel_loop3A_342 : vector<16xi32>
          %parallel_loop3A_344 = arith.constant 16 : i32
          %parallel_loop3A_345 = vector.broadcast %parallel_loop3A_344 : i32 to vector<16xi32>
          %parallel_loop3A_346 = arith.muli %parallel_loop3A_343, %parallel_loop3A_345 : vector<16xi32>
          %parallel_loop3A_347 = arith.addi %parallel_loop3A_346, %iota3A : vector<16xi32>
          tpu.vector_store_idx %arg13[%parallel_loop3A_347], %broadcast_in_dim3A_2 {add = true} : memref<512xi32, #tpu.memory_space<vmem>>[vector<16xi32>], vector<16xi32>,
          %parallel_loop3A_348 = arith.constant 25 : i32
          %parallel_loop3A_349 = vector.broadcast %parallel_loop3A_348 : i32 to vector<16xi32>
          %parallel_loop3A_350 = arith.shrui %parallel_loop3A_337, %parallel_loop3A_349 : vector<16xi32>
          %parallel_loop3A_351 = arith.constant 31 : i32
          %parallel_loop3A_352 = vector.broadcast %parallel_loop3A_351 : i32 to vector<16xi32>
          %parallel_loop3A_353 = arith.andi %parallel_loop3A_350, %parallel_loop3A_352 : vector<16xi32>
          %parallel_loop3A_354 = arith.constant 16 : i32
          %parallel_loop3A_355 = vector.broadcast %parallel_loop3A_354 : i32 to vector<16xi32>
          %parallel_loop3A_356 = arith.muli %parallel_loop3A_353, %parallel_loop3A_355 : vector<16xi32>
          %parallel_loop3A_357 = arith.addi %parallel_loop3A_356, %iota3A : vector<16xi32>
          tpu.vector_store_idx %arg20[%parallel_loop3A_357], %broadcast_in_dim3A_2 {add = true} : memref<512xi32, #tpu.memory_space<vmem>>[vector<16xi32>], vector<16xi32>,
        } {sc.loop_unroll_factor = 4 : i64, sc.parallel_access}
        %scan3A_138 = arith.constant 0 : i32
        %scan3A_139 = arith.constant 0 : i32
        %scan3A_140 = arith.constant 0 : i32
        %scan3A_141 = arith.constant 8 : i32
        %scan3A_142 = arith.addi %scan3A_140, %scan3A_141 : i32
        %scan3A_143 = arith.constant 1 : i32
        %scan3A_144:2 = scf.for %scan3A_325 = %scan3A_140 to %scan3A_142 step %scan3A_143 iter_args(%scan3A_326 = %scan3A_138, %scan3A_327 = %scan3A_139) -> (i32, i32)  : i32 {
          %mul3A_328 = arith.constant 64 : i32
          %mul3A_329 = arith.muli %scan3A_325, %mul3A_328 : i32
          %add3A_330 = arith.constant 0 : i32
          %add3A_331 = arith.addi %mul3A_329, %add3A_330 : i32
          %get3A_332 = arith.index_cast %add3A_331 : i32 to index
          %get3A_333 = tpu.vector_load %arg13[%get3A_332] {strides = array<i32>} : memref<512xi32, #tpu.memory_space<vmem>>, vector<16xi32>,
          %get3A_334 = arith.index_cast %add3A_331 : i32 to index
          %get3A_335 = tpu.vector_load %arg20[%get3A_334] {strides = array<i32>} : memref<512xi32, #tpu.memory_space<vmem>>, vector<16xi32>,
          %swap3A_336 = arith.index_cast %add3A_331 : i32 to index
          %swap3A_337 = tpu.vector_load %arg13[%swap3A_336] {strides = array<i32>} : memref<512xi32, #tpu.memory_space<vmem>>, vector<16xi32>,
          tpu.vector_store %arg13[%swap3A_336], %broadcast_in_dim3A_4 {strides = array<i32>} : memref<512xi32, #tpu.memory_space<vmem>>, vector<16xi32>,
          %swap3A_338 = arith.index_cast %add3A_331 : i32 to index
          %swap3A_339 = tpu.vector_load %arg20[%swap3A_338] {strides = array<i32>} : memref<512xi32, #tpu.memory_space<vmem>>, vector<16xi32>,
          tpu.vector_store %arg20[%swap3A_338], %broadcast_in_dim3A_4 {strides = array<i32>} : memref<512xi32, #tpu.memory_space<vmem>>, vector<16xi32>,
          %broadcast_in_dim3A_340 = arith.constant true
          %broadcast_in_dim3A_341 = vector.broadcast %broadcast_in_dim3A_340 : i1 to vector<16xi1>
          %masked_cumsum3A_342 = tpu.scan <sum>, %get3A_333 masked %broadcast_in_dim3A_341 : vector<16xi32>, vector<16xi1> -> vector<16xi32>
          %broadcast_in_dim3A_343 = arith.constant true
          %broadcast_in_dim3A_344 = vector.broadcast %broadcast_in_dim3A_343 : i1 to vector<16xi1>
          %masked_cumsum3A_345 = tpu.scan <sum>, %get3A_335 masked %broadcast_in_dim3A_344 : vector<16xi32>, vector<16xi1> -> vector<16xi32>
          %sub3A_346 = arith.subi %masked_cumsum3A_342, %get3A_333 : vector<16xi32>
          %add3A_347 = vector.broadcast %scan3A_326 : i32 to vector<16xi32>
          %add3A_348 = arith.addi %sub3A_346, %add3A_347 : vector<16xi32>
          %swap3A_349 = arith.index_cast %add3A_331 : i32 to index
          %swap3A_350 = tpu.vector_load %arg14[%swap3A_349] {strides = array<i32>} : memref<512xi32, #tpu.memory_space<vmem>>, vector<16xi32>,
          tpu.vector_store %arg14[%swap3A_349], %add3A_348 {strides = array<i32>} : memref<512xi32, #tpu.memory_space<vmem>>, vector<16xi32>,
          %sub3A_351 = arith.subi %masked_cumsum3A_345, %get3A_335 : vector<16xi32>
          %add3A_352 = vector.broadcast %scan3A_327 : i32 to vector<16xi32>
          %add3A_353 = arith.addi %sub3A_351, %add3A_352 : vector<16xi32>
          %swap3A_354 = arith.index_cast %add3A_331 : i32 to index
          %swap3A_355 = tpu.vector_load %arg21[%swap3A_354] {strides = array<i32>} : memref<512xi32, #tpu.memory_space<vmem>>, vector<16xi32>,
          tpu.vector_store %arg21[%swap3A_354], %add3A_353 {strides = array<i32>} : memref<512xi32, #tpu.memory_space<vmem>>, vector<16xi32>,
          %reduce_sum3A_356 = arith.constant true
          %reduce_sum3A_357 = vector.broadcast %reduce_sum3A_356 : i1 to vector<16xi1>
          %reduce_sum3A_358 = tpu.scan <sum>, %get3A_333 masked %reduce_sum3A_357 : vector<16xi32>, vector<16xi1> -> vector<16xi32>
          %reduce_sum3A_359 = vector.extract %reduce_sum3A_358[15] : i32 from vector<16xi32>
          %add3A_360 = arith.addi %scan3A_326, %reduce_sum3A_359 : i32
          %reduce_sum3A_361 = arith.constant true
          %reduce_sum3A_362 = vector.broadcast %reduce_sum3A_361 : i1 to vector<16xi1>
          %reduce_sum3A_363 = tpu.scan <sum>, %get3A_335 masked %reduce_sum3A_362 : vector<16xi32>, vector<16xi1> -> vector<16xi32>
          %reduce_sum3A_364 = vector.extract %reduce_sum3A_363[15] : i32 from vector<16xi32>
          %add3A_365 = arith.addi %scan3A_327, %reduce_sum3A_364 : i32
          %mul3A_366 = arith.constant 64 : i32
          %mul3A_367 = arith.muli %scan3A_325, %mul3A_366 : i32
          %add3A_368 = arith.constant 16 : i32
          %add3A_369 = arith.addi %mul3A_367, %add3A_368 : i32
          %get3A_370 = arith.index_cast %add3A_369 : i32 to index
          %get3A_371 = tpu.vector_load %arg13[%get3A_370] {strides = array<i32>} : memref<512xi32, #tpu.memory_space<vmem>>, vector<16xi32>,
          %get3A_372 = arith.index_cast %add3A_369 : i32 to index
          %get3A_373 = tpu.vector_load %arg20[%get3A_372] {strides = array<i32>} : memref<512xi32, #tpu.memory_space<vmem>>, vector<16xi32>,
          %swap3A_374 = arith.index_cast %add3A_369 : i32 to index
          %swap3A_375 = tpu.vector_load %arg13[%swap3A_374] {strides = array<i32>} : memref<512xi32, #tpu.memory_space<vmem>>, vector<16xi32>,
          tpu.vector_store %arg13[%swap3A_374], %broadcast_in_dim3A_4 {strides = array<i32>} : memref<512xi32, #tpu.memory_space<vmem>>, vector<16xi32>,
          %swap3A_376 = arith.index_cast %add3A_369 : i32 to index
          %swap3A_377 = tpu.vector_load %arg20[%swap3A_376] {strides = array<i32>} : memref<512xi32, #tpu.memory_space<vmem>>, vector<16xi32>,
          tpu.vector_store %arg20[%swap3A_376], %broadcast_in_dim3A_4 {strides = array<i32>} : memref<512xi32, #tpu.memory_space<vmem>>, vector<16xi32>,
          %broadcast_in_dim3A_378 = arith.constant true
          %broadcast_in_dim3A_379 = vector.broadcast %broadcast_in_dim3A_378 : i1 to vector<16xi1>
          %masked_cumsum3A_380 = tpu.scan <sum>, %get3A_371 masked %broadcast_in_dim3A_379 : vector<16xi32>, vector<16xi1> -> vector<16xi32>
          %broadcast_in_dim3A_381 = arith.constant true
          %broadcast_in_dim3A_382 = vector.broadcast %broadcast_in_dim3A_381 : i1 to vector<16xi1>
          %masked_cumsum3A_383 = tpu.scan <sum>, %get3A_373 masked %broadcast_in_dim3A_382 : vector<16xi32>, vector<16xi1> -> vector<16xi32>
          %sub3A_384 = arith.subi %masked_cumsum3A_380, %get3A_371 : vector<16xi32>
          %add3A_385 = vector.broadcast %add3A_360 : i32 to vector<16xi32>
          %add3A_386 = arith.addi %sub3A_384, %add3A_385 : vector<16xi32>
          %swap3A_387 = arith.index_cast %add3A_369 : i32 to index
          %swap3A_388 = tpu.vector_load %arg14[%swap3A_387] {strides = array<i32>} : memref<512xi32, #tpu.memory_space<vmem>>, vector<16xi32>,
          tpu.vector_store %arg14[%swap3A_387], %add3A_386 {strides = array<i32>} : memref<512xi32, #tpu.memory_space<vmem>>, vector<16xi32>,
          %sub3A_389 = arith.subi %masked_cumsum3A_383, %get3A_373 : vector<16xi32>
          %add3A_390 = vector.broadcast %add3A_365 : i32 to vector<16xi32>
          %add3A_391 = arith.addi %sub3A_389, %add3A_390 : vector<16xi32>
          %swap3A_392 = arith.index_cast %add3A_369 : i32 to index
          %swap3A_393 = tpu.vector_load %arg21[%swap3A_392] {strides = array<i32>} : memref<512xi32, #tpu.memory_space<vmem>>, vector<16xi32>,
          tpu.vector_store %arg21[%swap3A_392], %add3A_391 {strides = array<i32>} : memref<512xi32, #tpu.memory_space<vmem>>, vector<16xi32>,
          %reduce_sum3A_394 = arith.constant true
          %reduce_sum3A_395 = vector.broadcast %reduce_sum3A_394 : i1 to vector<16xi1>
          %reduce_sum3A_396 = tpu.scan <sum>, %get3A_371 masked %reduce_sum3A_395 : vector<16xi32>, vector<16xi1> -> vector<16xi32>
          %reduce_sum3A_397 = vector.extract %reduce_sum3A_396[15] : i32 from vector<16xi32>
          %add3A_398 = arith.addi %add3A_360, %reduce_sum3A_397 : i32
          %reduce_sum3A_399 = arith.constant true
          %reduce_sum3A_400 = vector.broadcast %reduce_sum3A_399 : i1 to vector<16xi1>
          %reduce_sum3A_401 = tpu.scan <sum>, %get3A_373 masked %reduce_sum3A_400 : vector<16xi32>, vector<16xi1> -> vector<16xi32>
          %reduce_sum3A_402 = vector.extract %reduce_sum3A_401[15] : i32 from vector<16xi32>
          %add3A_403 = arith.addi %add3A_365, %reduce_sum3A_402 : i32
          %mul3A_404 = arith.constant 64 : i32
          %mul3A_405 = arith.muli %scan3A_325, %mul3A_404 : i32
          %add3A_406 = arith.constant 32 : i32
          %add3A_407 = arith.addi %mul3A_405, %add3A_406 : i32
          %get3A_408 = arith.index_cast %add3A_407 : i32 to index
          %get3A_409 = tpu.vector_load %arg13[%get3A_408] {strides = array<i32>} : memref<512xi32, #tpu.memory_space<vmem>>, vector<16xi32>,
          %get3A_410 = arith.index_cast %add3A_407 : i32 to index
          %get3A_411 = tpu.vector_load %arg20[%get3A_410] {strides = array<i32>} : memref<512xi32, #tpu.memory_space<vmem>>, vector<16xi32>,
          %swap3A_412 = arith.index_cast %add3A_407 : i32 to index
          %swap3A_413 = tpu.vector_load %arg13[%swap3A_412] {strides = array<i32>} : memref<512xi32, #tpu.memory_space<vmem>>, vector<16xi32>,
          tpu.vector_store %arg13[%swap3A_412], %broadcast_in_dim3A_4 {strides = array<i32>} : memref<512xi32, #tpu.memory_space<vmem>>, vector<16xi32>,
          %swap3A_414 = arith.index_cast %add3A_407 : i32 to index
          %swap3A_415 = tpu.vector_load %arg20[%swap3A_414] {strides = array<i32>} : memref<512xi32, #tpu.memory_space<vmem>>, vector<16xi32>,
          tpu.vector_store %arg20[%swap3A_414], %broadcast_in_dim3A_4 {strides = array<i32>} : memref<512xi32, #tpu.memory_space<vmem>>, vector<16xi32>,
          %broadcast_in_dim3A_416 = arith.constant true
          %broadcast_in_dim3A_417 = vector.broadcast %broadcast_in_dim3A_416 : i1 to vector<16xi1>
          %masked_cumsum3A_418 = tpu.scan <sum>, %get3A_409 masked %broadcast_in_dim3A_417 : vector<16xi32>, vector<16xi1> -> vector<16xi32>
          %broadcast_in_dim3A_419 = arith.constant true
          %broadcast_in_dim3A_420 = vector.broadcast %broadcast_in_dim3A_419 : i1 to vector<16xi1>
          %masked_cumsum3A_421 = tpu.scan <sum>, %get3A_411 masked %broadcast_in_dim3A_420 : vector<16xi32>, vector<16xi1> -> vector<16xi32>
          %sub3A_422 = arith.subi %masked_cumsum3A_418, %get3A_409 : vector<16xi32>
          %add3A_423 = vector.broadcast %add3A_398 : i32 to vector<16xi32>
          %add3A_424 = arith.addi %sub3A_422, %add3A_423 : vector<16xi32>
          %swap3A_425 = arith.index_cast %add3A_407 : i32 to index
          %swap3A_426 = tpu.vector_load %arg14[%swap3A_425] {strides = array<i32>} : memref<512xi32, #tpu.memory_space<vmem>>, vector<16xi32>,
          tpu.vector_store %arg14[%swap3A_425], %add3A_424 {strides = array<i32>} : memref<512xi32, #tpu.memory_space<vmem>>, vector<16xi32>,
          %sub3A_427 = arith.subi %masked_cumsum3A_421, %get3A_411 : vector<16xi32>
          %add3A_428 = vector.broadcast %add3A_403 : i32 to vector<16xi32>
          %add3A_429 = arith.addi %sub3A_427, %add3A_428 : vector<16xi32>
          %swap3A_430 = arith.index_cast %add3A_407 : i32 to index
          %swap3A_431 = tpu.vector_load %arg21[%swap3A_430] {strides = array<i32>} : memref<512xi32, #tpu.memory_space<vmem>>, vector<16xi32>,
          tpu.vector_store %arg21[%swap3A_430], %add3A_429 {strides = array<i32>} : memref<512xi32, #tpu.memory_space<vmem>>, vector<16xi32>,
          %reduce_sum3A_432 = arith.constant true
          %reduce_sum3A_433 = vector.broadcast %reduce_sum3A_432 : i1 to vector<16xi1>
          %reduce_sum3A_434 = tpu.scan <sum>, %get3A_409 masked %reduce_sum3A_433 : vector<16xi32>, vector<16xi1> -> vector<16xi32>
          %reduce_sum3A_435 = vector.extract %reduce_sum3A_434[15] : i32 from vector<16xi32>
          %add3A_436 = arith.addi %add3A_398, %reduce_sum3A_435 : i32
          %reduce_sum3A_437 = arith.constant true
          %reduce_sum3A_438 = vector.broadcast %reduce_sum3A_437 : i1 to vector<16xi1>
          %reduce_sum3A_439 = tpu.scan <sum>, %get3A_411 masked %reduce_sum3A_438 : vector<16xi32>, vector<16xi1> -> vector<16xi32>
          %reduce_sum3A_440 = vector.extract %reduce_sum3A_439[15] : i32 from vector<16xi32>
          %add3A_441 = arith.addi %add3A_403, %reduce_sum3A_440 : i32
          %mul3A_442 = arith.constant 64 : i32
          %mul3A_443 = arith.muli %scan3A_325, %mul3A_442 : i32
          %add3A_444 = arith.constant 48 : i32
          %add3A_445 = arith.addi %mul3A_443, %add3A_444 : i32
          %get3A_446 = arith.index_cast %add3A_445 : i32 to index
          %get3A_447 = tpu.vector_load %arg13[%get3A_446] {strides = array<i32>} : memref<512xi32, #tpu.memory_space<vmem>>, vector<16xi32>,
          %get3A_448 = arith.index_cast %add3A_445 : i32 to index
          %get3A_449 = tpu.vector_load %arg20[%get3A_448] {strides = array<i32>} : memref<512xi32, #tpu.memory_space<vmem>>, vector<16xi32>,
          %swap3A_450 = arith.index_cast %add3A_445 : i32 to index
          %swap3A_451 = tpu.vector_load %arg13[%swap3A_450] {strides = array<i32>} : memref<512xi32, #tpu.memory_space<vmem>>, vector<16xi32>,
          tpu.vector_store %arg13[%swap3A_450], %broadcast_in_dim3A_4 {strides = array<i32>} : memref<512xi32, #tpu.memory_space<vmem>>, vector<16xi32>,
          %swap3A_452 = arith.index_cast %add3A_445 : i32 to index
          %swap3A_453 = tpu.vector_load %arg20[%swap3A_452] {strides = array<i32>} : memref<512xi32, #tpu.memory_space<vmem>>, vector<16xi32>,
          tpu.vector_store %arg20[%swap3A_452], %broadcast_in_dim3A_4 {strides = array<i32>} : memref<512xi32, #tpu.memory_space<vmem>>, vector<16xi32>,
          %broadcast_in_dim3A_454 = arith.constant true
          %broadcast_in_dim3A_455 = vector.broadcast %broadcast_in_dim3A_454 : i1 to vector<16xi1>
          %masked_cumsum3A_456 = tpu.scan <sum>, %get3A_447 masked %broadcast_in_dim3A_455 : vector<16xi32>, vector<16xi1> -> vector<16xi32>
          %broadcast_in_dim3A_457 = arith.constant true
          %broadcast_in_dim3A_458 = vector.broadcast %broadcast_in_dim3A_457 : i1 to vector<16xi1>
          %masked_cumsum3A_459 = tpu.scan <sum>, %get3A_449 masked %broadcast_in_dim3A_458 : vector<16xi32>, vector<16xi1> -> vector<16xi32>
          %sub3A_460 = arith.subi %masked_cumsum3A_456, %get3A_447 : vector<16xi32>
          %add3A_461 = vector.broadcast %add3A_436 : i32 to vector<16xi32>
          %add3A_462 = arith.addi %sub3A_460, %add3A_461 : vector<16xi32>
          %swap3A_463 = arith.index_cast %add3A_445 : i32 to index
          %swap3A_464 = tpu.vector_load %arg14[%swap3A_463] {strides = array<i32>} : memref<512xi32, #tpu.memory_space<vmem>>, vector<16xi32>,
          tpu.vector_store %arg14[%swap3A_463], %add3A_462 {strides = array<i32>} : memref<512xi32, #tpu.memory_space<vmem>>, vector<16xi32>,
          %sub3A_465 = arith.subi %masked_cumsum3A_459, %get3A_449 : vector<16xi32>
          %add3A_466 = vector.broadcast %add3A_441 : i32 to vector<16xi32>
          %add3A_467 = arith.addi %sub3A_465, %add3A_466 : vector<16xi32>
          %swap3A_468 = arith.index_cast %add3A_445 : i32 to index
          %swap3A_469 = tpu.vector_load %arg21[%swap3A_468] {strides = array<i32>} : memref<512xi32, #tpu.memory_space<vmem>>, vector<16xi32>,
          tpu.vector_store %arg21[%swap3A_468], %add3A_467 {strides = array<i32>} : memref<512xi32, #tpu.memory_space<vmem>>, vector<16xi32>,
          %reduce_sum3A_470 = arith.constant true
          %reduce_sum3A_471 = vector.broadcast %reduce_sum3A_470 : i1 to vector<16xi1>
          %reduce_sum3A_472 = tpu.scan <sum>, %get3A_447 masked %reduce_sum3A_471 : vector<16xi32>, vector<16xi1> -> vector<16xi32>
          %reduce_sum3A_473 = vector.extract %reduce_sum3A_472[15] : i32 from vector<16xi32>
          %add3A_474 = arith.addi %add3A_436, %reduce_sum3A_473 : i32
          %reduce_sum3A_475 = arith.constant true
          %reduce_sum3A_476 = vector.broadcast %reduce_sum3A_475 : i1 to vector<16xi1>
          %reduce_sum3A_477 = tpu.scan <sum>, %get3A_449 masked %reduce_sum3A_476 : vector<16xi32>, vector<16xi1> -> vector<16xi32>
          %reduce_sum3A_478 = vector.extract %reduce_sum3A_477[15] : i32 from vector<16xi32>
          %add3A_479 = arith.addi %add3A_441, %reduce_sum3A_478 : i32
          scf.yield %add3A_474, %add3A_479 : i32, i32
        }
        %scan3A_145 = arith.constant 8 : i32
        %scan3A_146 = arith.constant 0 : i32
        %scan3A_147 = arith.constant 0 : i32
        %scan3A_148 = arith.constant 128 : i32
        %scan3A_149 = arith.addi %scan3A_147, %scan3A_148 : i32
        %scan3A_150 = arith.constant 1 : i32
        scf.for %scan3A_325 = %scan3A_147 to %scan3A_149 step %scan3A_150  : i32 {
          %add3A_326 = vector.broadcast %scan3A_325 : i32 to vector<16xi32>
          %add3A_327 = arith.addi %mul3A_1, %add3A_326 : vector<16xi32>
          %add3A_328 = arith.constant 0 : i32
          %add3A_329 = vector.broadcast %add3A_328 : i32 to vector<16xi32>
          %add3A_330 = arith.addi %add3A_329, %add3A_327 : vector<16xi32>
          %gather3A = tpu.vector_load_idx %arg10[%add3A_330] : memref<2048xi32, #tpu.memory_space<vmem>>[vector<16xi32>], vector<16xi32>,
          %add3A_331 = arith.constant 0 : i32
          %add3A_332 = vector.broadcast %add3A_331 : i32 to vector<16xi32>
          %add3A_333 = arith.addi %add3A_332, %add3A_327 : vector<16xi32>
          %gather3A_334 = tpu.vector_load_idx %arg17[%add3A_333] : memref<2048xi32, #tpu.memory_space<vmem>>[vector<16xi32>], vector<16xi32>,
          %gather3A_335 = tpu.vector_load_idx %arg12[%add3A_327] : memref<2048xi32, #tpu.memory_space<vmem>>[vector<16xi32>], vector<16xi32>,
          %gather3A_336 = tpu.vector_load_idx %arg19[%add3A_327] : memref<2048xi32, #tpu.memory_space<vmem>>[vector<16xi32>], vector<16xi32>,
          %shift_right_logical3A = arith.constant 25 : i32
          %shift_right_logical3A_337 = vector.broadcast %shift_right_logical3A : i32 to vector<16xi32>
          %shift_right_logical3A_338 = arith.shrui %gather3A, %shift_right_logical3A_337 : vector<16xi32>
          %and3A = arith.constant 31 : i32
          %and3A_339 = vector.broadcast %and3A : i32 to vector<16xi32>
          %and3A_340 = arith.andi %shift_right_logical3A_338, %and3A_339 : vector<16xi32>
          %mul3A_341 = arith.constant 16 : i32
          %mul3A_342 = vector.broadcast %mul3A_341 : i32 to vector<16xi32>
          %mul3A_343 = arith.muli %and3A_340, %mul3A_342 : vector<16xi32>
          %add3A_344 = arith.addi %mul3A_343, %iota3A : vector<16xi32>
          %shift_right_logical3A_345 = arith.constant 25 : i32
          %shift_right_logical3A_346 = vector.broadcast %shift_right_logical3A_345 : i32 to vector<16xi32>
          %shift_right_logical3A_347 = arith.shrui %gather3A_334, %shift_right_logical3A_346 : vector<16xi32>
          %and3A_348 = arith.constant 31 : i32
          %and3A_349 = vector.broadcast %and3A_348 : i32 to vector<16xi32>
          %and3A_350 = arith.andi %shift_right_logical3A_347, %and3A_349 : vector<16xi32>
          %mul3A_351 = arith.constant 16 : i32
          %mul3A_352 = vector.broadcast %mul3A_351 : i32 to vector<16xi32>
          %mul3A_353 = arith.muli %and3A_350, %mul3A_352 : vector<16xi32>
          %add3A_354 = arith.addi %mul3A_353, %iota3A : vector<16xi32>
          %gather3A_355 = tpu.vector_load_idx %arg14[%add3A_344] : memref<512xi32, #tpu.memory_space<vmem>>[vector<16xi32>], vector<16xi32>,
          %gather3A_356 = tpu.vector_load_idx %arg21[%add3A_354] : memref<512xi32, #tpu.memory_space<vmem>>[vector<16xi32>], vector<16xi32>,
          tpu.vector_store_idx %arg9[%gather3A_355], %gather3A : memref<2048xi32, #tpu.memory_space<vmem>>[vector<16xi32>], vector<16xi32>,
          tpu.vector_store_idx %arg16[%gather3A_356], %gather3A_334 : memref<2048xi32, #tpu.memory_space<vmem>>[vector<16xi32>], vector<16xi32>,
          tpu.vector_store_idx %arg11[%gather3A_355], %gather3A_335 : memref<2048xi32, #tpu.memory_space<vmem>>[vector<16xi32>], vector<16xi32>,
          tpu.vector_store_idx %arg18[%gather3A_356], %gather3A_336 : memref<2048xi32, #tpu.memory_space<vmem>>[vector<16xi32>], vector<16xi32>,
          tpu.vector_store_idx %arg14[%add3A_344], %broadcast_in_dim3A_2 {add = true} : memref<512xi32, #tpu.memory_space<vmem>>[vector<16xi32>], vector<16xi32>,
          tpu.vector_store_idx %arg21[%add3A_354], %broadcast_in_dim3A_2 {add = true} : memref<512xi32, #tpu.memory_space<vmem>>[vector<16xi32>], vector<16xi32>,
        }
        %scan3A_151 = arith.constant 128 : i32
        %parallel_loop3A_152 = arith.constant 0 : i32
        %parallel_loop3A_153 = arith.constant 128 : i32
        %parallel_loop3A_154 = arith.constant 1 : i32
        scf.for %parallel_loop3A_325 = %parallel_loop3A_152 to %parallel_loop3A_153 step %parallel_loop3A_154  : i32 {
          %parallel_loop3A_326 = arith.constant 0 : i32
          %parallel_loop3A_327 = vector.broadcast %parallel_loop3A_326 : i32 to vector<16xi32>
          %parallel_loop3A_328 = arith.addi %parallel_loop3A_327, %mul3A_1 : vector<16xi32>
          %parallel_loop3A_329 = vector.broadcast %parallel_loop3A_325 : i32 to vector<16xi32>
          %parallel_loop3A_330 = arith.addi %parallel_loop3A_328, %parallel_loop3A_329 : vector<16xi32>
          %parallel_loop3A_331 = tpu.vector_load_idx %arg9[%parallel_loop3A_330] : memref<2048xi32, #tpu.memory_space<vmem>>[vector<16xi32>], vector<16xi32>,
          %parallel_loop3A_332 = arith.constant 0 : i32
          %parallel_loop3A_333 = vector.broadcast %parallel_loop3A_332 : i32 to vector<16xi32>
          %parallel_loop3A_334 = arith.addi %parallel_loop3A_333, %mul3A_1 : vector<16xi32>
          %parallel_loop3A_335 = vector.broadcast %parallel_loop3A_325 : i32 to vector<16xi32>
          %parallel_loop3A_336 = arith.addi %parallel_loop3A_334, %parallel_loop3A_335 : vector<16xi32>
          %parallel_loop3A_337 = tpu.vector_load_idx %arg16[%parallel_loop3A_336] : memref<2048xi32, #tpu.memory_space<vmem>>[vector<16xi32>], vector<16xi32>,
          %parallel_loop3A_338 = arith.constant 30 : i32
          %parallel_loop3A_339 = vector.broadcast %parallel_loop3A_338 : i32 to vector<16xi32>
          %parallel_loop3A_340 = arith.shrui %parallel_loop3A_331, %parallel_loop3A_339 : vector<16xi32>
          %parallel_loop3A_341 = arith.constant 31 : i32
          %parallel_loop3A_342 = vector.broadcast %parallel_loop3A_341 : i32 to vector<16xi32>
          %parallel_loop3A_343 = arith.andi %parallel_loop3A_340, %parallel_loop3A_342 : vector<16xi32>
          %parallel_loop3A_344 = arith.constant 3 : i32
          %parallel_loop3A_345 = vector.broadcast %parallel_loop3A_344 : i32 to vector<16xi32>
          %parallel_loop3A_346 = arith.andi %parallel_loop3A_343, %parallel_loop3A_345 : vector<16xi32>
          %parallel_loop3A_347 = arith.constant 2 : i32
          %parallel_loop3A_348 = vector.broadcast %parallel_loop3A_347 : i32 to vector<16xi32>
          %parallel_loop3A_349 = arith.xori %parallel_loop3A_346, %parallel_loop3A_348 : vector<16xi32>
          %parallel_loop3A_350 = arith.constant 16 : i32
          %parallel_loop3A_351 = vector.broadcast %parallel_loop3A_350 : i32 to vector<16xi32>
          %parallel_loop3A_352 = arith.muli %parallel_loop3A_349, %parallel_loop3A_351 : vector<16xi32>
          %parallel_loop3A_353 = arith.addi %parallel_loop3A_352, %iota3A : vector<16xi32>
          tpu.vector_store_idx %arg13[%parallel_loop3A_353], %broadcast_in_dim3A_2 {add = true} : memref<512xi32, #tpu.memory_space<vmem>>[vector<16xi32>], vector<16xi32>,
          %parallel_loop3A_354 = arith.constant 30 : i32
          %parallel_loop3A_355 = vector.broadcast %parallel_loop3A_354 : i32 to vector<16xi32>
          %parallel_loop3A_356 = arith.shrui %parallel_loop3A_337, %parallel_loop3A_355 : vector<16xi32>
          %parallel_loop3A_357 = arith.constant 31 : i32
          %parallel_loop3A_358 = vector.broadcast %parallel_loop3A_357 : i32 to vector<16xi32>
          %parallel_loop3A_359 = arith.andi %parallel_loop3A_356, %parallel_loop3A_358 : vector<16xi32>
          %parallel_loop3A_360 = arith.constant 3 : i32
          %parallel_loop3A_361 = vector.broadcast %parallel_loop3A_360 : i32 to vector<16xi32>
          %parallel_loop3A_362 = arith.andi %parallel_loop3A_359, %parallel_loop3A_361 : vector<16xi32>
          %parallel_loop3A_363 = arith.constant 2 : i32
          %parallel_loop3A_364 = vector.broadcast %parallel_loop3A_363 : i32 to vector<16xi32>
          %parallel_loop3A_365 = arith.xori %parallel_loop3A_362, %parallel_loop3A_364 : vector<16xi32>
          %parallel_loop3A_366 = arith.constant 16 : i32
          %parallel_loop3A_367 = vector.broadcast %parallel_loop3A_366 : i32 to vector<16xi32>
          %parallel_loop3A_368 = arith.muli %parallel_loop3A_365, %parallel_loop3A_367 : vector<16xi32>
          %parallel_loop3A_369 = arith.addi %parallel_loop3A_368, %iota3A : vector<16xi32>
          tpu.vector_store_idx %arg20[%parallel_loop3A_369], %broadcast_in_dim3A_2 {add = true} : memref<512xi32, #tpu.memory_space<vmem>>[vector<16xi32>], vector<16xi32>,
        } {sc.loop_unroll_factor = 4 : i64, sc.parallel_access}
        %scan3A_155 = arith.constant 0 : i32
        %scan3A_156 = arith.constant 0 : i32
        %scan3A_157 = arith.constant 0 : i32
        %mul3A_158 = arith.constant 64 : i32
        %mul3A_159 = arith.muli %scan3A_157, %mul3A_158 : i32
        %add3A_160 = arith.constant 0 : i32
        %add3A_161 = arith.addi %mul3A_159, %add3A_160 : i32
        %get3A = arith.index_cast %add3A_161 : i32 to index
        %get3A_162 = tpu.vector_load %arg13[%get3A] {strides = array<i32>} : memref<512xi32, #tpu.memory_space<vmem>>, vector<16xi32>,
        %get3A_163 = arith.index_cast %add3A_161 : i32 to index
        %get3A_164 = tpu.vector_load %arg20[%get3A_163] {strides = array<i32>} : memref<512xi32, #tpu.memory_space<vmem>>, vector<16xi32>,
        %swap3A = arith.index_cast %add3A_161 : i32 to index
        %swap3A_165 = tpu.vector_load %arg13[%swap3A] {strides = array<i32>} : memref<512xi32, #tpu.memory_space<vmem>>, vector<16xi32>,
        tpu.vector_store %arg13[%swap3A], %broadcast_in_dim3A_4 {strides = array<i32>} : memref<512xi32, #tpu.memory_space<vmem>>, vector<16xi32>,
        %swap3A_166 = arith.index_cast %add3A_161 : i32 to index
        %swap3A_167 = tpu.vector_load %arg20[%swap3A_166] {strides = array<i32>} : memref<512xi32, #tpu.memory_space<vmem>>, vector<16xi32>,
        tpu.vector_store %arg20[%swap3A_166], %broadcast_in_dim3A_4 {strides = array<i32>} : memref<512xi32, #tpu.memory_space<vmem>>, vector<16xi32>,
        %broadcast_in_dim3A_168 = arith.constant true
        %broadcast_in_dim3A_169 = vector.broadcast %broadcast_in_dim3A_168 : i1 to vector<16xi1>
        %masked_cumsum3A = tpu.scan <sum>, %get3A_162 masked %broadcast_in_dim3A_169 : vector<16xi32>, vector<16xi1> -> vector<16xi32>
        %broadcast_in_dim3A_170 = arith.constant true
        %broadcast_in_dim3A_171 = vector.broadcast %broadcast_in_dim3A_170 : i1 to vector<16xi1>
        %masked_cumsum3A_172 = tpu.scan <sum>, %get3A_164 masked %broadcast_in_dim3A_171 : vector<16xi32>, vector<16xi1> -> vector<16xi32>
        %sub3A = arith.subi %masked_cumsum3A, %get3A_162 : vector<16xi32>
        %add3A_173 = vector.broadcast %scan3A_155 : i32 to vector<16xi32>
        %add3A_174 = arith.addi %sub3A, %add3A_173 : vector<16xi32>
        %swap3A_175 = arith.index_cast %add3A_161 : i32 to index
        %swap3A_176 = tpu.vector_load %arg14[%swap3A_175] {strides = array<i32>} : memref<512xi32, #tpu.memory_space<vmem>>, vector<16xi32>,
        tpu.vector_store %arg14[%swap3A_175], %add3A_174 {strides = array<i32>} : memref<512xi32, #tpu.memory_space<vmem>>, vector<16xi32>,
        %sub3A_177 = arith.subi %masked_cumsum3A_172, %get3A_164 : vector<16xi32>
        %add3A_178 = vector.broadcast %scan3A_156 : i32 to vector<16xi32>
        %add3A_179 = arith.addi %sub3A_177, %add3A_178 : vector<16xi32>
        %swap3A_180 = arith.index_cast %add3A_161 : i32 to index
        %swap3A_181 = tpu.vector_load %arg21[%swap3A_180] {strides = array<i32>} : memref<512xi32, #tpu.memory_space<vmem>>, vector<16xi32>,
        tpu.vector_store %arg21[%swap3A_180], %add3A_179 {strides = array<i32>} : memref<512xi32, #tpu.memory_space<vmem>>, vector<16xi32>,
        %reduce_sum3A = arith.constant true
        %reduce_sum3A_182 = vector.broadcast %reduce_sum3A : i1 to vector<16xi1>
        %reduce_sum3A_183 = tpu.scan <sum>, %get3A_162 masked %reduce_sum3A_182 : vector<16xi32>, vector<16xi1> -> vector<16xi32>
        %reduce_sum3A_184 = vector.extract %reduce_sum3A_183[15] : i32 from vector<16xi32>
        %add3A_185 = arith.addi %scan3A_155, %reduce_sum3A_184 : i32
        %reduce_sum3A_186 = arith.constant true
        %reduce_sum3A_187 = vector.broadcast %reduce_sum3A_186 : i1 to vector<16xi1>
        %reduce_sum3A_188 = tpu.scan <sum>, %get3A_164 masked %reduce_sum3A_187 : vector<16xi32>, vector<16xi1> -> vector<16xi32>
        %reduce_sum3A_189 = vector.extract %reduce_sum3A_188[15] : i32 from vector<16xi32>
        %add3A_190 = arith.addi %scan3A_156, %reduce_sum3A_189 : i32
        %mul3A_191 = arith.constant 64 : i32
        %mul3A_192 = arith.muli %scan3A_157, %mul3A_191 : i32
        %add3A_193 = arith.constant 16 : i32
        %add3A_194 = arith.addi %mul3A_192, %add3A_193 : i32
        %get3A_195 = arith.index_cast %add3A_194 : i32 to index
        %get3A_196 = tpu.vector_load %arg13[%get3A_195] {strides = array<i32>} : memref<512xi32, #tpu.memory_space<vmem>>, vector<16xi32>,
        %get3A_197 = arith.index_cast %add3A_194 : i32 to index
        %get3A_198 = tpu.vector_load %arg20[%get3A_197] {strides = array<i32>} : memref<512xi32, #tpu.memory_space<vmem>>, vector<16xi32>,
        %swap3A_199 = arith.index_cast %add3A_194 : i32 to index
        %swap3A_200 = tpu.vector_load %arg13[%swap3A_199] {strides = array<i32>} : memref<512xi32, #tpu.memory_space<vmem>>, vector<16xi32>,
        tpu.vector_store %arg13[%swap3A_199], %broadcast_in_dim3A_4 {strides = array<i32>} : memref<512xi32, #tpu.memory_space<vmem>>, vector<16xi32>,
        %swap3A_201 = arith.index_cast %add3A_194 : i32 to index
        %swap3A_202 = tpu.vector_load %arg20[%swap3A_201] {strides = array<i32>} : memref<512xi32, #tpu.memory_space<vmem>>, vector<16xi32>,
        tpu.vector_store %arg20[%swap3A_201], %broadcast_in_dim3A_4 {strides = array<i32>} : memref<512xi32, #tpu.memory_space<vmem>>, vector<16xi32>,
        %broadcast_in_dim3A_203 = arith.constant true
        %broadcast_in_dim3A_204 = vector.broadcast %broadcast_in_dim3A_203 : i1 to vector<16xi1>
        %masked_cumsum3A_205 = tpu.scan <sum>, %get3A_196 masked %broadcast_in_dim3A_204 : vector<16xi32>, vector<16xi1> -> vector<16xi32>
        %broadcast_in_dim3A_206 = arith.constant true
        %broadcast_in_dim3A_207 = vector.broadcast %broadcast_in_dim3A_206 : i1 to vector<16xi1>
        %masked_cumsum3A_208 = tpu.scan <sum>, %get3A_198 masked %broadcast_in_dim3A_207 : vector<16xi32>, vector<16xi1> -> vector<16xi32>
        %sub3A_209 = arith.subi %masked_cumsum3A_205, %get3A_196 : vector<16xi32>
        %add3A_210 = vector.broadcast %add3A_185 : i32 to vector<16xi32>
        %add3A_211 = arith.addi %sub3A_209, %add3A_210 : vector<16xi32>
        %swap3A_212 = arith.index_cast %add3A_194 : i32 to index
        %swap3A_213 = tpu.vector_load %arg14[%swap3A_212] {strides = array<i32>} : memref<512xi32, #tpu.memory_space<vmem>>, vector<16xi32>,
        tpu.vector_store %arg14[%swap3A_212], %add3A_211 {strides = array<i32>} : memref<512xi32, #tpu.memory_space<vmem>>, vector<16xi32>,
        %sub3A_214 = arith.subi %masked_cumsum3A_208, %get3A_198 : vector<16xi32>
        %add3A_215 = vector.broadcast %add3A_190 : i32 to vector<16xi32>
        %add3A_216 = arith.addi %sub3A_214, %add3A_215 : vector<16xi32>
        %swap3A_217 = arith.index_cast %add3A_194 : i32 to index
        %swap3A_218 = tpu.vector_load %arg21[%swap3A_217] {strides = array<i32>} : memref<512xi32, #tpu.memory_space<vmem>>, vector<16xi32>,
        tpu.vector_store %arg21[%swap3A_217], %add3A_216 {strides = array<i32>} : memref<512xi32, #tpu.memory_space<vmem>>, vector<16xi32>,
        %reduce_sum3A_219 = arith.constant true
        %reduce_sum3A_220 = vector.broadcast %reduce_sum3A_219 : i1 to vector<16xi1>
        %reduce_sum3A_221 = tpu.scan <sum>, %get3A_196 masked %reduce_sum3A_220 : vector<16xi32>, vector<16xi1> -> vector<16xi32>
        %reduce_sum3A_222 = vector.extract %reduce_sum3A_221[15] : i32 from vector<16xi32>
        %add3A_223 = arith.addi %add3A_185, %reduce_sum3A_222 : i32
        %reduce_sum3A_224 = arith.constant true
        %reduce_sum3A_225 = vector.broadcast %reduce_sum3A_224 : i1 to vector<16xi1>
        %reduce_sum3A_226 = tpu.scan <sum>, %get3A_198 masked %reduce_sum3A_225 : vector<16xi32>, vector<16xi1> -> vector<16xi32>
        %reduce_sum3A_227 = vector.extract %reduce_sum3A_226[15] : i32 from vector<16xi32>
        %add3A_228 = arith.addi %add3A_190, %reduce_sum3A_227 : i32
        %mul3A_229 = arith.constant 64 : i32
        %mul3A_230 = arith.muli %scan3A_157, %mul3A_229 : i32
        %add3A_231 = arith.constant 32 : i32
        %add3A_232 = arith.addi %mul3A_230, %add3A_231 : i32
        %get3A_233 = arith.index_cast %add3A_232 : i32 to index
        %get3A_234 = tpu.vector_load %arg13[%get3A_233] {strides = array<i32>} : memref<512xi32, #tpu.memory_space<vmem>>, vector<16xi32>,
        %get3A_235 = arith.index_cast %add3A_232 : i32 to index
        %get3A_236 = tpu.vector_load %arg20[%get3A_235] {strides = array<i32>} : memref<512xi32, #tpu.memory_space<vmem>>, vector<16xi32>,
        %swap3A_237 = arith.index_cast %add3A_232 : i32 to index
        %swap3A_238 = tpu.vector_load %arg13[%swap3A_237] {strides = array<i32>} : memref<512xi32, #tpu.memory_space<vmem>>, vector<16xi32>,
        tpu.vector_store %arg13[%swap3A_237], %broadcast_in_dim3A_4 {strides = array<i32>} : memref<512xi32, #tpu.memory_space<vmem>>, vector<16xi32>,
        %swap3A_239 = arith.index_cast %add3A_232 : i32 to index
        %swap3A_240 = tpu.vector_load %arg20[%swap3A_239] {strides = array<i32>} : memref<512xi32, #tpu.memory_space<vmem>>, vector<16xi32>,
        tpu.vector_store %arg20[%swap3A_239], %broadcast_in_dim3A_4 {strides = array<i32>} : memref<512xi32, #tpu.memory_space<vmem>>, vector<16xi32>,
        %broadcast_in_dim3A_241 = arith.constant true
        %broadcast_in_dim3A_242 = vector.broadcast %broadcast_in_dim3A_241 : i1 to vector<16xi1>
        %masked_cumsum3A_243 = tpu.scan <sum>, %get3A_234 masked %broadcast_in_dim3A_242 : vector<16xi32>, vector<16xi1> -> vector<16xi32>
        %broadcast_in_dim3A_244 = arith.constant true
        %broadcast_in_dim3A_245 = vector.broadcast %broadcast_in_dim3A_244 : i1 to vector<16xi1>
        %masked_cumsum3A_246 = tpu.scan <sum>, %get3A_236 masked %broadcast_in_dim3A_245 : vector<16xi32>, vector<16xi1> -> vector<16xi32>
        %sub3A_247 = arith.subi %masked_cumsum3A_243, %get3A_234 : vector<16xi32>
        %add3A_248 = vector.broadcast %add3A_223 : i32 to vector<16xi32>
        %add3A_249 = arith.addi %sub3A_247, %add3A_248 : vector<16xi32>
        %swap3A_250 = arith.index_cast %add3A_232 : i32 to index
        %swap3A_251 = tpu.vector_load %arg14[%swap3A_250] {strides = array<i32>} : memref<512xi32, #tpu.memory_space<vmem>>, vector<16xi32>,
        tpu.vector_store %arg14[%swap3A_250], %add3A_249 {strides = array<i32>} : memref<512xi32, #tpu.memory_space<vmem>>, vector<16xi32>,
        %sub3A_252 = arith.subi %masked_cumsum3A_246, %get3A_236 : vector<16xi32>
        %add3A_253 = vector.broadcast %add3A_228 : i32 to vector<16xi32>
        %add3A_254 = arith.addi %sub3A_252, %add3A_253 : vector<16xi32>
        %swap3A_255 = arith.index_cast %add3A_232 : i32 to index
        %swap3A_256 = tpu.vector_load %arg21[%swap3A_255] {strides = array<i32>} : memref<512xi32, #tpu.memory_space<vmem>>, vector<16xi32>,
        tpu.vector_store %arg21[%swap3A_255], %add3A_254 {strides = array<i32>} : memref<512xi32, #tpu.memory_space<vmem>>, vector<16xi32>,
        %reduce_sum3A_257 = arith.constant true
        %reduce_sum3A_258 = vector.broadcast %reduce_sum3A_257 : i1 to vector<16xi1>
        %reduce_sum3A_259 = tpu.scan <sum>, %get3A_234 masked %reduce_sum3A_258 : vector<16xi32>, vector<16xi1> -> vector<16xi32>
        %reduce_sum3A_260 = vector.extract %reduce_sum3A_259[15] : i32 from vector<16xi32>
        %add3A_261 = arith.addi %add3A_223, %reduce_sum3A_260 : i32
        %reduce_sum3A_262 = arith.constant true
        %reduce_sum3A_263 = vector.broadcast %reduce_sum3A_262 : i1 to vector<16xi1>
        %reduce_sum3A_264 = tpu.scan <sum>, %get3A_236 masked %reduce_sum3A_263 : vector<16xi32>, vector<16xi1> -> vector<16xi32>
        %reduce_sum3A_265 = vector.extract %reduce_sum3A_264[15] : i32 from vector<16xi32>
        %add3A_266 = arith.addi %add3A_228, %reduce_sum3A_265 : i32
        %mul3A_267 = arith.constant 64 : i32
        %mul3A_268 = arith.muli %scan3A_157, %mul3A_267 : i32
        %add3A_269 = arith.constant 48 : i32
        %add3A_270 = arith.addi %mul3A_268, %add3A_269 : i32
        %get3A_271 = arith.index_cast %add3A_270 : i32 to index
        %get3A_272 = tpu.vector_load %arg13[%get3A_271] {strides = array<i32>} : memref<512xi32, #tpu.memory_space<vmem>>, vector<16xi32>,
        %get3A_273 = arith.index_cast %add3A_270 : i32 to index
        %get3A_274 = tpu.vector_load %arg20[%get3A_273] {strides = array<i32>} : memref<512xi32, #tpu.memory_space<vmem>>, vector<16xi32>,
        %swap3A_275 = arith.index_cast %add3A_270 : i32 to index
        %swap3A_276 = tpu.vector_load %arg13[%swap3A_275] {strides = array<i32>} : memref<512xi32, #tpu.memory_space<vmem>>, vector<16xi32>,
        tpu.vector_store %arg13[%swap3A_275], %broadcast_in_dim3A_4 {strides = array<i32>} : memref<512xi32, #tpu.memory_space<vmem>>, vector<16xi32>,
        %swap3A_277 = arith.index_cast %add3A_270 : i32 to index
        %swap3A_278 = tpu.vector_load %arg20[%swap3A_277] {strides = array<i32>} : memref<512xi32, #tpu.memory_space<vmem>>, vector<16xi32>,
        tpu.vector_store %arg20[%swap3A_277], %broadcast_in_dim3A_4 {strides = array<i32>} : memref<512xi32, #tpu.memory_space<vmem>>, vector<16xi32>,
        %broadcast_in_dim3A_279 = arith.constant true
        %broadcast_in_dim3A_280 = vector.broadcast %broadcast_in_dim3A_279 : i1 to vector<16xi1>
        %masked_cumsum3A_281 = tpu.scan <sum>, %get3A_272 masked %broadcast_in_dim3A_280 : vector<16xi32>, vector<16xi1> -> vector<16xi32>
        %broadcast_in_dim3A_282 = arith.constant true
        %broadcast_in_dim3A_283 = vector.broadcast %broadcast_in_dim3A_282 : i1 to vector<16xi1>
        %masked_cumsum3A_284 = tpu.scan <sum>, %get3A_274 masked %broadcast_in_dim3A_283 : vector<16xi32>, vector<16xi1> -> vector<16xi32>
        %sub3A_285 = arith.subi %masked_cumsum3A_281, %get3A_272 : vector<16xi32>
        %add3A_286 = vector.broadcast %add3A_261 : i32 to vector<16xi32>
        %add3A_287 = arith.addi %sub3A_285, %add3A_286 : vector<16xi32>
        %swap3A_288 = arith.index_cast %add3A_270 : i32 to index
        %swap3A_289 = tpu.vector_load %arg14[%swap3A_288] {strides = array<i32>} : memref<512xi32, #tpu.memory_space<vmem>>, vector<16xi32>,
        tpu.vector_store %arg14[%swap3A_288], %add3A_287 {strides = array<i32>} : memref<512xi32, #tpu.memory_space<vmem>>, vector<16xi32>,
        %sub3A_290 = arith.subi %masked_cumsum3A_284, %get3A_274 : vector<16xi32>
        %add3A_291 = vector.broadcast %add3A_266 : i32 to vector<16xi32>
        %add3A_292 = arith.addi %sub3A_290, %add3A_291 : vector<16xi32>
        %swap3A_293 = arith.index_cast %add3A_270 : i32 to index
        %swap3A_294 = tpu.vector_load %arg21[%swap3A_293] {strides = array<i32>} : memref<512xi32, #tpu.memory_space<vmem>>, vector<16xi32>,
        tpu.vector_store %arg21[%swap3A_293], %add3A_292 {strides = array<i32>} : memref<512xi32, #tpu.memory_space<vmem>>, vector<16xi32>,
        %reduce_sum3A_295 = arith.constant true
        %reduce_sum3A_296 = vector.broadcast %reduce_sum3A_295 : i1 to vector<16xi1>
        %reduce_sum3A_297 = tpu.scan <sum>, %get3A_272 masked %reduce_sum3A_296 : vector<16xi32>, vector<16xi1> -> vector<16xi32>
        %reduce_sum3A_298 = vector.extract %reduce_sum3A_297[15] : i32 from vector<16xi32>
        %add3A_299 = arith.addi %add3A_261, %reduce_sum3A_298 : i32
        %reduce_sum3A_300 = arith.constant true
        %reduce_sum3A_301 = vector.broadcast %reduce_sum3A_300 : i1 to vector<16xi1>
        %reduce_sum3A_302 = tpu.scan <sum>, %get3A_274 masked %reduce_sum3A_301 : vector<16xi32>, vector<16xi1> -> vector<16xi32>
        %reduce_sum3A_303 = vector.extract %reduce_sum3A_302[15] : i32 from vector<16xi32>
        %add3A_304 = arith.addi %add3A_266, %reduce_sum3A_303 : i32
        %scan3A_305 = arith.constant 1 : i32
        %scan3A_306 = arith.constant 0 : i32
        %scan3A_307 = arith.constant 0 : i32
        %scan3A_308 = arith.constant 128 : i32
        %scan3A_309 = arith.addi %scan3A_307, %scan3A_308 : i32
        %scan3A_310 = arith.constant 1 : i32
        scf.for %scan3A_325 = %scan3A_307 to %scan3A_309 step %scan3A_310  : i32 {
          %add3A_326 = vector.broadcast %scan3A_325 : i32 to vector<16xi32>
          %add3A_327 = arith.addi %mul3A_1, %add3A_326 : vector<16xi32>
          %add3A_328 = arith.constant 0 : i32
          %add3A_329 = vector.broadcast %add3A_328 : i32 to vector<16xi32>
          %add3A_330 = arith.addi %add3A_329, %add3A_327 : vector<16xi32>
          %gather3A = tpu.vector_load_idx %arg9[%add3A_330] : memref<2048xi32, #tpu.memory_space<vmem>>[vector<16xi32>], vector<16xi32>,
          %add3A_331 = arith.constant 0 : i32
          %add3A_332 = vector.broadcast %add3A_331 : i32 to vector<16xi32>
          %add3A_333 = arith.addi %add3A_332, %add3A_327 : vector<16xi32>
          %gather3A_334 = tpu.vector_load_idx %arg16[%add3A_333] : memref<2048xi32, #tpu.memory_space<vmem>>[vector<16xi32>], vector<16xi32>,
          %gather3A_335 = tpu.vector_load_idx %arg11[%add3A_327] : memref<2048xi32, #tpu.memory_space<vmem>>[vector<16xi32>], vector<16xi32>,
          %gather3A_336 = tpu.vector_load_idx %arg18[%add3A_327] : memref<2048xi32, #tpu.memory_space<vmem>>[vector<16xi32>], vector<16xi32>,
          %shift_right_logical3A = arith.constant 30 : i32
          %shift_right_logical3A_337 = vector.broadcast %shift_right_logical3A : i32 to vector<16xi32>
          %shift_right_logical3A_338 = arith.shrui %gather3A, %shift_right_logical3A_337 : vector<16xi32>
          %and3A = arith.constant 31 : i32
          %and3A_339 = vector.broadcast %and3A : i32 to vector<16xi32>
          %and3A_340 = arith.andi %shift_right_logical3A_338, %and3A_339 : vector<16xi32>
          %and3A_341 = arith.constant 3 : i32
          %and3A_342 = vector.broadcast %and3A_341 : i32 to vector<16xi32>
          %and3A_343 = arith.andi %and3A_340, %and3A_342 : vector<16xi32>
          %xor3A = arith.constant 2 : i32
          %xor3A_344 = vector.broadcast %xor3A : i32 to vector<16xi32>
          %xor3A_345 = arith.xori %and3A_343, %xor3A_344 : vector<16xi32>
          %mul3A_346 = arith.constant 16 : i32
          %mul3A_347 = vector.broadcast %mul3A_346 : i32 to vector<16xi32>
          %mul3A_348 = arith.muli %xor3A_345, %mul3A_347 : vector<16xi32>
          %add3A_349 = arith.addi %mul3A_348, %iota3A : vector<16xi32>
          %shift_right_logical3A_350 = arith.constant 30 : i32
          %shift_right_logical3A_351 = vector.broadcast %shift_right_logical3A_350 : i32 to vector<16xi32>
          %shift_right_logical3A_352 = arith.shrui %gather3A_334, %shift_right_logical3A_351 : vector<16xi32>
          %and3A_353 = arith.constant 31 : i32
          %and3A_354 = vector.broadcast %and3A_353 : i32 to vector<16xi32>
          %and3A_355 = arith.andi %shift_right_logical3A_352, %and3A_354 : vector<16xi32>
          %and3A_356 = arith.constant 3 : i32
          %and3A_357 = vector.broadcast %and3A_356 : i32 to vector<16xi32>
          %and3A_358 = arith.andi %and3A_355, %and3A_357 : vector<16xi32>
          %xor3A_359 = arith.constant 2 : i32
          %xor3A_360 = vector.broadcast %xor3A_359 : i32 to vector<16xi32>
          %xor3A_361 = arith.xori %and3A_358, %xor3A_360 : vector<16xi32>
          %mul3A_362 = arith.constant 16 : i32
          %mul3A_363 = vector.broadcast %mul3A_362 : i32 to vector<16xi32>
          %mul3A_364 = arith.muli %xor3A_361, %mul3A_363 : vector<16xi32>
          %add3A_365 = arith.addi %mul3A_364, %iota3A : vector<16xi32>
          %gather3A_366 = tpu.vector_load_idx %arg14[%add3A_349] : memref<512xi32, #tpu.memory_space<vmem>>[vector<16xi32>], vector<16xi32>,
          %gather3A_367 = tpu.vector_load_idx %arg21[%add3A_365] : memref<512xi32, #tpu.memory_space<vmem>>[vector<16xi32>], vector<16xi32>,
          tpu.vector_store_idx %arg10[%gather3A_366], %gather3A : memref<2048xi32, #tpu.memory_space<vmem>>[vector<16xi32>], vector<16xi32>,
          tpu.vector_store_idx %arg17[%gather3A_367], %gather3A_334 : memref<2048xi32, #tpu.memory_space<vmem>>[vector<16xi32>], vector<16xi32>,
          tpu.vector_store_idx %arg12[%gather3A_366], %gather3A_335 : memref<2048xi32, #tpu.memory_space<vmem>>[vector<16xi32>], vector<16xi32>,
          tpu.vector_store_idx %arg19[%gather3A_367], %gather3A_336 : memref<2048xi32, #tpu.memory_space<vmem>>[vector<16xi32>], vector<16xi32>,
          tpu.vector_store_idx %arg14[%add3A_349], %broadcast_in_dim3A_2 {add = true} : memref<512xi32, #tpu.memory_space<vmem>>[vector<16xi32>], vector<16xi32>,
          tpu.vector_store_idx %arg21[%add3A_365], %broadcast_in_dim3A_2 {add = true} : memref<512xi32, #tpu.memory_space<vmem>>[vector<16xi32>], vector<16xi32>,
        }
        %scan3A_311 = arith.constant 128 : i32
        %parallel_loop3A_312 = arith.constant 0 : i32
        %parallel_loop3A_313 = arith.constant 2048 : i32
        %parallel_loop3A_314 = arith.constant 16 : i32
        scf.for %parallel_loop3A_325 = %parallel_loop3A_312 to %parallel_loop3A_313 step %parallel_loop3A_314  : i32 {
          %parallel_loop3A_326 = vector.broadcast %parallel_loop3A_325 : i32 to vector<16xi32>
          %parallel_loop3A_327 = arith.addi %iota3A, %parallel_loop3A_326 : vector<16xi32>
          %parallel_loop3A_328 = arith.index_cast %parallel_loop3A_325 : i32 to index
          %parallel_loop3A_329 = tpu.vector_load %arg12[%parallel_loop3A_328] {strides = array<i32>} : memref<2048xi32, #tpu.memory_space<vmem>>, vector<16xi32>,
          %parallel_loop3A_330 = arith.index_cast %parallel_loop3A_325 : i32 to index
          %parallel_loop3A_331 = tpu.vector_load %arg19[%parallel_loop3A_330] {strides = array<i32>} : memref<2048xi32, #tpu.memory_space<vmem>>, vector<16xi32>,
          %parallel_loop3A_332 = vector.broadcast %add3A_43 : i32 to vector<16xi32>
          %parallel_loop3A_333 = arith.cmpi sle, %parallel_loop3A_327, %parallel_loop3A_332 : vector<16xi32>
          %parallel_loop3A_334 = arith.constant 2048 : i32
          %parallel_loop3A_335 = vector.broadcast %parallel_loop3A_334 : i32 to vector<16xi32>
          %parallel_loop3A_336 = arith.select %parallel_loop3A_333, %parallel_loop3A_329, %parallel_loop3A_335 : vector<16xi1>, vector<16xi32>
          %parallel_loop3A_337 = arith.addi %mul3A_47, %parallel_loop3A_325 : i32
          %parallel_loop3A_338 = arith.index_cast %parallel_loop3A_337 : i32 to index
          %parallel_loop3A_339 = tpu.vector_load %arg22[%parallel_loop3A_338] {strides = array<i32>} : memref<8192xi32, #tpu.memory_space<vmem>>, vector<16xi32>,
          tpu.vector_store %arg22[%parallel_loop3A_338], %parallel_loop3A_336 {strides = array<i32>} : memref<8192xi32, #tpu.memory_space<vmem>>, vector<16xi32>,
          %parallel_loop3A_340 = vector.broadcast %add3A_45 : i32 to vector<16xi32>
          %parallel_loop3A_341 = arith.cmpi sle, %parallel_loop3A_327, %parallel_loop3A_340 : vector<16xi32>
          %parallel_loop3A_342 = arith.constant 2048 : i32
          %parallel_loop3A_343 = vector.broadcast %parallel_loop3A_342 : i32 to vector<16xi32>
          %parallel_loop3A_344 = arith.select %parallel_loop3A_341, %parallel_loop3A_331, %parallel_loop3A_343 : vector<16xi1>, vector<16xi32>
          %parallel_loop3A_345 = arith.addi %add3A_49, %parallel_loop3A_325 : i32
          %parallel_loop3A_346 = arith.index_cast %parallel_loop3A_345 : i32 to index
          %parallel_loop3A_347 = tpu.vector_load %arg22[%parallel_loop3A_346] {strides = array<i32>} : memref<8192xi32, #tpu.memory_space<vmem>>, vector<16xi32>,
          tpu.vector_store %arg22[%parallel_loop3A_346], %parallel_loop3A_344 {strides = array<i32>} : memref<8192xi32, #tpu.memory_space<vmem>>, vector<16xi32>,
          %parallel_loop3A_348 = arith.index_cast %parallel_loop3A_325 : i32 to index
          %parallel_loop3A_349 = tpu.vector_load %arg15[%parallel_loop3A_348] {strides = array<i32>} : memref<4096xi32, #tpu.memory_space<vmem>>, vector<16xi32>,
          tpu.vector_store %arg15[%parallel_loop3A_348], %broadcast_in_dim3A_4 {strides = array<i32>} : memref<4096xi32, #tpu.memory_space<vmem>>, vector<16xi32>,
          %parallel_loop3A_350 = arith.constant 2048 : i32
          %parallel_loop3A_351 = arith.addi %parallel_loop3A_350, %parallel_loop3A_325 : i32
          %parallel_loop3A_352 = arith.index_cast %parallel_loop3A_351 : i32 to index
          %parallel_loop3A_353 = tpu.vector_load %arg15[%parallel_loop3A_352] {strides = array<i32>} : memref<4096xi32, #tpu.memory_space<vmem>>, vector<16xi32>,
          tpu.vector_store %arg15[%parallel_loop3A_352], %broadcast_in_dim3A_4 {strides = array<i32>} : memref<4096xi32, #tpu.memory_space<vmem>>, vector<16xi32>,
        } {sc.loop_unroll_factor = 8 : i64, sc.parallel_access}
        %shift_right_arithmetic3A = arith.constant 4 : i32
        %shift_right_arithmetic3A_315 = arith.shrsi %add3A_45, %shift_right_arithmetic3A : i32
        %add3A_316 = arith.constant 1 : i32
        %add3A_317 = arith.addi %shift_right_arithmetic3A_315, %add3A_316 : i32
        %mul3A_318 = arith.constant 16 : i32
        %mul3A_319 = arith.muli %add3A_317, %mul3A_318 : i32
        %parallel_loop3A_320 = arith.constant 0 : i32
        %parallel_loop3A_321 = arith.constant 16 : i32
        scf.for %parallel_loop3A_325 = %parallel_loop3A_320 to %mul3A_319 step %parallel_loop3A_321  : i32 {
          %parallel_loop3A_326 = vector.broadcast %parallel_loop3A_325 : i32 to vector<16xi32>
          %parallel_loop3A_327 = arith.addi %iota3A, %parallel_loop3A_326 : vector<16xi32>
          %parallel_loop3A_328 = arith.index_cast %parallel_loop3A_325 : i32 to index
          %parallel_loop3A_329 = tpu.vector_load %arg12[%parallel_loop3A_328] {strides = array<i32>} : memref<2048xi32, #tpu.memory_space<vmem>>, vector<16xi32>,
          %parallel_loop3A_330 = arith.index_cast %parallel_loop3A_325 : i32 to index
          %parallel_loop3A_331 = tpu.vector_load %arg19[%parallel_loop3A_330] {strides = array<i32>} : memref<2048xi32, #tpu.memory_space<vmem>>, vector<16xi32>,
          %parallel_loop3A_332 = vector.broadcast %add3A_43 : i32 to vector<16xi32>
          %parallel_loop3A_333 = arith.cmpi sle, %parallel_loop3A_327, %parallel_loop3A_332 : vector<16xi32>
          tpu.vector_store_idx %arg15[%parallel_loop3A_329], %broadcast_in_dim3A_2 masked %parallel_loop3A_333 : memref<4096xi32, #tpu.memory_space<vmem>>[vector<16xi32>], vector<16xi32>, vector<16xi1>
          %parallel_loop3A_334 = arith.constant 2048 : i32
          %parallel_loop3A_335 = vector.broadcast %parallel_loop3A_334 : i32 to vector<16xi32>
          %parallel_loop3A_336 = arith.addi %parallel_loop3A_331, %parallel_loop3A_335 : vector<16xi32>
          %parallel_loop3A_337 = vector.broadcast %add3A_45 : i32 to vector<16xi32>
          %parallel_loop3A_338 = arith.cmpi sle, %parallel_loop3A_327, %parallel_loop3A_337 : vector<16xi32>
          tpu.vector_store_idx %arg15[%parallel_loop3A_336], %broadcast_in_dim3A_2 masked %parallel_loop3A_338 : memref<4096xi32, #tpu.memory_space<vmem>>[vector<16xi32>], vector<16xi32>, vector<16xi1>
        } {sc.loop_unroll_factor = 8 : i64, sc.parallel_access}
        %parallel_loop3A_322 = arith.constant 0 : i32
        %parallel_loop3A_323 = arith.constant 2048 : i32
        %parallel_loop3A_324 = arith.constant 16 : i32
        scf.for %parallel_loop3A_325 = %parallel_loop3A_322 to %parallel_loop3A_323 step %parallel_loop3A_324  : i32 {
          %parallel_loop3A_326 = arith.index_cast %parallel_loop3A_325 : i32 to index
          %parallel_loop3A_327 = tpu.vector_load %arg15[%parallel_loop3A_326] {strides = array<i32>} : memref<4096xi32, #tpu.memory_space<vmem>>, vector<16xi32>,
          %parallel_loop3A_328 = arith.constant 0 : i32
          %parallel_loop3A_329 = vector.broadcast %parallel_loop3A_328 : i32 to vector<16xi32>
          %parallel_loop3A_330 = arith.cmpi sgt, %parallel_loop3A_327, %parallel_loop3A_329 : vector<16xi32>
          %parallel_loop3A_331 = arith.constant 2048 : i32
          %parallel_loop3A_332 = arith.addi %parallel_loop3A_331, %parallel_loop3A_325 : i32
          %parallel_loop3A_333 = arith.index_cast %parallel_loop3A_332 : i32 to index
          %parallel_loop3A_334 = tpu.vector_load %arg15[%parallel_loop3A_333] {strides = array<i32>} : memref<4096xi32, #tpu.memory_space<vmem>>, vector<16xi32>,
          %parallel_loop3A_335 = arith.constant 0 : i32
          %parallel_loop3A_336 = vector.broadcast %parallel_loop3A_335 : i32 to vector<16xi32>
          %parallel_loop3A_337 = arith.cmpi sgt, %parallel_loop3A_334, %parallel_loop3A_336 : vector<16xi32>
          %parallel_loop3A_338 = arith.addi %mul3A_47, %parallel_loop3A_325 : i32
          %parallel_loop3A_339 = arith.index_cast %parallel_loop3A_338 : i32 to index
          %parallel_loop3A_340 = tpu.vector_load %arg7[%parallel_loop3A_339] {strides = array<i32>} : memref<8192xf32, #tpu.memory_space<vmem>>, vector<16xf32>,
          %parallel_loop3A_341 = arith.addi %add3A_49, %parallel_loop3A_325 : i32
          %parallel_loop3A_342 = arith.index_cast %parallel_loop3A_341 : i32 to index
          %parallel_loop3A_343 = tpu.vector_load %arg7[%parallel_loop3A_342] {strides = array<i32>} : memref<8192xf32, #tpu.memory_space<vmem>>, vector<16xf32>,
          %parallel_loop3A_344 = arith.select %parallel_loop3A_330, %broadcast_in_dim3A_8, %broadcast_in_dim3A_6 : vector<16xi1>, vector<16xf32>
          %parallel_loop3A_345 = arith.addi %mul3A_47, %parallel_loop3A_325 : i32
          %parallel_loop3A_346 = arith.index_cast %parallel_loop3A_345 : i32 to index
          %parallel_loop3A_347 = tpu.vector_load %arg23[%parallel_loop3A_346] {strides = array<i32>} : memref<8192xf32, #tpu.memory_space<vmem>>, vector<16xf32>,
          tpu.vector_store %arg23[%parallel_loop3A_346], %parallel_loop3A_344 {strides = array<i32>} : memref<8192xf32, #tpu.memory_space<vmem>>, vector<16xf32>,
          %parallel_loop3A_348 = arith.select %parallel_loop3A_337, %broadcast_in_dim3A_8, %broadcast_in_dim3A_6 : vector<16xi1>, vector<16xf32>
          %parallel_loop3A_349 = arith.addi %add3A_49, %parallel_loop3A_325 : i32
          %parallel_loop3A_350 = arith.index_cast %parallel_loop3A_349 : i32 to index
          %parallel_loop3A_351 = tpu.vector_load %arg23[%parallel_loop3A_350] {strides = array<i32>} : memref<8192xf32, #tpu.memory_space<vmem>>, vector<16xf32>,
          tpu.vector_store %arg23[%parallel_loop3A_350], %parallel_loop3A_348 {strides = array<i32>} : memref<8192xf32, #tpu.memory_space<vmem>>, vector<16xf32>,
          %parallel_loop3A_352 = arith.select %parallel_loop3A_330, %parallel_loop3A_340, %broadcast_in_dim3A_6 : vector<16xi1>, vector<16xf32>
          %parallel_loop3A_353 = arith.addi %mul3A_47, %parallel_loop3A_325 : i32
          %parallel_loop3A_354 = arith.index_cast %parallel_loop3A_353 : i32 to index
          %parallel_loop3A_355 = tpu.vector_load %arg24[%parallel_loop3A_354] {strides = array<i32>} : memref<8192xf32, #tpu.memory_space<vmem>>, vector<16xf32>,
          tpu.vector_store %arg24[%parallel_loop3A_354], %parallel_loop3A_352 {strides = array<i32>} : memref<8192xf32, #tpu.memory_space<vmem>>, vector<16xf32>,
          %parallel_loop3A_356 = arith.select %parallel_loop3A_337, %parallel_loop3A_343, %broadcast_in_dim3A_6 : vector<16xi1>, vector<16xf32>
          %parallel_loop3A_357 = arith.addi %add3A_49, %parallel_loop3A_325 : i32
          %parallel_loop3A_358 = arith.index_cast %parallel_loop3A_357 : i32 to index
          %parallel_loop3A_359 = tpu.vector_load %arg24[%parallel_loop3A_358] {strides = array<i32>} : memref<8192xf32, #tpu.memory_space<vmem>>, vector<16xf32>,
          tpu.vector_store %arg24[%parallel_loop3A_358], %parallel_loop3A_356 {strides = array<i32>} : memref<8192xf32, #tpu.memory_space<vmem>>, vector<16xf32>,
        } {sc.loop_unroll_factor = 8 : i64, sc.parallel_access}
      }
      %scan3A_33 = arith.constant 2 : i32
      %mul3A_34 = arith.constant 2048 : i32
      %mul3A_35 = arith.muli %add3A_23, %mul3A_34 : i32
      "tpu.region"() ({
        %run_scoped3A = tpu.sem_alloc : memref<!tpu.dma_semaphore, #tpu.memory_space<semaphore_mem>>
        %dma_start3A = tpu.memref_slice %arg4[%mul3A_35] : memref<4194304xi32, #tpu.memory_space<hbm>> -> memref<8192xi32, #tpu.memory_space<hbm>>
        %dma_start3A_40 = tpu.memref_slice %arg4[%mul3A_35] : memref<4194304xi32, #tpu.memory_space<hbm>> -> memref<8192xi32, #tpu.memory_space<hbm>>
        tpu.enqueue_dma source(%arg22 : memref<8192xi32, #tpu.memory_space<vmem>>) target(%dma_start3A_40 : memref<8192xi32, #tpu.memory_space<hbm>>) target_semaphore(%run_scoped3A : memref<!tpu.dma_semaphore, #tpu.memory_space<semaphore_mem>>)
        %dma_wait3A = tpu.memref_slice %arg4[%mul3A_35] : memref<4194304xi32, #tpu.memory_space<hbm>> -> memref<8192xi32, #tpu.memory_space<hbm>>
        %dma_wait3A_41 = tpu.memref_slice %arg4[%mul3A_35] : memref<4194304xi32, #tpu.memory_space<hbm>> -> memref<8192xi32, #tpu.memory_space<hbm>>
        tpu.wait_dma2 semaphore(%run_scoped3A : memref<!tpu.dma_semaphore, #tpu.memory_space<semaphore_mem>>) src(%arg22 : memref<8192xi32, #tpu.memory_space<vmem>>) dst(%dma_wait3A_41 : memref<8192xi32, #tpu.memory_space<hbm>>)
        tpu.yield
      }) : () -> ()
      %mul3A_36 = arith.constant 2048 : i32
      %mul3A_37 = arith.muli %add3A_23, %mul3A_36 : i32
      "tpu.region"() ({
        %run_scoped3A = tpu.sem_alloc : memref<!tpu.dma_semaphore, #tpu.memory_space<semaphore_mem>>
        %dma_start3A = tpu.memref_slice %arg5[%mul3A_37] : memref<4194304xf32, #tpu.memory_space<hbm>> -> memref<8192xf32, #tpu.memory_space<hbm>>
        %dma_start3A_40 = tpu.memref_slice %arg5[%mul3A_37] : memref<4194304xf32, #tpu.memory_space<hbm>> -> memref<8192xf32, #tpu.memory_space<hbm>>
        tpu.enqueue_dma source(%arg23 : memref<8192xf32, #tpu.memory_space<vmem>>) target(%dma_start3A_40 : memref<8192xf32, #tpu.memory_space<hbm>>) target_semaphore(%run_scoped3A : memref<!tpu.dma_semaphore, #tpu.memory_space<semaphore_mem>>)
        %dma_wait3A = tpu.memref_slice %arg5[%mul3A_37] : memref<4194304xf32, #tpu.memory_space<hbm>> -> memref<8192xf32, #tpu.memory_space<hbm>>
        %dma_wait3A_41 = tpu.memref_slice %arg5[%mul3A_37] : memref<4194304xf32, #tpu.memory_space<hbm>> -> memref<8192xf32, #tpu.memory_space<hbm>>
        tpu.wait_dma2 semaphore(%run_scoped3A : memref<!tpu.dma_semaphore, #tpu.memory_space<semaphore_mem>>) src(%arg23 : memref<8192xf32, #tpu.memory_space<vmem>>) dst(%dma_wait3A_41 : memref<8192xf32, #tpu.memory_space<hbm>>)
        tpu.yield
      }) : () -> ()
      %mul3A_38 = arith.constant 2048 : i32
      %mul3A_39 = arith.muli %add3A_23, %mul3A_38 : i32
      "tpu.region"() ({
        %run_scoped3A = tpu.sem_alloc : memref<!tpu.dma_semaphore, #tpu.memory_space<semaphore_mem>>
        %dma_start3A = tpu.memref_slice %arg6[%mul3A_39] : memref<4194304xf32, #tpu.memory_space<hbm>> -> memref<8192xf32, #tpu.memory_space<hbm>>
        %dma_start3A_40 = tpu.memref_slice %arg6[%mul3A_39] : memref<4194304xf32, #tpu.memory_space<hbm>> -> memref<8192xf32, #tpu.memory_space<hbm>>
        tpu.enqueue_dma source(%arg24 : memref<8192xf32, #tpu.memory_space<vmem>>) target(%dma_start3A_40 : memref<8192xf32, #tpu.memory_space<hbm>>) target_semaphore(%run_scoped3A : memref<!tpu.dma_semaphore, #tpu.memory_space<semaphore_mem>>)
        %dma_wait3A = tpu.memref_slice %arg6[%mul3A_39] : memref<4194304xf32, #tpu.memory_space<hbm>> -> memref<8192xf32, #tpu.memory_space<hbm>>
        %dma_wait3A_41 = tpu.memref_slice %arg6[%mul3A_39] : memref<4194304xf32, #tpu.memory_space<hbm>> -> memref<8192xf32, #tpu.memory_space<hbm>>
        tpu.wait_dma2 semaphore(%run_scoped3A : memref<!tpu.dma_semaphore, #tpu.memory_space<semaphore_mem>>) src(%arg24 : memref<8192xf32, #tpu.memory_space<vmem>>) dst(%dma_wait3A_41 : memref<8192xf32, #tpu.memory_space<hbm>>)
        tpu.yield
      }) : () -> ()
    }
    %scan3A_19 = arith.constant 16 : i32
    return
  }
}

module attributes {stable_mosaic.version = 14 : i64} {
  func.func @_kprep_body(%arg0: i32, %arg1: memref<512x3072xbf16, #tpu.memory_space<vmem>>, %arg2: memref<128x3072xbf16, #tpu.memory_space<vmem>>, %arg3: memref<1x128xf32, #tpu.memory_space<vmem>>, %arg4: memref<512x64xf32, #tpu.memory_space<vmem>>, %arg5: memref<512x64xf32, #tpu.memory_space<vmem>>, %arg6: memref<512x128xf32, #tpu.memory_space<vmem>>) attributes {dimension_semantics = [#tpu.dimension_semantics<arbitrary>], iteration_bounds = array<i64: 4>, scalar_prefetch = 0 : i64, scratch_operands = 0 : i64, tpu.core_type = #tpu.core_type<tc>, window_params = [{transform_indices = @transform_0, window_bounds = array<i64: 512, 3072>}, {pipeline_mode = #tpu.pipeline_mode<synchronous>, transform_indices = @transform_1, window_bounds = array<i64: 128, 3072>}, {pipeline_mode = #tpu.pipeline_mode<synchronous>, transform_indices = @transform_2, window_bounds = array<i64: 1, 128>}, {transform_indices = @transform_3, window_bounds = array<i64: 512, 64>}, {transform_indices = @transform_4, window_bounds = array<i64: 512, 64>}, {transform_indices = @transform_5, window_bounds = array<i64: 512, 128>}]} {
    %get3A = arith.constant 0 : index
    %get3A_0 = arith.constant 0 : index
    %get3A_1 = vector.load %arg1[%get3A, %get3A_0] : memref<512x3072xbf16, #tpu.memory_space<vmem>>, vector<512x3072xbf16>
    %get3A_2 = arith.constant 0 : index
    %get3A_3 = arith.constant 0 : index
    %get3A_4 = vector.load %arg2[%get3A_2, %get3A_3] : memref<128x3072xbf16, #tpu.memory_space<vmem>>, vector<128x3072xbf16>
    %dot_general3A = arith.constant dense<0.000000e+00> : vector<512x128xf32>
    %dot_general3A_5 = tpu.matmul %get3A_1, %get3A_4, %dot_general3A {dimension_numbers = #tpu.dot_dimension_numbers<[1], [1], [0], [0], [0, 0, 1, 0], [], []>, transpose_lhs_hint = false} : vector<512x3072xbf16>, vector<128x3072xbf16>, vector<512x128xf32> -> vector<512x128xf32>
    %mul3A = arith.mulf %dot_general3A_5, %dot_general3A_5 : vector<512x128xf32>
    %reduce_sum3A = arith.constant dense<0.000000e+00> : vector<512xf32>
    %reduce_sum3A_6 = vector.multi_reduction <add>, %mul3A, %reduce_sum3A [1] : vector<512x128xf32> to vector<512xf32>
    %broadcast_in_dim3A = vector.shape_cast %reduce_sum3A_6 : vector<512xf32> to vector<512x1xf32>
    %div3A = arith.constant 1.280000e+02 : f32
    %div3A_7 = vector.broadcast %div3A : f32 to vector<512x1xf32>
    %div3A_8 = arith.divf %broadcast_in_dim3A, %div3A_7 : vector<512x1xf32>
    %add3A = arith.constant 9.99999997E-7 : f32
    %add3A_9 = vector.broadcast %add3A : f32 to vector<512x1xf32>
    %add3A_10 = arith.addf %div3A_8, %add3A_9 : vector<512x1xf32>
    %rsqrt3A = math.rsqrt %add3A_10 : vector<512x1xf32>
    %mul3A_11 = vector.broadcast %rsqrt3A : vector<512x1xf32> to vector<512x128xf32>
    %mul3A_12 = arith.mulf %dot_general3A_5, %mul3A_11 : vector<512x128xf32>
    %get3A_13 = arith.constant 0 : index
    %get3A_14 = arith.constant 0 : index
    %get3A_15 = vector.load %arg3[%get3A_13, %get3A_14] : memref<1x128xf32, #tpu.memory_space<vmem>>, vector<1x128xf32>
    %mul3A_16 = vector.broadcast %get3A_15 : vector<1x128xf32> to vector<512x128xf32>
    %mul3A_17 = arith.mulf %mul3A_12, %mul3A_16 : vector<512x128xf32>
    %slice3A = vector.extract_strided_slice %mul3A_17 {offsets = [0, 0], sizes = [512, 64], strides = [1, 1]} : vector<512x128xf32> to vector<512x64xf32>
    %slice3A_18 = vector.extract_strided_slice %slice3A {offsets = [0, 32], sizes = [512, 32], strides = [1, 1]} : vector<512x64xf32> to vector<512x32xf32>
    %neg3A = arith.constant 0.000000e+00 : f32
    %neg3A_19 = vector.broadcast %neg3A : f32 to vector<512x32xf32>
    %neg3A_20 = arith.subf %neg3A_19, %slice3A_18 : vector<512x32xf32>
    %slice3A_21 = vector.extract_strided_slice %slice3A {offsets = [0, 0], sizes = [512, 32], strides = [1, 1]} : vector<512x64xf32> to vector<512x32xf32>
    %concatenate3A = tpu.concatenate %neg3A_20, %slice3A_21 in 1 : vector<512x32xf32>, vector<512x32xf32> -> vector<512x64xf32>
    %get3A_22 = arith.constant 0 : index
    %get3A_23 = arith.constant 0 : index
    %get3A_24 = vector.load %arg4[%get3A_22, %get3A_23] : memref<512x64xf32, #tpu.memory_space<vmem>>, vector<512x64xf32>
    %mul3A_25 = arith.mulf %slice3A, %get3A_24 : vector<512x64xf32>
    %get3A_26 = arith.constant 0 : index
    %get3A_27 = arith.constant 0 : index
    %get3A_28 = vector.load %arg5[%get3A_26, %get3A_27] : memref<512x64xf32, #tpu.memory_space<vmem>>, vector<512x64xf32>
    %mul3A_29 = arith.mulf %concatenate3A, %get3A_28 : vector<512x64xf32>
    %add3A_30 = arith.addf %mul3A_25, %mul3A_29 : vector<512x64xf32>
    %slice3A_31 = vector.extract_strided_slice %mul3A_17 {offsets = [0, 64], sizes = [512, 64], strides = [1, 1]} : vector<512x128xf32> to vector<512x64xf32>
    %concatenate3A_32 = tpu.concatenate %add3A_30, %slice3A_31 in 1 : vector<512x64xf32>, vector<512x64xf32> -> vector<512x128xf32>
    %swap3A = arith.constant 0 : index
    %swap3A_33 = arith.constant 0 : index
    %swap3A_34 = vector.load %arg6[%swap3A, %swap3A_33] : memref<512x128xf32, #tpu.memory_space<vmem>>, vector<512x128xf32>
    tpu.vector_store %arg6[%swap3A, %swap3A_33], %concatenate3A_32 {strides = array<i32>} : memref<512x128xf32, #tpu.memory_space<vmem>>, vector<512x128xf32>,
    return
  }
  func.func @transform_0(%arg0: i32) -> (i32, i32) {
    %c0_i32 = arith.constant 0 : i32
    %c0_i32_0 = arith.constant 0 : i32
    return %arg0, %c0_i32 : i32, i32
  }
  func.func @transform_1(%arg0: i32) -> (i32, i32) {
    %c0_i32 = arith.constant 0 : i32
    %c0_i32_0 = arith.constant 0 : i32
    %c0_i32_1 = arith.constant 0 : i32
    return %c0_i32, %c0_i32_0 : i32, i32
  }
  func.func @transform_2(%arg0: i32) -> (i32, i32) {
    %c0_i32 = arith.constant 0 : i32
    %c0_i32_0 = arith.constant 0 : i32
    %c0_i32_1 = arith.constant 0 : i32
    return %c0_i32, %c0_i32_0 : i32, i32
  }
  func.func @transform_3(%arg0: i32) -> (i32, i32) {
    %c0_i32 = arith.constant 0 : i32
    %c0_i32_0 = arith.constant 0 : i32
    return %arg0, %c0_i32 : i32, i32
  }
  func.func @transform_4(%arg0: i32) -> (i32, i32) {
    %c0_i32 = arith.constant 0 : i32
    %c0_i32_0 = arith.constant 0 : i32
    return %arg0, %c0_i32 : i32, i32
  }
  func.func @transform_5(%arg0: i32) -> (i32, i32) {
    %c0_i32 = arith.constant 0 : i32
    %c0_i32_0 = arith.constant 0 : i32
    return %arg0, %c0_i32 : i32, i32
  }
}

module attributes {stable_mosaic.version = 14 : i64} {
  func.func @_score_body(%arg0: i32, %arg1: memref<256x1536xbf16, #tpu.memory_space<vmem>>, %arg2: memref<2048x1536xbf16, #tpu.memory_space<vmem>>, %arg3: memref<256x3072xbf16, #tpu.memory_space<vmem>>, %arg4: memref<16x3072xbf16, #tpu.memory_space<vmem>>, %arg5: memref<256x64xf32, #tpu.memory_space<vmem>>, %arg6: memref<256x64xf32, #tpu.memory_space<vmem>>, %arg7: memref<2048x128xf32, #tpu.memory_space<vmem>>, %arg8: memref<256x2048xf32, #tpu.memory_space<vmem>>, %arg9: memref<256x2048xf32, #tpu.memory_space<vmem>>, %arg10: memref<256x2048xi32, #tpu.memory_space<vmem>>) attributes {dimension_semantics = [#tpu.dimension_semantics<arbitrary>], iteration_bounds = array<i64: 8>, scalar_prefetch = 0 : i64, scratch_operands = 0 : i64, tpu.core_type = #tpu.core_type<tc>, window_params = [{transform_indices = @transform_0, window_bounds = array<i64: 256, 1536>}, {pipeline_mode = #tpu.pipeline_mode<synchronous>, transform_indices = @transform_1, window_bounds = array<i64: 2048, 1536>}, {transform_indices = @transform_2, window_bounds = array<i64: 256, 3072>}, {pipeline_mode = #tpu.pipeline_mode<synchronous>, transform_indices = @transform_3, window_bounds = array<i64: 16, 3072>}, {transform_indices = @transform_4, window_bounds = array<i64: 256, 64>}, {transform_indices = @transform_5, window_bounds = array<i64: 256, 64>}, {pipeline_mode = #tpu.pipeline_mode<synchronous>, transform_indices = @transform_6, window_bounds = array<i64: 2048, 128>}, {transform_indices = @transform_7, window_bounds = array<i64: 256, 2048>}, {transform_indices = @transform_8, window_bounds = array<i64: 256, 2048>}, {transform_indices = @transform_9, window_bounds = array<i64: 256, 2048>}]} {
    %get3A = arith.constant 0 : index
    %get3A_0 = arith.constant 0 : index
    %get3A_1 = vector.load %arg1[%get3A, %get3A_0] : memref<256x1536xbf16, #tpu.memory_space<vmem>>, vector<256x1536xbf16>
    %get3A_2 = arith.constant 0 : index
    %get3A_3 = arith.constant 0 : index
    %get3A_4 = vector.load %arg2[%get3A_2, %get3A_3] : memref<2048x1536xbf16, #tpu.memory_space<vmem>>, vector<2048x1536xbf16>
    %dot_general3A = arith.constant dense<0.000000e+00> : vector<256x2048xf32>
    %dot_general3A_5 = tpu.matmul %get3A_1, %get3A_4, %dot_general3A {dimension_numbers = #tpu.dot_dimension_numbers<[1], [1], [0], [0], [0, 0, 1, 0], [], []>, transpose_lhs_hint = false} : vector<256x1536xbf16>, vector<2048x1536xbf16>, vector<256x2048xf32> -> vector<256x2048xf32>
    %get3A_6 = arith.constant 0 : index
    %get3A_7 = arith.constant 0 : index
    %get3A_8 = vector.load %arg3[%get3A_6, %get3A_7] : memref<256x3072xbf16, #tpu.memory_space<vmem>>, vector<256x3072xbf16>
    %get3A_9 = arith.constant 0 : index
    %get3A_10 = arith.constant 0 : index
    %get3A_11 = vector.load %arg4[%get3A_9, %get3A_10] : memref<16x3072xbf16, #tpu.memory_space<vmem>>, vector<16x3072xbf16>
    %dot_general3A_12 = arith.constant dense<0.000000e+00> : vector<256x16xf32>
    %dot_general3A_13 = tpu.matmul %get3A_8, %get3A_11, %dot_general3A_12 {dimension_numbers = #tpu.dot_dimension_numbers<[1], [1], [0], [0], [0, 0, 1, 0], [], []>, transpose_lhs_hint = false} : vector<256x3072xbf16>, vector<16x3072xbf16>, vector<256x16xf32> -> vector<256x16xf32>
    %mul3A = arith.constant 0.0220947266 : f32
    %mul3A_14 = vector.broadcast %mul3A : f32 to vector<256x16xf32>
    %mul3A_15 = arith.mulf %dot_general3A_13, %mul3A_14 : vector<256x16xf32>
    %get3A_16 = arith.constant 0 : index
    %get3A_17 = arith.constant 0 : index
    %get3A_18 = vector.load %arg5[%get3A_16, %get3A_17] : memref<256x64xf32, #tpu.memory_space<vmem>>, vector<256x64xf32>
    %get3A_19 = arith.constant 0 : index
    %get3A_20 = arith.constant 0 : index
    %get3A_21 = vector.load %arg6[%get3A_19, %get3A_20] : memref<256x64xf32, #tpu.memory_space<vmem>>, vector<256x64xf32>
    %get3A_22 = arith.constant 0 : index
    %get3A_23 = arith.constant 0 : index
    %get3A_24 = vector.load %arg7[%get3A_22, %get3A_23] : memref<2048x128xf32, #tpu.memory_space<vmem>>, vector<2048x128xf32>
    %convert_element_type3A = arith.truncf %get3A_24 : vector<2048x128xf32> to vector<2048x128xbf16>
    %get3A_25 = arith.constant 0 : index
    %get3A_26 = arith.constant 0 : index
    %get3A_27 = vector.load %arg8[%get3A_25, %get3A_26] : memref<256x2048xf32, #tpu.memory_space<vmem>>, vector<256x2048xf32>
    %slice3A = vector.extract_strided_slice %dot_general3A_5 {offsets = [0, 0], sizes = [256, 64], strides = [1, 1]} : vector<256x2048xf32> to vector<256x64xf32>
    %slice3A_28 = vector.extract_strided_slice %slice3A {offsets = [0, 32], sizes = [256, 32], strides = [1, 1]} : vector<256x64xf32> to vector<256x32xf32>
    %neg3A = arith.constant 0.000000e+00 : f32
    %neg3A_29 = vector.broadcast %neg3A : f32 to vector<256x32xf32>
    %neg3A_30 = arith.subf %neg3A_29, %slice3A_28 : vector<256x32xf32>
    %slice3A_31 = vector.extract_strided_slice %slice3A {offsets = [0, 0], sizes = [256, 32], strides = [1, 1]} : vector<256x64xf32> to vector<256x32xf32>
    %concatenate3A = tpu.concatenate %neg3A_30, %slice3A_31 in 1 : vector<256x32xf32>, vector<256x32xf32> -> vector<256x64xf32>
    %mul3A_32 = arith.mulf %slice3A, %get3A_18 : vector<256x64xf32>
    %mul3A_33 = arith.mulf %concatenate3A, %get3A_21 : vector<256x64xf32>
    %add3A = arith.addf %mul3A_32, %mul3A_33 : vector<256x64xf32>
    %slice3A_34 = vector.extract_strided_slice %dot_general3A_5 {offsets = [0, 64], sizes = [256, 64], strides = [1, 1]} : vector<256x2048xf32> to vector<256x64xf32>
    %concatenate3A_35 = tpu.concatenate %add3A, %slice3A_34 in 1 : vector<256x64xf32>, vector<256x64xf32> -> vector<256x128xf32>
    %convert_element_type3A_36 = arith.truncf %concatenate3A_35 : vector<256x128xf32> to vector<256x128xbf16>
    %dot_general3A_37 = arith.constant dense<0.000000e+00> : vector<256x2048xf32>
    %dot_general3A_38 = tpu.matmul %convert_element_type3A_36, %convert_element_type3A, %dot_general3A_37 {dimension_numbers = #tpu.dot_dimension_numbers<[1], [1], [0], [0], [0, 0, 1, 0], [], []>, transpose_lhs_hint = false} : vector<256x128xbf16>, vector<2048x128xbf16>, vector<256x2048xf32> -> vector<256x2048xf32>
    %slice3A_39 = vector.extract_strided_slice %mul3A_15 {offsets = [0, 0], sizes = [256, 1], strides = [1, 1]} : vector<256x16xf32> to vector<256x1xf32>
    %max3A = arith.constant 0.000000e+00 : f32
    %max3A_40 = vector.broadcast %max3A : f32 to vector<256x2048xf32>
    %max3A_41 = arith.maximumf %dot_general3A_38, %max3A_40 : vector<256x2048xf32>
    %mul3A_42 = vector.broadcast %slice3A_39 : vector<256x1xf32> to vector<256x2048xf32>
    %mul3A_43 = arith.mulf %mul3A_42, %max3A_41 : vector<256x2048xf32>
    %add3A_44 = arith.addf %get3A_27, %mul3A_43 : vector<256x2048xf32>
    %slice3A_45 = vector.extract_strided_slice %dot_general3A_5 {offsets = [0, 128], sizes = [256, 64], strides = [1, 1]} : vector<256x2048xf32> to vector<256x64xf32>
    %slice3A_46 = vector.extract_strided_slice %slice3A_45 {offsets = [0, 32], sizes = [256, 32], strides = [1, 1]} : vector<256x64xf32> to vector<256x32xf32>
    %neg3A_47 = arith.constant 0.000000e+00 : f32
    %neg3A_48 = vector.broadcast %neg3A_47 : f32 to vector<256x32xf32>
    %neg3A_49 = arith.subf %neg3A_48, %slice3A_46 : vector<256x32xf32>
    %slice3A_50 = vector.extract_strided_slice %slice3A_45 {offsets = [0, 0], sizes = [256, 32], strides = [1, 1]} : vector<256x64xf32> to vector<256x32xf32>
    %concatenate3A_51 = tpu.concatenate %neg3A_49, %slice3A_50 in 1 : vector<256x32xf32>, vector<256x32xf32> -> vector<256x64xf32>
    %mul3A_52 = arith.mulf %slice3A_45, %get3A_18 : vector<256x64xf32>
    %mul3A_53 = arith.mulf %concatenate3A_51, %get3A_21 : vector<256x64xf32>
    %add3A_54 = arith.addf %mul3A_52, %mul3A_53 : vector<256x64xf32>
    %slice3A_55 = vector.extract_strided_slice %dot_general3A_5 {offsets = [0, 192], sizes = [256, 64], strides = [1, 1]} : vector<256x2048xf32> to vector<256x64xf32>
    %concatenate3A_56 = tpu.concatenate %add3A_54, %slice3A_55 in 1 : vector<256x64xf32>, vector<256x64xf32> -> vector<256x128xf32>
    %convert_element_type3A_57 = arith.truncf %concatenate3A_56 : vector<256x128xf32> to vector<256x128xbf16>
    %dot_general3A_58 = arith.constant dense<0.000000e+00> : vector<256x2048xf32>
    %dot_general3A_59 = tpu.matmul %convert_element_type3A_57, %convert_element_type3A, %dot_general3A_58 {dimension_numbers = #tpu.dot_dimension_numbers<[1], [1], [0], [0], [0, 0, 1, 0], [], []>, transpose_lhs_hint = false} : vector<256x128xbf16>, vector<2048x128xbf16>, vector<256x2048xf32> -> vector<256x2048xf32>
    %slice3A_60 = vector.extract_strided_slice %mul3A_15 {offsets = [0, 1], sizes = [256, 1], strides = [1, 1]} : vector<256x16xf32> to vector<256x1xf32>
    %max3A_61 = arith.constant 0.000000e+00 : f32
    %max3A_62 = vector.broadcast %max3A_61 : f32 to vector<256x2048xf32>
    %max3A_63 = arith.maximumf %dot_general3A_59, %max3A_62 : vector<256x2048xf32>
    %mul3A_64 = vector.broadcast %slice3A_60 : vector<256x1xf32> to vector<256x2048xf32>
    %mul3A_65 = arith.mulf %mul3A_64, %max3A_63 : vector<256x2048xf32>
    %add3A_66 = arith.addf %add3A_44, %mul3A_65 : vector<256x2048xf32>
    %slice3A_67 = vector.extract_strided_slice %dot_general3A_5 {offsets = [0, 256], sizes = [256, 64], strides = [1, 1]} : vector<256x2048xf32> to vector<256x64xf32>
    %slice3A_68 = vector.extract_strided_slice %slice3A_67 {offsets = [0, 32], sizes = [256, 32], strides = [1, 1]} : vector<256x64xf32> to vector<256x32xf32>
    %neg3A_69 = arith.constant 0.000000e+00 : f32
    %neg3A_70 = vector.broadcast %neg3A_69 : f32 to vector<256x32xf32>
    %neg3A_71 = arith.subf %neg3A_70, %slice3A_68 : vector<256x32xf32>
    %slice3A_72 = vector.extract_strided_slice %slice3A_67 {offsets = [0, 0], sizes = [256, 32], strides = [1, 1]} : vector<256x64xf32> to vector<256x32xf32>
    %concatenate3A_73 = tpu.concatenate %neg3A_71, %slice3A_72 in 1 : vector<256x32xf32>, vector<256x32xf32> -> vector<256x64xf32>
    %mul3A_74 = arith.mulf %slice3A_67, %get3A_18 : vector<256x64xf32>
    %mul3A_75 = arith.mulf %concatenate3A_73, %get3A_21 : vector<256x64xf32>
    %add3A_76 = arith.addf %mul3A_74, %mul3A_75 : vector<256x64xf32>
    %slice3A_77 = vector.extract_strided_slice %dot_general3A_5 {offsets = [0, 320], sizes = [256, 64], strides = [1, 1]} : vector<256x2048xf32> to vector<256x64xf32>
    %concatenate3A_78 = tpu.concatenate %add3A_76, %slice3A_77 in 1 : vector<256x64xf32>, vector<256x64xf32> -> vector<256x128xf32>
    %convert_element_type3A_79 = arith.truncf %concatenate3A_78 : vector<256x128xf32> to vector<256x128xbf16>
    %dot_general3A_80 = arith.constant dense<0.000000e+00> : vector<256x2048xf32>
    %dot_general3A_81 = tpu.matmul %convert_element_type3A_79, %convert_element_type3A, %dot_general3A_80 {dimension_numbers = #tpu.dot_dimension_numbers<[1], [1], [0], [0], [0, 0, 1, 0], [], []>, transpose_lhs_hint = false} : vector<256x128xbf16>, vector<2048x128xbf16>, vector<256x2048xf32> -> vector<256x2048xf32>
    %slice3A_82 = vector.extract_strided_slice %mul3A_15 {offsets = [0, 2], sizes = [256, 1], strides = [1, 1]} : vector<256x16xf32> to vector<256x1xf32>
    %max3A_83 = arith.constant 0.000000e+00 : f32
    %max3A_84 = vector.broadcast %max3A_83 : f32 to vector<256x2048xf32>
    %max3A_85 = arith.maximumf %dot_general3A_81, %max3A_84 : vector<256x2048xf32>
    %mul3A_86 = vector.broadcast %slice3A_82 : vector<256x1xf32> to vector<256x2048xf32>
    %mul3A_87 = arith.mulf %mul3A_86, %max3A_85 : vector<256x2048xf32>
    %add3A_88 = arith.addf %add3A_66, %mul3A_87 : vector<256x2048xf32>
    %slice3A_89 = vector.extract_strided_slice %dot_general3A_5 {offsets = [0, 384], sizes = [256, 64], strides = [1, 1]} : vector<256x2048xf32> to vector<256x64xf32>
    %slice3A_90 = vector.extract_strided_slice %slice3A_89 {offsets = [0, 32], sizes = [256, 32], strides = [1, 1]} : vector<256x64xf32> to vector<256x32xf32>
    %neg3A_91 = arith.constant 0.000000e+00 : f32
    %neg3A_92 = vector.broadcast %neg3A_91 : f32 to vector<256x32xf32>
    %neg3A_93 = arith.subf %neg3A_92, %slice3A_90 : vector<256x32xf32>
    %slice3A_94 = vector.extract_strided_slice %slice3A_89 {offsets = [0, 0], sizes = [256, 32], strides = [1, 1]} : vector<256x64xf32> to vector<256x32xf32>
    %concatenate3A_95 = tpu.concatenate %neg3A_93, %slice3A_94 in 1 : vector<256x32xf32>, vector<256x32xf32> -> vector<256x64xf32>
    %mul3A_96 = arith.mulf %slice3A_89, %get3A_18 : vector<256x64xf32>
    %mul3A_97 = arith.mulf %concatenate3A_95, %get3A_21 : vector<256x64xf32>
    %add3A_98 = arith.addf %mul3A_96, %mul3A_97 : vector<256x64xf32>
    %slice3A_99 = vector.extract_strided_slice %dot_general3A_5 {offsets = [0, 448], sizes = [256, 64], strides = [1, 1]} : vector<256x2048xf32> to vector<256x64xf32>
    %concatenate3A_100 = tpu.concatenate %add3A_98, %slice3A_99 in 1 : vector<256x64xf32>, vector<256x64xf32> -> vector<256x128xf32>
    %convert_element_type3A_101 = arith.truncf %concatenate3A_100 : vector<256x128xf32> to vector<256x128xbf16>
    %dot_general3A_102 = arith.constant dense<0.000000e+00> : vector<256x2048xf32>
    %dot_general3A_103 = tpu.matmul %convert_element_type3A_101, %convert_element_type3A, %dot_general3A_102 {dimension_numbers = #tpu.dot_dimension_numbers<[1], [1], [0], [0], [0, 0, 1, 0], [], []>, transpose_lhs_hint = false} : vector<256x128xbf16>, vector<2048x128xbf16>, vector<256x2048xf32> -> vector<256x2048xf32>
    %slice3A_104 = vector.extract_strided_slice %mul3A_15 {offsets = [0, 3], sizes = [256, 1], strides = [1, 1]} : vector<256x16xf32> to vector<256x1xf32>
    %max3A_105 = arith.constant 0.000000e+00 : f32
    %max3A_106 = vector.broadcast %max3A_105 : f32 to vector<256x2048xf32>
    %max3A_107 = arith.maximumf %dot_general3A_103, %max3A_106 : vector<256x2048xf32>
    %mul3A_108 = vector.broadcast %slice3A_104 : vector<256x1xf32> to vector<256x2048xf32>
    %mul3A_109 = arith.mulf %mul3A_108, %max3A_107 : vector<256x2048xf32>
    %add3A_110 = arith.addf %add3A_88, %mul3A_109 : vector<256x2048xf32>
    %slice3A_111 = vector.extract_strided_slice %dot_general3A_5 {offsets = [0, 512], sizes = [256, 64], strides = [1, 1]} : vector<256x2048xf32> to vector<256x64xf32>
    %slice3A_112 = vector.extract_strided_slice %slice3A_111 {offsets = [0, 32], sizes = [256, 32], strides = [1, 1]} : vector<256x64xf32> to vector<256x32xf32>
    %neg3A_113 = arith.constant 0.000000e+00 : f32
    %neg3A_114 = vector.broadcast %neg3A_113 : f32 to vector<256x32xf32>
    %neg3A_115 = arith.subf %neg3A_114, %slice3A_112 : vector<256x32xf32>
    %slice3A_116 = vector.extract_strided_slice %slice3A_111 {offsets = [0, 0], sizes = [256, 32], strides = [1, 1]} : vector<256x64xf32> to vector<256x32xf32>
    %concatenate3A_117 = tpu.concatenate %neg3A_115, %slice3A_116 in 1 : vector<256x32xf32>, vector<256x32xf32> -> vector<256x64xf32>
    %mul3A_118 = arith.mulf %slice3A_111, %get3A_18 : vector<256x64xf32>
    %mul3A_119 = arith.mulf %concatenate3A_117, %get3A_21 : vector<256x64xf32>
    %add3A_120 = arith.addf %mul3A_118, %mul3A_119 : vector<256x64xf32>
    %slice3A_121 = vector.extract_strided_slice %dot_general3A_5 {offsets = [0, 576], sizes = [256, 64], strides = [1, 1]} : vector<256x2048xf32> to vector<256x64xf32>
    %concatenate3A_122 = tpu.concatenate %add3A_120, %slice3A_121 in 1 : vector<256x64xf32>, vector<256x64xf32> -> vector<256x128xf32>
    %convert_element_type3A_123 = arith.truncf %concatenate3A_122 : vector<256x128xf32> to vector<256x128xbf16>
    %dot_general3A_124 = arith.constant dense<0.000000e+00> : vector<256x2048xf32>
    %dot_general3A_125 = tpu.matmul %convert_element_type3A_123, %convert_element_type3A, %dot_general3A_124 {dimension_numbers = #tpu.dot_dimension_numbers<[1], [1], [0], [0], [0, 0, 1, 0], [], []>, transpose_lhs_hint = false} : vector<256x128xbf16>, vector<2048x128xbf16>, vector<256x2048xf32> -> vector<256x2048xf32>
    %slice3A_126 = vector.extract_strided_slice %mul3A_15 {offsets = [0, 4], sizes = [256, 1], strides = [1, 1]} : vector<256x16xf32> to vector<256x1xf32>
    %max3A_127 = arith.constant 0.000000e+00 : f32
    %max3A_128 = vector.broadcast %max3A_127 : f32 to vector<256x2048xf32>
    %max3A_129 = arith.maximumf %dot_general3A_125, %max3A_128 : vector<256x2048xf32>
    %mul3A_130 = vector.broadcast %slice3A_126 : vector<256x1xf32> to vector<256x2048xf32>
    %mul3A_131 = arith.mulf %mul3A_130, %max3A_129 : vector<256x2048xf32>
    %add3A_132 = arith.addf %add3A_110, %mul3A_131 : vector<256x2048xf32>
    %slice3A_133 = vector.extract_strided_slice %dot_general3A_5 {offsets = [0, 640], sizes = [256, 64], strides = [1, 1]} : vector<256x2048xf32> to vector<256x64xf32>
    %slice3A_134 = vector.extract_strided_slice %slice3A_133 {offsets = [0, 32], sizes = [256, 32], strides = [1, 1]} : vector<256x64xf32> to vector<256x32xf32>
    %neg3A_135 = arith.constant 0.000000e+00 : f32
    %neg3A_136 = vector.broadcast %neg3A_135 : f32 to vector<256x32xf32>
    %neg3A_137 = arith.subf %neg3A_136, %slice3A_134 : vector<256x32xf32>
    %slice3A_138 = vector.extract_strided_slice %slice3A_133 {offsets = [0, 0], sizes = [256, 32], strides = [1, 1]} : vector<256x64xf32> to vector<256x32xf32>
    %concatenate3A_139 = tpu.concatenate %neg3A_137, %slice3A_138 in 1 : vector<256x32xf32>, vector<256x32xf32> -> vector<256x64xf32>
    %mul3A_140 = arith.mulf %slice3A_133, %get3A_18 : vector<256x64xf32>
    %mul3A_141 = arith.mulf %concatenate3A_139, %get3A_21 : vector<256x64xf32>
    %add3A_142 = arith.addf %mul3A_140, %mul3A_141 : vector<256x64xf32>
    %slice3A_143 = vector.extract_strided_slice %dot_general3A_5 {offsets = [0, 704], sizes = [256, 64], strides = [1, 1]} : vector<256x2048xf32> to vector<256x64xf32>
    %concatenate3A_144 = tpu.concatenate %add3A_142, %slice3A_143 in 1 : vector<256x64xf32>, vector<256x64xf32> -> vector<256x128xf32>
    %convert_element_type3A_145 = arith.truncf %concatenate3A_144 : vector<256x128xf32> to vector<256x128xbf16>
    %dot_general3A_146 = arith.constant dense<0.000000e+00> : vector<256x2048xf32>
    %dot_general3A_147 = tpu.matmul %convert_element_type3A_145, %convert_element_type3A, %dot_general3A_146 {dimension_numbers = #tpu.dot_dimension_numbers<[1], [1], [0], [0], [0, 0, 1, 0], [], []>, transpose_lhs_hint = false} : vector<256x128xbf16>, vector<2048x128xbf16>, vector<256x2048xf32> -> vector<256x2048xf32>
    %slice3A_148 = vector.extract_strided_slice %mul3A_15 {offsets = [0, 5], sizes = [256, 1], strides = [1, 1]} : vector<256x16xf32> to vector<256x1xf32>
    %max3A_149 = arith.constant 0.000000e+00 : f32
    %max3A_150 = vector.broadcast %max3A_149 : f32 to vector<256x2048xf32>
    %max3A_151 = arith.maximumf %dot_general3A_147, %max3A_150 : vector<256x2048xf32>
    %mul3A_152 = vector.broadcast %slice3A_148 : vector<256x1xf32> to vector<256x2048xf32>
    %mul3A_153 = arith.mulf %mul3A_152, %max3A_151 : vector<256x2048xf32>
    %add3A_154 = arith.addf %add3A_132, %mul3A_153 : vector<256x2048xf32>
    %slice3A_155 = vector.extract_strided_slice %dot_general3A_5 {offsets = [0, 768], sizes = [256, 64], strides = [1, 1]} : vector<256x2048xf32> to vector<256x64xf32>
    %slice3A_156 = vector.extract_strided_slice %slice3A_155 {offsets = [0, 32], sizes = [256, 32], strides = [1, 1]} : vector<256x64xf32> to vector<256x32xf32>
    %neg3A_157 = arith.constant 0.000000e+00 : f32
    %neg3A_158 = vector.broadcast %neg3A_157 : f32 to vector<256x32xf32>
    %neg3A_159 = arith.subf %neg3A_158, %slice3A_156 : vector<256x32xf32>
    %slice3A_160 = vector.extract_strided_slice %slice3A_155 {offsets = [0, 0], sizes = [256, 32], strides = [1, 1]} : vector<256x64xf32> to vector<256x32xf32>
    %concatenate3A_161 = tpu.concatenate %neg3A_159, %slice3A_160 in 1 : vector<256x32xf32>, vector<256x32xf32> -> vector<256x64xf32>
    %mul3A_162 = arith.mulf %slice3A_155, %get3A_18 : vector<256x64xf32>
    %mul3A_163 = arith.mulf %concatenate3A_161, %get3A_21 : vector<256x64xf32>
    %add3A_164 = arith.addf %mul3A_162, %mul3A_163 : vector<256x64xf32>
    %slice3A_165 = vector.extract_strided_slice %dot_general3A_5 {offsets = [0, 832], sizes = [256, 64], strides = [1, 1]} : vector<256x2048xf32> to vector<256x64xf32>
    %concatenate3A_166 = tpu.concatenate %add3A_164, %slice3A_165 in 1 : vector<256x64xf32>, vector<256x64xf32> -> vector<256x128xf32>
    %convert_element_type3A_167 = arith.truncf %concatenate3A_166 : vector<256x128xf32> to vector<256x128xbf16>
    %dot_general3A_168 = arith.constant dense<0.000000e+00> : vector<256x2048xf32>
    %dot_general3A_169 = tpu.matmul %convert_element_type3A_167, %convert_element_type3A, %dot_general3A_168 {dimension_numbers = #tpu.dot_dimension_numbers<[1], [1], [0], [0], [0, 0, 1, 0], [], []>, transpose_lhs_hint = false} : vector<256x128xbf16>, vector<2048x128xbf16>, vector<256x2048xf32> -> vector<256x2048xf32>
    %slice3A_170 = vector.extract_strided_slice %mul3A_15 {offsets = [0, 6], sizes = [256, 1], strides = [1, 1]} : vector<256x16xf32> to vector<256x1xf32>
    %max3A_171 = arith.constant 0.000000e+00 : f32
    %max3A_172 = vector.broadcast %max3A_171 : f32 to vector<256x2048xf32>
    %max3A_173 = arith.maximumf %dot_general3A_169, %max3A_172 : vector<256x2048xf32>
    %mul3A_174 = vector.broadcast %slice3A_170 : vector<256x1xf32> to vector<256x2048xf32>
    %mul3A_175 = arith.mulf %mul3A_174, %max3A_173 : vector<256x2048xf32>
    %add3A_176 = arith.addf %add3A_154, %mul3A_175 : vector<256x2048xf32>
    %slice3A_177 = vector.extract_strided_slice %dot_general3A_5 {offsets = [0, 896], sizes = [256, 64], strides = [1, 1]} : vector<256x2048xf32> to vector<256x64xf32>
    %slice3A_178 = vector.extract_strided_slice %slice3A_177 {offsets = [0, 32], sizes = [256, 32], strides = [1, 1]} : vector<256x64xf32> to vector<256x32xf32>
    %neg3A_179 = arith.constant 0.000000e+00 : f32
    %neg3A_180 = vector.broadcast %neg3A_179 : f32 to vector<256x32xf32>
    %neg3A_181 = arith.subf %neg3A_180, %slice3A_178 : vector<256x32xf32>
    %slice3A_182 = vector.extract_strided_slice %slice3A_177 {offsets = [0, 0], sizes = [256, 32], strides = [1, 1]} : vector<256x64xf32> to vector<256x32xf32>
    %concatenate3A_183 = tpu.concatenate %neg3A_181, %slice3A_182 in 1 : vector<256x32xf32>, vector<256x32xf32> -> vector<256x64xf32>
    %mul3A_184 = arith.mulf %slice3A_177, %get3A_18 : vector<256x64xf32>
    %mul3A_185 = arith.mulf %concatenate3A_183, %get3A_21 : vector<256x64xf32>
    %add3A_186 = arith.addf %mul3A_184, %mul3A_185 : vector<256x64xf32>
    %slice3A_187 = vector.extract_strided_slice %dot_general3A_5 {offsets = [0, 960], sizes = [256, 64], strides = [1, 1]} : vector<256x2048xf32> to vector<256x64xf32>
    %concatenate3A_188 = tpu.concatenate %add3A_186, %slice3A_187 in 1 : vector<256x64xf32>, vector<256x64xf32> -> vector<256x128xf32>
    %convert_element_type3A_189 = arith.truncf %concatenate3A_188 : vector<256x128xf32> to vector<256x128xbf16>
    %dot_general3A_190 = arith.constant dense<0.000000e+00> : vector<256x2048xf32>
    %dot_general3A_191 = tpu.matmul %convert_element_type3A_189, %convert_element_type3A, %dot_general3A_190 {dimension_numbers = #tpu.dot_dimension_numbers<[1], [1], [0], [0], [0, 0, 1, 0], [], []>, transpose_lhs_hint = false} : vector<256x128xbf16>, vector<2048x128xbf16>, vector<256x2048xf32> -> vector<256x2048xf32>
    %slice3A_192 = vector.extract_strided_slice %mul3A_15 {offsets = [0, 7], sizes = [256, 1], strides = [1, 1]} : vector<256x16xf32> to vector<256x1xf32>
    %max3A_193 = arith.constant 0.000000e+00 : f32
    %max3A_194 = vector.broadcast %max3A_193 : f32 to vector<256x2048xf32>
    %max3A_195 = arith.maximumf %dot_general3A_191, %max3A_194 : vector<256x2048xf32>
    %mul3A_196 = vector.broadcast %slice3A_192 : vector<256x1xf32> to vector<256x2048xf32>
    %mul3A_197 = arith.mulf %mul3A_196, %max3A_195 : vector<256x2048xf32>
    %add3A_198 = arith.addf %add3A_176, %mul3A_197 : vector<256x2048xf32>
    %slice3A_199 = vector.extract_strided_slice %dot_general3A_5 {offsets = [0, 1024], sizes = [256, 64], strides = [1, 1]} : vector<256x2048xf32> to vector<256x64xf32>
    %slice3A_200 = vector.extract_strided_slice %slice3A_199 {offsets = [0, 32], sizes = [256, 32], strides = [1, 1]} : vector<256x64xf32> to vector<256x32xf32>
    %neg3A_201 = arith.constant 0.000000e+00 : f32
    %neg3A_202 = vector.broadcast %neg3A_201 : f32 to vector<256x32xf32>
    %neg3A_203 = arith.subf %neg3A_202, %slice3A_200 : vector<256x32xf32>
    %slice3A_204 = vector.extract_strided_slice %slice3A_199 {offsets = [0, 0], sizes = [256, 32], strides = [1, 1]} : vector<256x64xf32> to vector<256x32xf32>
    %concatenate3A_205 = tpu.concatenate %neg3A_203, %slice3A_204 in 1 : vector<256x32xf32>, vector<256x32xf32> -> vector<256x64xf32>
    %mul3A_206 = arith.mulf %slice3A_199, %get3A_18 : vector<256x64xf32>
    %mul3A_207 = arith.mulf %concatenate3A_205, %get3A_21 : vector<256x64xf32>
    %add3A_208 = arith.addf %mul3A_206, %mul3A_207 : vector<256x64xf32>
    %slice3A_209 = vector.extract_strided_slice %dot_general3A_5 {offsets = [0, 1088], sizes = [256, 64], strides = [1, 1]} : vector<256x2048xf32> to vector<256x64xf32>
    %concatenate3A_210 = tpu.concatenate %add3A_208, %slice3A_209 in 1 : vector<256x64xf32>, vector<256x64xf32> -> vector<256x128xf32>
    %convert_element_type3A_211 = arith.truncf %concatenate3A_210 : vector<256x128xf32> to vector<256x128xbf16>
    %dot_general3A_212 = arith.constant dense<0.000000e+00> : vector<256x2048xf32>
    %dot_general3A_213 = tpu.matmul %convert_element_type3A_211, %convert_element_type3A, %dot_general3A_212 {dimension_numbers = #tpu.dot_dimension_numbers<[1], [1], [0], [0], [0, 0, 1, 0], [], []>, transpose_lhs_hint = false} : vector<256x128xbf16>, vector<2048x128xbf16>, vector<256x2048xf32> -> vector<256x2048xf32>
    %slice3A_214 = vector.extract_strided_slice %mul3A_15 {offsets = [0, 8], sizes = [256, 1], strides = [1, 1]} : vector<256x16xf32> to vector<256x1xf32>
    %max3A_215 = arith.constant 0.000000e+00 : f32
    %max3A_216 = vector.broadcast %max3A_215 : f32 to vector<256x2048xf32>
    %max3A_217 = arith.maximumf %dot_general3A_213, %max3A_216 : vector<256x2048xf32>
    %mul3A_218 = vector.broadcast %slice3A_214 : vector<256x1xf32> to vector<256x2048xf32>
    %mul3A_219 = arith.mulf %mul3A_218, %max3A_217 : vector<256x2048xf32>
    %add3A_220 = arith.addf %add3A_198, %mul3A_219 : vector<256x2048xf32>
    %slice3A_221 = vector.extract_strided_slice %dot_general3A_5 {offsets = [0, 1152], sizes = [256, 64], strides = [1, 1]} : vector<256x2048xf32> to vector<256x64xf32>
    %slice3A_222 = vector.extract_strided_slice %slice3A_221 {offsets = [0, 32], sizes = [256, 32], strides = [1, 1]} : vector<256x64xf32> to vector<256x32xf32>
    %neg3A_223 = arith.constant 0.000000e+00 : f32
    %neg3A_224 = vector.broadcast %neg3A_223 : f32 to vector<256x32xf32>
    %neg3A_225 = arith.subf %neg3A_224, %slice3A_222 : vector<256x32xf32>
    %slice3A_226 = vector.extract_strided_slice %slice3A_221 {offsets = [0, 0], sizes = [256, 32], strides = [1, 1]} : vector<256x64xf32> to vector<256x32xf32>
    %concatenate3A_227 = tpu.concatenate %neg3A_225, %slice3A_226 in 1 : vector<256x32xf32>, vector<256x32xf32> -> vector<256x64xf32>
    %mul3A_228 = arith.mulf %slice3A_221, %get3A_18 : vector<256x64xf32>
    %mul3A_229 = arith.mulf %concatenate3A_227, %get3A_21 : vector<256x64xf32>
    %add3A_230 = arith.addf %mul3A_228, %mul3A_229 : vector<256x64xf32>
    %slice3A_231 = vector.extract_strided_slice %dot_general3A_5 {offsets = [0, 1216], sizes = [256, 64], strides = [1, 1]} : vector<256x2048xf32> to vector<256x64xf32>
    %concatenate3A_232 = tpu.concatenate %add3A_230, %slice3A_231 in 1 : vector<256x64xf32>, vector<256x64xf32> -> vector<256x128xf32>
    %convert_element_type3A_233 = arith.truncf %concatenate3A_232 : vector<256x128xf32> to vector<256x128xbf16>
    %dot_general3A_234 = arith.constant dense<0.000000e+00> : vector<256x2048xf32>
    %dot_general3A_235 = tpu.matmul %convert_element_type3A_233, %convert_element_type3A, %dot_general3A_234 {dimension_numbers = #tpu.dot_dimension_numbers<[1], [1], [0], [0], [0, 0, 1, 0], [], []>, transpose_lhs_hint = false} : vector<256x128xbf16>, vector<2048x128xbf16>, vector<256x2048xf32> -> vector<256x2048xf32>
    %slice3A_236 = vector.extract_strided_slice %mul3A_15 {offsets = [0, 9], sizes = [256, 1], strides = [1, 1]} : vector<256x16xf32> to vector<256x1xf32>
    %max3A_237 = arith.constant 0.000000e+00 : f32
    %max3A_238 = vector.broadcast %max3A_237 : f32 to vector<256x2048xf32>
    %max3A_239 = arith.maximumf %dot_general3A_235, %max3A_238 : vector<256x2048xf32>
    %mul3A_240 = vector.broadcast %slice3A_236 : vector<256x1xf32> to vector<256x2048xf32>
    %mul3A_241 = arith.mulf %mul3A_240, %max3A_239 : vector<256x2048xf32>
    %add3A_242 = arith.addf %add3A_220, %mul3A_241 : vector<256x2048xf32>
    %slice3A_243 = vector.extract_strided_slice %dot_general3A_5 {offsets = [0, 1280], sizes = [256, 64], strides = [1, 1]} : vector<256x2048xf32> to vector<256x64xf32>
    %slice3A_244 = vector.extract_strided_slice %slice3A_243 {offsets = [0, 32], sizes = [256, 32], strides = [1, 1]} : vector<256x64xf32> to vector<256x32xf32>
    %neg3A_245 = arith.constant 0.000000e+00 : f32
    %neg3A_246 = vector.broadcast %neg3A_245 : f32 to vector<256x32xf32>
    %neg3A_247 = arith.subf %neg3A_246, %slice3A_244 : vector<256x32xf32>
    %slice3A_248 = vector.extract_strided_slice %slice3A_243 {offsets = [0, 0], sizes = [256, 32], strides = [1, 1]} : vector<256x64xf32> to vector<256x32xf32>
    %concatenate3A_249 = tpu.concatenate %neg3A_247, %slice3A_248 in 1 : vector<256x32xf32>, vector<256x32xf32> -> vector<256x64xf32>
    %mul3A_250 = arith.mulf %slice3A_243, %get3A_18 : vector<256x64xf32>
    %mul3A_251 = arith.mulf %concatenate3A_249, %get3A_21 : vector<256x64xf32>
    %add3A_252 = arith.addf %mul3A_250, %mul3A_251 : vector<256x64xf32>
    %slice3A_253 = vector.extract_strided_slice %dot_general3A_5 {offsets = [0, 1344], sizes = [256, 64], strides = [1, 1]} : vector<256x2048xf32> to vector<256x64xf32>
    %concatenate3A_254 = tpu.concatenate %add3A_252, %slice3A_253 in 1 : vector<256x64xf32>, vector<256x64xf32> -> vector<256x128xf32>
    %convert_element_type3A_255 = arith.truncf %concatenate3A_254 : vector<256x128xf32> to vector<256x128xbf16>
    %dot_general3A_256 = arith.constant dense<0.000000e+00> : vector<256x2048xf32>
    %dot_general3A_257 = tpu.matmul %convert_element_type3A_255, %convert_element_type3A, %dot_general3A_256 {dimension_numbers = #tpu.dot_dimension_numbers<[1], [1], [0], [0], [0, 0, 1, 0], [], []>, transpose_lhs_hint = false} : vector<256x128xbf16>, vector<2048x128xbf16>, vector<256x2048xf32> -> vector<256x2048xf32>
    %slice3A_258 = vector.extract_strided_slice %mul3A_15 {offsets = [0, 10], sizes = [256, 1], strides = [1, 1]} : vector<256x16xf32> to vector<256x1xf32>
    %max3A_259 = arith.constant 0.000000e+00 : f32
    %max3A_260 = vector.broadcast %max3A_259 : f32 to vector<256x2048xf32>
    %max3A_261 = arith.maximumf %dot_general3A_257, %max3A_260 : vector<256x2048xf32>
    %mul3A_262 = vector.broadcast %slice3A_258 : vector<256x1xf32> to vector<256x2048xf32>
    %mul3A_263 = arith.mulf %mul3A_262, %max3A_261 : vector<256x2048xf32>
    %add3A_264 = arith.addf %add3A_242, %mul3A_263 : vector<256x2048xf32>
    %slice3A_265 = vector.extract_strided_slice %dot_general3A_5 {offsets = [0, 1408], sizes = [256, 64], strides = [1, 1]} : vector<256x2048xf32> to vector<256x64xf32>
    %slice3A_266 = vector.extract_strided_slice %slice3A_265 {offsets = [0, 32], sizes = [256, 32], strides = [1, 1]} : vector<256x64xf32> to vector<256x32xf32>
    %neg3A_267 = arith.constant 0.000000e+00 : f32
    %neg3A_268 = vector.broadcast %neg3A_267 : f32 to vector<256x32xf32>
    %neg3A_269 = arith.subf %neg3A_268, %slice3A_266 : vector<256x32xf32>
    %slice3A_270 = vector.extract_strided_slice %slice3A_265 {offsets = [0, 0], sizes = [256, 32], strides = [1, 1]} : vector<256x64xf32> to vector<256x32xf32>
    %concatenate3A_271 = tpu.concatenate %neg3A_269, %slice3A_270 in 1 : vector<256x32xf32>, vector<256x32xf32> -> vector<256x64xf32>
    %mul3A_272 = arith.mulf %slice3A_265, %get3A_18 : vector<256x64xf32>
    %mul3A_273 = arith.mulf %concatenate3A_271, %get3A_21 : vector<256x64xf32>
    %add3A_274 = arith.addf %mul3A_272, %mul3A_273 : vector<256x64xf32>
    %slice3A_275 = vector.extract_strided_slice %dot_general3A_5 {offsets = [0, 1472], sizes = [256, 64], strides = [1, 1]} : vector<256x2048xf32> to vector<256x64xf32>
    %concatenate3A_276 = tpu.concatenate %add3A_274, %slice3A_275 in 1 : vector<256x64xf32>, vector<256x64xf32> -> vector<256x128xf32>
    %convert_element_type3A_277 = arith.truncf %concatenate3A_276 : vector<256x128xf32> to vector<256x128xbf16>
    %dot_general3A_278 = arith.constant dense<0.000000e+00> : vector<256x2048xf32>
    %dot_general3A_279 = tpu.matmul %convert_element_type3A_277, %convert_element_type3A, %dot_general3A_278 {dimension_numbers = #tpu.dot_dimension_numbers<[1], [1], [0], [0], [0, 0, 1, 0], [], []>, transpose_lhs_hint = false} : vector<256x128xbf16>, vector<2048x128xbf16>, vector<256x2048xf32> -> vector<256x2048xf32>
    %slice3A_280 = vector.extract_strided_slice %mul3A_15 {offsets = [0, 11], sizes = [256, 1], strides = [1, 1]} : vector<256x16xf32> to vector<256x1xf32>
    %max3A_281 = arith.constant 0.000000e+00 : f32
    %max3A_282 = vector.broadcast %max3A_281 : f32 to vector<256x2048xf32>
    %max3A_283 = arith.maximumf %dot_general3A_279, %max3A_282 : vector<256x2048xf32>
    %mul3A_284 = vector.broadcast %slice3A_280 : vector<256x1xf32> to vector<256x2048xf32>
    %mul3A_285 = arith.mulf %mul3A_284, %max3A_283 : vector<256x2048xf32>
    %add3A_286 = arith.addf %add3A_264, %mul3A_285 : vector<256x2048xf32>
    %slice3A_287 = vector.extract_strided_slice %dot_general3A_5 {offsets = [0, 1536], sizes = [256, 64], strides = [1, 1]} : vector<256x2048xf32> to vector<256x64xf32>
    %slice3A_288 = vector.extract_strided_slice %slice3A_287 {offsets = [0, 32], sizes = [256, 32], strides = [1, 1]} : vector<256x64xf32> to vector<256x32xf32>
    %neg3A_289 = arith.constant 0.000000e+00 : f32
    %neg3A_290 = vector.broadcast %neg3A_289 : f32 to vector<256x32xf32>
    %neg3A_291 = arith.subf %neg3A_290, %slice3A_288 : vector<256x32xf32>
    %slice3A_292 = vector.extract_strided_slice %slice3A_287 {offsets = [0, 0], sizes = [256, 32], strides = [1, 1]} : vector<256x64xf32> to vector<256x32xf32>
    %concatenate3A_293 = tpu.concatenate %neg3A_291, %slice3A_292 in 1 : vector<256x32xf32>, vector<256x32xf32> -> vector<256x64xf32>
    %mul3A_294 = arith.mulf %slice3A_287, %get3A_18 : vector<256x64xf32>
    %mul3A_295 = arith.mulf %concatenate3A_293, %get3A_21 : vector<256x64xf32>
    %add3A_296 = arith.addf %mul3A_294, %mul3A_295 : vector<256x64xf32>
    %slice3A_297 = vector.extract_strided_slice %dot_general3A_5 {offsets = [0, 1600], sizes = [256, 64], strides = [1, 1]} : vector<256x2048xf32> to vector<256x64xf32>
    %concatenate3A_298 = tpu.concatenate %add3A_296, %slice3A_297 in 1 : vector<256x64xf32>, vector<256x64xf32> -> vector<256x128xf32>
    %convert_element_type3A_299 = arith.truncf %concatenate3A_298 : vector<256x128xf32> to vector<256x128xbf16>
    %dot_general3A_300 = arith.constant dense<0.000000e+00> : vector<256x2048xf32>
    %dot_general3A_301 = tpu.matmul %convert_element_type3A_299, %convert_element_type3A, %dot_general3A_300 {dimension_numbers = #tpu.dot_dimension_numbers<[1], [1], [0], [0], [0, 0, 1, 0], [], []>, transpose_lhs_hint = false} : vector<256x128xbf16>, vector<2048x128xbf16>, vector<256x2048xf32> -> vector<256x2048xf32>
    %slice3A_302 = vector.extract_strided_slice %mul3A_15 {offsets = [0, 12], sizes = [256, 1], strides = [1, 1]} : vector<256x16xf32> to vector<256x1xf32>
    %max3A_303 = arith.constant 0.000000e+00 : f32
    %max3A_304 = vector.broadcast %max3A_303 : f32 to vector<256x2048xf32>
    %max3A_305 = arith.maximumf %dot_general3A_301, %max3A_304 : vector<256x2048xf32>
    %mul3A_306 = vector.broadcast %slice3A_302 : vector<256x1xf32> to vector<256x2048xf32>
    %mul3A_307 = arith.mulf %mul3A_306, %max3A_305 : vector<256x2048xf32>
    %add3A_308 = arith.addf %add3A_286, %mul3A_307 : vector<256x2048xf32>
    %slice3A_309 = vector.extract_strided_slice %dot_general3A_5 {offsets = [0, 1664], sizes = [256, 64], strides = [1, 1]} : vector<256x2048xf32> to vector<256x64xf32>
    %slice3A_310 = vector.extract_strided_slice %slice3A_309 {offsets = [0, 32], sizes = [256, 32], strides = [1, 1]} : vector<256x64xf32> to vector<256x32xf32>
    %neg3A_311 = arith.constant 0.000000e+00 : f32
    %neg3A_312 = vector.broadcast %neg3A_311 : f32 to vector<256x32xf32>
    %neg3A_313 = arith.subf %neg3A_312, %slice3A_310 : vector<256x32xf32>
    %slice3A_314 = vector.extract_strided_slice %slice3A_309 {offsets = [0, 0], sizes = [256, 32], strides = [1, 1]} : vector<256x64xf32> to vector<256x32xf32>
    %concatenate3A_315 = tpu.concatenate %neg3A_313, %slice3A_314 in 1 : vector<256x32xf32>, vector<256x32xf32> -> vector<256x64xf32>
    %mul3A_316 = arith.mulf %slice3A_309, %get3A_18 : vector<256x64xf32>
    %mul3A_317 = arith.mulf %concatenate3A_315, %get3A_21 : vector<256x64xf32>
    %add3A_318 = arith.addf %mul3A_316, %mul3A_317 : vector<256x64xf32>
    %slice3A_319 = vector.extract_strided_slice %dot_general3A_5 {offsets = [0, 1728], sizes = [256, 64], strides = [1, 1]} : vector<256x2048xf32> to vector<256x64xf32>
    %concatenate3A_320 = tpu.concatenate %add3A_318, %slice3A_319 in 1 : vector<256x64xf32>, vector<256x64xf32> -> vector<256x128xf32>
    %convert_element_type3A_321 = arith.truncf %concatenate3A_320 : vector<256x128xf32> to vector<256x128xbf16>
    %dot_general3A_322 = arith.constant dense<0.000000e+00> : vector<256x2048xf32>
    %dot_general3A_323 = tpu.matmul %convert_element_type3A_321, %convert_element_type3A, %dot_general3A_322 {dimension_numbers = #tpu.dot_dimension_numbers<[1], [1], [0], [0], [0, 0, 1, 0], [], []>, transpose_lhs_hint = false} : vector<256x128xbf16>, vector<2048x128xbf16>, vector<256x2048xf32> -> vector<256x2048xf32>
    %slice3A_324 = vector.extract_strided_slice %mul3A_15 {offsets = [0, 13], sizes = [256, 1], strides = [1, 1]} : vector<256x16xf32> to vector<256x1xf32>
    %max3A_325 = arith.constant 0.000000e+00 : f32
    %max3A_326 = vector.broadcast %max3A_325 : f32 to vector<256x2048xf32>
    %max3A_327 = arith.maximumf %dot_general3A_323, %max3A_326 : vector<256x2048xf32>
    %mul3A_328 = vector.broadcast %slice3A_324 : vector<256x1xf32> to vector<256x2048xf32>
    %mul3A_329 = arith.mulf %mul3A_328, %max3A_327 : vector<256x2048xf32>
    %add3A_330 = arith.addf %add3A_308, %mul3A_329 : vector<256x2048xf32>
    %slice3A_331 = vector.extract_strided_slice %dot_general3A_5 {offsets = [0, 1792], sizes = [256, 64], strides = [1, 1]} : vector<256x2048xf32> to vector<256x64xf32>
    %slice3A_332 = vector.extract_strided_slice %slice3A_331 {offsets = [0, 32], sizes = [256, 32], strides = [1, 1]} : vector<256x64xf32> to vector<256x32xf32>
    %neg3A_333 = arith.constant 0.000000e+00 : f32
    %neg3A_334 = vector.broadcast %neg3A_333 : f32 to vector<256x32xf32>
    %neg3A_335 = arith.subf %neg3A_334, %slice3A_332 : vector<256x32xf32>
    %slice3A_336 = vector.extract_strided_slice %slice3A_331 {offsets = [0, 0], sizes = [256, 32], strides = [1, 1]} : vector<256x64xf32> to vector<256x32xf32>
    %concatenate3A_337 = tpu.concatenate %neg3A_335, %slice3A_336 in 1 : vector<256x32xf32>, vector<256x32xf32> -> vector<256x64xf32>
    %mul3A_338 = arith.mulf %slice3A_331, %get3A_18 : vector<256x64xf32>
    %mul3A_339 = arith.mulf %concatenate3A_337, %get3A_21 : vector<256x64xf32>
    %add3A_340 = arith.addf %mul3A_338, %mul3A_339 : vector<256x64xf32>
    %slice3A_341 = vector.extract_strided_slice %dot_general3A_5 {offsets = [0, 1856], sizes = [256, 64], strides = [1, 1]} : vector<256x2048xf32> to vector<256x64xf32>
    %concatenate3A_342 = tpu.concatenate %add3A_340, %slice3A_341 in 1 : vector<256x64xf32>, vector<256x64xf32> -> vector<256x128xf32>
    %convert_element_type3A_343 = arith.truncf %concatenate3A_342 : vector<256x128xf32> to vector<256x128xbf16>
    %dot_general3A_344 = arith.constant dense<0.000000e+00> : vector<256x2048xf32>
    %dot_general3A_345 = tpu.matmul %convert_element_type3A_343, %convert_element_type3A, %dot_general3A_344 {dimension_numbers = #tpu.dot_dimension_numbers<[1], [1], [0], [0], [0, 0, 1, 0], [], []>, transpose_lhs_hint = false} : vector<256x128xbf16>, vector<2048x128xbf16>, vector<256x2048xf32> -> vector<256x2048xf32>
    %slice3A_346 = vector.extract_strided_slice %mul3A_15 {offsets = [0, 14], sizes = [256, 1], strides = [1, 1]} : vector<256x16xf32> to vector<256x1xf32>
    %max3A_347 = arith.constant 0.000000e+00 : f32
    %max3A_348 = vector.broadcast %max3A_347 : f32 to vector<256x2048xf32>
    %max3A_349 = arith.maximumf %dot_general3A_345, %max3A_348 : vector<256x2048xf32>
    %mul3A_350 = vector.broadcast %slice3A_346 : vector<256x1xf32> to vector<256x2048xf32>
    %mul3A_351 = arith.mulf %mul3A_350, %max3A_349 : vector<256x2048xf32>
    %add3A_352 = arith.addf %add3A_330, %mul3A_351 : vector<256x2048xf32>
    %slice3A_353 = vector.extract_strided_slice %dot_general3A_5 {offsets = [0, 1920], sizes = [256, 64], strides = [1, 1]} : vector<256x2048xf32> to vector<256x64xf32>
    %slice3A_354 = vector.extract_strided_slice %slice3A_353 {offsets = [0, 32], sizes = [256, 32], strides = [1, 1]} : vector<256x64xf32> to vector<256x32xf32>
    %neg3A_355 = arith.constant 0.000000e+00 : f32
    %neg3A_356 = vector.broadcast %neg3A_355 : f32 to vector<256x32xf32>
    %neg3A_357 = arith.subf %neg3A_356, %slice3A_354 : vector<256x32xf32>
    %slice3A_358 = vector.extract_strided_slice %slice3A_353 {offsets = [0, 0], sizes = [256, 32], strides = [1, 1]} : vector<256x64xf32> to vector<256x32xf32>
    %concatenate3A_359 = tpu.concatenate %neg3A_357, %slice3A_358 in 1 : vector<256x32xf32>, vector<256x32xf32> -> vector<256x64xf32>
    %mul3A_360 = arith.mulf %slice3A_353, %get3A_18 : vector<256x64xf32>
    %mul3A_361 = arith.mulf %concatenate3A_359, %get3A_21 : vector<256x64xf32>
    %add3A_362 = arith.addf %mul3A_360, %mul3A_361 : vector<256x64xf32>
    %slice3A_363 = vector.extract_strided_slice %dot_general3A_5 {offsets = [0, 1984], sizes = [256, 64], strides = [1, 1]} : vector<256x2048xf32> to vector<256x64xf32>
    %concatenate3A_364 = tpu.concatenate %add3A_362, %slice3A_363 in 1 : vector<256x64xf32>, vector<256x64xf32> -> vector<256x128xf32>
    %convert_element_type3A_365 = arith.truncf %concatenate3A_364 : vector<256x128xf32> to vector<256x128xbf16>
    %dot_general3A_366 = arith.constant dense<0.000000e+00> : vector<256x2048xf32>
    %dot_general3A_367 = tpu.matmul %convert_element_type3A_365, %convert_element_type3A, %dot_general3A_366 {dimension_numbers = #tpu.dot_dimension_numbers<[1], [1], [0], [0], [0, 0, 1, 0], [], []>, transpose_lhs_hint = false} : vector<256x128xbf16>, vector<2048x128xbf16>, vector<256x2048xf32> -> vector<256x2048xf32>
    %slice3A_368 = vector.extract_strided_slice %mul3A_15 {offsets = [0, 15], sizes = [256, 1], strides = [1, 1]} : vector<256x16xf32> to vector<256x1xf32>
    %max3A_369 = arith.constant 0.000000e+00 : f32
    %max3A_370 = vector.broadcast %max3A_369 : f32 to vector<256x2048xf32>
    %max3A_371 = arith.maximumf %dot_general3A_367, %max3A_370 : vector<256x2048xf32>
    %mul3A_372 = vector.broadcast %slice3A_368 : vector<256x1xf32> to vector<256x2048xf32>
    %mul3A_373 = arith.mulf %mul3A_372, %max3A_371 : vector<256x2048xf32>
    %add3A_374 = arith.addf %add3A_352, %mul3A_373 : vector<256x2048xf32>
    %swap3A = arith.constant 0 : index
    %swap3A_375 = arith.constant 0 : index
    %swap3A_376 = vector.load %arg9[%swap3A, %swap3A_375] : memref<256x2048xf32, #tpu.memory_space<vmem>>, vector<256x2048xf32>
    tpu.vector_store %arg9[%swap3A, %swap3A_375], %add3A_374 {strides = array<i32>} : memref<256x2048xf32, #tpu.memory_space<vmem>>, vector<256x2048xf32>,
    %bitcast_convert_type3A = tpu.bitcast %add3A_374 : vector<256x2048xf32> -> vector<256x2048xi32>
    %lt3A = arith.constant 0 : i32
    %lt3A_377 = vector.broadcast %lt3A : i32 to vector<256x2048xi32>
    %lt3A_378 = arith.cmpi slt, %bitcast_convert_type3A, %lt3A_377 : vector<256x2048xi32>
    %xor3A = arith.constant -2147483648 : i32
    %xor3A_379 = vector.broadcast %xor3A : i32 to vector<256x2048xi32>
    %xor3A_380 = arith.xori %bitcast_convert_type3A, %xor3A_379 : vector<256x2048xi32>
    %not3A = arith.constant dense<-1> : vector<256x2048xi32>
    %not3A_381 = arith.xori %bitcast_convert_type3A, %not3A : vector<256x2048xi32>
    %select_n3A = arith.select %lt3A_378, %xor3A_380, %not3A_381 : vector<256x2048xi1>, vector<256x2048xi32>
    %swap3A_382 = arith.constant 0 : index
    %swap3A_383 = arith.constant 0 : index
    %swap3A_384 = vector.load %arg10[%swap3A_382, %swap3A_383] : memref<256x2048xi32, #tpu.memory_space<vmem>>, vector<256x2048xi32>
    tpu.vector_store %arg10[%swap3A_382, %swap3A_383], %select_n3A {strides = array<i32>} : memref<256x2048xi32, #tpu.memory_space<vmem>>, vector<256x2048xi32>,
    return
  }
  func.func @transform_0(%arg0: i32) -> (i32, i32) {
    %c0_i32 = arith.constant 0 : i32
    %c0_i32_0 = arith.constant 0 : i32
    return %arg0, %c0_i32 : i32, i32
  }
  func.func @transform_1(%arg0: i32) -> (i32, i32) {
    %c0_i32 = arith.constant 0 : i32
    %c0_i32_0 = arith.constant 0 : i32
    %c0_i32_1 = arith.constant 0 : i32
    return %c0_i32, %c0_i32_0 : i32, i32
  }
  func.func @transform_2(%arg0: i32) -> (i32, i32) {
    %c0_i32 = arith.constant 0 : i32
    %c0_i32_0 = arith.constant 0 : i32
    return %arg0, %c0_i32 : i32, i32
  }
  func.func @transform_3(%arg0: i32) -> (i32, i32) {
    %c0_i32 = arith.constant 0 : i32
    %c0_i32_0 = arith.constant 0 : i32
    %c0_i32_1 = arith.constant 0 : i32
    return %c0_i32, %c0_i32_0 : i32, i32
  }
  func.func @transform_4(%arg0: i32) -> (i32, i32) {
    %c0_i32 = arith.constant 0 : i32
    %c0_i32_0 = arith.constant 0 : i32
    return %arg0, %c0_i32 : i32, i32
  }
  func.func @transform_5(%arg0: i32) -> (i32, i32) {
    %c0_i32 = arith.constant 0 : i32
    %c0_i32_0 = arith.constant 0 : i32
    return %arg0, %c0_i32 : i32, i32
  }
  func.func @transform_6(%arg0: i32) -> (i32, i32) {
    %c0_i32 = arith.constant 0 : i32
    %c0_i32_0 = arith.constant 0 : i32
    %c0_i32_1 = arith.constant 0 : i32
    return %c0_i32, %c0_i32_0 : i32, i32
  }
  func.func @transform_7(%arg0: i32) -> (i32, i32) {
    %c0_i32 = arith.constant 0 : i32
    %c0_i32_0 = arith.constant 0 : i32
    return %arg0, %c0_i32 : i32, i32
  }
  func.func @transform_8(%arg0: i32) -> (i32, i32) {
    %c0_i32 = arith.constant 0 : i32
    %c0_i32_0 = arith.constant 0 : i32
    return %arg0, %c0_i32 : i32, i32
  }
  func.func @transform_9(%arg0: i32) -> (i32, i32) {
    %c0_i32 = arith.constant 0 : i32
    %c0_i32_0 = arith.constant 0 : i32
    return %arg0, %c0_i32 : i32, i32
  }
}

</mosaic_0001>

<sc_bundles>
// kernel: kernel.5.cloned.1.call-start
scs
__scs_entry_jumppad:
0x0: {  	(pc) =	sbr.rel $0x88, $3  }
0x1: {  	(tag) =	ssettag $0x0;
	lr =	simm.s32 $0x1  }
0x2: {  	[smem:$0x3F98] =	sst lr;
	_ =	strace $0xD0000000  }
0x3: {  	_ = 	snop  }
0x4: {  	_ = 	snop  }
0x5: {  	_ = 	snop  }
0x6: {  	_ = 	snop  }
0x7: {  	_ = 	snop  }
__scs_overlays_trampoline_lowered:
0x8: {  	[smem:$0x3FA7] =	sst s0  }
0x9: {  	[smem:$0x3FA8] =	sst s1  }
0xa: {  	[smem:$0x3FA9] =	sst s2  }
0xb: {  	[smem:$0x3FAA] =	sst s3  }
0xc: {  	[smem:$0x3FAB] =	sst s4  }
0xd: {  	[smem:$0x3FAC] =	sst s5  }
0xe: {  	[smem:$0x3FAD] =	sst s6  }
0xf: {  	[smem:$0x3FAE] =	sst s7  }
0x10: {  	[smem:$0x3FAF] =	sst s8  }
0x11: {  	[smem:$0x3FB0] =	sst s9;
	s0 =	simm.s32 @!p0 $0x0  }
0x12: {  	s1 =	sld [smem:$0x3F96];
	s0 =	simm.s32 @p0 $0x1  }
0x13: {  	[smem:$0x3FB1] =	sst s0;
	s0 =	simm.s32 @!p1 $0x0  }
0x14: {  	s2 =	sld [smem:$0x3F95];
	s0 =	simm.s32 @p1 $0x1  }
0x15: {  	[smem:$0x3FB2] =	sst s0;
	s0 =	simm.s32 @!p2 $0x0  }
0x16: {  	s3 =	sld [smem:$0x3FDB];
	s0 =	simm.s32 @p2 $0x1  }
0x17: {  	s4 =	simm.s32 $0x1BF5;
	[smem:$0x3FB4] =	sst s0  }
0x18: {  	s0 =	sld [smem:$0x3F97];
	_ =	swait.ge [sflag:s4], $0x0  }
0x19: {  	s7 =	sld [smem:$0x3F98]  }
0x1a: {  	s8 =	sadd.s32 $0xFFFFE003, lr  }
0x1b: {  	s9 =	sadd.s32 $0xFFFFFEF7, lr;
	s5 =	simm.s32 $0xFFFFFFFF;
	p2 =	slt.u32 s8, $0xFFFFF086  }
0x1c: {  	p1 =	slt.u32 s9, $0xF7A;
	s5 =	simm.s32 @!p2 $0x0  }
0x1d: {  	s5 =	simm.s32 @p1 $0x1;
	p0 =	seq.s32 s7, s2  }
0x1e: {  	s7 =	smul.u32 @!p0 $0xF7A, s2;
	p2 =	seq.s32 @!p0 s5, $0x0  }
0x1f: {  	s9 =	smul.u32 $0xF7A, s1;
	s8 =	simm.s32 @!p0 $0x1BF5;
	p2 =	por !p2, p0  }
0x20: {  	[sflag:s8] =	ssyncset.s32 @!p0 $0xFFFFF086;
	s6 =	sadd.s32 @!p0 s3, s7;
	s7 =	simm.s32 @!p0 $0x108  }
0x21: {  	s3 =	sadd.s32 s3, s9;
	s6 =	sadd.s32 @!p0 $0x88, s6;
	s7 =	simm.s32 @p2 $0x1082  }
0x22: {  	[simem:s7], [sflag:s8] =	dma.local @!p0 [hbm:s6], $0xF7A  }
0x23: {  	s9 =	sor.u32 $0xD0000000, s2;
	s6 =	simm.s32 $0x108;
	_ =	swait.ge @!p0 [sflag:s8], $0x0  }
0x24: {  	s3 =	sadd.s32 $0x88, s3;
	s6 =	simm.s32 @!p1 $0x1082;
	[sflag:s4] =	ssyncset.s32 $0xFFFFF086  }
0x25: {  	[simem:s6], [sflag:s4] =	dma.local [hbm:s3], $0xF7A  }
0x26: {  	[smem:$0x3F98] =	sst s1;
	(tag) =	ssettag s2;
	_ =	strace s9  }
0x27: {  	s1 =	sld [smem:$0x3FA8]  }
0x28: {  	s2 =	sld [smem:$0x3FA9]  }
0x29: {  	s4 =	sld [smem:$0x3FAB]  }
0x2a: {  	p0 =	seq.s32 s5, $0x0;
	s5 =	sld [smem:$0x3FAC]  }
0x2b: {  	s6 =	sld [smem:$0x3FAD]  }
0x2c: {  	s7 =	sld [smem:$0x3FAE]  }
0x2d: {  	s3 =	simm.s32 $0x108;
	s8 =	sld [smem:$0x3FAF]  }
0x2e: {  	s3 =	simm.s32 @!p0 $0x1082;
	s9 =	sld [smem:$0x3FB0]  }
0x2f: {  	lr =	sadd.s32 s0, s3;
	s0 =	sld [smem:$0x3FA7]  }
0x30: {  	s3 =	sld [smem:$0x3FAA]  }
0x31: {  	[smem:$0x3FB3] =	sst s10  }
0x32: {  	s10 =	sld [smem:$0x3FB1];
	_ =	sdelay $0x3  }
0x33: {  	p0 =	seq.s32 s10, $0x1;
	s10 =	sld [smem:$0x3FB3];
	_ =	sdelay $0x3  }
0x34: {  	[smem:$0x3FB3] =	sst s10  }
0x35: {  	s10 =	sld [smem:$0x3FB2];
	_ =	sdelay $0x3  }
0x36: {  	p1 =	seq.s32 s10, $0x1;
	s10 =	sld [smem:$0x3FB3];
	_ =	sdelay $0x3  }
0x37: {  	[smem:$0x3FB3] =	sst s10  }
0x38: {  	s10 =	sld [smem:$0x3FB4]  }
0x39: {  	_ = 	snop;
	(pc) =	sbr.ind lr, $3  }
0x3a: {  	_ = 	snop  }
0x3b: {  	_ = 	snop  }
0x3c: {  	p2 =	seq.s32 s10, $0x1;
	s10 =	sld [smem:$0x3FB3]  }
0x3d: {  	_ =	shalt  }
0x3e: {  	_ =	shalt  }
0x3f: {  	_ =	shalt  }
0x40: {  	_ =	shalt  }
0x41: {  	_ =	shalt  }
0x42: {  	_ =	shalt  }
0x43: {  	_ =	shalt  }
0x44: {  	_ =	shalt  }
0x45: {  	_ =	shalt  }
0x46: {  	_ =	shalt  }
0x47: {  	_ =	shalt  }
0x48: {  	_ =	shalt  }
0x49: {  	_ =	shalt  }
0x4a: {  	_ =	shalt  }
0x4b: {  	_ =	shalt  }
0x4c: {  	_ =	shalt  }
0x4d: {  	_ =	shalt  }
0x4e: {  	_ =	shalt  }
0x4f: {  	_ =	shalt  }
0x50: {  	_ =	shalt  }
0x51: {  	_ =	shalt  }
0x52: {  	_ =	shalt  }
0x53: {  	_ =	shalt  }
0x54: {  	_ =	shalt  }
0x55: {  	_ =	shalt  }
0x56: {  	_ =	shalt  }
0x57: {  	_ =	shalt  }
0x58: {  	_ =	shalt  }
0x59: {  	_ =	shalt  }
0x5a: {  	_ =	shalt  }
0x5b: {  	_ =	shalt  }
0x5c: {  	_ =	shalt  }
0x5d: {  	_ =	shalt  }
0x5e: {  	_ =	shalt  }
0x5f: {  	_ =	shalt  }
0x60: {  	_ =	shalt  }
0x61: {  	_ =	shalt  }
0x62: {  	_ =	shalt  }
0x63: {  	_ =	shalt  }
0x64: {  	_ =	shalt  }
0x65: {  	_ =	shalt  }
0x66: {  	_ =	shalt  }
0x67: {  	_ =	shalt  }
0x68: {  	_ =	shalt  }
0x69: {  	_ =	shalt  }
0x6a: {  	_ =	shalt  }
0x6b: {  	_ =	shalt  }
0x6c: {  	_ =	shalt  }
0x6d: {  	_ =	shalt  }
0x6e: {  	_ =	shalt  }
0x6f: {  	_ =	shalt  }
0x70: {  	_ =	shalt  }
0x71: {  	_ =	shalt  }
0x72: {  	_ =	shalt  }
0x73: {  	_ =	shalt  }
0x74: {  	_ =	shalt  }
0x75: {  	_ =	shalt  }
0x76: {  	_ =	shalt  }
0x77: {  	_ =	shalt  }
0x78: {  	_ =	shalt  }
0x79: {  	_ =	shalt  }
0x7a: {  	_ =	shalt  }
0x7b: {  	_ =	shalt  }
0x7c: {  	_ =	shalt  }
0x7d: {  	_ =	shalt  }
0x7e: {  	_ =	shalt  }
0x7f: {  	_ =	shalt  }
0x80: {  	_ =	shalt  }
0x81: {  	_ =	shalt  }
0x82: {  	_ =	shalt  }
0x83: {  	_ =	shalt  }
0x84: {  	_ =	shalt  }
0x85: {  	_ =	shalt  }
0x86: {  	_ =	shalt  }
0x87: {  	_ =	shalt  }
.Lfunc_end0:
.L_simem_size_0:
called_computation_lowered:
.L_overlay_start_0:
0x88: {  	s2 =	sld [smem:$0x3FD9]  }
0x89: {  	s3 =	sld [smem:$0x3FFE];
	_ =	sdelay $0x1  }
0x8a: {  	s1 =	srdreg.scid  }
0x8b: {  	s0 =	sand.u32 $0x1, s1  }
0x8c: {  	s14 =	sshll.u32 s0, $0xA;
	s2 =	sadd.s32 s3, s2  }
0x8d: {  	s2 =	sadd.s32 s2, s14  }
0x8e: {  	[smem:$0x3FBF] =	sst s2  }
0x8f: {  	_ = 	snop  }
0x90: {  	s2 =	sld [smem:$0x3FD0];
	_ =	sdelay $0x2  }
0x91: {  	s15 =	simm.s32 $0xA;
	s4 =	simm.s32 $0x10  }
0x92: {  	[smem:s4], [sflag:s15] =	dma.local [hbm:s2], $0x1  }
0x93: {  	_ =	swait.eq [sflag:s15], $0x1  }
0x94: {  	s16 =	sld [smem:$0x10];
	[sflag:s15] =	ssyncset.done $0x0  }
0x95: {  	s17 =	sld [smem:$0x11];
	[sflag:s15] =	ssyncadd.s32 $0xFFFFFFFF  }
0x96: {  	s18 =	sld [smem:$0x12];
	(tm) =	ssettm $0x1  }
0x97: {  	s5 =	sld [smem:$0x3FFB];
	_ =	sdelay $0x3  }
0x98: {  	_ =	strace s5  }
0x99: {  	s5 =	sld [smem:$0x3FFC];
	_ =	sdelay $0x3  }
0x9a: {  	_ =	strace s5  }
0x9b: {  	s5 =	sld [smem:$0x3FFD];
	_ =	sdelay $0x3  }
0x9c: {  	_ =	strace s5  }
0x9d: {  	_ =	strace $0x8FFFFFFF  }
0x9e: {  	s19 =	sld [smem:$0x3FDB];
	_ =	sdelay $0x1  }
0x9f: {  	s6 =	simm.s32 $_scs_section_size  }
0xa0: {  	s7 =	simm.s32 $_size__tile_overlayer_lowered;
	s8 =	simm.s32 $_tile_overlayer_lowered  }
0xa1: {  	s22 =	simm.s32 $0x1BFF;
	s21 =	sshll.u32 s8, $0x1;
	s5 =	sadd.s32 s6, s19  }
0xa2: {  	s9 =	simm.s32 $0x0;
	s20 =	sshll.u32 s7, $0x1;
	s7 =	sadd.s32 s21, s5  }
0xa3: {  	[timem:s9], [sflag:s22] =	dma.local [hbm:s7], s20  }
0xa4: {  	_ =	swait.ge [sflag:s22], s20  }
0xa5: {  	s6 =	ssub.s32 $0x0, s20;
	[sflag:s22] =	ssyncset.done $0x0  }
0xa6: {  	[sflag:s22] =	ssyncadd.s32 s6;
	_ =	sdelay $0x1  }
0xa7: {  	s23 =	simm.s32 $0x1B8B  }
0xa8: {  	_ =	swait.ge [sflag:s23], $0x1  }
0xa9: {  	[sflag:s23] =	ssyncset.done $0x0  }
0xaa: {  	s25 =	simm.s32 $0x1B8E;
	s24 =	sld [smem:$0x3FFE];
	[sflag:s23] =	ssyncadd.s32 $0xFFFFFFFF  }
0xab: {  	s26 =	simm.s32 $execute0_lowered;
	[smem:$0x3FD2] =	sst s25  }
0xac: {  	s7 =	sshll.u32 s26, $0x1;
	_ =	strace $0x80000046;
	[dreg:$0x1] =	wrdreg $0xFFFFFFFF  }
0xad: {  	s28 =	simm.s32 $_size_execute0_lowered;
	s5 =	sadd.s32 s5, s7;
	[dreg:$0x0] =	wrdreg $0x0  }
0xae: {  	s7 =	sshll.u32 s28, $0x1;
	[dreg:$0x2] =	wrdreg s5  }
0xaf: {  	[dreg:$0x3] =	wrdreg s7  }
0xb0: {  	[dreg:$0x4] =	wrdreg $0xC0  }
0xb1: {  	_ =	task [dreg:s9], $0x5FFFF  }
0xb2: {  	[dreg:$0x1] =	wrdreg $0xFFFFFFFF  }
0xb3: {  	[dreg:$0x0] =	wrdreg $0x60  }
0xb4: {  	[dreg:$0x2] =	wrdreg s16  }
0xb5: {  	[dreg:$0x3] =	wrdreg s18  }
0xb6: {  	[dreg:$0x4] =	wrdreg s17  }
0xb7: {  	[dreg:$0x5] =	wrdreg s24  }
0xb8: {  	[dreg:$0x6] =	wrdreg $0x9  }
0xb9: {  	_ =	task.clear_ibuf [dreg:s9], $0x7FFFF;
	_ =	strace $0x90000046  }
0xba: {  	s29 =	simm.s32 $0x9;
	_ =	strace $0x80000048  }
0xbb: {  	_ =	swait.ge [sflag:s29], $0x1  }
0xbc: {  	[sflag:s29] =	ssyncadd.s32 $0xFFFFFFFF  }
0xbd: {  	_ =	strace $0x90000048  }
0xbe: {  	_ =	sfence  }
0xbf: {  	s30 =	sld [smem:$0x0];
	_ =	sdelay $0x2  }
0xc0: {  	s31 =	sshll.u32 s1, $0xD;
	s1 =	sshrl.u32 s1, $0x2  }
0xc1: {  	s3 =	sand.u32 $0x4000, s31;
	s1 =	sadd.s32 s1, s30  }
0xc2: {  	s0 =	sor.u32 s3, s0;
	s1 =	sshll.u32 s1, $0x11  }
0xc3: {  	s0 =	sor.u32 s1, s0  }
0xc4: {  	s0 =	sadd.s32 $0x8F2B, s0  }
0xc5: {  	[sflag:s0] =	ssyncadd.remote.s32 $0x1  }
0xc6: {  	_ =	sfence.sel $0xFFFF  }
0xc7: {  	[dreg:$0x0] =	wrdreg $0xFFFFFFFF;
	(pc) =	sbr.abs _section_cstart, $3  }
0xc8: {  	[dreg:$0x1] =	wrdreg $0xFFFFFFFF  }
0xc9: {  	_ =	task.clear_ibuf [dreg:s9], $0x2FFFF;
	_ =	strace $0x9FFFFFFF  }
0xca: {  	(tm) =	ssettm $0x7FFFFFFF  }
0xcb: {  	_ =	shalt  }
tec
execute0_lowered:
.L_overlay_start_1:
0x0: {  	(tag) =	ssettag $0x1  }
0x1: {  	s0 =	rddreg [dreg:$0x3];
	s1 =	simm.s32 $0x0;
	s25 =	srdreg.scid  }
0x2: {  	s4 =	stileid.u32;
	s12 =	simm.s32 $0x2000;
	s13 =	simm.s32 $0x6000  }
0x3: {  	s14 =	simm.s32 $0x9400;
	s15 =	simm.s32 $0x6200;
	s16 =	simm.s32 $0x9600  }
0x4: {  	s17 =	simm.s32 $0x4800;
	s18 =	simm.s32 $0x7C00;
	s19 =	simm.s32 $0x5800  }
0x5: {  	s20 =	simm.s32 $0x8C00;
	s21 =	simm.s32 $0x4000;
	s22 =	simm.s32 $0x7400  }
0x6: {  	s23 =	simm.s32 $0x5000;
	s24 =	simm.s32 $0x8400;
	s29 =	simm.s32 $0x6400  }
0x7: {  	[smem:$0x7FF] =	sst s1;
	s1 =	sand.u32 $0x1, s25;
	s2 =	sadd.s32 $0x83800, s0  }
0x8: {  	s4 =	sshll.u32 s4, $0x7;
	s0 =	sadd.s32 $0x3800, s0;
	_ =	strace $0x80000047  }
0x9: {  	[dreg:$0x5] =	wrdreg s2;
	s26 =	ssub.s32 $0x2, s1;
	s1 =	sshll.u32 s1, $0x6  }
0xa: {  	[dreg:$0x6] =	wrdreg s0;
	s3 =	sshrl.u32 s26, $0x1;
	s1 =	sor.u32 s1, s4  }
0xb: {  	v1 =	vlaneseq.u32;
	s28 =	ssub.s32 s26, s3;
	[dreg:$0x7] =	wrdreg s1;
	s30 =	sor.u32 $0x10, s1  }
0xc: {  	s31 =	simm.s32 $0x0;
	v2 =	vmul.u32 $0x80, v1;
	s0 =	smax.u32 s28, $0x1;
	[dreg:$0x9] =	wrdreg s30  }
0xd: {  	v0 =	vimm.s32 $0x0;
	v3 =	vimm.s32 $0x1;
	v4 =	vimm.f32 $-3.389531390e+38;
	s3 =	simm.s32 $0x1;
	s1 =	simm.s32 $0x0;
	[dreg:$0x8] =	wrdreg s0  }
.LBB2_1:
0xe: {  	[dreg:$0xa] =	wrdreg s1;
	s0 =	simm.s32 $0x6040  }
0xf: {  	[tilespmem:s0+$0x30] =	vst v0  }
0x10: {  	[tilespmem:s0+$0xFFFFFFF0] =	vst v0  }
0x11: {  	[tilespmem:s0+$0xFFFFFFC0] =	vst v0  }
0x12: {  	[tilespmem:s0+$0xFFFFFFE0] =	vst v0  }
0x13: {  	[tilespmem:s0+$0x10] =	vst v0  }
0x14: {  	[tilespmem:s0+$0x20] =	vst v0  }
0x15: {  	[tilespmem:s0+$0x0] =	vst v0  }
0x16: {  	s1 =	simm.s32 $0x9440;
	[tilespmem:s0+$0xFFFFFFD0] =	vst v0  }
0x17: {  	[tilespmem:s1+$0xFFFFFFC0] =	vst v0  }
0x18: {  	[tilespmem:s1+$0x30] =	vst v0  }
0x19: {  	[tilespmem:s1+$0x20] =	vst v0  }
0x1a: {  	[tilespmem:s1+$0x10] =	vst v0  }
0x1b: {  	[tilespmem:s1+$0xFFFFFFE0] =	vst v0  }
0x1c: {  	[tilespmem:s1+$0x0] =	vst v0  }
0x1d: {  	s2 =	simm.s32 $0x0;
	[tilespmem:s1+$0xFFFFFFF0] =	vst v0  }
.LBB2_2:
0x1e: {  	s2 =	sadd.s32 $0x80, s2;
	[tilespmem:s1+$0xFFFFFFD0] =	vst v0;
	s0 =	sadd.s32 $0x80, s0;
	s1 =	sadd.s32 $0x80, s1  }
0x1f: {  	[tilespmem:s0+$0x30] =	vst v0;
	p0 =	slt.u32 s2, $0x180  }
0x20: {  	[tilespmem:s0+$0xFFFFFFF0] =	vst v0  }
0x21: {  	[tilespmem:s0+$0xFFFFFFC0] =	vst v0  }
0x22: {  	[tilespmem:s1+$0xFFFFFFC0] =	vst v0  }
0x23: {  	[tilespmem:s1+$0x30] =	vst v0  }
0x24: {  	[tilespmem:s0+$0xFFFFFFE0] =	vst v0  }
0x25: {  	[tilespmem:s0+$0x10] =	vst v0  }
0x26: {  	[tilespmem:s0+$0x20] =	vst v0  }
0x27: {  	[tilespmem:s1+$0x20] =	vst v0  }
0x28: {  	[tilespmem:s1+$0x10] =	vst v0  }
.Ltmp0:
0x29: {  	[tilespmem:s1+$0xFFFFFFE0] =	vst v0;
	(pc) =	sbr.rel @p0 .LBB2_2-.Ltmp0, $4  }
0x2a: {  	[tilespmem:s0+$0x0] =	vst v0  }
0x2b: {  	[tilespmem:s1+$0x0] =	vst v0  }
0x2c: {  	[tilespmem:s1+$0xFFFFFFF0] =	vst v0  }
0x2d: {  	[tilespmem:s0+$0xFFFFFFD0] =	vst v0  }
0x2e: {  	[tilespmem:s1+$0xFFFFFFD0] =	vst v0  }
0x2f: {  	s0 =	simm.s32 $0x0;
	s2 =	rddreg [dreg:$0x9]  }
.LBB2_4:
0x30: {  	s7 =	sshll.u32 s0, $0x2;
	s1 =	rddreg [dreg:$0x7]  }
0x31: {  	[dreg:$0xc] =	wrdreg s0;
	s0 =	sadd.s32 s1, s7  }
0x32: {  	s8 =	rddreg [dreg:$0x0];
	s4 =	sshll.u32 s0, $0x8  }
0x33: {  	s1 =	sadd.s32 s8, s4  }
0x34: {  	[tilespmem:s31], [sflag:$0x1] =	stream.linear.gather [hbm4b:s1+s31], $0x2000, $0x38;
	[tilespmem:$0xF800] =	vst v63  }
0x35: {  	_ =	swait.ge [sflag:s3], $0x2000  }
0x36: {  	[sflag:s3] =	ssyncset.done $0x0  }
0x37: {  	s10 =	sand.u32 $0xFFFFFF80, s2;
	[sflag:s3] =	ssyncadd.s32 $0xFFFFE000  }
0x38: {  	s11 =	sand.u32 $0x3FFFFF80, s2;
	p3 =	por $0x1, $0x1;
	s9 =	rddreg [dreg:$0x1]  }
0x39: {  	s28 =	simm.s32 $0x0;
	[dreg:$0xd] =	wrdreg s4;
	s1 =	sadd.s32 s9, s4  }
0x3a: {  	[tilespmem:s12], [sflag:$0x1] =	stream.linear.gather [hbm4b:s1+s31], $0x2000, $0x38;
	[tilespmem:$0xF800] =	vst v63  }
0x3b: {  	s25 =	sadd.s32 $0x8C00, s11;
	[dreg:$0xb] =	wrdreg s2;
	s1 =	sadd.s32 $0xFFFFFFF0, s10  }
0x3c: {  	s26 =	sadd.s32 $0x5800, s11;
	_ =	swait.ge [sflag:s3], $0x2000;
	[dreg:$0xe] =	wrdreg s1  }
0x3d: {  	s30 =	sadd.s32 $0x10, s0;
	[dreg:$0xf] =	wrdreg s25;
	[sflag:s3] =	ssyncset.done $0x0  }
0x3e: {  	s25 =	sand.u32 $0xF80, s30;
	[sflag:s3] =	ssyncadd.s32 $0xFFFFE000;
	s3 =	sand.u32 $0x7F0, s0  }
0x3f: {  	[dreg:$0x10] =	wrdreg s26;
	p0 =	seq.s32 s25, $0x0;
	p1 =	sle.u32 s25, s3  }
.LBB2_5:
0x40: {  	s26 =	sshll.u32 s28, $0xC  }
0x41: {  	s7 =	simm.s32 $0x0;
	s6 =	sor.u32 $0x800, s26;
	v5 =	vor.u32 s26, v2  }
0x42: {  	v6 =	vor.u32 s6, v2;
	v7 =	vor.u32 s7, v5  }
0x43: {  	v8 =	vor.u32 s7, v6;
	_ =	sdelay $0x1  }
0x44: {  	s1 =	simm.s32 $0x3  }
0x45: {  	v9 =	vor.u32 s1, v5  }
0x46: {  	s9 =	simm.s32 $0x2;
	v10 =	vor.u32 s1, v6;
	v7 =	vld.idx.msk [tilespmem:v7+s12+$0x0], $0xffff  }
0x47: {  	s4 =	simm.s32 $0x1;
	v11 =	vor.u32 s9, v5;
	v8 =	vld.idx.msk [tilespmem:v8+s12+$0x0], $0xffff  }
0x48: {  	v13 =	vor.u32 s4, v5  }
0x49: {  	v12 =	vor.u32 s9, v6  }
0x4a: {  	s10 =	simm.s32 $0x4;
	v14 =	vor.u32 s4, v6;
	v9 =	vld.idx.msk [tilespmem:v9+s12+$0x0], $0xffff  }
0x4b: {  	v15 =	vor.u32 s10, v5;
	v10 =	vld.idx.msk [tilespmem:v10+s12+$0x0], $0xffff;
	v7 =	vshll.u32 v7, $0x4  }
0x4c: {  	v16 =	vor.u32 s10, v6;
	v11 =	vld.idx.msk [tilespmem:v11+s12+$0x0], $0xffff;
	v7 =	vor.u32 v1, v7;
	v8 =	vshll.u32 v8, $0x4  }
0x4d: {  	v13 =	vld.idx.msk [tilespmem:v13+s12+$0x0], $0xffff;
	v17 =	vand.u32 $0x1FF, v7;
	v7 =	vor.u32 v1, v8  }
0x4e: {  	s11 =	simm.s32 $0x7;
	v12 =	vld.idx.msk [tilespmem:v12+s12+$0x0], $0xffff;
	v18 =	vand.u32 $0x1FF, v7  }
0x4f: {  	v19 =	vor.u32 s11, v5;
	v14 =	vld.idx.msk [tilespmem:v14+s12+$0x0], $0xffff;
	v8 =	vshll.u32 v9, $0x4  }
0x50: {  	v10 =	vshll.u32 v10, $0x4;
	v9 =	vor.u32 s11, v6;
	v7 =	vld.idx.msk [tilespmem:v15+s12+$0x0], $0xffff;
	v15 =	vor.u32 v1, v8  }
0x51: {  	v11 =	vshll.u32 v11, $0x4;
	v10 =	vor.u32 v1, v10;
	v8 =	vld.idx.msk [tilespmem:v16+s12+$0x0], $0xffff;
	v15 =	vand.u32 $0x1FF, v15  }
0x52: {  	s30 =	simm.s32 $0x6;
	v11 =	vor.u32 v1, v11;
	v16 =	vand.u32 $0x1FF, v10;
	[tilespmem:v17+s13+$0x0] =	vst.idx.add.s32.msk $0xffff, v3  }
0x53: {  	v17 =	vor.u32 s30, v5;
	[tilespmem:v18+s14+$0x0] =	vst.idx.add.s32.msk $0xffff, v3;
	v18 =	vand.u32 $0x1FF, v11;
	v11 =	vshll.u32 v12, $0x4  }
0x54: {  	v10 =	vld.idx.msk [tilespmem:v19+s12+$0x0], $0xffff;
	v12 =	vshll.u32 v13, $0x4;
	v11 =	vor.u32 v1, v11  }
0x55: {  	v9 =	vld.idx.msk [tilespmem:v9+s12+$0x0], $0xffff;
	v13 =	vshll.u32 v14, $0x4;
	v12 =	vor.u32 v1, v12;
	v14 =	vand.u32 $0x1FF, v11  }
0x56: {  	[tilespmem:v15+s13+$0x0] =	vst.idx.add.s32.msk $0xffff, v3;
	v13 =	vor.u32 v1, v13;
	v12 =	vand.u32 $0x1FF, v12  }
0x57: {  	[tilespmem:v16+s14+$0x0] =	vst.idx.add.s32.msk $0xffff, v3;
	v13 =	vand.u32 $0x1FF, v13  }
0x58: {  	s1 =	simm.s32 $0x5;
	v16 =	vor.u32 s30, v6;
	v11 =	vld.idx.msk [tilespmem:v17+s12+$0x0], $0xffff  }
0x59: {  	p2 =	por p3, p3;
	s4 =	simm.s32 $0x8;
	v15 =	vor.u32 s1, v5;
	[tilespmem:v18+s13+$0x0] =	vst.idx.add.s32.msk $0xffff, v3  }
.LBB2_6:
0x5a: {  	p3 =	slt.u32 s4, $0x7C;
	v17 =	vor.u32 s1, v6;
	[tilespmem:v14+s14+$0x0] =	vst.idx.add.s32.msk $0xffff, v3  }
0x5b: {  	v14 =	vor.u32 s4, v5;
	v7 =	vshll.u32 v7, $0x4;
	[tilespmem:v12+s13+$0x0] =	vst.idx.add.s32.msk $0xffff, v3  }
0x5c: {  	v8 =	vshll.u32 v8, $0x4;
	v12 =	vor.u32 s4, v6;
	v7 =	vor.u32 v1, v7;
	[tilespmem:v13+s14+$0x0] =	vst.idx.add.s32.msk $0xffff, v3  }
0x5d: {  	v13 =	vand.u32 $0x1FF, v7;
	v7 =	vor.u32 v1, v8;
	v16 =	vld.idx.msk [tilespmem:v16+s12+$0x0], $0xffff  }
0x5e: {  	s1 =	sadd.s32 $0x3, s4;
	v18 =	vand.u32 $0x1FF, v7;
	v15 =	vld.idx.msk [tilespmem:v15+s12+$0x0], $0xffff  }
0x5f: {  	v19 =	vor.u32 s1, v5;
	v8 =	vshll.u32 v10, $0x4;
	v17 =	vld.idx.msk [tilespmem:v17+s12+$0x0], $0xffff  }
0x60: {  	v9 =	vshll.u32 v9, $0x4;
	v10 =	vor.u32 v1, v8;
	v7 =	vld.idx.msk [tilespmem:v14+s12+$0x0], $0xffff;
	v14 =	vor.u32 s1, v6  }
0x61: {  	v9 =	vor.u32 v1, v9;
	v20 =	vand.u32 $0x1FF, v10;
	v8 =	vld.idx.msk [tilespmem:v12+s12+$0x0], $0xffff  }
0x62: {  	s5 =	sadd.s32 $0x2, s4;
	v10 =	vshll.u32 v11, $0x4;
	v11 =	vand.u32 $0x1FF, v9;
	[tilespmem:v13+s13+$0x0] =	vst.idx.add.s32.msk $0xffff, v3  }
0x63: {  	v21 =	vor.u32 s5, v5;
	v9 =	vor.u32 v1, v10;
	v12 =	vshll.u32 v16, $0x4;
	[tilespmem:v18+s14+$0x0] =	vst.idx.add.s32.msk $0xffff, v3  }
0x64: {  	v13 =	vshll.u32 v15, $0x4;
	v18 =	vand.u32 $0x1FF, v9;
	v12 =	vor.u32 v1, v12;
	v10 =	vld.idx.msk [tilespmem:v19+s12+$0x0], $0xffff  }
.Ltmp1:
0x65: {  	v13 =	vor.u32 v1, v13;
	v15 =	vshll.u32 v17, $0x4;
	v9 =	vld.idx.msk [tilespmem:v14+s12+$0x0], $0xffff;
	v14 =	vand.u32 $0x1FF, v12;
	(pc) =	sbr.rel @p3 .LBB2_6-.Ltmp1, $4  }
0x66: {  	v12 =	vand.u32 $0x1FF, v13;
	v13 =	vor.u32 v1, v15;
	[tilespmem:v20+s13+$0x0] =	vst.idx.add.s32.msk $0xffff, v3  }
0x67: {  	v13 =	vand.u32 $0x1FF, v13;
	[tilespmem:v11+s14+$0x0] =	vst.idx.add.s32.msk $0xffff, v3  }
0x68: {  	s1 =	sadd.s32 $0x1, s4;
	v16 =	vor.u32 s5, v6;
	v11 =	vld.idx.msk [tilespmem:v21+s12+$0x0], $0xffff  }
0x69: {  	s4 =	sadd.s32 $0x4, s4;
	v15 =	vor.u32 s1, v5;
	[tilespmem:v18+s13+$0x0] =	vst.idx.add.s32.msk $0xffff, v3  }
0x6a: {  	_ = 	snop  }
0x6b: {  	v17 =	vor.u32 s1, v6;
	_ =	sdelay $0x2  }
0x6c: {  	v7 =	vshll.u32 v7, $0x4;
	v16 =	vld.idx.msk [tilespmem:v16+s12+$0x0], $0xffff  }
0x6d: {  	v8 =	vshll.u32 v8, $0x4;
	v15 =	vld.idx.msk [tilespmem:v15+s12+$0x0], $0xffff;
	v7 =	vor.u32 v1, v7  }
0x6e: {  	v10 =	vshll.u32 v10, $0x4;
	v8 =	vor.u32 v1, v8;
	v7 =	vand.u32 $0x1FF, v7;
	v17 =	vld.idx.msk [tilespmem:v17+s12+$0x0], $0xffff  }
0x6f: {  	v9 =	vshll.u32 v9, $0x4;
	v10 =	vor.u32 v1, v10;
	v8 =	vand.u32 $0x1FF, v8  }
0x70: {  	[tilespmem:v14+s14+$0x0] =	vst.idx.add.s32.msk $0xffff, v3;
	v9 =	vor.u32 v1, v9;
	v10 =	vand.u32 $0x1FF, v10;
	v11 =	vshll.u32 v11, $0x4  }
0x71: {  	[tilespmem:v12+s13+$0x0] =	vst.idx.add.s32.msk $0xffff, v3;
	v9 =	vand.u32 $0x1FF, v9;
	v11 =	vor.u32 v1, v11;
	v12 =	vshll.u32 v16, $0x4  }
0x72: {  	[tilespmem:v13+s14+$0x0] =	vst.idx.add.s32.msk $0xffff, v3;
	v13 =	vshll.u32 v15, $0x4;
	v11 =	vand.u32 $0x1FF, v11;
	v12 =	vor.u32 v1, v12  }
0x73: {  	[tilespmem:v7+s13+$0x0] =	vst.idx.add.s32.msk $0xffff, v3;
	v7 =	vor.u32 v1, v13;
	v12 =	vand.u32 $0x1FF, v12;
	v13 =	vshll.u32 v17, $0x4  }
0x74: {  	[tilespmem:v8+s14+$0x0] =	vst.idx.add.s32.msk $0xffff, v3;
	v7 =	vand.u32 $0x1FF, v7;
	v8 =	vor.u32 v1, v13  }
0x75: {  	[tilespmem:v10+s13+$0x0] =	vst.idx.add.s32.msk $0xffff, v3;
	v8 =	vand.u32 $0x1FF, v8  }
0x76: {  	[tilespmem:v9+s14+$0x0] =	vst.idx.add.s32.msk $0xffff, v3  }
0x77: {  	[tilespmem:v11+s13+$0x0] =	vst.idx.add.s32.msk $0xffff, v3  }
0x78: {  	[tilespmem:v12+s14+$0x0] =	vst.idx.add.s32.msk $0xffff, v3  }
0x79: {  	[tilespmem:v7+s13+$0x0] =	vst.idx.add.s32.msk $0xffff, v3  }
0x7a: {  	s4 =	simm.s32 $0x0;
	[tilespmem:v8+s14+$0x0] =	vst.idx.add.s32.msk $0xffff, v3  }
0x7b: {  	v14 =	vld [tilespmem:s4+$0x9410]  }
0x7c: {  	v9 =	vld [tilespmem:s4+$0x6010]  }
0x7d: {  	v21 =	vld [tilespmem:s4+$0x6000]  }
0x7e: {  	v10 =	vld [tilespmem:s4+$0x9400];
	_ =	sdelay $0x1  }
0x7f: {  	v13 =	vld [tilespmem:s4+$0x6020];
	(xrf0) =	vadd.scan.msk.s32 $0xffff, v14  }
0x80: {  	v12 =	vld [tilespmem:s4+$0x9420];
	(xrf0) =	vadd.scan.msk.s32 $0xffff, v9  }
0x81: {  	(xrf0) =	vadd.scan.msk.s32 $0xffff, v21  }
0x82: {  	(xrf0) =	vadd.scan.msk.s32 $0xffff, v10  }
0x83: {  	[tilespmem:s4+$0x9410] =	vst v0  }
0x84: {  	[tilespmem:s4+$0x6010] =	vst v0;
	(xrf0) =	vadd.scan.msk.s32 $0xffff, v13  }
0x85: {  	[tilespmem:s4+$0x6000] =	vst v0;
	(xrf0) =	vadd.scan.msk.s32 $0xffff, v12;
	v17, _, _ =	vpop (xrf0)  }
0x86: {  	[tilespmem:s4+$0x6020] =	vst v0;
	v18, _, _ =	vpop (xrf0)  }
0x87: {  	[tilespmem:s4+$0x9400] =	vst v0;
	v27, _, _ =	vpop (xrf0)  }
0x88: {  	[tilespmem:s4+$0x9420] =	vst v0;
	v19 =	vld [tilespmem:s4+$0x9430];
	v24, _, _ =	vpop (xrf0);
	(v2sf) =	vpush v27, $0xF  }
0x89: {  	s8 =	simm.s32 $0x40;
	v15 =	vld [tilespmem:s4+$0x6030];
	[tilespmem:s4+$0x6030] =	vst v0;
	(v2sf) =	vpush v24, $0xF  }
0x8a: {  	v8 =	vld [tilespmem:s8+$0x9410];
	[tilespmem:s4+$0x9430] =	vst v0;
	v22, _, _ =	vpop (xrf0)  }
0x8b: {  	v7 =	vld [tilespmem:s8+$0x6010];
	(v2sf) =	vpush v17, $0xF;
	v23, _, _ =	vpop (xrf0)  }
0x8c: {  	v11 =	vld [tilespmem:s8+$0x6000];
	(v2sf) =	vpush v23, $0xF  }
0x8d: {  	v20 =	vld [tilespmem:s8+$0x9400];
	(xrf0) =	vadd.scan.msk.s32 $0xffff, v19  }
0x8e: {  	(xrf0) =	vadd.scan.msk.s32 $0xffff, v15  }
0x8f: {  	v25 =	vld [tilespmem:s8+$0x6020];
	(xrf0) =	vadd.scan.msk.s32 $0xffff, v8;
	(v2sf) =	vpush v18, $0xF  }
0x90: {  	v16 =	vld [tilespmem:s8+$0x9420];
	(xrf0) =	vadd.scan.msk.s32 $0xffff, v7;
	(v2sf) =	vpush v22, $0xF  }
0x91: {  	[tilespmem:s8+$0x9410] =	vst v0;
	(xrf0) =	vadd.scan.msk.s32 $0xffff, v11  }
0x92: {  	[tilespmem:s8+$0x6010] =	vst v0;
	(xrf0) =	vadd.scan.msk.s32 $0xffff, v20  }
0x93: {  	[tilespmem:s8+$0x6000] =	vst v0;
	v10 =	vsub.s32 s7, v10;
	v29, _, _ =	vpop (xrf0)  }
0x94: {  	[tilespmem:s8+$0x6020] =	vst v0;
	(xrf0) =	vadd.scan.msk.s32 $0xffff, v25;
	v26, _, _ =	vpop (xrf0)  }
0x95: {  	[tilespmem:s8+$0x9400] =	vst v0;
	(v2sf) =	vpush v29, $0xF;
	(xrf0) =	vadd.scan.msk.s32 $0xffff, v16;
	v28, _, _ =	vpop (xrf0)  }
0x96: {  	[tilespmem:s8+$0x9420] =	vst v0;
	v31 =	vsub.s32 s7, v21;
	v30 =	vadd.s32 v24, v10;
	(v2sf) =	vpush v26, $0xF;
	v10, _, _ =	vpop (xrf0)  }
0x97: {  	v31 =	vadd.s32 v27, v31;
	v24 =	vld [tilespmem:s8+$0x6030];
	[tilespmem:s4+$0x9600] =	vst v30;
	v21, _, _ =	vpop (xrf0);
	s30 =	spop (v2sf)  }
0x98: {  	s10 =	simm.s32 $0x200;
	v30 =	vld [tilespmem:s8+$0x9430];
	[tilespmem:s4+$0x6200] =	vst v31;
	v27, _, _ =	vpop (xrf0);
	(v2sf) =	vpush v21, $0xF;
	s9 =	sadd.s32 $0x0, s30;
	s1 =	spop (v2sf)  }
.LBB2_8:
0x99: {  	s5 =	sshra.s32 s10, $0x2  }
0x9a: {  	[tilespmem:s8+$0x6030] =	vst v0;
	(v2sf) =	vpush v27, $0xF;
	v31, _, _ =	vpop (xrf0);
	s1 =	sadd.s32 s7, s1;
	s7 =	spop (v2sf);
	s11 =	smov.u32 s10  }
0x9b: {  	s11 =	sadd.s32 $0x100, s10;
	[tilespmem:s8+$0x9430] =	vst v0;
	(v2sf) =	vpush v28, $0xF;
	v32, _, _ =	vpop (xrf0);
	v33 =	vsub.s32 s1, v14;
	s1 =	sadd.s32 s1, s7;
	s7 =	spop (v2sf);
	v14 =	vmov v8;
	v8 =	vld [tilespmem:s5+$0x9410]  }
0x9c: {  	p3 =	sne.s32 s10, $0x700;
	v34 =	vld [tilespmem:s5+$0x6010];
	[tilespmem:s5+$0x9410] =	vst v0;
	(v2sf) =	vpush v32, $0xF;
	v33 =	vadd.s32 v17, v33;
	v35 =	vsub.s32 s1, v12;
	s1 =	sadd.s32 s1, s7;
	v12 =	vmovc v16;
	v17 =	vmovc v28  }
0x9d: {  	v36 =	vld [tilespmem:s5+$0x6000];
	[tilespmem:s5+$0x6010] =	vst v0;
	v28 =	vadd.s32 v23, v35;
	v16 =	vsub.s32 s1, v19;
	v23 =	vmov v32  }
0x9e: {  	v32 =	vld [tilespmem:s5+$0x9400];
	[tilespmem:s5+$0x6000] =	vst v0;
	(xrf0) =	vadd.scan.msk.s32 $0xffff, v30;
	v16 =	vadd.s32 v29, v16;
	s7 =	spop (v2sf);
	v19 =	vmov v30  }
0x9f: {  	v30 =	vld [tilespmem:s5+$0x6020];
	(v2sf) =	vpush v10, $0xF;
	(xrf0) =	vadd.scan.msk.s32 $0xffff, v24;
	s7 =	sadd.s32 s9, s7;
	[tilespmem:s4+$0x9630] =	vst v16;
	s10 =	spop (v2sf)  }
0xa0: {  	v16 =	vld [tilespmem:s5+$0x9420];
	[tilespmem:s5+$0x6020] =	vst v0;
	(xrf0) =	vadd.scan.msk.s32 $0xffff, v8;
	(v2sf) =	vpush v31, $0xF;
	v29 =	vsub.s32 s7, v13;
	s10 =	sadd.s32 s7, s10;
	v13 =	vmovc v25  }
0xa1: {  	(xrf0) =	vadd.scan.msk.s32 $0xffff, v34;
	[tilespmem:s4+$0x9610] =	vst v33;
	v25 =	vadd.s32 v22, v29;
	v29 =	vsub.s32 s10, v15;
	v22 =	vmovc v31  }
0xa2: {  	v15 =	vmov v24;
	(xrf0) =	vadd.scan.msk.s32 $0xffff, v36;
	[tilespmem:s4+$0x6220] =	vst v25  }
0xa3: {  	v24 =	vadd.s32 v26, v29;
	(xrf0) =	vadd.scan.msk.s32 $0xffff, v32;
	[tilespmem:s4+$0x9620] =	vst v28  }
0xa4: {  	v25 =	vsub.s32 s9, v9;
	v9 =	vmov v7;
	(xrf0) =	vadd.scan.msk.s32 $0xffff, v30;
	v29, _, _ =	vpop (xrf0);
	[tilespmem:s4+$0x6230] =	vst v24;
	s7 =	spop (v2sf)  }
.Ltmp2:
0xa5: {  	v24 =	vadd.s32 v18, v25;
	[tilespmem:s5+$0x9400] =	vst v0;
	(xrf0) =	vadd.scan.msk.s32 $0xffff, v16;
	v26, _, _ =	vpop (xrf0);
	(v2sf) =	vpush v29, $0xF;
	s7 =	sadd.s32 s1, s7;
	s1 =	spop (v2sf);
	(pc) =	sbr.rel @p3 .LBB2_8-.Ltmp2, $4  }
0xa6: {  	v7 =	vmov v34;
	v28, _, _ =	vpop (xrf0);
	v18 =	vsub.s32 s7, v20;
	(v2sf) =	vpush v26, $0xF;
	[tilespmem:s4+$0x6210] =	vst v24;
	s1 =	sadd.s32 s10, s1;
	s4 =	smov.u32 s8;
	s8 =	smov.u32 s5  }
0xa7: {  	[tilespmem:s8+$0x9420] =	vst v0;
	v31, _, _ =	vpop (xrf0);
	v35 =	vsub.s32 s1, v11;
	v34 =	vadd.s32 v27, v18;
	v11 =	vmov v36  }
0xa8: {  	v25 =	vmov v30;
	v20 =	vmov v32;
	v24 =	vld [tilespmem:s8+$0x6030];
	v33 =	vadd.s32 v21, v35;
	v21, _, _ =	vpop (xrf0);
	[tilespmem:s4+$0x9600] =	vst v34;
	s5 =	spop (v2sf)  }
0xa9: {  	s10 =	smov.u32 s11;
	v30 =	vld [tilespmem:s8+$0x9430];
	v27, _, _ =	vpop (xrf0);
	(v2sf) =	vpush v21, $0xF;
	[tilespmem:s4+$0x6200] =	vst v33;
	s9 =	sadd.s32 s1, s5;
	s1 =	spop (v2sf);
	v18 =	vmov v10;
	v10 =	vmov v31  }
0xaa: {  	(v2sf) =	vpush v27, $0xF;
	v31, _, _ =	vpop (xrf0)  }
0xab: {  	(v2sf) =	vpush v28, $0xF;
	v32, _, _ =	vpop (xrf0)  }
0xac: {  	(v2sf) =	vpush v32, $0xF;
	_ =	sdelay $0x1  }
0xad: {  	(v2sf) =	vpush v10, $0xF;
	_ =	sdelay $0x2  }
0xae: {  	(v2sf) =	vpush v31, $0xF  }
0xaf: {  	s5 =	spop (v2sf)  }
0xb0: {  	s2 =	spop (v2sf)  }
0xb1: {  	s1 =	sadd.s32 s7, s1;
	s10 =	spop (v2sf)  }
0xb2: {  	[tilespmem:s8+$0x6030] =	vst v0;
	v9 =	vsub.s32 s9, v9;
	s5 =	sadd.s32 s1, s5;
	s11 =	spop (v2sf)  }
0xb3: {  	[tilespmem:s8+$0x9430] =	vst v0;
	v14 =	vsub.s32 s1, v14;
	v9 =	vadd.s32 v18, v9;
	s7 =	sadd.s32 s5, s2;
	s2 =	spop (v2sf)  }
0xb4: {  	v14 =	vadd.s32 v17, v14;
	v12 =	vsub.s32 s5, v12;
	[tilespmem:s4+$0x6210] =	vst v9;
	(xrf0) =	vadd.scan.msk.s32 $0xffff, v30;
	s30 =	spop (v2sf)  }
0xb5: {  	v19 =	vsub.s32 s7, v19;
	[tilespmem:s4+$0x9610] =	vst v14;
	v12 =	vadd.s32 v23, v12;
	s10 =	sadd.s32 s9, s10;
	s5 =	spop (v2sf)  }
0xb6: {  	v19 =	vadd.s32 v29, v19;
	[tilespmem:s4+$0x9620] =	vst v12;
	v13 =	vsub.s32 s10, v13;
	s1 =	sadd.s32 s10, s11;
	s7 =	sadd.s32 s7, s2;
	s11 =	spop (v2sf)  }
0xb7: {  	[tilespmem:s4+$0x9630] =	vst v19;
	v13 =	vadd.s32 v22, v13;
	v57 =	vsub.s32 s1, v15;
	s9 =	sadd.s32 s7, s11;
	s2 =	spop (v2sf)  }
0xb8: {  	[tilespmem:s4+$0x6220] =	vst v13;
	v58 =	vadd.s32 v26, v57;
	v59 =	vsub.s32 s7, v20;
	s1 =	sadd.s32 s1, s30;
	s11 =	sadd.s32 s9, s2;
	s30 =	spop (v2sf)  }
0xb9: {  	(xrf0) =	vadd.scan.msk.s32 $0xffff, v24;
	[tilespmem:s4+$0x6230] =	vst v58;
	v9 =	vsub.s32 s1, v11;
	v11 =	vadd.s32 v27, v59;
	s2 =	sadd.s32 s11, s30  }
0xba: {  	v60, _, _ =	vpop (xrf0);
	v9 =	vadd.s32 v21, v9;
	[tilespmem:s8+$0x9600] =	vst v11;
	s1 =	sadd.s32 s1, s5;
	s5 =	spop (v2sf);
	v11 =	vsub.s32 s2, v30  }
0xbb: {  	[tilespmem:s8+$0x6200] =	vst v9;
	v8 =	vsub.s32 s9, v8;
	s5 =	sadd.s32 s1, s5;
	v9 =	vadd.s32 v60, v11  }
0xbc: {  	s4 =	simm.s32 $0x0;
	v8 =	vadd.s32 v28, v8;
	[tilespmem:s8+$0x9630] =	vst v9;
	v9 =	vsub.s32 s5, v25  }
0xbd: {  	v7 =	vsub.s32 s1, v7;
	s10 =	spop (v2sf);
	[tilespmem:s8+$0x9610] =	vst v8;
	v8 =	vadd.s32 v31, v9;
	v9 =	vor.u32 s4, v5  }
0xbe: {  	v7 =	vadd.s32 v10, v7;
	v11 =	vsub.s32 s11, v16;
	s5 =	sadd.s32 s5, s10;
	[tilespmem:s8+$0x6220] =	vst v8;
	v8 =	vor.u32 s4, v6  }
0xbf: {  	v61, _, _ =	vpop (xrf0);
	[tilespmem:s8+$0x6210] =	vst v7;
	v11 =	vadd.s32 v32, v11;
	v62 =	vsub.s32 s5, v24  }
0xc0: {  	[tilespmem:s8+$0x9620] =	vst v11;
	v11 =	vadd.s32 v61, v62  }
0xc1: {  	[tilespmem:s8+$0x6230] =	vst v11  }
0xc2: {  	v9 =	vld.idx.msk [tilespmem:v9+s12+$0x0], $0xffff  }
0xc3: {  	v8 =	vld.idx.msk [tilespmem:v8+s12+$0x0], $0xffff;
	_ =	sdelay $0x3  }
0xc4: {  	v7 =	vshll.u32 v9, $0x4  }
0xc5: {  	v7 =	vor.u32 v1, v7;
	v10 =	vshll.u32 v8, $0x4  }
0xc6: {  	v10 =	vor.u32 v1, v10;
	v11 =	vand.u32 $0x1FF, v7  }
0xc7: {  	v7 =	vand.u32 $0x1FF, v10  }
0xc8: {  	(v2sf) =	vpush v60, $0xF  }
0xc9: {  	(v2sf) =	vpush v61, $0xF;
	_ =	sdelay $0x1  }
0xca: {  	v10 =	vld.idx.msk [tilespmem:v11+s15+$0x0], $0xffff  }
0xcb: {  	v63 =	vld.idx.msk [tilespmem:v7+s16+$0x0], $0xffff;
	_ =	sdelay $0x6  }
0xcc: {  	[tilespmem:v10+s17+$0x0] =	vst.idx.msk $0xffff, v9  }
0xcd: {  	s5 =	simm.s32 $0x1;
	v9 =	vor.u32 s4, v2;
	[tilespmem:v63+s18+$0x0] =	vst.idx.msk $0xffff, v8  }
0xce: {  	v8 =	vor.u32 s5, v5;
	[tilespmem:v10+s19+$0x0] =	vst.idx.msk $0xffff, v9  }
0xcf: {  	[tilespmem:v63+s20+$0x0] =	vst.idx.msk $0xffff, v9;
	v9 =	vor.u32 s5, v6  }
0xd0: {  	s11 =	spop (v2sf)  }
0xd1: {  	s7 =	simm.s32 $0x1;
	s8 =	simm.s32 $0x2;
	s30 =	spop (v2sf);
	[tilespmem:v11+s15+$0x0] =	vst.idx.add.s32.msk $0xffff, v3  }
.LBB2_10:
0xd2: {  	p3 =	sne.s32 s8, $0x7F;
	[tilespmem:v7+s16+$0x0] =	vst.idx.add.s32.msk $0xffff, v3;
	s1 =	smov.u32 s8;
	s8 =	sadd.s32 $0x1, s8  }
0xd3: {  	v8 =	vld.idx.msk [tilespmem:v8+s12+$0x0], $0xffff  }
0xd4: {  	v9 =	vld.idx.msk [tilespmem:v9+s12+$0x0], $0xffff;
	_ =	sdelay $0x4  }
0xd5: {  	v7 =	vshll.u32 v8, $0x4  }
0xd6: {  	v7 =	vor.u32 v1, v7;
	v10 =	vshll.u32 v9, $0x4  }
0xd7: {  	v10 =	vor.u32 v1, v10;
	v11 =	vand.u32 $0x1FF, v7  }
0xd8: {  	v7 =	vand.u32 $0x1FF, v10;
	_ =	sdelay $0x3  }
0xd9: {  	v10 =	vld.idx.msk [tilespmem:v11+s15+$0x0], $0xffff  }
0xda: {  	v12 =	vld.idx.msk [tilespmem:v7+s16+$0x0], $0xffff;
	_ =	sdelay $0x6  }
.Ltmp3:
0xdb: {  	[tilespmem:v10+s17+$0x0] =	vst.idx.msk $0xffff, v8;
	(pc) =	sbr.rel @p3 .LBB2_10-.Ltmp3, $4  }
0xdc: {  	v13 =	vor.u32 s7, v2;
	s7 =	smov.u32 s1;
	v8 =	vor.u32 s1, v5;
	[tilespmem:v12+s18+$0x0] =	vst.idx.msk $0xffff, v9  }
0xdd: {  	v9 =	vor.u32 s7, v6;
	[tilespmem:v10+s19+$0x0] =	vst.idx.msk $0xffff, v13  }
0xde: {  	[tilespmem:v12+s20+$0x0] =	vst.idx.msk $0xffff, v13  }
0xdf: {  	[tilespmem:v11+s15+$0x0] =	vst.idx.add.s32.msk $0xffff, v3  }
0xe0: {  	_ =	sdelay $0x3  }
0xe1: {  	[tilespmem:v7+s16+$0x0] =	vst.idx.add.s32.msk $0xffff, v3  }
0xe2: {  	v5 =	vld.idx.msk [tilespmem:v8+s12+$0x0], $0xffff  }
0xe3: {  	v6 =	vld.idx.msk [tilespmem:v9+s12+$0x0], $0xffff;
	_ =	sdelay $0x3  }
0xe4: {  	v7 =	vshll.u32 v5, $0x4  }
0xe5: {  	v8 =	vshll.u32 v6, $0x4;
	v7 =	vor.u32 v1, v7  }
0xe6: {  	v8 =	vor.u32 v1, v8;
	v7 =	vand.u32 $0x1FF, v7  }
0xe7: {  	v8 =	vand.u32 $0x1FF, v8;
	_ =	sdelay $0x3  }
0xe8: {  	v9 =	vld.idx.msk [tilespmem:v7+s15+$0x0], $0xffff  }
0xe9: {  	v10 =	vld.idx.msk [tilespmem:v8+s16+$0x0], $0xffff;
	_ =	sdelay $0x6  }
0xea: {  	s1 =	simm.s32 $0x3;
	[tilespmem:v9+s17+$0x0] =	vst.idx.msk $0xffff, v5  }
0xeb: {  	v11 =	vmov s4;
	v5 =	vor.u32 s7, v2;
	[tilespmem:v10+s18+$0x0] =	vst.idx.msk $0xffff, v6;
	v6 =	vor.u32 s1, v2  }
0xec: {  	s8 =	simm.s32 $0x2;
	[tilespmem:v9+s19+$0x0] =	vst.idx.msk $0xffff, v5;
	v9 =	vand.u32 $0x7C, v11  }
0xed: {  	[tilespmem:v10+s20+$0x0] =	vst.idx.msk $0xffff, v5;
	v5 =	vbroadcast v9, $0x0;
	v9 =	vmov s8  }
0xee: {  	[tilespmem:v7+s15+$0x0] =	vst.idx.add.s32.msk $0xffff, v3;
	v7 =	vand.u32 $0x7E, v9  }
0xef: {  	[tilespmem:v8+s16+$0x0] =	vst.idx.add.s32.msk $0xffff, v3;
	v5 =	vor.u32 v2, v5;
	v7 =	vbroadcast v7, $0x0  }
0xf0: {  	v9 =	vmov s5;
	v8 =	vld.idx.msk [tilespmem:v6+s17+$0x0], $0xffff  }
0xf1: {  	v9 =	vand.u32 $0x7D, v9;
	v6 =	vld.idx.msk [tilespmem:v6+s18+$0x0], $0xffff;
	v7 =	vor.u32 v2, v7  }
0xf2: {  	s9 =	simm.s32 $0x7;
	v9 =	vbroadcast v9, $0x0  }
0xf3: {  	v10 =	vor.u32 s9, v2  }
0xf4: {  	s10 =	simm.s32 $0x4;
	v9 =	vor.u32 v2, v9;
	v11 =	vld.idx.msk [tilespmem:v5+s17+$0x0], $0xffff  }
0xf5: {  	v12 =	vld.idx.msk [tilespmem:v5+s18+$0x0], $0xffff;
	v5 =	vmov s10;
	v8 =	vshrl.u32 v8, $0x1  }
0xf6: {  	v5 =	vand.u32 $0x7C, v5;
	v6 =	vshrl.u32 v6, $0x1;
	v13 =	vld.idx.msk [tilespmem:v7+s17+$0x0], $0xffff;
	v8 =	vand.u32 $0x1F0, v8  }
0xf7: {  	v7 =	vld.idx.msk [tilespmem:v7+s18+$0x0], $0xffff;
	v14 =	vbroadcast v5, $0x0;
	v6 =	vand.u32 $0x1F0, v6;
	v8 =	vor.u32 v1, v8  }
0xf8: {  	s11 =	simm.s32 $0x6;
	v5 =	vld.idx.msk [tilespmem:v10+s17+$0x0], $0xffff;
	v15 =	vor.u32 v1, v6  }
0xf9: {  	v16 =	vmov s11;
	v18 =	vld.idx.msk [tilespmem:v9+s18+$0x0], $0xffff;
	v14 =	vor.u32 v2, v14;
	v6 =	vshrl.u32 v11, $0x1  }
0xfa: {  	v11 =	vld.idx.msk [tilespmem:v9+s17+$0x0], $0xffff;
	v9 =	vand.u32 $0x7E, v16;
	v12 =	vshrl.u32 v12, $0x1;
	v17 =	vand.u32 $0x1F0, v6  }
0xfb: {  	v6 =	vld.idx.msk [tilespmem:v10+s18+$0x0], $0xffff;
	v9 =	vbroadcast v9, $0x0;
	v10 =	vand.u32 $0x1F0, v12;
	v16 =	vor.u32 v1, v17  }
0xfc: {  	v12 =	vor.u32 v1, v10;
	[tilespmem:v8+s13+$0x0] =	vst.idx.add.s32.msk $0xffff, v3  }
0xfd: {  	v10 =	vshrl.u32 v13, $0x1;
	v7 =	vshrl.u32 v7, $0x1;
	v9 =	vor.u32 v2, v9;
	[tilespmem:v15+s14+$0x0] =	vst.idx.add.s32.msk $0xffff, v3  }
0xfe: {  	s30 =	simm.s32 $0x5;
	v10 =	vand.u32 $0x1F0, v10;
	v13 =	vand.u32 $0x1F0, v7;
	v8 =	vld.idx.msk [tilespmem:v14+s17+$0x0], $0xffff  }
0xff: {  	v7 =	vld.idx.msk [tilespmem:v14+s18+$0x0], $0xffff;
	v15 =	vmov s30;
	v14 =	vshrl.u32 v11, $0x1;
	v11 =	vor.u32 v1, v10  }
0x100: {  	s4 =	simm.s32 $0x8;
	v10 =	vor.u32 v1, v13;
	v13 =	vand.u32 $0x1F0, v14;
	v14 =	vshrl.u32 v18, $0x1;
	[tilespmem:v16+s13+$0x0] =	vst.idx.add.s32.msk $0xffff, v3  }
.LBB2_12:
0x101: {  	p3 =	slt.u32 s4, $0x7C;
	v15 =	vand.u32 $0x7D, v15;
	[tilespmem:v12+s14+$0x0] =	vst.idx.add.s32.msk $0xffff, v3;
	v12 =	vor.u32 v1, v13;
	v13 =	vand.u32 $0x1F0, v14  }
0x102: {  	s1 =	sadd.s32 $0x3, s4;
	v14 =	vbroadcast v15, $0x0;
	v15 =	vld.idx.msk [tilespmem:v9+s17+$0x0], $0xffff;
	v13 =	vor.u32 v1, v13  }
0x103: {  	v16 =	vor.u32 s1, v2;
	v17 =	vld.idx.msk [tilespmem:v9+s18+$0x0], $0xffff  }
0x104: {  	v9 =	vor.u32 v2, v14;
	[tilespmem:v11+s13+$0x0] =	vst.idx.add.s32.msk $0xffff, v3  }
0x105: {  	v5 =	vshrl.u32 v5, $0x1;
	v11 =	vmov s4;
	[tilespmem:v10+s14+$0x0] =	vst.idx.add.s32.msk $0xffff, v3  }
0x106: {  	v6 =	vshrl.u32 v6, $0x1;
	v5 =	vand.u32 $0x1F0, v5;
	v10 =	vand.u32 $0x7C, v11;
	[tilespmem:v12+s13+$0x0] =	vst.idx.add.s32.msk $0xffff, v3  }
0x107: {  	v6 =	vand.u32 $0x1F0, v6;
	v11 =	vor.u32 v1, v5;
	v10 =	vbroadcast v10, $0x0;
	[tilespmem:v13+s14+$0x0] =	vst.idx.add.s32.msk $0xffff, v3  }
0x108: {  	s1 =	sadd.s32 $0x2, s4;
	v13 =	vor.u32 v1, v6;
	v5 =	vld.idx.msk [tilespmem:v16+s17+$0x0], $0xffff  }
0x109: {  	v8 =	vshrl.u32 v8, $0x1;
	v6 =	vmov s1;
	v10 =	vor.u32 v2, v10;
	v14 =	vld.idx.msk [tilespmem:v9+s17+$0x0], $0xffff  }
0x10a: {  	v8 =	vand.u32 $0x1F0, v8;
	v7 =	vshrl.u32 v7, $0x1;
	v6 =	vand.u32 $0x7E, v6;
	v18 =	vld.idx.msk [tilespmem:v9+s18+$0x0], $0xffff  }
0x10b: {  	v7 =	vand.u32 $0x1F0, v7;
	v9 =	vbroadcast v6, $0x0;
	v6 =	vld.idx.msk [tilespmem:v16+s18+$0x0], $0xffff;
	v16 =	vor.u32 v1, v8  }
.Ltmp4:
0x10c: {  	v12 =	vor.u32 v1, v7;
	[tilespmem:v11+s13+$0x0] =	vst.idx.add.s32.msk $0xffff, v3;
	(pc) =	sbr.rel @p3 .LBB2_12-.Ltmp4, $4  }
0x10d: {  	v7 =	vshrl.u32 v15, $0x1;
	v9 =	vor.u32 v2, v9;
	v11 =	vshrl.u32 v17, $0x1;
	[tilespmem:v13+s14+$0x0] =	vst.idx.add.s32.msk $0xffff, v3  }
0x10e: {  	v13 =	vand.u32 $0x1F0, v7;
	v15 =	vand.u32 $0x1F0, v11;
	v8 =	vld.idx.msk [tilespmem:v10+s17+$0x0], $0xffff  }
0x10f: {  	s1 =	sadd.s32 $0x1, s4;
	v14 =	vshrl.u32 v14, $0x1;
	v11 =	vor.u32 v1, v13;
	v7 =	vld.idx.msk [tilespmem:v10+s18+$0x0], $0xffff;
	v10 =	vor.u32 v1, v15  }
0x110: {  	s4 =	sadd.s32 $0x4, s4;
	v15 =	vmov s1;
	v13 =	vand.u32 $0x1F0, v14;
	v14 =	vshrl.u32 v18, $0x1;
	[tilespmem:v16+s13+$0x0] =	vst.idx.add.s32.msk $0xffff, v3  }
0x111: {  	v15 =	vand.u32 $0x7D, v15  }
0x112: {  	v15 =	vbroadcast v15, $0x0;
	_ =	sdelay $0x1  }
0x113: {  	v15 =	vor.u32 v2, v15;
	_ =	sdelay $0x1  }
0x114: {  	[tilespmem:v12+s14+$0x0] =	vst.idx.add.s32.msk $0xffff, v3  }
0x115: {  	v12 =	vld.idx.msk [tilespmem:v9+s17+$0x0], $0xffff  }
0x116: {  	v13 =	vor.u32 v1, v13;
	v14 =	vand.u32 $0x1F0, v14;
	v9 =	vld.idx.msk [tilespmem:v9+s18+$0x0], $0xffff;
	v5 =	vshrl.u32 v5, $0x1  }
0x117: {  	v6 =	vshrl.u32 v6, $0x1;
	v14 =	vor.u32 v1, v14;
	v5 =	vand.u32 $0x1F0, v5;
	v16 =	vld.idx.msk [tilespmem:v15+s17+$0x0], $0xffff  }
0x118: {  	v6 =	vand.u32 $0x1F0, v6;
	v5 =	vor.u32 v1, v5;
	v8 =	vshrl.u32 v8, $0x1;
	v15 =	vld.idx.msk [tilespmem:v15+s18+$0x0], $0xffff  }
0x119: {  	[tilespmem:v11+s13+$0x0] =	vst.idx.add.s32.msk $0xffff, v3;
	v6 =	vor.u32 v1, v6;
	v8 =	vand.u32 $0x1F0, v8;
	v7 =	vshrl.u32 v7, $0x1  }
0x11a: {  	[tilespmem:v10+s14+$0x0] =	vst.idx.add.s32.msk $0xffff, v3;
	v8 =	vor.u32 v1, v8;
	v7 =	vand.u32 $0x1F0, v7;
	v10 =	vshrl.u32 v12, $0x1  }
0x11b: {  	[tilespmem:v13+s13+$0x0] =	vst.idx.add.s32.msk $0xffff, v3;
	v7 =	vor.u32 v1, v7;
	v9 =	vshrl.u32 v9, $0x1;
	v10 =	vand.u32 $0x1F0, v10  }
0x11c: {  	[tilespmem:v14+s14+$0x0] =	vst.idx.add.s32.msk $0xffff, v3;
	v9 =	vand.u32 $0x1F0, v9;
	v10 =	vor.u32 v1, v10;
	v11 =	vshrl.u32 v16, $0x1  }
0x11d: {  	[tilespmem:v5+s13+$0x0] =	vst.idx.add.s32.msk $0xffff, v3;
	v5 =	vor.u32 v1, v9;
	v9 =	vand.u32 $0x1F0, v11;
	v11 =	vshrl.u32 v15, $0x1  }
0x11e: {  	[tilespmem:v6+s14+$0x0] =	vst.idx.add.s32.msk $0xffff, v3;
	v6 =	vor.u32 v1, v9;
	v9 =	vand.u32 $0x1F0, v11  }
0x11f: {  	[tilespmem:v8+s13+$0x0] =	vst.idx.add.s32.msk $0xffff, v3;
	v8 =	vor.u32 v1, v9  }
0x120: {  	[tilespmem:v7+s14+$0x0] =	vst.idx.add.s32.msk $0xffff, v3  }
0x121: {  	[tilespmem:v10+s13+$0x0] =	vst.idx.add.s32.msk $0xffff, v3  }
0x122: {  	[tilespmem:v5+s14+$0x0] =	vst.idx.add.s32.msk $0xffff, v3  }
0x123: {  	[tilespmem:v6+s13+$0x0] =	vst.idx.add.s32.msk $0xffff, v3  }
0x124: {  	s4 =	simm.s32 $0x0;
	[tilespmem:v8+s14+$0x0] =	vst.idx.add.s32.msk $0xffff, v3  }
0x125: {  	v12 =	vld [tilespmem:s4+$0x9410]  }
0x126: {  	v6 =	vld [tilespmem:s4+$0x6010]  }
0x127: {  	v20 =	vld [tilespmem:s4+$0x6000]  }
0x128: {  	v8 =	vld [tilespmem:s4+$0x9400];
	_ =	sdelay $0x1  }
0x129: {  	v11 =	vld [tilespmem:s4+$0x6020];
	(xrf0) =	vadd.scan.msk.s32 $0xffff, v12  }
0x12a: {  	v10 =	vld [tilespmem:s4+$0x9420];
	(xrf0) =	vadd.scan.msk.s32 $0xffff, v6  }
0x12b: {  	(xrf0) =	vadd.scan.msk.s32 $0xffff, v20  }
0x12c: {  	(xrf0) =	vadd.scan.msk.s32 $0xffff, v8  }
0x12d: {  	[tilespmem:s4+$0x9410] =	vst v0  }
0x12e: {  	[tilespmem:s4+$0x6010] =	vst v0;
	(xrf0) =	vadd.scan.msk.s32 $0xffff, v11  }
0x12f: {  	[tilespmem:s4+$0x6000] =	vst v0;
	(xrf0) =	vadd.scan.msk.s32 $0xffff, v10;
	v15, _, _ =	vpop (xrf0)  }
0x130: {  	[tilespmem:s4+$0x6020] =	vst v0;
	v16, _, _ =	vpop (xrf0)  }
0x131: {  	[tilespmem:s4+$0x9400] =	vst v0;
	v25, _, _ =	vpop (xrf0)  }
0x132: {  	[tilespmem:s4+$0x9420] =	vst v0;
	v17 =	vld [tilespmem:s4+$0x9430];
	v22, _, _ =	vpop (xrf0);
	(v2sf) =	vpush v25, $0xF  }
0x133: {  	s7 =	simm.s32 $0x40;
	v13 =	vld [tilespmem:s4+$0x6030];
	[tilespmem:s4+$0x6030] =	vst v0;
	(v2sf) =	vpush v22, $0xF  }
0x134: {  	v5 =	vld [tilespmem:s7+$0x9410];
	[tilespmem:s4+$0x9430] =	vst v0;
	v19, _, _ =	vpop (xrf0)  }
0x135: {  	v7 =	vld [tilespmem:s7+$0x6010];
	(v2sf) =	vpush v15, $0xF;
	v21, _, _ =	vpop (xrf0)  }
0x136: {  	v9 =	vld [tilespmem:s7+$0x6000];
	(v2sf) =	vpush v21, $0xF  }
0x137: {  	v18 =	vld [tilespmem:s7+$0x9400];
	(xrf0) =	vadd.scan.msk.s32 $0xffff, v17  }
0x138: {  	(xrf0) =	vadd.scan.msk.s32 $0xffff, v13  }
0x139: {  	v23 =	vld [tilespmem:s7+$0x6020];
	(xrf0) =	vadd.scan.msk.s32 $0xffff, v5;
	(v2sf) =	vpush v16, $0xF  }
0x13a: {  	v14 =	vld [tilespmem:s7+$0x9420];
	(xrf0) =	vadd.scan.msk.s32 $0xffff, v7;
	(v2sf) =	vpush v19, $0xF  }
0x13b: {  	[tilespmem:s7+$0x9410] =	vst v0;
	(xrf0) =	vadd.scan.msk.s32 $0xffff, v9  }
0x13c: {  	s8 =	simm.s32 $0x0;
	[tilespmem:s7+$0x6010] =	vst v0;
	(xrf0) =	vadd.scan.msk.s32 $0xffff, v18  }
0x13d: {  	[tilespmem:s7+$0x6000] =	vst v0;
	v8 =	vsub.s32 s8, v8;
	v27, _, _ =	vpop (xrf0)  }
0x13e: {  	[tilespmem:s7+$0x6020] =	vst v0;
	(xrf0) =	vadd.scan.msk.s32 $0xffff, v23;
	v24, _, _ =	vpop (xrf0)  }
0x13f: {  	[tilespmem:s7+$0x9400] =	vst v0;
	(v2sf) =	vpush v27, $0xF;
	(xrf0) =	vadd.scan.msk.s32 $0xffff, v14;
	v26, _, _ =	vpop (xrf0)  }
0x140: {  	[tilespmem:s7+$0x9420] =	vst v0;
	v29 =	vsub.s32 s8, v20;
	v28 =	vadd.s32 v22, v8;
	(v2sf) =	vpush v24, $0xF;
	v8, _, _ =	vpop (xrf0)  }
0x141: {  	s11 =	simm.s32 $0x200;
	v29 =	vadd.s32 v25, v29;
	v22 =	vld [tilespmem:s7+$0x6030];
	[tilespmem:s4+$0x9600] =	vst v28;
	v20, _, _ =	vpop (xrf0);
	s1 =	spop (v2sf)  }
0x142: {  	s10 =	simm.s32 $0x0;
	v28 =	vld [tilespmem:s7+$0x9430];
	[tilespmem:s4+$0x6200] =	vst v29;
	v25, _, _ =	vpop (xrf0);
	(v2sf) =	vpush v20, $0xF;
	s9 =	sadd.s32 $0x0, s1;
	s1 =	spop (v2sf)  }
.LBB2_14:
0x143: {  	s5 =	sshra.s32 s11, $0x2  }
0x144: {  	[tilespmem:s7+$0x6030] =	vst v0;
	(v2sf) =	vpush v25, $0xF;
	v29, _, _ =	vpop (xrf0);
	s1 =	sadd.s32 s10, s1;
	s10 =	spop (v2sf);
	s30 =	smov.u32 s11  }
0x145: {  	s30 =	sadd.s32 $0x100, s11;
	[tilespmem:s7+$0x9430] =	vst v0;
	(v2sf) =	vpush v26, $0xF;
	v30, _, _ =	vpop (xrf0);
	v31 =	vsub.s32 s1, v12;
	s1 =	sadd.s32 s1, s10;
	s10 =	spop (v2sf);
	v12 =	vmov v5;
	v5 =	vld [tilespmem:s5+$0x9410]  }
0x146: {  	p3 =	sne.s32 s11, $0x700;
	v32 =	vld [tilespmem:s5+$0x6010];
	[tilespmem:s5+$0x9410] =	vst v0;
	(v2sf) =	vpush v30, $0xF;
	v31 =	vadd.s32 v15, v31;
	v33 =	vsub.s32 s1, v10;
	s1 =	sadd.s32 s1, s10;
	v10 =	vmovc v14;
	v15 =	vmovc v26  }
0x147: {  	v34 =	vld [tilespmem:s5+$0x6000];
	[tilespmem:s5+$0x6010] =	vst v0;
	v26 =	vadd.s32 v21, v33;
	v14 =	vsub.s32 s1, v17;
	v21 =	vmov v30  }
0x148: {  	v30 =	vld [tilespmem:s5+$0x9400];
	[tilespmem:s5+$0x6000] =	vst v0;
	(xrf0) =	vadd.scan.msk.s32 $0xffff, v28;
	v14 =	vadd.s32 v27, v14;
	s10 =	spop (v2sf);
	v17 =	vmov v28  }
0x149: {  	v28 =	vld [tilespmem:s5+$0x6020];
	(v2sf) =	vpush v8, $0xF;
	(xrf0) =	vadd.scan.msk.s32 $0xffff, v22;
	s10 =	sadd.s32 s9, s10;
	[tilespmem:s4+$0x9630] =	vst v14;
	s11 =	spop (v2sf)  }
0x14a: {  	v14 =	vld [tilespmem:s5+$0x9420];
	[tilespmem:s5+$0x6020] =	vst v0;
	(xrf0) =	vadd.scan.msk.s32 $0xffff, v5;
	(v2sf) =	vpush v29, $0xF;
	v27 =	vsub.s32 s10, v11;
	s11 =	sadd.s32 s10, s11;
	v11 =	vmovc v23  }
0x14b: {  	(xrf0) =	vadd.scan.msk.s32 $0xffff, v32;
	[tilespmem:s4+$0x9610] =	vst v31;
	v23 =	vadd.s32 v19, v27;
	v27 =	vsub.s32 s11, v13;
	v19 =	vmovc v29  }
0x14c: {  	v13 =	vmov v22;
	(xrf0) =	vadd.scan.msk.s32 $0xffff, v34;
	[tilespmem:s4+$0x6220] =	vst v23  }
0x14d: {  	v22 =	vadd.s32 v24, v27;
	(xrf0) =	vadd.scan.msk.s32 $0xffff, v30;
	[tilespmem:s4+$0x9620] =	vst v26  }
0x14e: {  	v23 =	vsub.s32 s9, v6;
	v6 =	vmov v7;
	(xrf0) =	vadd.scan.msk.s32 $0xffff, v28;
	v27, _, _ =	vpop (xrf0);
	[tilespmem:s4+$0x6230] =	vst v22;
	s9 =	spop (v2sf)  }
.Ltmp5:
0x14f: {  	v22 =	vadd.s32 v16, v23;
	[tilespmem:s5+$0x9400] =	vst v0;
	(xrf0) =	vadd.scan.msk.s32 $0xffff, v14;
	v24, _, _ =	vpop (xrf0);
	(v2sf) =	vpush v27, $0xF;
	s10 =	sadd.s32 s1, s9;
	s1 =	spop (v2sf);
	(pc) =	sbr.rel @p3 .LBB2_14-.Ltmp5, $4  }
0x150: {  	v7 =	vmov v32;
	v26, _, _ =	vpop (xrf0);
	v16 =	vsub.s32 s10, v18;
	(v2sf) =	vpush v24, $0xF;
	[tilespmem:s4+$0x6210] =	vst v22;
	s1 =	sadd.s32 s11, s1;
	s4 =	smov.u32 s7;
	s7 =	smov.u32 s5  }
0x151: {  	[tilespmem:s7+$0x9420] =	vst v0;
	v29, _, _ =	vpop (xrf0);
	v33 =	vsub.s32 s1, v9;
	v32 =	vadd.s32 v25, v16;
	v9 =	vmov v34  }
0x152: {  	v23 =	vmov v28;
	v18 =	vmov v30;
	v22 =	vld [tilespmem:s7+$0x6030];
	v31 =	vadd.s32 v20, v33;
	v20, _, _ =	vpop (xrf0);
	[tilespmem:s4+$0x9600] =	vst v32;
	s5 =	spop (v2sf)  }
0x153: {  	s11 =	smov.u32 s30;
	v28 =	vld [tilespmem:s7+$0x9430];
	v25, _, _ =	vpop (xrf0);
	(v2sf) =	vpush v20, $0xF;
	[tilespmem:s4+$0x6200] =	vst v31;
	s9 =	sadd.s32 s1, s5;
	s1 =	spop (v2sf);
	v16 =	vmov v8;
	v8 =	vmov v29  }
0x154: {  	(v2sf) =	vpush v25, $0xF;
	v29, _, _ =	vpop (xrf0)  }
0x155: {  	(v2sf) =	vpush v26, $0xF;
	v30, _, _ =	vpop (xrf0)  }
0x156: {  	(v2sf) =	vpush v30, $0xF;
	_ =	sdelay $0x1  }
0x157: {  	(v2sf) =	vpush v8, $0xF;
	_ =	sdelay $0x1  }
0x158: {  	(v2sf) =	vpush v29, $0xF;
	_ =	sdelay $0x1  }
0x159: {  	s5 =	spop (v2sf)  }
0x15a: {  	s2 =	spop (v2sf)  }
0x15b: {  	s11 =	spop (v2sf)  }
0x15c: {  	s1 =	sadd.s32 s10, s1;
	[tilespmem:s7+$0x6030] =	vst v0;
	v6 =	vsub.s32 s9, v6;
	s30 =	spop (v2sf)  }
0x15d: {  	[tilespmem:s7+$0x9430] =	vst v0;
	s5 =	sadd.s32 s1, s5;
	v12 =	vsub.s32 s1, v12;
	v6 =	vadd.s32 v16, v6;
	s1 =	sadd.s32 s9, s11;
	s11 =	spop (v2sf)  }
0x15e: {  	s10 =	sadd.s32 s5, s2;
	v12 =	vadd.s32 v15, v12;
	v10 =	vsub.s32 s5, v10;
	[tilespmem:s4+$0x6210] =	vst v6;
	(xrf0) =	vadd.scan.msk.s32 $0xffff, v28;
	s2 =	spop (v2sf)  }
0x15f: {  	v17 =	vsub.s32 s10, v17;
	[tilespmem:s4+$0x9610] =	vst v12;
	v10 =	vadd.s32 v21, v10;
	s5 =	spop (v2sf)  }
0x160: {  	v17 =	vadd.s32 v27, v17;
	[tilespmem:s4+$0x9620] =	vst v10;
	v11 =	vsub.s32 s1, v11;
	s1 =	sadd.s32 s1, s30;
	s10 =	sadd.s32 s10, s11;
	s30 =	spop (v2sf)  }
0x161: {  	[tilespmem:s4+$0x9630] =	vst v17;
	v11 =	vadd.s32 v19, v11;
	v51 =	vsub.s32 s1, v13;
	s9 =	sadd.s32 s10, s30;
	s30 =	spop (v2sf)  }
0x162: {  	(xrf0) =	vadd.scan.msk.s32 $0xffff, v22;
	[tilespmem:s4+$0x6220] =	vst v11;
	v52 =	vadd.s32 v24, v51;
	v53 =	vsub.s32 s10, v18;
	s1 =	sadd.s32 s1, s2;
	s2 =	sadd.s32 s9, s30;
	s11 =	spop (v2sf)  }
0x163: {  	[tilespmem:s4+$0x6230] =	vst v52;
	v6 =	vsub.s32 s1, v9;
	v54 =	vadd.s32 v25, v53;
	s30 =	sadd.s32 s2, s11  }
0x164: {  	v55, _, _ =	vpop (xrf0);
	v6 =	vadd.s32 v20, v6;
	[tilespmem:s7+$0x9600] =	vst v54;
	s1 =	sadd.s32 s1, s5;
	s5 =	spop (v2sf);
	v56 =	vsub.s32 s30, v28  }
0x165: {  	[tilespmem:s7+$0x6200] =	vst v6;
	v5 =	vsub.s32 s9, v5;
	s4 =	sadd.s32 s1, s5;
	v6 =	vadd.s32 v55, v56  }
0x166: {  	v5 =	vadd.s32 v26, v5;
	s9 =	spop (v2sf);
	[tilespmem:s7+$0x9630] =	vst v6;
	v6 =	vsub.s32 s4, v23  }
0x167: {  	v58 =	vor.u32 s8, v2;
	v57 =	vsub.s32 s2, v14;
	[tilespmem:s7+$0x9610] =	vst v5;
	s10 =	sadd.s32 s4, s9;
	v5 =	vadd.s32 v29, v6  }
0x168: {  	v59, _, _ =	vpop (xrf0);
	v60 =	vsub.s32 s10, v22;
	v6 =	vadd.s32 v30, v57;
	[tilespmem:s7+$0x6220] =	vst v5  }
0x169: {  	[tilespmem:s7+$0x9620] =	vst v6;
	v5 =	vadd.s32 v59, v60;
	v6 =	vsub.s32 s1, v7  }
0x16a: {  	[tilespmem:s7+$0x6230] =	vst v5;
	v5 =	vadd.s32 v8, v6  }
0x16b: {  	[tilespmem:s7+$0x6210] =	vst v5  }
0x16c: {  	v5 =	vld.idx.msk [tilespmem:v58+s17+$0x0], $0xffff  }
0x16d: {  	v7 =	vld.idx.msk [tilespmem:v58+s18+$0x0], $0xffff;
	_ =	sdelay $0x3  }
0x16e: {  	v6 =	vshrl.u32 v5, $0x1  }
0x16f: {  	v8 =	vshrl.u32 v7, $0x1;
	v6 =	vand.u32 $0x1F0, v6  }
0x170: {  	v61 =	vor.u32 v1, v6;
	v6 =	vand.u32 $0x1F0, v8  }
0x171: {  	(v2sf) =	vpush v55, $0xF;
	v6 =	vor.u32 v1, v6  }
0x172: {  	(v2sf) =	vpush v59, $0xF;
	_ =	sdelay $0x2  }
0x173: {  	v8 =	vld.idx.msk [tilespmem:v61+s15+$0x0], $0xffff  }
0x174: {  	v62 =	vld.idx.msk [tilespmem:v6+s16+$0x0], $0xffff;
	_ =	sdelay $0x3  }
0x175: {  	v63 =	vld.idx.msk [tilespmem:v58+s19+$0x0], $0xffff  }
0x176: {  	v11 =	vld.idx.msk [tilespmem:v58+s20+$0x0], $0xffff;
	_ =	sdelay $0x1  }
0x177: {  	s1 =	simm.s32 $0x1;
	[tilespmem:v8+s21+$0x0] =	vst.idx.msk $0xffff, v5  }
0x178: {  	v5 =	vor.u32 s1, v2;
	[tilespmem:v62+s22+$0x0] =	vst.idx.msk $0xffff, v7  }
0x179: {  	[tilespmem:v8+s23+$0x0] =	vst.idx.msk $0xffff, v63  }
0x17a: {  	s11 =	spop (v2sf);
	[tilespmem:v62+s24+$0x0] =	vst.idx.msk $0xffff, v11  }
0x17b: {  	s4 =	simm.s32 $0x2;
	s30 =	spop (v2sf);
	[tilespmem:v61+s15+$0x0] =	vst.idx.add.s32.msk $0xffff, v3  }
.LBB2_16:
0x17c: {  	p3 =	sne.s32 s4, $0x7F;
	[tilespmem:v6+s16+$0x0] =	vst.idx.add.s32.msk $0xffff, v3;
	s1 =	smov.u32 s4;
	s4 =	sadd.s32 $0x1, s4  }
0x17d: {  	v7 =	vld.idx.msk [tilespmem:v5+s17+$0x0], $0xffff  }
0x17e: {  	v8 =	vld.idx.msk [tilespmem:v5+s18+$0x0], $0xffff;
	_ =	sdelay $0x4  }
0x17f: {  	v6 =	vshrl.u32 v7, $0x1  }
0x180: {  	v9 =	vshrl.u32 v8, $0x1;
	v6 =	vand.u32 $0x1F0, v6  }
0x181: {  	v10 =	vor.u32 v1, v6;
	v6 =	vand.u32 $0x1F0, v9  }
0x182: {  	v6 =	vor.u32 v1, v6;
	_ =	sdelay $0x3  }
0x183: {  	v9 =	vld.idx.msk [tilespmem:v10+s15+$0x0], $0xffff  }
0x184: {  	v11 =	vld.idx.msk [tilespmem:v6+s16+$0x0], $0xffff;
	_ =	sdelay $0x2  }
0x185: {  	v12 =	vld.idx.msk [tilespmem:v5+s19+$0x0], $0xffff  }
0x186: {  	v13 =	vld.idx.msk [tilespmem:v5+s20+$0x0], $0xffff;
	_ =	sdelay $0x2  }
.Ltmp6:
0x187: {  	[tilespmem:v9+s21+$0x0] =	vst.idx.msk $0xffff, v7;
	(pc) =	sbr.rel @p3 .LBB2_16-.Ltmp6, $4  }
0x188: {  	v5 =	vor.u32 s1, v2;
	[tilespmem:v11+s22+$0x0] =	vst.idx.msk $0xffff, v8  }
0x189: {  	[tilespmem:v9+s23+$0x0] =	vst.idx.msk $0xffff, v12  }
0x18a: {  	[tilespmem:v11+s24+$0x0] =	vst.idx.msk $0xffff, v13  }
0x18b: {  	[tilespmem:v10+s15+$0x0] =	vst.idx.add.s32.msk $0xffff, v3  }
0x18c: {  	_ =	sdelay $0x3  }
0x18d: {  	[tilespmem:v6+s16+$0x0] =	vst.idx.add.s32.msk $0xffff, v3  }
0x18e: {  	v6 =	vld.idx.msk [tilespmem:v5+s17+$0x0], $0xffff  }
0x18f: {  	v7 =	vld.idx.msk [tilespmem:v5+s18+$0x0], $0xffff;
	_ =	sdelay $0x3  }
0x190: {  	v8 =	vshrl.u32 v6, $0x1  }
0x191: {  	v9 =	vshrl.u32 v7, $0x1;
	v8 =	vand.u32 $0x1F0, v8  }
0x192: {  	v9 =	vand.u32 $0x1F0, v9;
	v8 =	vor.u32 v1, v8  }
0x193: {  	v9 =	vor.u32 v1, v9;
	_ =	sdelay $0x3  }
0x194: {  	v10 =	vld.idx.msk [tilespmem:v8+s15+$0x0], $0xffff  }
0x195: {  	v11 =	vld.idx.msk [tilespmem:v9+s16+$0x0], $0xffff;
	_ =	sdelay $0x3  }
0x196: {  	v12 =	vld.idx.msk [tilespmem:v5+s19+$0x0], $0xffff  }
0x197: {  	v5 =	vld.idx.msk [tilespmem:v5+s20+$0x0], $0xffff;
	_ =	sdelay $0x1  }
0x198: {  	s7 =	simm.s32 $0x0;
	s1 =	simm.s32 $0x3;
	[tilespmem:v10+s21+$0x0] =	vst.idx.msk $0xffff, v6  }
0x199: {  	v6 =	vor.u32 s1, v2;
	[tilespmem:v11+s22+$0x0] =	vst.idx.msk $0xffff, v7;
	v7 =	vmov s7  }
0x19a: {  	s5 =	simm.s32 $0x2;
	[tilespmem:v10+s23+$0x0] =	vst.idx.msk $0xffff, v12;
	v7 =	vand.u32 $0x7C, v7  }
0x19b: {  	[tilespmem:v11+s24+$0x0] =	vst.idx.msk $0xffff, v5;
	v5 =	vbroadcast v7, $0x0;
	v7 =	vmov s5  }
0x19c: {  	[tilespmem:v8+s15+$0x0] =	vst.idx.add.s32.msk $0xffff, v3;
	v7 =	vand.u32 $0x7E, v7  }
0x19d: {  	s8 =	simm.s32 $0x1;
	[tilespmem:v9+s16+$0x0] =	vst.idx.add.s32.msk $0xffff, v3;
	v5 =	vor.u32 v2, v5;
	v7 =	vbroadcast v7, $0x0  }
0x19e: {  	v9 =	vmov s8;
	v8 =	vld.idx.msk [tilespmem:v6+s21+$0x0], $0xffff  }
0x19f: {  	v6 =	vld.idx.msk [tilespmem:v6+s22+$0x0], $0xffff;
	v9 =	vand.u32 $0x7D, v9;
	v7 =	vor.u32 v2, v7  }
0x1a0: {  	s9 =	simm.s32 $0x7;
	v9 =	vbroadcast v9, $0x0  }
0x1a1: {  	v10 =	vor.u32 s9, v2  }
0x1a2: {  	s10 =	simm.s32 $0x4;
	v9 =	vor.u32 v2, v9;
	v11 =	vld.idx.msk [tilespmem:v5+s21+$0x0], $0xffff  }
0x1a3: {  	v12 =	vld.idx.msk [tilespmem:v5+s22+$0x0], $0xffff;
	v5 =	vmov s10;
	v8 =	vshrl.u32 v8, $0x6  }
0x1a4: {  	v5 =	vand.u32 $0x7C, v5;
	v6 =	vshrl.u32 v6, $0x6;
	v13 =	vld.idx.msk [tilespmem:v7+s21+$0x0], $0xffff;
	v8 =	vand.u32 $0x1F0, v8  }
0x1a5: {  	v7 =	vld.idx.msk [tilespmem:v7+s22+$0x0], $0xffff;
	v14 =	vbroadcast v5, $0x0;
	v6 =	vand.u32 $0x1F0, v6;
	v8 =	vor.u32 v1, v8  }
0x1a6: {  	s11 =	simm.s32 $0x6;
	v5 =	vld.idx.msk [tilespmem:v10+s21+$0x0], $0xffff;
	v15 =	vor.u32 v1, v6  }
0x1a7: {  	v16 =	vmov s11;
	v14 =	vor.u32 v2, v14;
	v18 =	vld.idx.msk [tilespmem:v9+s22+$0x0], $0xffff;
	v6 =	vshrl.u32 v11, $0x6  }
0x1a8: {  	v11 =	vld.idx.msk [tilespmem:v9+s21+$0x0], $0xffff;
	v9 =	vand.u32 $0x7E, v16;
	v12 =	vshrl.u32 v12, $0x6;
	v17 =	vand.u32 $0x1F0, v6  }
0x1a9: {  	v6 =	vld.idx.msk [tilespmem:v10+s22+$0x0], $0xffff;
	v9 =	vbroadcast v9, $0x0;
	v10 =	vand.u32 $0x1F0, v12;
	v16 =	vor.u32 v1, v17  }
0x1aa: {  	v12 =	vor.u32 v1, v10;
	[tilespmem:v8+s13+$0x0] =	vst.idx.add.s32.msk $0xffff, v3  }
0x1ab: {  	v10 =	vshrl.u32 v13, $0x6;
	v7 =	vshrl.u32 v7, $0x6;
	v9 =	vor.u32 v2, v9;
	[tilespmem:v15+s14+$0x0] =	vst.idx.add.s32.msk $0xffff, v3  }
0x1ac: {  	s30 =	simm.s32 $0x5;
	v10 =	vand.u32 $0x1F0, v10;
	v13 =	vand.u32 $0x1F0, v7;
	v8 =	vld.idx.msk [tilespmem:v14+s21+$0x0], $0xffff  }
0x1ad: {  	v7 =	vld.idx.msk [tilespmem:v14+s22+$0x0], $0xffff;
	v15 =	vmov s30;
	v14 =	vshrl.u32 v11, $0x6;
	v11 =	vor.u32 v1, v10  }
0x1ae: {  	s4 =	simm.s32 $0x8;
	v10 =	vor.u32 v1, v13;
	v13 =	vand.u32 $0x1F0, v14;
	v14 =	vshrl.u32 v18, $0x6;
	[tilespmem:v16+s13+$0x0] =	vst.idx.add.s32.msk $0xffff, v3  }
.LBB2_18:
0x1af: {  	p3 =	slt.u32 s4, $0x7C;
	v15 =	vand.u32 $0x7D, v15;
	[tilespmem:v12+s14+$0x0] =	vst.idx.add.s32.msk $0xffff, v3;
	v12 =	vor.u32 v1, v13;
	v13 =	vand.u32 $0x1F0, v14  }
0x1b0: {  	s1 =	sadd.s32 $0x3, s4;
	v14 =	vbroadcast v15, $0x0;
	v15 =	vld.idx.msk [tilespmem:v9+s21+$0x0], $0xffff;
	v13 =	vor.u32 v1, v13  }
0x1b1: {  	v16 =	vor.u32 s1, v2;
	v17 =	vld.idx.msk [tilespmem:v9+s22+$0x0], $0xffff  }
0x1b2: {  	v9 =	vor.u32 v2, v14;
	[tilespmem:v11+s13+$0x0] =	vst.idx.add.s32.msk $0xffff, v3  }
0x1b3: {  	v5 =	vshrl.u32 v5, $0x6;
	v11 =	vmov s4;
	[tilespmem:v10+s14+$0x0] =	vst.idx.add.s32.msk $0xffff, v3  }
0x1b4: {  	v6 =	vshrl.u32 v6, $0x6;
	v5 =	vand.u32 $0x1F0, v5;
	v10 =	vand.u32 $0x7C, v11;
	[tilespmem:v12+s13+$0x0] =	vst.idx.add.s32.msk $0xffff, v3  }
0x1b5: {  	v6 =	vand.u32 $0x1F0, v6;
	v11 =	vor.u32 v1, v5;
	v10 =	vbroadcast v10, $0x0;
	[tilespmem:v13+s14+$0x0] =	vst.idx.add.s32.msk $0xffff, v3  }
0x1b6: {  	s1 =	sadd.s32 $0x2, s4;
	v13 =	vor.u32 v1, v6;
	v5 =	vld.idx.msk [tilespmem:v16+s21+$0x0], $0xffff  }
0x1b7: {  	v8 =	vshrl.u32 v8, $0x6;
	v6 =	vmov s1;
	v10 =	vor.u32 v2, v10;
	v14 =	vld.idx.msk [tilespmem:v9+s21+$0x0], $0xffff  }
0x1b8: {  	v8 =	vand.u32 $0x1F0, v8;
	v7 =	vshrl.u32 v7, $0x6;
	v6 =	vand.u32 $0x7E, v6;
	v18 =	vld.idx.msk [tilespmem:v9+s22+$0x0], $0xffff  }
0x1b9: {  	v7 =	vand.u32 $0x1F0, v7;
	v9 =	vbroadcast v6, $0x0;
	v6 =	vld.idx.msk [tilespmem:v16+s22+$0x0], $0xffff;
	v16 =	vor.u32 v1, v8  }
.Ltmp7:
0x1ba: {  	v12 =	vor.u32 v1, v7;
	[tilespmem:v11+s13+$0x0] =	vst.idx.add.s32.msk $0xffff, v3;
	(pc) =	sbr.rel @p3 .LBB2_18-.Ltmp7, $4  }
0x1bb: {  	v7 =	vshrl.u32 v15, $0x6;
	v9 =	vor.u32 v2, v9;
	v11 =	vshrl.u32 v17, $0x6;
	[tilespmem:v13+s14+$0x0] =	vst.idx.add.s32.msk $0xffff, v3  }
0x1bc: {  	v13 =	vand.u32 $0x1F0, v7;
	v15 =	vand.u32 $0x1F0, v11;
	v8 =	vld.idx.msk [tilespmem:v10+s21+$0x0], $0xffff  }
0x1bd: {  	s1 =	sadd.s32 $0x1, s4;
	v14 =	vshrl.u32 v14, $0x6;
	v11 =	vor.u32 v1, v13;
	v7 =	vld.idx.msk [tilespmem:v10+s22+$0x0], $0xffff;
	v10 =	vor.u32 v1, v15  }
0x1be: {  	s4 =	sadd.s32 $0x4, s4;
	v15 =	vmov s1;
	v13 =	vand.u32 $0x1F0, v14;
	v14 =	vshrl.u32 v18, $0x6;
	[tilespmem:v16+s13+$0x0] =	vst.idx.add.s32.msk $0xffff, v3  }
0x1bf: {  	v15 =	vand.u32 $0x7D, v15  }
0x1c0: {  	v15 =	vbroadcast v15, $0x0;
	_ =	sdelay $0x1  }
0x1c1: {  	v15 =	vor.u32 v2, v15;
	_ =	sdelay $0x1  }
0x1c2: {  	[tilespmem:v12+s14+$0x0] =	vst.idx.add.s32.msk $0xffff, v3  }
0x1c3: {  	v12 =	vld.idx.msk [tilespmem:v9+s21+$0x0], $0xffff  }
0x1c4: {  	v13 =	vor.u32 v1, v13;
	v14 =	vand.u32 $0x1F0, v14;
	v9 =	vld.idx.msk [tilespmem:v9+s22+$0x0], $0xffff;
	v5 =	vshrl.u32 v5, $0x6  }
0x1c5: {  	v6 =	vshrl.u32 v6, $0x6;
	v14 =	vor.u32 v1, v14;
	v5 =	vand.u32 $0x1F0, v5;
	v16 =	vld.idx.msk [tilespmem:v15+s21+$0x0], $0xffff  }
0x1c6: {  	v6 =	vand.u32 $0x1F0, v6;
	v5 =	vor.u32 v1, v5;
	v8 =	vshrl.u32 v8, $0x6;
	v15 =	vld.idx.msk [tilespmem:v15+s22+$0x0], $0xffff  }
0x1c7: {  	[tilespmem:v11+s13+$0x0] =	vst.idx.add.s32.msk $0xffff, v3;
	v6 =	vor.u32 v1, v6;
	v8 =	vand.u32 $0x1F0, v8;
	v7 =	vshrl.u32 v7, $0x6  }
0x1c8: {  	[tilespmem:v10+s14+$0x0] =	vst.idx.add.s32.msk $0xffff, v3;
	v8 =	vor.u32 v1, v8;
	v7 =	vand.u32 $0x1F0, v7;
	v10 =	vshrl.u32 v12, $0x6  }
0x1c9: {  	[tilespmem:v13+s13+$0x0] =	vst.idx.add.s32.msk $0xffff, v3;
	v7 =	vor.u32 v1, v7;
	v9 =	vshrl.u32 v9, $0x6;
	v10 =	vand.u32 $0x1F0, v10  }
0x1ca: {  	[tilespmem:v14+s14+$0x0] =	vst.idx.add.s32.msk $0xffff, v3;
	v9 =	vand.u32 $0x1F0, v9;
	v10 =	vor.u32 v1, v10;
	v11 =	vshrl.u32 v16, $0x6  }
0x1cb: {  	[tilespmem:v5+s13+$0x0] =	vst.idx.add.s32.msk $0xffff, v3;
	v5 =	vor.u32 v1, v9;
	v9 =	vand.u32 $0x1F0, v11;
	v11 =	vshrl.u32 v15, $0x6  }
0x1cc: {  	[tilespmem:v6+s14+$0x0] =	vst.idx.add.s32.msk $0xffff, v3;
	v6 =	vor.u32 v1, v9;
	v9 =	vand.u32 $0x1F0, v11  }
0x1cd: {  	[tilespmem:v8+s13+$0x0] =	vst.idx.add.s32.msk $0xffff, v3;
	v8 =	vor.u32 v1, v9  }
0x1ce: {  	[tilespmem:v7+s14+$0x0] =	vst.idx.add.s32.msk $0xffff, v3  }
0x1cf: {  	[tilespmem:v10+s13+$0x0] =	vst.idx.add.s32.msk $0xffff, v3  }
0x1d0: {  	[tilespmem:v5+s14+$0x0] =	vst.idx.add.s32.msk $0xffff, v3  }
0x1d1: {  	[tilespmem:v6+s13+$0x0] =	vst.idx.add.s32.msk $0xffff, v3  }
0x1d2: {  	s4 =	simm.s32 $0x0;
	[tilespmem:v8+s14+$0x0] =	vst.idx.add.s32.msk $0xffff, v3  }
0x1d3: {  	v12 =	vld [tilespmem:s4+$0x9410]  }
0x1d4: {  	v7 =	vld [tilespmem:s4+$0x6010]  }
0x1d5: {  	v19 =	vld [tilespmem:s4+$0x6000]  }
0x1d6: {  	v8 =	vld [tilespmem:s4+$0x9400];
	_ =	sdelay $0x1  }
0x1d7: {  	v11 =	vld [tilespmem:s4+$0x6020];
	(xrf0) =	vadd.scan.msk.s32 $0xffff, v12  }
0x1d8: {  	v10 =	vld [tilespmem:s4+$0x9420];
	(xrf0) =	vadd.scan.msk.s32 $0xffff, v7  }
0x1d9: {  	(xrf0) =	vadd.scan.msk.s32 $0xffff, v19  }
0x1da: {  	(xrf0) =	vadd.scan.msk.s32 $0xffff, v8  }
0x1db: {  	[tilespmem:s4+$0x9410] =	vst v0  }
0x1dc: {  	[tilespmem:s4+$0x6010] =	vst v0;
	(xrf0) =	vadd.scan.msk.s32 $0xffff, v11  }
0x1dd: {  	[tilespmem:s4+$0x6000] =	vst v0;
	(xrf0) =	vadd.scan.msk.s32 $0xffff, v10;
	v15, _, _ =	vpop (xrf0)  }
0x1de: {  	[tilespmem:s4+$0x6020] =	vst v0;
	v16, _, _ =	vpop (xrf0)  }
0x1df: {  	[tilespmem:s4+$0x9400] =	vst v0;
	v25, _, _ =	vpop (xrf0)  }
0x1e0: {  	[tilespmem:s4+$0x9420] =	vst v0;
	v17 =	vld [tilespmem:s4+$0x9430];
	v22, _, _ =	vpop (xrf0);
	(v2sf) =	vpush v25, $0xF  }
0x1e1: {  	s8 =	simm.s32 $0x40;
	v13 =	vld [tilespmem:s4+$0x6030];
	[tilespmem:s4+$0x6030] =	vst v0;
	(v2sf) =	vpush v22, $0xF  }
0x1e2: {  	v6 =	vld [tilespmem:s8+$0x9410];
	[tilespmem:s4+$0x9430] =	vst v0;
	v20, _, _ =	vpop (xrf0)  }
0x1e3: {  	v5 =	vld [tilespmem:s8+$0x6010];
	(v2sf) =	vpush v15, $0xF;
	v21, _, _ =	vpop (xrf0)  }
0x1e4: {  	v9 =	vld [tilespmem:s8+$0x6000];
	(v2sf) =	vpush v21, $0xF  }
0x1e5: {  	v18 =	vld [tilespmem:s8+$0x9400];
	(xrf0) =	vadd.scan.msk.s32 $0xffff, v17  }
0x1e6: {  	(xrf0) =	vadd.scan.msk.s32 $0xffff, v13  }
0x1e7: {  	v23 =	vld [tilespmem:s8+$0x6020];
	(xrf0) =	vadd.scan.msk.s32 $0xffff, v6;
	(v2sf) =	vpush v16, $0xF  }
0x1e8: {  	v14 =	vld [tilespmem:s8+$0x9420];
	(xrf0) =	vadd.scan.msk.s32 $0xffff, v5;
	(v2sf) =	vpush v20, $0xF  }
0x1e9: {  	[tilespmem:s8+$0x9410] =	vst v0;
	(xrf0) =	vadd.scan.msk.s32 $0xffff, v9  }
0x1ea: {  	[tilespmem:s8+$0x6010] =	vst v0;
	(xrf0) =	vadd.scan.msk.s32 $0xffff, v18  }
0x1eb: {  	[tilespmem:s8+$0x6000] =	vst v0;
	v8 =	vsub.s32 s7, v8;
	v27, _, _ =	vpop (xrf0)  }
0x1ec: {  	[tilespmem:s8+$0x6020] =	vst v0;
	(xrf0) =	vadd.scan.msk.s32 $0xffff, v23;
	v24, _, _ =	vpop (xrf0)  }
0x1ed: {  	[tilespmem:s8+$0x9400] =	vst v0;
	(v2sf) =	vpush v27, $0xF;
	(xrf0) =	vadd.scan.msk.s32 $0xffff, v14;
	v26, _, _ =	vpop (xrf0)  }
0x1ee: {  	[tilespmem:s8+$0x9420] =	vst v0;
	v29 =	vsub.s32 s7, v19;
	v28 =	vadd.s32 v22, v8;
	(v2sf) =	vpush v24, $0xF;
	v8, _, _ =	vpop (xrf0)  }
0x1ef: {  	v29 =	vadd.s32 v25, v29;
	v22 =	vld [tilespmem:s8+$0x6030];
	[tilespmem:s4+$0x9600] =	vst v28;
	v19, _, _ =	vpop (xrf0);
	s1 =	spop (v2sf)  }
0x1f0: {  	s10 =	simm.s32 $0x200;
	v28 =	vld [tilespmem:s8+$0x9430];
	[tilespmem:s4+$0x6200] =	vst v29;
	v25, _, _ =	vpop (xrf0);
	(v2sf) =	vpush v19, $0xF;
	s9 =	sadd.s32 $0x0, s1;
	s1 =	spop (v2sf)  }
.LBB2_20:
0x1f1: {  	s5 =	sshra.s32 s10, $0x2  }
0x1f2: {  	[tilespmem:s8+$0x6030] =	vst v0;
	(v2sf) =	vpush v25, $0xF;
	v29, _, _ =	vpop (xrf0);
	s1 =	sadd.s32 s7, s1;
	s2 =	spop (v2sf);
	s7 =	smov.u32 s10  }
0x1f3: {  	s11 =	sadd.s32 $0x100, s10;
	[tilespmem:s8+$0x9430] =	vst v0;
	(v2sf) =	vpush v26, $0xF;
	v30, _, _ =	vpop (xrf0);
	v31 =	vsub.s32 s1, v12;
	s1 =	sadd.s32 s1, s2;
	s2 =	spop (v2sf);
	v12 =	vmov v6;
	v6 =	vld [tilespmem:s5+$0x9410]  }
0x1f4: {  	p3 =	sne.s32 s10, $0x700;
	v32 =	vld [tilespmem:s5+$0x6010];
	[tilespmem:s5+$0x9410] =	vst v0;
	(v2sf) =	vpush v30, $0xF;
	v31 =	vadd.s32 v15, v31;
	v33 =	vsub.s32 s1, v10;
	s1 =	sadd.s32 s1, s2;
	v10 =	vmovc v14;
	v15 =	vmovc v26  }
0x1f5: {  	v34 =	vld [tilespmem:s5+$0x6000];
	[tilespmem:s5+$0x6010] =	vst v0;
	v26 =	vadd.s32 v21, v33;
	v14 =	vsub.s32 s1, v17;
	v21 =	vmov v30  }
0x1f6: {  	v30 =	vld [tilespmem:s5+$0x9400];
	[tilespmem:s5+$0x6000] =	vst v0;
	(xrf0) =	vadd.scan.msk.s32 $0xffff, v28;
	v14 =	vadd.s32 v27, v14;
	s2 =	spop (v2sf);
	v17 =	vmov v28  }
0x1f7: {  	v28 =	vld [tilespmem:s5+$0x6020];
	(v2sf) =	vpush v8, $0xF;
	(xrf0) =	vadd.scan.msk.s32 $0xffff, v22;
	s2 =	sadd.s32 s9, s2;
	[tilespmem:s4+$0x9630] =	vst v14;
	s7 =	spop (v2sf)  }
0x1f8: {  	v14 =	vld [tilespmem:s5+$0x9420];
	[tilespmem:s5+$0x6020] =	vst v0;
	(xrf0) =	vadd.scan.msk.s32 $0xffff, v6;
	(v2sf) =	vpush v29, $0xF;
	v27 =	vsub.s32 s2, v11;
	s2 =	sadd.s32 s2, s7;
	v11 =	vmovc v23  }
0x1f9: {  	(xrf0) =	vadd.scan.msk.s32 $0xffff, v32;
	[tilespmem:s4+$0x9610] =	vst v31;
	v23 =	vadd.s32 v20, v27;
	v27 =	vsub.s32 s2, v13;
	v20 =	vmovc v29  }
0x1fa: {  	v13 =	vmov v22;
	(xrf0) =	vadd.scan.msk.s32 $0xffff, v34;
	[tilespmem:s4+$0x6220] =	vst v23  }
0x1fb: {  	v22 =	vadd.s32 v24, v27;
	(xrf0) =	vadd.scan.msk.s32 $0xffff, v30;
	[tilespmem:s4+$0x9620] =	vst v26  }
0x1fc: {  	v23 =	vsub.s32 s9, v7;
	v7 =	vmov v5;
	(xrf0) =	vadd.scan.msk.s32 $0xffff, v28;
	v27, _, _ =	vpop (xrf0);
	[tilespmem:s4+$0x6230] =	vst v22;
	s7 =	spop (v2sf)  }
.Ltmp8:
0x1fd: {  	v22 =	vadd.s32 v16, v23;
	[tilespmem:s5+$0x9400] =	vst v0;
	(xrf0) =	vadd.scan.msk.s32 $0xffff, v14;
	v24, _, _ =	vpop (xrf0);
	(v2sf) =	vpush v27, $0xF;
	s7 =	sadd.s32 s1, s7;
	s1 =	spop (v2sf);
	(pc) =	sbr.rel @p3 .LBB2_20-.Ltmp8, $4  }
0x1fe: {  	v5 =	vmov v32;
	v26, _, _ =	vpop (xrf0);
	v16 =	vsub.s32 s7, v18;
	(v2sf) =	vpush v24, $0xF;
	[tilespmem:s4+$0x6210] =	vst v22;
	s1 =	sadd.s32 s2, s1;
	s4 =	smov.u32 s8;
	s8 =	smov.u32 s5  }
0x1ff: {  	[tilespmem:s8+$0x9420] =	vst v0;
	v29, _, _ =	vpop (xrf0);
	v33 =	vsub.s32 s1, v9;
	v32 =	vadd.s32 v25, v16;
	v9 =	vmov v34  }
0x200: {  	v23 =	vmov v28;
	v18 =	vmov v30;
	v22 =	vld [tilespmem:s8+$0x6030];
	v31 =	vadd.s32 v19, v33;
	v19, _, _ =	vpop (xrf0);
	[tilespmem:s4+$0x9600] =	vst v32;
	s2 =	spop (v2sf)  }
0x201: {  	s10 =	smov.u32 s11;
	v28 =	vld [tilespmem:s8+$0x9430];
	v25, _, _ =	vpop (xrf0);
	(v2sf) =	vpush v19, $0xF;
	[tilespmem:s4+$0x6200] =	vst v31;
	s9 =	sadd.s32 s1, s2;
	s1 =	spop (v2sf);
	v16 =	vmov v8;
	v8 =	vmov v29  }
0x202: {  	(v2sf) =	vpush v25, $0xF;
	v29, _, _ =	vpop (xrf0)  }
0x203: {  	(v2sf) =	vpush v26, $0xF;
	v30, _, _ =	vpop (xrf0)  }
0x204: {  	(v2sf) =	vpush v30, $0xF;
	_ =	sdelay $0x1  }
0x205: {  	(v2sf) =	vpush v8, $0xF;
	_ =	sdelay $0x2  }
0x206: {  	(v2sf) =	vpush v29, $0xF  }
0x207: {  	s2 =	spop (v2sf)  }
0x208: {  	s5 =	spop (v2sf)  }
0x209: {  	s30 =	spop (v2sf)  }
0x20a: {  	s1 =	sadd.s32 s7, s1;
	[tilespmem:s8+$0x6030] =	vst v0;
	v7 =	vsub.s32 s9, v7;
	s10 =	spop (v2sf)  }
0x20b: {  	[tilespmem:s8+$0x9430] =	vst v0;
	s2 =	sadd.s32 s1, s2;
	v12 =	vsub.s32 s1, v12;
	v7 =	vadd.s32 v16, v7;
	s7 =	sadd.s32 s9, s30;
	s30 =	spop (v2sf)  }
0x20c: {  	s5 =	sadd.s32 s2, s5;
	v12 =	vadd.s32 v15, v12;
	v10 =	vsub.s32 s2, v10;
	[tilespmem:s4+$0x6210] =	vst v7;
	(xrf0) =	vadd.scan.msk.s32 $0xffff, v28;
	s11 =	spop (v2sf)  }
0x20d: {  	v17 =	vsub.s32 s5, v17;
	[tilespmem:s4+$0x9610] =	vst v12;
	v10 =	vadd.s32 v21, v10;
	s2 =	spop (v2sf)  }
0x20e: {  	v17 =	vadd.s32 v27, v17;
	[tilespmem:s4+$0x9620] =	vst v10;
	v11 =	vsub.s32 s7, v11;
	s1 =	sadd.s32 s7, s10;
	s5 =	sadd.s32 s5, s30;
	s30 =	spop (v2sf)  }
0x20f: {  	[tilespmem:s4+$0x9630] =	vst v17;
	v11 =	vadd.s32 v20, v11;
	v50 =	vsub.s32 s1, v13;
	s7 =	sadd.s32 s5, s30;
	s10 =	spop (v2sf)  }
0x210: {  	[tilespmem:s4+$0x6220] =	vst v11;
	v51 =	vadd.s32 v24, v50;
	v52 =	vsub.s32 s5, v18;
	s1 =	sadd.s32 s1, s11;
	s5 =	sadd.s32 s7, s10;
	s11 =	spop (v2sf)  }
0x211: {  	(xrf0) =	vadd.scan.msk.s32 $0xffff, v22;
	[tilespmem:s4+$0x6230] =	vst v51;
	v7 =	vsub.s32 s1, v9;
	v53 =	vadd.s32 v25, v52;
	s30 =	sadd.s32 s5, s11  }
0x212: {  	v54, _, _ =	vpop (xrf0);
	v7 =	vadd.s32 v19, v7;
	[tilespmem:s8+$0x9600] =	vst v53;
	s1 =	sadd.s32 s1, s2;
	s9 =	spop (v2sf);
	v55 =	vsub.s32 s30, v28  }
0x213: {  	[tilespmem:s8+$0x6200] =	vst v7;
	v5 =	vsub.s32 s1, v5;
	v6 =	vsub.s32 s7, v6;
	s2 =	sadd.s32 s1, s9;
	v7 =	vadd.s32 v54, v55  }
0x214: {  	s4 =	simm.s32 $0x0;
	v5 =	vadd.s32 v8, v5;
	v6 =	vadd.s32 v26, v6;
	[tilespmem:s8+$0x9630] =	vst v7;
	v7 =	vsub.s32 s2, v23  }
0x215: {  	v56 =	vsub.s32 s5, v14;
	s10 =	spop (v2sf);
	[tilespmem:s8+$0x9610] =	vst v6;
	v6 =	vadd.s32 v29, v7;
	v7 =	vor.u32 s4, v2  }
0x216: {  	[tilespmem:s8+$0x6210] =	vst v5;
	v9 =	vadd.s32 v30, v56;
	s2 =	sadd.s32 s2, s10  }
0x217: {  	v57, _, _ =	vpop (xrf0);
	[tilespmem:s8+$0x9620] =	vst v9;
	v58 =	vsub.s32 s2, v22  }
0x218: {  	[tilespmem:s8+$0x6220] =	vst v6;
	v6 =	vadd.s32 v57, v58  }
0x219: {  	[tilespmem:s8+$0x6230] =	vst v6  }
0x21a: {  	v5 =	vld.idx.msk [tilespmem:v7+s21+$0x0], $0xffff  }
0x21b: {  	v8 =	vld.idx.msk [tilespmem:v7+s22+$0x0], $0xffff;
	_ =	sdelay $0x3  }
0x21c: {  	v6 =	vshrl.u32 v5, $0x6  }
0x21d: {  	v59 =	vshrl.u32 v8, $0x6;
	v6 =	vand.u32 $0x1F0, v6  }
0x21e: {  	v60 =	vor.u32 v1, v6;
	v6 =	vand.u32 $0x1F0, v59  }
0x21f: {  	(v2sf) =	vpush v54, $0xF;
	v6 =	vor.u32 v1, v6  }
0x220: {  	(v2sf) =	vpush v57, $0xF;
	_ =	sdelay $0x2  }
0x221: {  	v61 =	vld.idx.msk [tilespmem:v60+s15+$0x0], $0xffff  }
0x222: {  	v62 =	vld.idx.msk [tilespmem:v6+s16+$0x0], $0xffff;
	_ =	sdelay $0x3  }
0x223: {  	v63 =	vld.idx.msk [tilespmem:v7+s23+$0x0], $0xffff  }
0x224: {  	v7 =	vld.idx.msk [tilespmem:v7+s24+$0x0], $0xffff;
	_ =	sdelay $0x1  }
0x225: {  	s5 =	simm.s32 $0x1;
	[tilespmem:v61+s17+$0x0] =	vst.idx.msk $0xffff, v5  }
0x226: {  	v5 =	vor.u32 s5, v2;
	[tilespmem:v62+s18+$0x0] =	vst.idx.msk $0xffff, v8  }
0x227: {  	[tilespmem:v61+s19+$0x0] =	vst.idx.msk $0xffff, v63  }
0x228: {  	s11 =	spop (v2sf);
	[tilespmem:v62+s20+$0x0] =	vst.idx.msk $0xffff, v7  }
0x229: {  	s7 =	simm.s32 $0x2;
	s30 =	spop (v2sf);
	[tilespmem:v60+s15+$0x0] =	vst.idx.add.s32.msk $0xffff, v3  }
.LBB2_22:
0x22a: {  	p3 =	sne.s32 s7, $0x7F;
	[tilespmem:v6+s16+$0x0] =	vst.idx.add.s32.msk $0xffff, v3;
	s1 =	smov.u32 s7;
	s7 =	sadd.s32 $0x1, s7  }
0x22b: {  	v7 =	vld.idx.msk [tilespmem:v5+s21+$0x0], $0xffff  }
0x22c: {  	v8 =	vld.idx.msk [tilespmem:v5+s22+$0x0], $0xffff;
	_ =	sdelay $0x4  }
0x22d: {  	v6 =	vshrl.u32 v7, $0x6  }
0x22e: {  	v9 =	vshrl.u32 v8, $0x6;
	v6 =	vand.u32 $0x1F0, v6  }
0x22f: {  	v10 =	vor.u32 v1, v6;
	v6 =	vand.u32 $0x1F0, v9  }
0x230: {  	v6 =	vor.u32 v1, v6;
	_ =	sdelay $0x3  }
0x231: {  	v9 =	vld.idx.msk [tilespmem:v10+s15+$0x0], $0xffff  }
0x232: {  	v11 =	vld.idx.msk [tilespmem:v6+s16+$0x0], $0xffff;
	_ =	sdelay $0x2  }
0x233: {  	v12 =	vld.idx.msk [tilespmem:v5+s23+$0x0], $0xffff  }
0x234: {  	v13 =	vld.idx.msk [tilespmem:v5+s24+$0x0], $0xffff;
	_ =	sdelay $0x2  }
.Ltmp9:
0x235: {  	[tilespmem:v9+s17+$0x0] =	vst.idx.msk $0xffff, v7;
	(pc) =	sbr.rel @p3 .LBB2_22-.Ltmp9, $4  }
0x236: {  	v5 =	vor.u32 s1, v2;
	[tilespmem:v11+s18+$0x0] =	vst.idx.msk $0xffff, v8  }
0x237: {  	[tilespmem:v9+s19+$0x0] =	vst.idx.msk $0xffff, v12  }
0x238: {  	[tilespmem:v11+s20+$0x0] =	vst.idx.msk $0xffff, v13  }
0x239: {  	[tilespmem:v10+s15+$0x0] =	vst.idx.add.s32.msk $0xffff, v3  }
0x23a: {  	_ =	sdelay $0x3  }
0x23b: {  	[tilespmem:v6+s16+$0x0] =	vst.idx.add.s32.msk $0xffff, v3  }
0x23c: {  	v6 =	vld.idx.msk [tilespmem:v5+s21+$0x0], $0xffff  }
0x23d: {  	v7 =	vld.idx.msk [tilespmem:v5+s22+$0x0], $0xffff;
	_ =	sdelay $0x3  }
0x23e: {  	v8 =	vshrl.u32 v6, $0x6  }
0x23f: {  	v9 =	vshrl.u32 v7, $0x6;
	v8 =	vand.u32 $0x1F0, v8  }
0x240: {  	v9 =	vand.u32 $0x1F0, v9;
	v8 =	vor.u32 v1, v8  }
0x241: {  	v9 =	vor.u32 v1, v9;
	_ =	sdelay $0x3  }
0x242: {  	v10 =	vld.idx.msk [tilespmem:v8+s15+$0x0], $0xffff  }
0x243: {  	v11 =	vld.idx.msk [tilespmem:v9+s16+$0x0], $0xffff;
	_ =	sdelay $0x3  }
0x244: {  	v12 =	vld.idx.msk [tilespmem:v5+s23+$0x0], $0xffff  }
0x245: {  	v5 =	vld.idx.msk [tilespmem:v5+s24+$0x0], $0xffff;
	_ =	sdelay $0x1  }
0x246: {  	s1 =	simm.s32 $0x3;
	[tilespmem:v10+s17+$0x0] =	vst.idx.msk $0xffff, v6  }
0x247: {  	v6 =	vor.u32 s1, v2;
	[tilespmem:v11+s18+$0x0] =	vst.idx.msk $0xffff, v7;
	v7 =	vmov s4  }
0x248: {  	s8 =	simm.s32 $0x2;
	[tilespmem:v10+s19+$0x0] =	vst.idx.msk $0xffff, v12;
	v7 =	vand.u32 $0x7C, v7  }
0x249: {  	[tilespmem:v11+s20+$0x0] =	vst.idx.msk $0xffff, v5;
	v5 =	vbroadcast v7, $0x0;
	v7 =	vmov s8  }
0x24a: {  	[tilespmem:v8+s15+$0x0] =	vst.idx.add.s32.msk $0xffff, v3;
	v7 =	vand.u32 $0x7E, v7  }
0x24b: {  	[tilespmem:v9+s16+$0x0] =	vst.idx.add.s32.msk $0xffff, v3;
	v5 =	vor.u32 v2, v5;
	v7 =	vbroadcast v7, $0x0  }
0x24c: {  	v9 =	vmov s5;
	v8 =	vld.idx.msk [tilespmem:v6+s17+$0x0], $0xffff  }
0x24d: {  	v6 =	vld.idx.msk [tilespmem:v6+s18+$0x0], $0xffff;
	v9 =	vand.u32 $0x7D, v9;
	v7 =	vor.u32 v2, v7  }
0x24e: {  	s9 =	simm.s32 $0x7;
	v9 =	vbroadcast v9, $0x0  }
0x24f: {  	v10 =	vor.u32 s9, v2  }
0x250: {  	s10 =	simm.s32 $0x4;
	v9 =	vor.u32 v2, v9;
	v11 =	vld.idx.msk [tilespmem:v5+s17+$0x0], $0xffff  }
0x251: {  	v12 =	vld.idx.msk [tilespmem:v5+s18+$0x0], $0xffff;
	v5 =	vmov s10;
	v8 =	vshrl.u32 v8, $0xB  }
0x252: {  	v5 =	vand.u32 $0x7C, v5;
	v6 =	vshrl.u32 v6, $0xB;
	v13 =	vld.idx.msk [tilespmem:v7+s17+$0x0], $0xffff;
	v8 =	vand.u32 $0x1F0, v8  }
0x253: {  	v7 =	vld.idx.msk [tilespmem:v7+s18+$0x0], $0xffff;
	v14 =	vbroadcast v5, $0x0;
	v6 =	vand.u32 $0x1F0, v6;
	v8 =	vor.u32 v1, v8  }
0x254: {  	s11 =	simm.s32 $0x6;
	v5 =	vld.idx.msk [tilespmem:v10+s17+$0x0], $0xffff;
	v15 =	vor.u32 v1, v6  }
0x255: {  	v16 =	vmov s11;
	v14 =	vor.u32 v2, v14;
	v18 =	vld.idx.msk [tilespmem:v9+s18+$0x0], $0xffff;
	v6 =	vshrl.u32 v11, $0xB  }
0x256: {  	v11 =	vld.idx.msk [tilespmem:v9+s17+$0x0], $0xffff;
	v9 =	vand.u32 $0x7E, v16;
	v12 =	vshrl.u32 v12, $0xB;
	v17 =	vand.u32 $0x1F0, v6  }
0x257: {  	v6 =	vld.idx.msk [tilespmem:v10+s18+$0x0], $0xffff;
	v9 =	vbroadcast v9, $0x0;
	v10 =	vand.u32 $0x1F0, v12;
	v16 =	vor.u32 v1, v17  }
0x258: {  	v12 =	vor.u32 v1, v10;
	[tilespmem:v8+s13+$0x0] =	vst.idx.add.s32.msk $0xffff, v3  }
0x259: {  	v10 =	vshrl.u32 v13, $0xB;
	v7 =	vshrl.u32 v7, $0xB;
	v9 =	vor.u32 v2, v9;
	[tilespmem:v15+s14+$0x0] =	vst.idx.add.s32.msk $0xffff, v3  }
0x25a: {  	s30 =	simm.s32 $0x5;
	v10 =	vand.u32 $0x1F0, v10;
	v13 =	vand.u32 $0x1F0, v7;
	v8 =	vld.idx.msk [tilespmem:v14+s17+$0x0], $0xffff  }
0x25b: {  	v7 =	vld.idx.msk [tilespmem:v14+s18+$0x0], $0xffff;
	v15 =	vmov s30;
	v14 =	vshrl.u32 v11, $0xB;
	v11 =	vor.u32 v1, v10  }
0x25c: {  	s4 =	simm.s32 $0x8;
	v10 =	vor.u32 v1, v13;
	v13 =	vand.u32 $0x1F0, v14;
	v14 =	vshrl.u32 v18, $0xB;
	[tilespmem:v16+s13+$0x0] =	vst.idx.add.s32.msk $0xffff, v3  }
.LBB2_24:
0x25d: {  	p3 =	slt.u32 s4, $0x7C;
	v15 =	vand.u32 $0x7D, v15;
	[tilespmem:v12+s14+$0x0] =	vst.idx.add.s32.msk $0xffff, v3;
	v12 =	vor.u32 v1, v13;
	v13 =	vand.u32 $0x1F0, v14  }
0x25e: {  	s1 =	sadd.s32 $0x3, s4;
	v14 =	vbroadcast v15, $0x0;
	v15 =	vld.idx.msk [tilespmem:v9+s17+$0x0], $0xffff;
	v13 =	vor.u32 v1, v13  }
0x25f: {  	v16 =	vor.u32 s1, v2;
	v17 =	vld.idx.msk [tilespmem:v9+s18+$0x0], $0xffff  }
0x260: {  	v9 =	vor.u32 v2, v14;
	[tilespmem:v11+s13+$0x0] =	vst.idx.add.s32.msk $0xffff, v3  }
0x261: {  	v5 =	vshrl.u32 v5, $0xB;
	v11 =	vmov s4;
	[tilespmem:v10+s14+$0x0] =	vst.idx.add.s32.msk $0xffff, v3  }
0x262: {  	v6 =	vshrl.u32 v6, $0xB;
	v5 =	vand.u32 $0x1F0, v5;
	v10 =	vand.u32 $0x7C, v11;
	[tilespmem:v12+s13+$0x0] =	vst.idx.add.s32.msk $0xffff, v3  }
0x263: {  	v6 =	vand.u32 $0x1F0, v6;
	v11 =	vor.u32 v1, v5;
	v10 =	vbroadcast v10, $0x0;
	[tilespmem:v13+s14+$0x0] =	vst.idx.add.s32.msk $0xffff, v3  }
0x264: {  	s1 =	sadd.s32 $0x2, s4;
	v13 =	vor.u32 v1, v6;
	v5 =	vld.idx.msk [tilespmem:v16+s17+$0x0], $0xffff  }
0x265: {  	v8 =	vshrl.u32 v8, $0xB;
	v6 =	vmov s1;
	v10 =	vor.u32 v2, v10;
	v14 =	vld.idx.msk [tilespmem:v9+s17+$0x0], $0xffff  }
0x266: {  	v8 =	vand.u32 $0x1F0, v8;
	v7 =	vshrl.u32 v7, $0xB;
	v6 =	vand.u32 $0x7E, v6;
	v18 =	vld.idx.msk [tilespmem:v9+s18+$0x0], $0xffff  }
0x267: {  	v7 =	vand.u32 $0x1F0, v7;
	v9 =	vbroadcast v6, $0x0;
	v6 =	vld.idx.msk [tilespmem:v16+s18+$0x0], $0xffff;
	v16 =	vor.u32 v1, v8  }
.Ltmp10:
0x268: {  	v12 =	vor.u32 v1, v7;
	[tilespmem:v11+s13+$0x0] =	vst.idx.add.s32.msk $0xffff, v3;
	(pc) =	sbr.rel @p3 .LBB2_24-.Ltmp10, $4  }
0x269: {  	v7 =	vshrl.u32 v15, $0xB;
	v9 =	vor.u32 v2, v9;
	v11 =	vshrl.u32 v17, $0xB;
	[tilespmem:v13+s14+$0x0] =	vst.idx.add.s32.msk $0xffff, v3  }
0x26a: {  	v13 =	vand.u32 $0x1F0, v7;
	v15 =	vand.u32 $0x1F0, v11;
	v8 =	vld.idx.msk [tilespmem:v10+s17+$0x0], $0xffff  }
0x26b: {  	s1 =	sadd.s32 $0x1, s4;
	v14 =	vshrl.u32 v14, $0xB;
	v11 =	vor.u32 v1, v13;
	v7 =	vld.idx.msk [tilespmem:v10+s18+$0x0], $0xffff;
	v10 =	vor.u32 v1, v15  }
0x26c: {  	s4 =	sadd.s32 $0x4, s4;
	v15 =	vmov s1;
	v13 =	vand.u32 $0x1F0, v14;
	v14 =	vshrl.u32 v18, $0xB;
	[tilespmem:v16+s13+$0x0] =	vst.idx.add.s32.msk $0xffff, v3  }
0x26d: {  	v15 =	vand.u32 $0x7D, v15  }
0x26e: {  	v15 =	vbroadcast v15, $0x0;
	_ =	sdelay $0x1  }
0x26f: {  	v15 =	vor.u32 v2, v15;
	_ =	sdelay $0x1  }
0x270: {  	[tilespmem:v12+s14+$0x0] =	vst.idx.add.s32.msk $0xffff, v3  }
0x271: {  	v12 =	vld.idx.msk [tilespmem:v9+s17+$0x0], $0xffff  }
0x272: {  	v13 =	vor.u32 v1, v13;
	v14 =	vand.u32 $0x1F0, v14;
	v9 =	vld.idx.msk [tilespmem:v9+s18+$0x0], $0xffff;
	v5 =	vshrl.u32 v5, $0xB  }
0x273: {  	v6 =	vshrl.u32 v6, $0xB;
	v14 =	vor.u32 v1, v14;
	v5 =	vand.u32 $0x1F0, v5;
	v16 =	vld.idx.msk [tilespmem:v15+s17+$0x0], $0xffff  }
0x274: {  	v6 =	vand.u32 $0x1F0, v6;
	v5 =	vor.u32 v1, v5;
	v8 =	vshrl.u32 v8, $0xB;
	v15 =	vld.idx.msk [tilespmem:v15+s18+$0x0], $0xffff  }
0x275: {  	[tilespmem:v11+s13+$0x0] =	vst.idx.add.s32.msk $0xffff, v3;
	v6 =	vor.u32 v1, v6;
	v8 =	vand.u32 $0x1F0, v8;
	v7 =	vshrl.u32 v7, $0xB  }
0x276: {  	[tilespmem:v10+s14+$0x0] =	vst.idx.add.s32.msk $0xffff, v3;
	v8 =	vor.u32 v1, v8;
	v7 =	vand.u32 $0x1F0, v7;
	v10 =	vshrl.u32 v12, $0xB  }
0x277: {  	[tilespmem:v13+s13+$0x0] =	vst.idx.add.s32.msk $0xffff, v3;
	v7 =	vor.u32 v1, v7;
	v9 =	vshrl.u32 v9, $0xB;
	v10 =	vand.u32 $0x1F0, v10  }
0x278: {  	[tilespmem:v14+s14+$0x0] =	vst.idx.add.s32.msk $0xffff, v3;
	v9 =	vand.u32 $0x1F0, v9;
	v10 =	vor.u32 v1, v10;
	v11 =	vshrl.u32 v16, $0xB  }
0x279: {  	[tilespmem:v5+s13+$0x0] =	vst.idx.add.s32.msk $0xffff, v3;
	v5 =	vor.u32 v1, v9;
	v9 =	vand.u32 $0x1F0, v11;
	v11 =	vshrl.u32 v15, $0xB  }
0x27a: {  	[tilespmem:v6+s14+$0x0] =	vst.idx.add.s32.msk $0xffff, v3;
	v6 =	vor.u32 v1, v9;
	v9 =	vand.u32 $0x1F0, v11  }
0x27b: {  	[tilespmem:v8+s13+$0x0] =	vst.idx.add.s32.msk $0xffff, v3;
	v8 =	vor.u32 v1, v9  }
0x27c: {  	[tilespmem:v7+s14+$0x0] =	vst.idx.add.s32.msk $0xffff, v3  }
0x27d: {  	[tilespmem:v10+s13+$0x0] =	vst.idx.add.s32.msk $0xffff, v3  }
0x27e: {  	[tilespmem:v5+s14+$0x0] =	vst.idx.add.s32.msk $0xffff, v3  }
0x27f: {  	[tilespmem:v6+s13+$0x0] =	vst.idx.add.s32.msk $0xffff, v3  }
0x280: {  	s4 =	simm.s32 $0x0;
	[tilespmem:v8+s14+$0x0] =	vst.idx.add.s32.msk $0xffff, v3  }
0x281: {  	v12 =	vld [tilespmem:s4+$0x9410]  }
0x282: {  	v6 =	vld [tilespmem:s4+$0x6010]  }
0x283: {  	v20 =	vld [tilespmem:s4+$0x6000]  }
0x284: {  	v8 =	vld [tilespmem:s4+$0x9400];
	_ =	sdelay $0x1  }
0x285: {  	v11 =	vld [tilespmem:s4+$0x6020];
	(xrf0) =	vadd.scan.msk.s32 $0xffff, v12  }
0x286: {  	v10 =	vld [tilespmem:s4+$0x9420];
	(xrf0) =	vadd.scan.msk.s32 $0xffff, v6  }
0x287: {  	(xrf0) =	vadd.scan.msk.s32 $0xffff, v20  }
0x288: {  	(xrf0) =	vadd.scan.msk.s32 $0xffff, v8  }
0x289: {  	[tilespmem:s4+$0x9410] =	vst v0  }
0x28a: {  	[tilespmem:s4+$0x6010] =	vst v0;
	(xrf0) =	vadd.scan.msk.s32 $0xffff, v11  }
0x28b: {  	[tilespmem:s4+$0x6000] =	vst v0;
	(xrf0) =	vadd.scan.msk.s32 $0xffff, v10;
	v15, _, _ =	vpop (xrf0)  }
0x28c: {  	[tilespmem:s4+$0x6020] =	vst v0;
	v16, _, _ =	vpop (xrf0)  }
0x28d: {  	[tilespmem:s4+$0x9400] =	vst v0;
	v25, _, _ =	vpop (xrf0)  }
0x28e: {  	[tilespmem:s4+$0x9420] =	vst v0;
	v17 =	vld [tilespmem:s4+$0x9430];
	v22, _, _ =	vpop (xrf0);
	(v2sf) =	vpush v25, $0xF  }
0x28f: {  	s7 =	simm.s32 $0x40;
	v13 =	vld [tilespmem:s4+$0x6030];
	[tilespmem:s4+$0x6030] =	vst v0;
	(v2sf) =	vpush v22, $0xF  }
0x290: {  	v5 =	vld [tilespmem:s7+$0x9410];
	[tilespmem:s4+$0x9430] =	vst v0;
	v19, _, _ =	vpop (xrf0)  }
0x291: {  	v7 =	vld [tilespmem:s7+$0x6010];
	(v2sf) =	vpush v15, $0xF;
	v21, _, _ =	vpop (xrf0)  }
0x292: {  	v9 =	vld [tilespmem:s7+$0x6000];
	(v2sf) =	vpush v21, $0xF  }
0x293: {  	v18 =	vld [tilespmem:s7+$0x9400];
	(xrf0) =	vadd.scan.msk.s32 $0xffff, v17  }
0x294: {  	(xrf0) =	vadd.scan.msk.s32 $0xffff, v13  }
0x295: {  	v23 =	vld [tilespmem:s7+$0x6020];
	(xrf0) =	vadd.scan.msk.s32 $0xffff, v5;
	(v2sf) =	vpush v16, $0xF  }
0x296: {  	v14 =	vld [tilespmem:s7+$0x9420];
	(xrf0) =	vadd.scan.msk.s32 $0xffff, v7;
	(v2sf) =	vpush v19, $0xF  }
0x297: {  	[tilespmem:s7+$0x9410] =	vst v0;
	(xrf0) =	vadd.scan.msk.s32 $0xffff, v9  }
0x298: {  	s8 =	simm.s32 $0x0;
	[tilespmem:s7+$0x6010] =	vst v0;
	(xrf0) =	vadd.scan.msk.s32 $0xffff, v18  }
0x299: {  	[tilespmem:s7+$0x6000] =	vst v0;
	v8 =	vsub.s32 s8, v8;
	v27, _, _ =	vpop (xrf0)  }
0x29a: {  	[tilespmem:s7+$0x6020] =	vst v0;
	(xrf0) =	vadd.scan.msk.s32 $0xffff, v23;
	v24, _, _ =	vpop (xrf0)  }
0x29b: {  	[tilespmem:s7+$0x9400] =	vst v0;
	(v2sf) =	vpush v27, $0xF;
	(xrf0) =	vadd.scan.msk.s32 $0xffff, v14;
	v26, _, _ =	vpop (xrf0)  }
0x29c: {  	[tilespmem:s7+$0x9420] =	vst v0;
	v29 =	vsub.s32 s8, v20;
	v28 =	vadd.s32 v22, v8;
	(v2sf) =	vpush v24, $0xF;
	v8, _, _ =	vpop (xrf0)  }
0x29d: {  	s30 =	simm.s32 $0x200;
	v29 =	vadd.s32 v25, v29;
	v22 =	vld [tilespmem:s7+$0x6030];
	[tilespmem:s4+$0x9600] =	vst v28;
	v20, _, _ =	vpop (xrf0);
	s1 =	spop (v2sf)  }
0x29e: {  	s10 =	simm.s32 $0x0;
	v28 =	vld [tilespmem:s7+$0x9430];
	[tilespmem:s4+$0x6200] =	vst v29;
	v25, _, _ =	vpop (xrf0);
	(v2sf) =	vpush v20, $0xF;
	s9 =	sadd.s32 $0x0, s1;
	s1 =	spop (v2sf)  }
.LBB2_26:
0x29f: {  	s5 =	sshra.s32 s30, $0x2  }
0x2a0: {  	[tilespmem:s7+$0x6030] =	vst v0;
	(v2sf) =	vpush v25, $0xF;
	v29, _, _ =	vpop (xrf0);
	s1 =	sadd.s32 s10, s1;
	s2 =	spop (v2sf);
	s10 =	smov.u32 s30  }
0x2a1: {  	s11 =	sadd.s32 $0x100, s30;
	[tilespmem:s7+$0x9430] =	vst v0;
	(v2sf) =	vpush v26, $0xF;
	v30, _, _ =	vpop (xrf0);
	v31 =	vsub.s32 s1, v12;
	s1 =	sadd.s32 s1, s2;
	s2 =	spop (v2sf);
	v12 =	vmov v5;
	v5 =	vld [tilespmem:s5+$0x9410]  }
0x2a2: {  	p3 =	sne.s32 s30, $0x700;
	v32 =	vld [tilespmem:s5+$0x6010];
	[tilespmem:s5+$0x9410] =	vst v0;
	(v2sf) =	vpush v30, $0xF;
	v31 =	vadd.s32 v15, v31;
	v33 =	vsub.s32 s1, v10;
	s1 =	sadd.s32 s1, s2;
	v10 =	vmovc v14;
	v15 =	vmovc v26  }
0x2a3: {  	v34 =	vld [tilespmem:s5+$0x6000];
	[tilespmem:s5+$0x6010] =	vst v0;
	v26 =	vadd.s32 v21, v33;
	v14 =	vsub.s32 s1, v17;
	v21 =	vmov v30  }
0x2a4: {  	v30 =	vld [tilespmem:s5+$0x9400];
	[tilespmem:s5+$0x6000] =	vst v0;
	(xrf0) =	vadd.scan.msk.s32 $0xffff, v28;
	v14 =	vadd.s32 v27, v14;
	s2 =	spop (v2sf);
	v17 =	vmov v28  }
0x2a5: {  	v28 =	vld [tilespmem:s5+$0x6020];
	(v2sf) =	vpush v8, $0xF;
	(xrf0) =	vadd.scan.msk.s32 $0xffff, v22;
	s2 =	sadd.s32 s9, s2;
	[tilespmem:s4+$0x9630] =	vst v14;
	s10 =	spop (v2sf)  }
0x2a6: {  	v14 =	vld [tilespmem:s5+$0x9420];
	[tilespmem:s5+$0x6020] =	vst v0;
	(xrf0) =	vadd.scan.msk.s32 $0xffff, v5;
	(v2sf) =	vpush v29, $0xF;
	v27 =	vsub.s32 s2, v11;
	s2 =	sadd.s32 s2, s10;
	v11 =	vmovc v23  }
0x2a7: {  	(xrf0) =	vadd.scan.msk.s32 $0xffff, v32;
	[tilespmem:s4+$0x9610] =	vst v31;
	v23 =	vadd.s32 v19, v27;
	v27 =	vsub.s32 s2, v13;
	v19 =	vmovc v29  }
0x2a8: {  	v13 =	vmov v22;
	(xrf0) =	vadd.scan.msk.s32 $0xffff, v34;
	[tilespmem:s4+$0x6220] =	vst v23  }
0x2a9: {  	v22 =	vadd.s32 v24, v27;
	(xrf0) =	vadd.scan.msk.s32 $0xffff, v30;
	[tilespmem:s4+$0x9620] =	vst v26  }
0x2aa: {  	v23 =	vsub.s32 s9, v6;
	v6 =	vmov v7;
	(xrf0) =	vadd.scan.msk.s32 $0xffff, v28;
	v27, _, _ =	vpop (xrf0);
	[tilespmem:s4+$0x6230] =	vst v22;
	s9 =	spop (v2sf)  }
.Ltmp11:
0x2ab: {  	v22 =	vadd.s32 v16, v23;
	[tilespmem:s5+$0x9400] =	vst v0;
	(xrf0) =	vadd.scan.msk.s32 $0xffff, v14;
	v24, _, _ =	vpop (xrf0);
	(v2sf) =	vpush v27, $0xF;
	s10 =	sadd.s32 s1, s9;
	s1 =	spop (v2sf);
	(pc) =	sbr.rel @p3 .LBB2_26-.Ltmp11, $4  }
0x2ac: {  	v7 =	vmov v32;
	v26, _, _ =	vpop (xrf0);
	v16 =	vsub.s32 s10, v18;
	(v2sf) =	vpush v24, $0xF;
	[tilespmem:s4+$0x6210] =	vst v22;
	s1 =	sadd.s32 s2, s1;
	s4 =	smov.u32 s7;
	s7 =	smov.u32 s5  }
0x2ad: {  	[tilespmem:s7+$0x9420] =	vst v0;
	v29, _, _ =	vpop (xrf0);
	v33 =	vsub.s32 s1, v9;
	v32 =	vadd.s32 v25, v16;
	v9 =	vmov v34  }
0x2ae: {  	v23 =	vmov v28;
	v18 =	vmov v30;
	v22 =	vld [tilespmem:s7+$0x6030];
	v31 =	vadd.s32 v20, v33;
	v20, _, _ =	vpop (xrf0);
	[tilespmem:s4+$0x9600] =	vst v32;
	s2 =	spop (v2sf)  }
0x2af: {  	s30 =	smov.u32 s11;
	v28 =	vld [tilespmem:s7+$0x9430];
	v25, _, _ =	vpop (xrf0);
	(v2sf) =	vpush v20, $0xF;
	[tilespmem:s4+$0x6200] =	vst v31;
	s9 =	sadd.s32 s1, s2;
	s1 =	spop (v2sf);
	v16 =	vmov v8;
	v8 =	vmov v29  }
0x2b0: {  	(v2sf) =	vpush v25, $0xF;
	v29, _, _ =	vpop (xrf0)  }
0x2b1: {  	(v2sf) =	vpush v26, $0xF;
	v30, _, _ =	vpop (xrf0)  }
0x2b2: {  	(v2sf) =	vpush v30, $0xF;
	_ =	sdelay $0x1  }
0x2b3: {  	(v2sf) =	vpush v8, $0xF;
	_ =	sdelay $0x1  }
0x2b4: {  	(v2sf) =	vpush v29, $0xF;
	_ =	sdelay $0x1  }
0x2b5: {  	s2 =	spop (v2sf)  }
0x2b6: {  	s5 =	spop (v2sf)  }
0x2b7: {  	s30 =	spop (v2sf)  }
0x2b8: {  	s1 =	sadd.s32 s10, s1;
	[tilespmem:s7+$0x6030] =	vst v0;
	v6 =	vsub.s32 s9, v6;
	s11 =	spop (v2sf)  }
0x2b9: {  	[tilespmem:s7+$0x9430] =	vst v0;
	s2 =	sadd.s32 s1, s2;
	v12 =	vsub.s32 s1, v12;
	v6 =	vadd.s32 v16, v6;
	s10 =	spop (v2sf)  }
0x2ba: {  	s5 =	sadd.s32 s2, s5;
	v12 =	vadd.s32 v15, v12;
	v10 =	vsub.s32 s2, v10;
	[tilespmem:s4+$0x6210] =	vst v6;
	(xrf0) =	vadd.scan.msk.s32 $0xffff, v28;
	s1 =	sadd.s32 s9, s30;
	s30 =	spop (v2sf)  }
0x2bb: {  	v17 =	vsub.s32 s5, v17;
	[tilespmem:s4+$0x9610] =	vst v12;
	v10 =	vadd.s32 v21, v10;
	s2 =	spop (v2sf)  }
0x2bc: {  	v17 =	vadd.s32 v27, v17;
	[tilespmem:s4+$0x9620] =	vst v10;
	v11 =	vsub.s32 s1, v11;
	s1 =	sadd.s32 s1, s11;
	s5 =	sadd.s32 s5, s10;
	s11 =	spop (v2sf)  }
0x2bd: {  	[tilespmem:s4+$0x9630] =	vst v17;
	v11 =	vadd.s32 v19, v11;
	v51 =	vsub.s32 s1, v13;
	s9 =	sadd.s32 s5, s11;
	s11 =	spop (v2sf)  }
0x2be: {  	(xrf0) =	vadd.scan.msk.s32 $0xffff, v22;
	[tilespmem:s4+$0x6220] =	vst v11;
	v52 =	vadd.s32 v24, v51;
	v53 =	vsub.s32 s5, v18;
	s1 =	sadd.s32 s1, s30;
	s5 =	sadd.s32 s9, s11;
	s11 =	spop (v2sf)  }
0x2bf: {  	[tilespmem:s4+$0x6230] =	vst v52;
	v6 =	vsub.s32 s1, v9;
	v54 =	vadd.s32 v25, v53;
	s30 =	sadd.s32 s5, s11  }
0x2c0: {  	v55, _, _ =	vpop (xrf0);
	v6 =	vadd.s32 v20, v6;
	[tilespmem:s7+$0x9600] =	vst v54;
	s1 =	sadd.s32 s1, s2;
	s4 =	spop (v2sf);
	v56 =	vsub.s32 s30, v28  }
0x2c1: {  	[tilespmem:s7+$0x6200] =	vst v6;
	v5 =	vsub.s32 s9, v5;
	s2 =	sadd.s32 s1, s4;
	v6 =	vadd.s32 v55, v56  }
0x2c2: {  	v5 =	vadd.s32 v26, v5;
	s10 =	spop (v2sf);
	[tilespmem:s7+$0x9630] =	vst v6;
	v6 =	vsub.s32 s2, v23  }
0x2c3: {  	v58 =	vor.u32 s8, v2;
	v57 =	vsub.s32 s5, v14;
	[tilespmem:s7+$0x9610] =	vst v5;
	s2 =	sadd.s32 s2, s10;
	v5 =	vadd.s32 v29, v6  }
0x2c4: {  	v59, _, _ =	vpop (xrf0);
	v6 =	vadd.s32 v30, v57;
	v60 =	vsub.s32 s2, v22;
	[tilespmem:s7+$0x6220] =	vst v5  }
0x2c5: {  	[tilespmem:s7+$0x9620] =	vst v6;
	v5 =	vadd.s32 v59, v60;
	v6 =	vsub.s32 s1, v7  }
0x2c6: {  	[tilespmem:s7+$0x6230] =	vst v5;
	v5 =	vadd.s32 v8, v6  }
0x2c7: {  	[tilespmem:s7+$0x6210] =	vst v5  }
0x2c8: {  	v5 =	vld.idx.msk [tilespmem:v58+s17+$0x0], $0xffff  }
0x2c9: {  	v7 =	vld.idx.msk [tilespmem:v58+s18+$0x0], $0xffff;
	_ =	sdelay $0x3  }
0x2ca: {  	v6 =	vshrl.u32 v5, $0xB  }
0x2cb: {  	v8 =	vshrl.u32 v7, $0xB;
	v6 =	vand.u32 $0x1F0, v6  }
0x2cc: {  	v61 =	vor.u32 v1, v6;
	v6 =	vand.u32 $0x1F0, v8  }
0x2cd: {  	(v2sf) =	vpush v55, $0xF;
	v6 =	vor.u32 v1, v6  }
0x2ce: {  	(v2sf) =	vpush v59, $0xF;
	_ =	sdelay $0x2  }
0x2cf: {  	v8 =	vld.idx.msk [tilespmem:v61+s15+$0x0], $0xffff  }
0x2d0: {  	v62 =	vld.idx.msk [tilespmem:v6+s16+$0x0], $0xffff;
	_ =	sdelay $0x3  }
0x2d1: {  	v63 =	vld.idx.msk [tilespmem:v58+s19+$0x0], $0xffff  }
0x2d2: {  	v11 =	vld.idx.msk [tilespmem:v58+s20+$0x0], $0xffff;
	_ =	sdelay $0x1  }
0x2d3: {  	s1 =	simm.s32 $0x1;
	[tilespmem:v8+s21+$0x0] =	vst.idx.msk $0xffff, v5  }
0x2d4: {  	v5 =	vor.u32 s1, v2;
	[tilespmem:v62+s22+$0x0] =	vst.idx.msk $0xffff, v7  }
0x2d5: {  	[tilespmem:v8+s23+$0x0] =	vst.idx.msk $0xffff, v63  }
0x2d6: {  	s11 =	spop (v2sf);
	[tilespmem:v62+s24+$0x0] =	vst.idx.msk $0xffff, v11  }
0x2d7: {  	s4 =	simm.s32 $0x2;
	s30 =	spop (v2sf);
	[tilespmem:v61+s15+$0x0] =	vst.idx.add.s32.msk $0xffff, v3  }
.LBB2_28:
0x2d8: {  	p3 =	sne.s32 s4, $0x7F;
	[tilespmem:v6+s16+$0x0] =	vst.idx.add.s32.msk $0xffff, v3;
	s1 =	smov.u32 s4;
	s4 =	sadd.s32 $0x1, s4  }
0x2d9: {  	v7 =	vld.idx.msk [tilespmem:v5+s17+$0x0], $0xffff  }
0x2da: {  	v8 =	vld.idx.msk [tilespmem:v5+s18+$0x0], $0xffff;
	_ =	sdelay $0x4  }
0x2db: {  	v6 =	vshrl.u32 v7, $0xB  }
0x2dc: {  	v9 =	vshrl.u32 v8, $0xB;
	v6 =	vand.u32 $0x1F0, v6  }
0x2dd: {  	v10 =	vor.u32 v1, v6;
	v6 =	vand.u32 $0x1F0, v9  }
0x2de: {  	v6 =	vor.u32 v1, v6;
	_ =	sdelay $0x3  }
0x2df: {  	v9 =	vld.idx.msk [tilespmem:v10+s15+$0x0], $0xffff  }
0x2e0: {  	v11 =	vld.idx.msk [tilespmem:v6+s16+$0x0], $0xffff;
	_ =	sdelay $0x2  }
0x2e1: {  	v12 =	vld.idx.msk [tilespmem:v5+s19+$0x0], $0xffff  }
0x2e2: {  	v13 =	vld.idx.msk [tilespmem:v5+s20+$0x0], $0xffff;
	_ =	sdelay $0x2  }
.Ltmp12:
0x2e3: {  	[tilespmem:v9+s21+$0x0] =	vst.idx.msk $0xffff, v7;
	(pc) =	sbr.rel @p3 .LBB2_28-.Ltmp12, $4  }
0x2e4: {  	v5 =	vor.u32 s1, v2;
	[tilespmem:v11+s22+$0x0] =	vst.idx.msk $0xffff, v8  }
0x2e5: {  	[tilespmem:v9+s23+$0x0] =	vst.idx.msk $0xffff, v12  }
0x2e6: {  	[tilespmem:v11+s24+$0x0] =	vst.idx.msk $0xffff, v13  }
0x2e7: {  	[tilespmem:v10+s15+$0x0] =	vst.idx.add.s32.msk $0xffff, v3  }
0x2e8: {  	_ =	sdelay $0x3  }
0x2e9: {  	[tilespmem:v6+s16+$0x0] =	vst.idx.add.s32.msk $0xffff, v3  }
0x2ea: {  	v6 =	vld.idx.msk [tilespmem:v5+s17+$0x0], $0xffff  }
0x2eb: {  	v7 =	vld.idx.msk [tilespmem:v5+s18+$0x0], $0xffff;
	_ =	sdelay $0x3  }
0x2ec: {  	v8 =	vshrl.u32 v6, $0xB  }
0x2ed: {  	v9 =	vshrl.u32 v7, $0xB;
	v8 =	vand.u32 $0x1F0, v8  }
0x2ee: {  	v9 =	vand.u32 $0x1F0, v9;
	v8 =	vor.u32 v1, v8  }
0x2ef: {  	v9 =	vor.u32 v1, v9;
	_ =	sdelay $0x3  }
0x2f0: {  	v10 =	vld.idx.msk [tilespmem:v8+s15+$0x0], $0xffff  }
0x2f1: {  	v11 =	vld.idx.msk [tilespmem:v9+s16+$0x0], $0xffff;
	_ =	sdelay $0x3  }
0x2f2: {  	v12 =	vld.idx.msk [tilespmem:v5+s19+$0x0], $0xffff  }
0x2f3: {  	v5 =	vld.idx.msk [tilespmem:v5+s20+$0x0], $0xffff;
	_ =	sdelay $0x1  }
0x2f4: {  	s7 =	simm.s32 $0x0;
	s1 =	simm.s32 $0x3;
	[tilespmem:v10+s21+$0x0] =	vst.idx.msk $0xffff, v6  }
0x2f5: {  	v6 =	vor.u32 s1, v2;
	[tilespmem:v11+s22+$0x0] =	vst.idx.msk $0xffff, v7;
	v7 =	vmov s7  }
0x2f6: {  	s5 =	simm.s32 $0x2;
	[tilespmem:v10+s23+$0x0] =	vst.idx.msk $0xffff, v12;
	v7 =	vand.u32 $0x7C, v7  }
0x2f7: {  	[tilespmem:v11+s24+$0x0] =	vst.idx.msk $0xffff, v5;
	v5 =	vbroadcast v7, $0x0;
	v7 =	vmov s5  }
0x2f8: {  	[tilespmem:v8+s15+$0x0] =	vst.idx.add.s32.msk $0xffff, v3;
	v7 =	vand.u32 $0x7E, v7  }
0x2f9: {  	s8 =	simm.s32 $0x1;
	[tilespmem:v9+s16+$0x0] =	vst.idx.add.s32.msk $0xffff, v3;
	v5 =	vor.u32 v2, v5;
	v7 =	vbroadcast v7, $0x0  }
0x2fa: {  	v9 =	vmov s8;
	v8 =	vld.idx.msk [tilespmem:v6+s21+$0x0], $0xffff  }
0x2fb: {  	v6 =	vld.idx.msk [tilespmem:v6+s22+$0x0], $0xffff;
	v9 =	vand.u32 $0x7D, v9;
	v7 =	vor.u32 v2, v7  }
0x2fc: {  	s9 =	simm.s32 $0x7;
	v9 =	vbroadcast v9, $0x0  }
0x2fd: {  	v10 =	vor.u32 s9, v2  }
0x2fe: {  	s10 =	simm.s32 $0x4;
	v9 =	vor.u32 v2, v9;
	v11 =	vld.idx.msk [tilespmem:v5+s21+$0x0], $0xffff  }
0x2ff: {  	v12 =	vld.idx.msk [tilespmem:v5+s22+$0x0], $0xffff;
	v5 =	vmov s10;
	v8 =	vshrl.u32 v8, $0x10  }
0x300: {  	v5 =	vand.u32 $0x7C, v5;
	v6 =	vshrl.u32 v6, $0x10;
	v13 =	vld.idx.msk [tilespmem:v7+s21+$0x0], $0xffff;
	v8 =	vand.u32 $0x1F0, v8  }
0x301: {  	v7 =	vld.idx.msk [tilespmem:v7+s22+$0x0], $0xffff;
	v14 =	vbroadcast v5, $0x0;
	v6 =	vand.u32 $0x1F0, v6;
	v8 =	vor.u32 v1, v8  }
0x302: {  	s11 =	simm.s32 $0x6;
	v5 =	vld.idx.msk [tilespmem:v10+s21+$0x0], $0xffff;
	v15 =	vor.u32 v1, v6  }
0x303: {  	v16 =	vmov s11;
	v14 =	vor.u32 v2, v14;
	v18 =	vld.idx.msk [tilespmem:v9+s22+$0x0], $0xffff;
	v6 =	vshrl.u32 v11, $0x10  }
0x304: {  	v11 =	vld.idx.msk [tilespmem:v9+s21+$0x0], $0xffff;
	v9 =	vand.u32 $0x7E, v16;
	v12 =	vshrl.u32 v12, $0x10;
	v17 =	vand.u32 $0x1F0, v6  }
0x305: {  	v6 =	vld.idx.msk [tilespmem:v10+s22+$0x0], $0xffff;
	v9 =	vbroadcast v9, $0x0;
	v10 =	vand.u32 $0x1F0, v12;
	v16 =	vor.u32 v1, v17  }
0x306: {  	v12 =	vor.u32 v1, v10;
	[tilespmem:v8+s13+$0x0] =	vst.idx.add.s32.msk $0xffff, v3  }
0x307: {  	v10 =	vshrl.u32 v13, $0x10;
	v7 =	vshrl.u32 v7, $0x10;
	v9 =	vor.u32 v2, v9;
	[tilespmem:v15+s14+$0x0] =	vst.idx.add.s32.msk $0xffff, v3  }
0x308: {  	s30 =	simm.s32 $0x5;
	v10 =	vand.u32 $0x1F0, v10;
	v13 =	vand.u32 $0x1F0, v7;
	v8 =	vld.idx.msk [tilespmem:v14+s21+$0x0], $0xffff  }
0x309: {  	v7 =	vld.idx.msk [tilespmem:v14+s22+$0x0], $0xffff;
	v15 =	vmov s30;
	v14 =	vshrl.u32 v11, $0x10;
	v11 =	vor.u32 v1, v10  }
0x30a: {  	s4 =	simm.s32 $0x8;
	v10 =	vor.u32 v1, v13;
	v13 =	vand.u32 $0x1F0, v14;
	v14 =	vshrl.u32 v18, $0x10;
	[tilespmem:v16+s13+$0x0] =	vst.idx.add.s32.msk $0xffff, v3  }
.LBB2_30:
0x30b: {  	p3 =	slt.u32 s4, $0x7C;
	v15 =	vand.u32 $0x7D, v15;
	[tilespmem:v12+s14+$0x0] =	vst.idx.add.s32.msk $0xffff, v3;
	v12 =	vor.u32 v1, v13;
	v13 =	vand.u32 $0x1F0, v14  }
0x30c: {  	s1 =	sadd.s32 $0x3, s4;
	v14 =	vbroadcast v15, $0x0;
	v15 =	vld.idx.msk [tilespmem:v9+s21+$0x0], $0xffff;
	v13 =	vor.u32 v1, v13  }
0x30d: {  	v16 =	vor.u32 s1, v2;
	v17 =	vld.idx.msk [tilespmem:v9+s22+$0x0], $0xffff  }
0x30e: {  	v9 =	vor.u32 v2, v14;
	[tilespmem:v11+s13+$0x0] =	vst.idx.add.s32.msk $0xffff, v3  }
0x30f: {  	v5 =	vshrl.u32 v5, $0x10;
	v11 =	vmov s4;
	[tilespmem:v10+s14+$0x0] =	vst.idx.add.s32.msk $0xffff, v3  }
0x310: {  	v6 =	vshrl.u32 v6, $0x10;
	v5 =	vand.u32 $0x1F0, v5;
	v10 =	vand.u32 $0x7C, v11;
	[tilespmem:v12+s13+$0x0] =	vst.idx.add.s32.msk $0xffff, v3  }
0x311: {  	v6 =	vand.u32 $0x1F0, v6;
	v11 =	vor.u32 v1, v5;
	v10 =	vbroadcast v10, $0x0;
	[tilespmem:v13+s14+$0x0] =	vst.idx.add.s32.msk $0xffff, v3  }
0x312: {  	s1 =	sadd.s32 $0x2, s4;
	v13 =	vor.u32 v1, v6;
	v5 =	vld.idx.msk [tilespmem:v16+s21+$0x0], $0xffff  }
0x313: {  	v8 =	vshrl.u32 v8, $0x10;
	v6 =	vmov s1;
	v10 =	vor.u32 v2, v10;
	v14 =	vld.idx.msk [tilespmem:v9+s21+$0x0], $0xffff  }
0x314: {  	v8 =	vand.u32 $0x1F0, v8;
	v7 =	vshrl.u32 v7, $0x10;
	v6 =	vand.u32 $0x7E, v6;
	v18 =	vld.idx.msk [tilespmem:v9+s22+$0x0], $0xffff  }
0x315: {  	v7 =	vand.u32 $0x1F0, v7;
	v9 =	vbroadcast v6, $0x0;
	v6 =	vld.idx.msk [tilespmem:v16+s22+$0x0], $0xffff;
	v16 =	vor.u32 v1, v8  }
.Ltmp13:
0x316: {  	v12 =	vor.u32 v1, v7;
	[tilespmem:v11+s13+$0x0] =	vst.idx.add.s32.msk $0xffff, v3;
	(pc) =	sbr.rel @p3 .LBB2_30-.Ltmp13, $4  }
0x317: {  	v7 =	vshrl.u32 v15, $0x10;
	v9 =	vor.u32 v2, v9;
	v11 =	vshrl.u32 v17, $0x10;
	[tilespmem:v13+s14+$0x0] =	vst.idx.add.s32.msk $0xffff, v3  }
0x318: {  	v13 =	vand.u32 $0x1F0, v7;
	v15 =	vand.u32 $0x1F0, v11;
	v8 =	vld.idx.msk [tilespmem:v10+s21+$0x0], $0xffff  }
0x319: {  	s1 =	sadd.s32 $0x1, s4;
	v14 =	vshrl.u32 v14, $0x10;
	v11 =	vor.u32 v1, v13;
	v7 =	vld.idx.msk [tilespmem:v10+s22+$0x0], $0xffff;
	v10 =	vor.u32 v1, v15  }
0x31a: {  	s4 =	sadd.s32 $0x4, s4;
	v15 =	vmov s1;
	v13 =	vand.u32 $0x1F0, v14;
	v14 =	vshrl.u32 v18, $0x10;
	[tilespmem:v16+s13+$0x0] =	vst.idx.add.s32.msk $0xffff, v3  }
0x31b: {  	v15 =	vand.u32 $0x7D, v15  }
0x31c: {  	v15 =	vbroadcast v15, $0x0;
	_ =	sdelay $0x1  }
0x31d: {  	v15 =	vor.u32 v2, v15;
	_ =	sdelay $0x1  }
0x31e: {  	[tilespmem:v12+s14+$0x0] =	vst.idx.add.s32.msk $0xffff, v3  }
0x31f: {  	v12 =	vld.idx.msk [tilespmem:v9+s21+$0x0], $0xffff  }
0x320: {  	v13 =	vor.u32 v1, v13;
	v14 =	vand.u32 $0x1F0, v14;
	v9 =	vld.idx.msk [tilespmem:v9+s22+$0x0], $0xffff;
	v5 =	vshrl.u32 v5, $0x10  }
0x321: {  	v6 =	vshrl.u32 v6, $0x10;
	v14 =	vor.u32 v1, v14;
	v5 =	vand.u32 $0x1F0, v5;
	v16 =	vld.idx.msk [tilespmem:v15+s21+$0x0], $0xffff  }
0x322: {  	v6 =	vand.u32 $0x1F0, v6;
	v5 =	vor.u32 v1, v5;
	v8 =	vshrl.u32 v8, $0x10;
	v15 =	vld.idx.msk [tilespmem:v15+s22+$0x0], $0xffff  }
0x323: {  	[tilespmem:v11+s13+$0x0] =	vst.idx.add.s32.msk $0xffff, v3;
	v6 =	vor.u32 v1, v6;
	v8 =	vand.u32 $0x1F0, v8;
	v7 =	vshrl.u32 v7, $0x10  }
0x324: {  	[tilespmem:v10+s14+$0x0] =	vst.idx.add.s32.msk $0xffff, v3;
	v8 =	vor.u32 v1, v8;
	v7 =	vand.u32 $0x1F0, v7;
	v10 =	vshrl.u32 v12, $0x10  }
0x325: {  	[tilespmem:v13+s13+$0x0] =	vst.idx.add.s32.msk $0xffff, v3;
	v7 =	vor.u32 v1, v7;
	v9 =	vshrl.u32 v9, $0x10;
	v10 =	vand.u32 $0x1F0, v10  }
0x326: {  	[tilespmem:v14+s14+$0x0] =	vst.idx.add.s32.msk $0xffff, v3;
	v9 =	vand.u32 $0x1F0, v9;
	v10 =	vor.u32 v1, v10;
	v11 =	vshrl.u32 v16, $0x10  }
0x327: {  	[tilespmem:v5+s13+$0x0] =	vst.idx.add.s32.msk $0xffff, v3;
	v5 =	vor.u32 v1, v9;
	v9 =	vand.u32 $0x1F0, v11;
	v11 =	vshrl.u32 v15, $0x10  }
0x328: {  	[tilespmem:v6+s14+$0x0] =	vst.idx.add.s32.msk $0xffff, v3;
	v6 =	vor.u32 v1, v9;
	v9 =	vand.u32 $0x1F0, v11  }
0x329: {  	[tilespmem:v8+s13+$0x0] =	vst.idx.add.s32.msk $0xffff, v3;
	v8 =	vor.u32 v1, v9  }
0x32a: {  	[tilespmem:v7+s14+$0x0] =	vst.idx.add.s32.msk $0xffff, v3  }
0x32b: {  	[tilespmem:v10+s13+$0x0] =	vst.idx.add.s32.msk $0xffff, v3  }
0x32c: {  	[tilespmem:v5+s14+$0x0] =	vst.idx.add.s32.msk $0xffff, v3  }
0x32d: {  	[tilespmem:v6+s13+$0x0] =	vst.idx.add.s32.msk $0xffff, v3  }
0x32e: {  	s4 =	simm.s32 $0x0;
	[tilespmem:v8+s14+$0x0] =	vst.idx.add.s32.msk $0xffff, v3  }
0x32f: {  	v12 =	vld [tilespmem:s4+$0x9410]  }
0x330: {  	v7 =	vld [tilespmem:s4+$0x6010]  }
0x331: {  	v19 =	vld [tilespmem:s4+$0x6000]  }
0x332: {  	v8 =	vld [tilespmem:s4+$0x9400];
	_ =	sdelay $0x1  }
0x333: {  	v11 =	vld [tilespmem:s4+$0x6020];
	(xrf0) =	vadd.scan.msk.s32 $0xffff, v12  }
0x334: {  	v10 =	vld [tilespmem:s4+$0x9420];
	(xrf0) =	vadd.scan.msk.s32 $0xffff, v7  }
0x335: {  	(xrf0) =	vadd.scan.msk.s32 $0xffff, v19  }
0x336: {  	(xrf0) =	vadd.scan.msk.s32 $0xffff, v8  }
0x337: {  	[tilespmem:s4+$0x9410] =	vst v0  }
0x338: {  	[tilespmem:s4+$0x6010] =	vst v0;
	(xrf0) =	vadd.scan.msk.s32 $0xffff, v11  }
0x339: {  	[tilespmem:s4+$0x6000] =	vst v0;
	(xrf0) =	vadd.scan.msk.s32 $0xffff, v10;
	v15, _, _ =	vpop (xrf0)  }
0x33a: {  	[tilespmem:s4+$0x6020] =	vst v0;
	v16, _, _ =	vpop (xrf0)  }
0x33b: {  	[tilespmem:s4+$0x9400] =	vst v0;
	v25, _, _ =	vpop (xrf0)  }
0x33c: {  	[tilespmem:s4+$0x9420] =	vst v0;
	v17 =	vld [tilespmem:s4+$0x9430];
	v22, _, _ =	vpop (xrf0);
	(v2sf) =	vpush v25, $0xF  }
0x33d: {  	s8 =	simm.s32 $0x40;
	v13 =	vld [tilespmem:s4+$0x6030];
	[tilespmem:s4+$0x6030] =	vst v0;
	(v2sf) =	vpush v22, $0xF  }
0x33e: {  	v6 =	vld [tilespmem:s8+$0x9410];
	[tilespmem:s4+$0x9430] =	vst v0;
	v20, _, _ =	vpop (xrf0)  }
0x33f: {  	v5 =	vld [tilespmem:s8+$0x6010];
	(v2sf) =	vpush v15, $0xF;
	v21, _, _ =	vpop (xrf0)  }
0x340: {  	v9 =	vld [tilespmem:s8+$0x6000];
	(v2sf) =	vpush v21, $0xF  }
0x341: {  	v18 =	vld [tilespmem:s8+$0x9400];
	(xrf0) =	vadd.scan.msk.s32 $0xffff, v17  }
0x342: {  	(xrf0) =	vadd.scan.msk.s32 $0xffff, v13  }
0x343: {  	v23 =	vld [tilespmem:s8+$0x6020];
	(xrf0) =	vadd.scan.msk.s32 $0xffff, v6;
	(v2sf) =	vpush v16, $0xF  }
0x344: {  	v14 =	vld [tilespmem:s8+$0x9420];
	(xrf0) =	vadd.scan.msk.s32 $0xffff, v5;
	(v2sf) =	vpush v20, $0xF  }
0x345: {  	[tilespmem:s8+$0x9410] =	vst v0;
	(xrf0) =	vadd.scan.msk.s32 $0xffff, v9  }
0x346: {  	[tilespmem:s8+$0x6010] =	vst v0;
	(xrf0) =	vadd.scan.msk.s32 $0xffff, v18  }
0x347: {  	[tilespmem:s8+$0x6000] =	vst v0;
	v8 =	vsub.s32 s7, v8;
	v27, _, _ =	vpop (xrf0)  }
0x348: {  	[tilespmem:s8+$0x6020] =	vst v0;
	(xrf0) =	vadd.scan.msk.s32 $0xffff, v23;
	v24, _, _ =	vpop (xrf0)  }
0x349: {  	[tilespmem:s8+$0x9400] =	vst v0;
	(v2sf) =	vpush v27, $0xF;
	(xrf0) =	vadd.scan.msk.s32 $0xffff, v14;
	v26, _, _ =	vpop (xrf0)  }
0x34a: {  	[tilespmem:s8+$0x9420] =	vst v0;
	v29 =	vsub.s32 s7, v19;
	v28 =	vadd.s32 v22, v8;
	(v2sf) =	vpush v24, $0xF;
	v8, _, _ =	vpop (xrf0)  }
0x34b: {  	v29 =	vadd.s32 v25, v29;
	v22 =	vld [tilespmem:s8+$0x6030];
	[tilespmem:s4+$0x9600] =	vst v28;
	v19, _, _ =	vpop (xrf0);
	s1 =	spop (v2sf)  }
0x34c: {  	s10 =	simm.s32 $0x200;
	v28 =	vld [tilespmem:s8+$0x9430];
	[tilespmem:s4+$0x6200] =	vst v29;
	v25, _, _ =	vpop (xrf0);
	(v2sf) =	vpush v19, $0xF;
	s9 =	sadd.s32 $0x0, s1;
	s1 =	spop (v2sf)  }
.LBB2_32:
0x34d: {  	s5 =	sshra.s32 s10, $0x2  }
0x34e: {  	[tilespmem:s8+$0x6030] =	vst v0;
	(v2sf) =	vpush v25, $0xF;
	v29, _, _ =	vpop (xrf0);
	s1 =	sadd.s32 s7, s1;
	s2 =	spop (v2sf);
	s7 =	smov.u32 s10  }
0x34f: {  	s11 =	sadd.s32 $0x100, s10;
	[tilespmem:s8+$0x9430] =	vst v0;
	(v2sf) =	vpush v26, $0xF;
	v30, _, _ =	vpop (xrf0);
	v31 =	vsub.s32 s1, v12;
	s1 =	sadd.s32 s1, s2;
	s2 =	spop (v2sf);
	v12 =	vmov v6;
	v6 =	vld [tilespmem:s5+$0x9410]  }
0x350: {  	p3 =	sne.s32 s10, $0x700;
	v32 =	vld [tilespmem:s5+$0x6010];
	[tilespmem:s5+$0x9410] =	vst v0;
	(v2sf) =	vpush v30, $0xF;
	v31 =	vadd.s32 v15, v31;
	v33 =	vsub.s32 s1, v10;
	s1 =	sadd.s32 s1, s2;
	v10 =	vmovc v14;
	v15 =	vmovc v26  }
0x351: {  	v34 =	vld [tilespmem:s5+$0x6000];
	[tilespmem:s5+$0x6010] =	vst v0;
	v26 =	vadd.s32 v21, v33;
	v14 =	vsub.s32 s1, v17;
	v21 =	vmov v30  }
0x352: {  	v30 =	vld [tilespmem:s5+$0x9400];
	[tilespmem:s5+$0x6000] =	vst v0;
	(xrf0) =	vadd.scan.msk.s32 $0xffff, v28;
	v14 =	vadd.s32 v27, v14;
	s2 =	spop (v2sf);
	v17 =	vmov v28  }
0x353: {  	v28 =	vld [tilespmem:s5+$0x6020];
	(v2sf) =	vpush v8, $0xF;
	(xrf0) =	vadd.scan.msk.s32 $0xffff, v22;
	s2 =	sadd.s32 s9, s2;
	[tilespmem:s4+$0x9630] =	vst v14;
	s7 =	spop (v2sf)  }
0x354: {  	v14 =	vld [tilespmem:s5+$0x9420];
	[tilespmem:s5+$0x6020] =	vst v0;
	(xrf0) =	vadd.scan.msk.s32 $0xffff, v6;
	(v2sf) =	vpush v29, $0xF;
	v27 =	vsub.s32 s2, v11;
	s2 =	sadd.s32 s2, s7;
	v11 =	vmovc v23  }
0x355: {  	(xrf0) =	vadd.scan.msk.s32 $0xffff, v32;
	[tilespmem:s4+$0x9610] =	vst v31;
	v23 =	vadd.s32 v20, v27;
	v27 =	vsub.s32 s2, v13;
	v20 =	vmovc v29  }
0x356: {  	v13 =	vmov v22;
	(xrf0) =	vadd.scan.msk.s32 $0xffff, v34;
	[tilespmem:s4+$0x6220] =	vst v23  }
0x357: {  	v22 =	vadd.s32 v24, v27;
	(xrf0) =	vadd.scan.msk.s32 $0xffff, v30;
	[tilespmem:s4+$0x9620] =	vst v26  }
0x358: {  	v23 =	vsub.s32 s9, v7;
	v7 =	vmov v5;
	(xrf0) =	vadd.scan.msk.s32 $0xffff, v28;
	v27, _, _ =	vpop (xrf0);
	[tilespmem:s4+$0x6230] =	vst v22;
	s7 =	spop (v2sf)  }
.Ltmp14:
0x359: {  	v22 =	vadd.s32 v16, v23;
	[tilespmem:s5+$0x9400] =	vst v0;
	(xrf0) =	vadd.scan.msk.s32 $0xffff, v14;
	v24, _, _ =	vpop (xrf0);
	(v2sf) =	vpush v27, $0xF;
	s7 =	sadd.s32 s1, s7;
	s1 =	spop (v2sf);
	(pc) =	sbr.rel @p3 .LBB2_32-.Ltmp14, $4  }
0x35a: {  	v5 =	vmov v32;
	v26, _, _ =	vpop (xrf0);
	v16 =	vsub.s32 s7, v18;
	(v2sf) =	vpush v24, $0xF;
	[tilespmem:s4+$0x6210] =	vst v22;
	s1 =	sadd.s32 s2, s1;
	s4 =	smov.u32 s8;
	s8 =	smov.u32 s5  }
0x35b: {  	[tilespmem:s8+$0x9420] =	vst v0;
	v29, _, _ =	vpop (xrf0);
	v33 =	vsub.s32 s1, v9;
	v32 =	vadd.s32 v25, v16;
	v9 =	vmov v34  }
0x35c: {  	v23 =	vmov v28;
	v18 =	vmov v30;
	v22 =	vld [tilespmem:s8+$0x6030];
	v31 =	vadd.s32 v19, v33;
	v19, _, _ =	vpop (xrf0);
	[tilespmem:s4+$0x9600] =	vst v32;
	s2 =	spop (v2sf)  }
0x35d: {  	s10 =	smov.u32 s11;
	v28 =	vld [tilespmem:s8+$0x9430];
	v25, _, _ =	vpop (xrf0);
	(v2sf) =	vpush v19, $0xF;
	[tilespmem:s4+$0x6200] =	vst v31;
	s9 =	sadd.s32 s1, s2;
	s1 =	spop (v2sf);
	v16 =	vmov v8;
	v8 =	vmov v29  }
0x35e: {  	(v2sf) =	vpush v25, $0xF;
	v29, _, _ =	vpop (xrf0)  }
0x35f: {  	(v2sf) =	vpush v26, $0xF;
	v30, _, _ =	vpop (xrf0)  }
0x360: {  	(v2sf) =	vpush v30, $0xF;
	_ =	sdelay $0x1  }
0x361: {  	(v2sf) =	vpush v8, $0xF;
	_ =	sdelay $0x2  }
0x362: {  	(v2sf) =	vpush v29, $0xF  }
0x363: {  	s2 =	spop (v2sf)  }
0x364: {  	s5 =	spop (v2sf)  }
0x365: {  	s30 =	spop (v2sf)  }
0x366: {  	s1 =	sadd.s32 s7, s1;
	[tilespmem:s8+$0x6030] =	vst v0;
	v7 =	vsub.s32 s9, v7;
	s10 =	spop (v2sf)  }
0x367: {  	[tilespmem:s8+$0x9430] =	vst v0;
	s2 =	sadd.s32 s1, s2;
	v12 =	vsub.s32 s1, v12;
	v7 =	vadd.s32 v16, v7;
	s7 =	sadd.s32 s9, s30;
	s30 =	spop (v2sf)  }
0x368: {  	s5 =	sadd.s32 s2, s5;
	v12 =	vadd.s32 v15, v12;
	v10 =	vsub.s32 s2, v10;
	[tilespmem:s4+$0x6210] =	vst v7;
	(xrf0) =	vadd.scan.msk.s32 $0xffff, v28;
	s11 =	spop (v2sf)  }
0x369: {  	v17 =	vsub.s32 s5, v17;
	[tilespmem:s4+$0x9610] =	vst v12;
	v10 =	vadd.s32 v21, v10;
	s2 =	spop (v2sf)  }
0x36a: {  	v17 =	vadd.s32 v27, v17;
	[tilespmem:s4+$0x9620] =	vst v10;
	v11 =	vsub.s32 s7, v11;
	s1 =	sadd.s32 s7, s10;
	s5 =	sadd.s32 s5, s30;
	s30 =	spop (v2sf)  }
0x36b: {  	[tilespmem:s4+$0x9630] =	vst v17;
	v11 =	vadd.s32 v20, v11;
	v50 =	vsub.s32 s1, v13;
	s7 =	sadd.s32 s5, s30;
	s10 =	spop (v2sf)  }
0x36c: {  	[tilespmem:s4+$0x6220] =	vst v11;
	v51 =	vadd.s32 v24, v50;
	v52 =	vsub.s32 s5, v18;
	s1 =	sadd.s32 s1, s11;
	s5 =	sadd.s32 s7, s10;
	s11 =	spop (v2sf)  }
0x36d: {  	(xrf0) =	vadd.scan.msk.s32 $0xffff, v22;
	[tilespmem:s4+$0x6230] =	vst v51;
	v7 =	vsub.s32 s1, v9;
	v53 =	vadd.s32 v25, v52;
	s30 =	sadd.s32 s5, s11  }
0x36e: {  	v54, _, _ =	vpop (xrf0);
	v7 =	vadd.s32 v19, v7;
	[tilespmem:s8+$0x9600] =	vst v53;
	s1 =	sadd.s32 s1, s2;
	s9 =	spop (v2sf);
	v55 =	vsub.s32 s30, v28  }
0x36f: {  	[tilespmem:s8+$0x6200] =	vst v7;
	v5 =	vsub.s32 s1, v5;
	v6 =	vsub.s32 s7, v6;
	s2 =	sadd.s32 s1, s9;
	v7 =	vadd.s32 v54, v55  }
0x370: {  	s4 =	simm.s32 $0x0;
	v5 =	vadd.s32 v8, v5;
	v6 =	vadd.s32 v26, v6;
	[tilespmem:s8+$0x9630] =	vst v7;
	v7 =	vsub.s32 s2, v23  }
0x371: {  	v56 =	vsub.s32 s5, v14;
	s10 =	spop (v2sf);
	[tilespmem:s8+$0x9610] =	vst v6;
	v6 =	vadd.s32 v29, v7;
	v7 =	vor.u32 s4, v2  }
0x372: {  	[tilespmem:s8+$0x6210] =	vst v5;
	v9 =	vadd.s32 v30, v56;
	s2 =	sadd.s32 s2, s10  }
0x373: {  	v57, _, _ =	vpop (xrf0);
	[tilespmem:s8+$0x9620] =	vst v9;
	v58 =	vsub.s32 s2, v22  }
0x374: {  	[tilespmem:s8+$0x6220] =	vst v6;
	v6 =	vadd.s32 v57, v58  }
0x375: {  	[tilespmem:s8+$0x6230] =	vst v6  }
0x376: {  	v5 =	vld.idx.msk [tilespmem:v7+s21+$0x0], $0xffff  }
0x377: {  	v8 =	vld.idx.msk [tilespmem:v7+s22+$0x0], $0xffff;
	_ =	sdelay $0x3  }
0x378: {  	v6 =	vshrl.u32 v5, $0x10  }
0x379: {  	v59 =	vshrl.u32 v8, $0x10;
	v6 =	vand.u32 $0x1F0, v6  }
0x37a: {  	v60 =	vor.u32 v1, v6;
	v6 =	vand.u32 $0x1F0, v59  }
0x37b: {  	(v2sf) =	vpush v54, $0xF;
	v6 =	vor.u32 v1, v6  }
0x37c: {  	(v2sf) =	vpush v57, $0xF;
	_ =	sdelay $0x2  }
0x37d: {  	v61 =	vld.idx.msk [tilespmem:v60+s15+$0x0], $0xffff  }
0x37e: {  	v62 =	vld.idx.msk [tilespmem:v6+s16+$0x0], $0xffff;
	_ =	sdelay $0x3  }
0x37f: {  	v63 =	vld.idx.msk [tilespmem:v7+s23+$0x0], $0xffff  }
0x380: {  	v7 =	vld.idx.msk [tilespmem:v7+s24+$0x0], $0xffff;
	_ =	sdelay $0x1  }
0x381: {  	s5 =	simm.s32 $0x1;
	[tilespmem:v61+s17+$0x0] =	vst.idx.msk $0xffff, v5  }
0x382: {  	v5 =	vor.u32 s5, v2;
	[tilespmem:v62+s18+$0x0] =	vst.idx.msk $0xffff, v8  }
0x383: {  	[tilespmem:v61+s19+$0x0] =	vst.idx.msk $0xffff, v63  }
0x384: {  	s11 =	spop (v2sf);
	[tilespmem:v62+s20+$0x0] =	vst.idx.msk $0xffff, v7  }
0x385: {  	s7 =	simm.s32 $0x2;
	s30 =	spop (v2sf);
	[tilespmem:v60+s15+$0x0] =	vst.idx.add.s32.msk $0xffff, v3  }
.LBB2_34:
0x386: {  	p3 =	sne.s32 s7, $0x7F;
	[tilespmem:v6+s16+$0x0] =	vst.idx.add.s32.msk $0xffff, v3;
	s1 =	smov.u32 s7;
	s7 =	sadd.s32 $0x1, s7  }
0x387: {  	v7 =	vld.idx.msk [tilespmem:v5+s21+$0x0], $0xffff  }
0x388: {  	v8 =	vld.idx.msk [tilespmem:v5+s22+$0x0], $0xffff;
	_ =	sdelay $0x4  }
0x389: {  	v6 =	vshrl.u32 v7, $0x10  }
0x38a: {  	v9 =	vshrl.u32 v8, $0x10;
	v6 =	vand.u32 $0x1F0, v6  }
0x38b: {  	v10 =	vor.u32 v1, v6;
	v6 =	vand.u32 $0x1F0, v9  }
0x38c: {  	v6 =	vor.u32 v1, v6;
	_ =	sdelay $0x3  }
0x38d: {  	v9 =	vld.idx.msk [tilespmem:v10+s15+$0x0], $0xffff  }
0x38e: {  	v11 =	vld.idx.msk [tilespmem:v6+s16+$0x0], $0xffff;
	_ =	sdelay $0x2  }
0x38f: {  	v12 =	vld.idx.msk [tilespmem:v5+s23+$0x0], $0xffff  }
0x390: {  	v13 =	vld.idx.msk [tilespmem:v5+s24+$0x0], $0xffff;
	_ =	sdelay $0x2  }
.Ltmp15:
0x391: {  	[tilespmem:v9+s17+$0x0] =	vst.idx.msk $0xffff, v7;
	(pc) =	sbr.rel @p3 .LBB2_34-.Ltmp15, $4  }
0x392: {  	v5 =	vor.u32 s1, v2;
	[tilespmem:v11+s18+$0x0] =	vst.idx.msk $0xffff, v8  }
0x393: {  	[tilespmem:v9+s19+$0x0] =	vst.idx.msk $0xffff, v12  }
0x394: {  	[tilespmem:v11+s20+$0x0] =	vst.idx.msk $0xffff, v13  }
0x395: {  	[tilespmem:v10+s15+$0x0] =	vst.idx.add.s32.msk $0xffff, v3  }
0x396: {  	_ =	sdelay $0x3  }
0x397: {  	[tilespmem:v6+s16+$0x0] =	vst.idx.add.s32.msk $0xffff, v3  }
0x398: {  	v6 =	vld.idx.msk [tilespmem:v5+s21+$0x0], $0xffff  }
0x399: {  	v7 =	vld.idx.msk [tilespmem:v5+s22+$0x0], $0xffff;
	_ =	sdelay $0x3  }
0x39a: {  	v8 =	vshrl.u32 v6, $0x10  }
0x39b: {  	v9 =	vshrl.u32 v7, $0x10;
	v8 =	vand.u32 $0x1F0, v8  }
0x39c: {  	v9 =	vand.u32 $0x1F0, v9;
	v8 =	vor.u32 v1, v8  }
0x39d: {  	v9 =	vor.u32 v1, v9;
	_ =	sdelay $0x3  }
0x39e: {  	v10 =	vld.idx.msk [tilespmem:v8+s15+$0x0], $0xffff  }
0x39f: {  	v11 =	vld.idx.msk [tilespmem:v9+s16+$0x0], $0xffff;
	_ =	sdelay $0x3  }
0x3a0: {  	v12 =	vld.idx.msk [tilespmem:v5+s23+$0x0], $0xffff  }
0x3a1: {  	v5 =	vld.idx.msk [tilespmem:v5+s24+$0x0], $0xffff;
	_ =	sdelay $0x1  }
0x3a2: {  	s1 =	simm.s32 $0x3;
	[tilespmem:v10+s17+$0x0] =	vst.idx.msk $0xffff, v6  }
0x3a3: {  	v6 =	vor.u32 s1, v2;
	[tilespmem:v11+s18+$0x0] =	vst.idx.msk $0xffff, v7;
	v7 =	vmov s4  }
0x3a4: {  	s8 =	simm.s32 $0x2;
	[tilespmem:v10+s19+$0x0] =	vst.idx.msk $0xffff, v12;
	v7 =	vand.u32 $0x7C, v7  }
0x3a5: {  	[tilespmem:v11+s20+$0x0] =	vst.idx.msk $0xffff, v5;
	v5 =	vbroadcast v7, $0x0;
	v7 =	vmov s8  }
0x3a6: {  	[tilespmem:v8+s15+$0x0] =	vst.idx.add.s32.msk $0xffff, v3;
	v7 =	vand.u32 $0x7E, v7  }
0x3a7: {  	[tilespmem:v9+s16+$0x0] =	vst.idx.add.s32.msk $0xffff, v3;
	v5 =	vor.u32 v2, v5;
	v7 =	vbroadcast v7, $0x0  }
0x3a8: {  	v9 =	vmov s5;
	v8 =	vld.idx.msk [tilespmem:v6+s17+$0x0], $0xffff  }
0x3a9: {  	v6 =	vld.idx.msk [tilespmem:v6+s18+$0x0], $0xffff;
	v9 =	vand.u32 $0x7D, v9;
	v7 =	vor.u32 v2, v7  }
0x3aa: {  	s9 =	simm.s32 $0x7;
	v9 =	vbroadcast v9, $0x0  }
0x3ab: {  	v10 =	vor.u32 s9, v2  }
0x3ac: {  	s10 =	simm.s32 $0x4;
	v9 =	vor.u32 v2, v9;
	v11 =	vld.idx.msk [tilespmem:v5+s17+$0x0], $0xffff  }
0x3ad: {  	v12 =	vld.idx.msk [tilespmem:v5+s18+$0x0], $0xffff;
	v5 =	vmov s10;
	v8 =	vshrl.u32 v8, $0x15  }
0x3ae: {  	v5 =	vand.u32 $0x7C, v5;
	v6 =	vshrl.u32 v6, $0x15;
	v13 =	vld.idx.msk [tilespmem:v7+s17+$0x0], $0xffff;
	v8 =	vand.u32 $0x1F0, v8  }
0x3af: {  	v7 =	vld.idx.msk [tilespmem:v7+s18+$0x0], $0xffff;
	v14 =	vbroadcast v5, $0x0;
	v6 =	vand.u32 $0x1F0, v6;
	v8 =	vor.u32 v1, v8  }
0x3b0: {  	s11 =	simm.s32 $0x6;
	v5 =	vld.idx.msk [tilespmem:v10+s17+$0x0], $0xffff;
	v15 =	vor.u32 v1, v6  }
0x3b1: {  	v16 =	vmov s11;
	v14 =	vor.u32 v2, v14;
	v18 =	vld.idx.msk [tilespmem:v9+s18+$0x0], $0xffff;
	v6 =	vshrl.u32 v11, $0x15  }
0x3b2: {  	v11 =	vld.idx.msk [tilespmem:v9+s17+$0x0], $0xffff;
	v9 =	vand.u32 $0x7E, v16;
	v12 =	vshrl.u32 v12, $0x15;
	v17 =	vand.u32 $0x1F0, v6  }
0x3b3: {  	v6 =	vld.idx.msk [tilespmem:v10+s18+$0x0], $0xffff;
	v9 =	vbroadcast v9, $0x0;
	v10 =	vand.u32 $0x1F0, v12;
	v16 =	vor.u32 v1, v17  }
0x3b4: {  	v12 =	vor.u32 v1, v10;
	[tilespmem:v8+s13+$0x0] =	vst.idx.add.s32.msk $0xffff, v3  }
0x3b5: {  	v10 =	vshrl.u32 v13, $0x15;
	v7 =	vshrl.u32 v7, $0x15;
	v9 =	vor.u32 v2, v9;
	[tilespmem:v15+s14+$0x0] =	vst.idx.add.s32.msk $0xffff, v3  }
0x3b6: {  	s30 =	simm.s32 $0x5;
	v10 =	vand.u32 $0x1F0, v10;
	v13 =	vand.u32 $0x1F0, v7;
	v8 =	vld.idx.msk [tilespmem:v14+s17+$0x0], $0xffff  }
0x3b7: {  	v7 =	vld.idx.msk [tilespmem:v14+s18+$0x0], $0xffff;
	v15 =	vmov s30;
	v14 =	vshrl.u32 v11, $0x15;
	v11 =	vor.u32 v1, v10  }
0x3b8: {  	s4 =	simm.s32 $0x8;
	v10 =	vor.u32 v1, v13;
	v13 =	vand.u32 $0x1F0, v14;
	v14 =	vshrl.u32 v18, $0x15;
	[tilespmem:v16+s13+$0x0] =	vst.idx.add.s32.msk $0xffff, v3  }
.LBB2_36:
0x3b9: {  	p3 =	slt.u32 s4, $0x7C;
	v15 =	vand.u32 $0x7D, v15;
	[tilespmem:v12+s14+$0x0] =	vst.idx.add.s32.msk $0xffff, v3;
	v12 =	vor.u32 v1, v13;
	v13 =	vand.u32 $0x1F0, v14  }
0x3ba: {  	s1 =	sadd.s32 $0x3, s4;
	v14 =	vbroadcast v15, $0x0;
	v15 =	vld.idx.msk [tilespmem:v9+s17+$0x0], $0xffff;
	v13 =	vor.u32 v1, v13  }
0x3bb: {  	v16 =	vor.u32 s1, v2;
	v17 =	vld.idx.msk [tilespmem:v9+s18+$0x0], $0xffff  }
0x3bc: {  	v9 =	vor.u32 v2, v14;
	[tilespmem:v11+s13+$0x0] =	vst.idx.add.s32.msk $0xffff, v3  }
0x3bd: {  	v5 =	vshrl.u32 v5, $0x15;
	v11 =	vmov s4;
	[tilespmem:v10+s14+$0x0] =	vst.idx.add.s32.msk $0xffff, v3  }
0x3be: {  	v6 =	vshrl.u32 v6, $0x15;
	v5 =	vand.u32 $0x1F0, v5;
	v10 =	vand.u32 $0x7C, v11;
	[tilespmem:v12+s13+$0x0] =	vst.idx.add.s32.msk $0xffff, v3  }
0x3bf: {  	v6 =	vand.u32 $0x1F0, v6;
	v11 =	vor.u32 v1, v5;
	v10 =	vbroadcast v10, $0x0;
	[tilespmem:v13+s14+$0x0] =	vst.idx.add.s32.msk $0xffff, v3  }
0x3c0: {  	s1 =	sadd.s32 $0x2, s4;
	v13 =	vor.u32 v1, v6;
	v5 =	vld.idx.msk [tilespmem:v16+s17+$0x0], $0xffff  }
0x3c1: {  	v8 =	vshrl.u32 v8, $0x15;
	v6 =	vmov s1;
	v10 =	vor.u32 v2, v10;
	v14 =	vld.idx.msk [tilespmem:v9+s17+$0x0], $0xffff  }
0x3c2: {  	v8 =	vand.u32 $0x1F0, v8;
	v7 =	vshrl.u32 v7, $0x15;
	v6 =	vand.u32 $0x7E, v6;
	v18 =	vld.idx.msk [tilespmem:v9+s18+$0x0], $0xffff  }
0x3c3: {  	v7 =	vand.u32 $0x1F0, v7;
	v9 =	vbroadcast v6, $0x0;
	v6 =	vld.idx.msk [tilespmem:v16+s18+$0x0], $0xffff;
	v16 =	vor.u32 v1, v8  }
.Ltmp16:
0x3c4: {  	v12 =	vor.u32 v1, v7;
	[tilespmem:v11+s13+$0x0] =	vst.idx.add.s32.msk $0xffff, v3;
	(pc) =	sbr.rel @p3 .LBB2_36-.Ltmp16, $4  }
0x3c5: {  	v7 =	vshrl.u32 v15, $0x15;
	v9 =	vor.u32 v2, v9;
	v11 =	vshrl.u32 v17, $0x15;
	[tilespmem:v13+s14+$0x0] =	vst.idx.add.s32.msk $0xffff, v3  }
0x3c6: {  	v13 =	vand.u32 $0x1F0, v7;
	v15 =	vand.u32 $0x1F0, v11;
	v8 =	vld.idx.msk [tilespmem:v10+s17+$0x0], $0xffff  }
0x3c7: {  	s1 =	sadd.s32 $0x1, s4;
	v14 =	vshrl.u32 v14, $0x15;
	v11 =	vor.u32 v1, v13;
	v7 =	vld.idx.msk [tilespmem:v10+s18+$0x0], $0xffff;
	v10 =	vor.u32 v1, v15  }
0x3c8: {  	s4 =	sadd.s32 $0x4, s4;
	v15 =	vmov s1;
	v13 =	vand.u32 $0x1F0, v14;
	v14 =	vshrl.u32 v18, $0x15;
	[tilespmem:v16+s13+$0x0] =	vst.idx.add.s32.msk $0xffff, v3  }
0x3c9: {  	v15 =	vand.u32 $0x7D, v15  }
0x3ca: {  	v15 =	vbroadcast v15, $0x0;
	_ =	sdelay $0x1  }
0x3cb: {  	v15 =	vor.u32 v2, v15;
	_ =	sdelay $0x1  }
0x3cc: {  	[tilespmem:v12+s14+$0x0] =	vst.idx.add.s32.msk $0xffff, v3  }
0x3cd: {  	v12 =	vld.idx.msk [tilespmem:v9+s17+$0x0], $0xffff  }
0x3ce: {  	v13 =	vor.u32 v1, v13;
	v14 =	vand.u32 $0x1F0, v14;
	v9 =	vld.idx.msk [tilespmem:v9+s18+$0x0], $0xffff;
	v5 =	vshrl.u32 v5, $0x15  }
0x3cf: {  	v6 =	vshrl.u32 v6, $0x15;
	v14 =	vor.u32 v1, v14;
	v5 =	vand.u32 $0x1F0, v5;
	v16 =	vld.idx.msk [tilespmem:v15+s17+$0x0], $0xffff  }
0x3d0: {  	v6 =	vand.u32 $0x1F0, v6;
	v5 =	vor.u32 v1, v5;
	v8 =	vshrl.u32 v8, $0x15;
	v15 =	vld.idx.msk [tilespmem:v15+s18+$0x0], $0xffff  }
0x3d1: {  	[tilespmem:v11+s13+$0x0] =	vst.idx.add.s32.msk $0xffff, v3;
	v6 =	vor.u32 v1, v6;
	v8 =	vand.u32 $0x1F0, v8;
	v7 =	vshrl.u32 v7, $0x15  }
0x3d2: {  	[tilespmem:v10+s14+$0x0] =	vst.idx.add.s32.msk $0xffff, v3;
	v8 =	vor.u32 v1, v8;
	v7 =	vand.u32 $0x1F0, v7;
	v10 =	vshrl.u32 v12, $0x15  }
0x3d3: {  	[tilespmem:v13+s13+$0x0] =	vst.idx.add.s32.msk $0xffff, v3;
	v7 =	vor.u32 v1, v7;
	v9 =	vshrl.u32 v9, $0x15;
	v10 =	vand.u32 $0x1F0, v10  }
0x3d4: {  	[tilespmem:v14+s14+$0x0] =	vst.idx.add.s32.msk $0xffff, v3;
	v9 =	vand.u32 $0x1F0, v9;
	v10 =	vor.u32 v1, v10;
	v11 =	vshrl.u32 v16, $0x15  }
0x3d5: {  	[tilespmem:v5+s13+$0x0] =	vst.idx.add.s32.msk $0xffff, v3;
	v5 =	vor.u32 v1, v9;
	v9 =	vand.u32 $0x1F0, v11;
	v11 =	vshrl.u32 v15, $0x15  }
0x3d6: {  	[tilespmem:v6+s14+$0x0] =	vst.idx.add.s32.msk $0xffff, v3;
	v6 =	vor.u32 v1, v9;
	v9 =	vand.u32 $0x1F0, v11  }
0x3d7: {  	[tilespmem:v8+s13+$0x0] =	vst.idx.add.s32.msk $0xffff, v3;
	v8 =	vor.u32 v1, v9  }
0x3d8: {  	[tilespmem:v7+s14+$0x0] =	vst.idx.add.s32.msk $0xffff, v3  }
0x3d9: {  	[tilespmem:v10+s13+$0x0] =	vst.idx.add.s32.msk $0xffff, v3  }
0x3da: {  	[tilespmem:v5+s14+$0x0] =	vst.idx.add.s32.msk $0xffff, v3  }
0x3db: {  	[tilespmem:v6+s13+$0x0] =	vst.idx.add.s32.msk $0xffff, v3  }
0x3dc: {  	s4 =	simm.s32 $0x0;
	[tilespmem:v8+s14+$0x0] =	vst.idx.add.s32.msk $0xffff, v3  }
0x3dd: {  	v8 =	vld [tilespmem:s4+$0x9410]  }
0x3de: {  	v5 =	vld [tilespmem:s4+$0x6010]  }
0x3df: {  	v21 =	vld [tilespmem:s4+$0x6000]  }
0x3e0: {  	v12 =	vld [tilespmem:s4+$0x9400];
	_ =	sdelay $0x1  }
0x3e1: {  	v9 =	vld [tilespmem:s4+$0x6020];
	(xrf0) =	vadd.scan.msk.s32 $0xffff, v8  }
0x3e2: {  	v10 =	vld [tilespmem:s4+$0x9420];
	(xrf0) =	vadd.scan.msk.s32 $0xffff, v5  }
0x3e3: {  	(xrf0) =	vadd.scan.msk.s32 $0xffff, v21  }
0x3e4: {  	(xrf0) =	vadd.scan.msk.s32 $0xffff, v12  }
0x3e5: {  	[tilespmem:s4+$0x9410] =	vst v0  }
0x3e6: {  	[tilespmem:s4+$0x6010] =	vst v0;
	(xrf0) =	vadd.scan.msk.s32 $0xffff, v9  }
0x3e7: {  	[tilespmem:s4+$0x6000] =	vst v0;
	(xrf0) =	vadd.scan.msk.s32 $0xffff, v10;
	v14, _, _ =	vpop (xrf0)  }
0x3e8: {  	[tilespmem:s4+$0x6020] =	vst v0;
	v16, _, _ =	vpop (xrf0)  }
0x3e9: {  	[tilespmem:s4+$0x9400] =	vst v0;
	v25, _, _ =	vpop (xrf0)  }
0x3ea: {  	[tilespmem:s4+$0x9420] =	vst v0;
	v17 =	vld [tilespmem:s4+$0x9430];
	v22, _, _ =	vpop (xrf0);
	(v2sf) =	vpush v25, $0xF  }
0x3eb: {  	s7 =	simm.s32 $0x40;
	v13 =	vld [tilespmem:s4+$0x6030];
	[tilespmem:s4+$0x6030] =	vst v0;
	(v2sf) =	vpush v22, $0xF  }
0x3ec: {  	v6 =	vld [tilespmem:s7+$0x9410];
	[tilespmem:s4+$0x9430] =	vst v0;
	v19, _, _ =	vpop (xrf0)  }
0x3ed: {  	v7 =	vld [tilespmem:s7+$0x6010];
	(v2sf) =	vpush v14, $0xF;
	v20, _, _ =	vpop (xrf0)  }
0x3ee: {  	v11 =	vld [tilespmem:s7+$0x6000];
	(v2sf) =	vpush v20, $0xF  }
0x3ef: {  	v18 =	vld [tilespmem:s7+$0x9400];
	(xrf0) =	vadd.scan.msk.s32 $0xffff, v17  }
0x3f0: {  	(xrf0) =	vadd.scan.msk.s32 $0xffff, v13  }
0x3f1: {  	v24 =	vld [tilespmem:s7+$0x6020];
	(xrf0) =	vadd.scan.msk.s32 $0xffff, v6;
	(v2sf) =	vpush v16, $0xF  }
0x3f2: {  	v15 =	vld [tilespmem:s7+$0x9420];
	(xrf0) =	vadd.scan.msk.s32 $0xffff, v7;
	(v2sf) =	vpush v19, $0xF  }
0x3f3: {  	[tilespmem:s7+$0x9410] =	vst v0;
	(xrf0) =	vadd.scan.msk.s32 $0xffff, v11  }
0x3f4: {  	s8 =	simm.s32 $0x0;
	[tilespmem:s7+$0x6010] =	vst v0;
	(xrf0) =	vadd.scan.msk.s32 $0xffff, v18  }
0x3f5: {  	[tilespmem:s7+$0x6000] =	vst v0;
	v12 =	vsub.s32 s8, v12;
	v27, _, _ =	vpop (xrf0)  }
0x3f6: {  	[tilespmem:s7+$0x6020] =	vst v0;
	(xrf0) =	vadd.scan.msk.s32 $0xffff, v24;
	v23, _, _ =	vpop (xrf0)  }
0x3f7: {  	[tilespmem:s7+$0x9400] =	vst v0;
	(v2sf) =	vpush v27, $0xF;
	(xrf0) =	vadd.scan.msk.s32 $0xffff, v15;
	v26, _, _ =	vpop (xrf0)  }
0x3f8: {  	[tilespmem:s7+$0x9420] =	vst v0;
	v29 =	vsub.s32 s8, v21;
	v28 =	vadd.s32 v22, v12;
	(v2sf) =	vpush v23, $0xF;
	v12, _, _ =	vpop (xrf0)  }
0x3f9: {  	s30 =	simm.s32 $0x200;
	v29 =	vadd.s32 v25, v29;
	v22 =	vld [tilespmem:s7+$0x6030];
	[tilespmem:s4+$0x9600] =	vst v28;
	v21, _, _ =	vpop (xrf0);
	s1 =	spop (v2sf)  }
0x3fa: {  	s10 =	simm.s32 $0x0;
	v28 =	vld [tilespmem:s7+$0x9430];
	[tilespmem:s4+$0x6200] =	vst v29;
	v25, _, _ =	vpop (xrf0);
	(v2sf) =	vpush v21, $0xF;
	s9 =	sadd.s32 $0x0, s1;
	s1 =	spop (v2sf)  }
.LBB2_38:
0x3fb: {  	s5 =	sshra.s32 s30, $0x2  }
0x3fc: {  	[tilespmem:s7+$0x6030] =	vst v0;
	(v2sf) =	vpush v25, $0xF;
	v29, _, _ =	vpop (xrf0);
	s1 =	sadd.s32 s10, s1;
	s2 =	spop (v2sf);
	s10 =	smov.u32 s30  }
0x3fd: {  	s11 =	sadd.s32 $0x100, s30;
	[tilespmem:s7+$0x9430] =	vst v0;
	(v2sf) =	vpush v26, $0xF;
	v30, _, _ =	vpop (xrf0);
	v31 =	vsub.s32 s1, v8;
	s1 =	sadd.s32 s1, s2;
	s2 =	spop (v2sf);
	v8 =	vmov v6;
	v6 =	vld [tilespmem:s5+$0x9410]  }
0x3fe: {  	p3 =	sne.s32 s30, $0x700;
	v32 =	vld [tilespmem:s5+$0x6010];
	[tilespmem:s5+$0x9410] =	vst v0;
	(v2sf) =	vpush v30, $0xF;
	v31 =	vadd.s32 v14, v31;
	v33 =	vsub.s32 s1, v10;
	s1 =	sadd.s32 s1, s2;
	v10 =	vmovc v15;
	v14 =	vmovc v26  }
0x3ff: {  	v34 =	vld [tilespmem:s5+$0x6000];
	[tilespmem:s5+$0x6010] =	vst v0;
	v26 =	vadd.s32 v20, v33;
	v15 =	vsub.s32 s1, v17;
	v20 =	vmov v30  }
0x400: {  	v30 =	vld [tilespmem:s5+$0x9400];
	[tilespmem:s5+$0x6000] =	vst v0;
	(xrf0) =	vadd.scan.msk.s32 $0xffff, v28;
	v15 =	vadd.s32 v27, v15;
	s2 =	spop (v2sf);
	v17 =	vmov v28  }
0x401: {  	v28 =	vld [tilespmem:s5+$0x6020];
	(v2sf) =	vpush v12, $0xF;
	(xrf0) =	vadd.scan.msk.s32 $0xffff, v22;
	s2 =	sadd.s32 s9, s2;
	[tilespmem:s4+$0x9630] =	vst v15;
	s10 =	spop (v2sf)  }
0x402: {  	v15 =	vld [tilespmem:s5+$0x9420];
	[tilespmem:s5+$0x6020] =	vst v0;
	(xrf0) =	vadd.scan.msk.s32 $0xffff, v6;
	(v2sf) =	vpush v29, $0xF;
	v27 =	vsub.s32 s2, v9;
	s2 =	sadd.s32 s2, s10;
	v9 =	vmovc v24  }
0x403: {  	(xrf0) =	vadd.scan.msk.s32 $0xffff, v32;
	[tilespmem:s4+$0x9610] =	vst v31;
	v24 =	vadd.s32 v19, v27;
	v27 =	vsub.s32 s2, v13;
	v19 =	vmovc v29  }
0x404: {  	v13 =	vmov v22;
	(xrf0) =	vadd.scan.msk.s32 $0xffff, v34;
	[tilespmem:s4+$0x6220] =	vst v24  }
0x405: {  	v22 =	vadd.s32 v23, v27;
	(xrf0) =	vadd.scan.msk.s32 $0xffff, v30;
	[tilespmem:s4+$0x9620] =	vst v26  }
0x406: {  	v24 =	vsub.s32 s9, v5;
	v5 =	vmov v7;
	(xrf0) =	vadd.scan.msk.s32 $0xffff, v28;
	v27, _, _ =	vpop (xrf0);
	[tilespmem:s4+$0x6230] =	vst v22;
	s9 =	spop (v2sf)  }
.Ltmp17:
0x407: {  	v22 =	vadd.s32 v16, v24;
	[tilespmem:s5+$0x9400] =	vst v0;
	(xrf0) =	vadd.scan.msk.s32 $0xffff, v15;
	v23, _, _ =	vpop (xrf0);
	(v2sf) =	vpush v27, $0xF;
	s10 =	sadd.s32 s1, s9;
	s1 =	spop (v2sf);
	(pc) =	sbr.rel @p3 .LBB2_38-.Ltmp17, $4  }
0x408: {  	v7 =	vmov v32;
	v26, _, _ =	vpop (xrf0);
	v16 =	vsub.s32 s10, v18;
	(v2sf) =	vpush v23, $0xF;
	[tilespmem:s4+$0x6210] =	vst v22;
	s1 =	sadd.s32 s2, s1;
	s4 =	smov.u32 s7;
	s7 =	smov.u32 s5  }
0x409: {  	[tilespmem:s7+$0x9420] =	vst v0;
	v29, _, _ =	vpop (xrf0);
	v33 =	vsub.s32 s1, v11;
	v32 =	vadd.s32 v25, v16;
	v11 =	vmov v34  }
0x40a: {  	v24 =	vmov v28;
	v18 =	vmov v30;
	v22 =	vld [tilespmem:s7+$0x6030];
	v31 =	vadd.s32 v21, v33;
	v21, _, _ =	vpop (xrf0);
	[tilespmem:s4+$0x9600] =	vst v32;
	s2 =	spop (v2sf)  }
0x40b: {  	s30 =	smov.u32 s11;
	v28 =	vld [tilespmem:s7+$0x9430];
	v25, _, _ =	vpop (xrf0);
	(v2sf) =	vpush v21, $0xF;
	[tilespmem:s4+$0x6200] =	vst v31;
	s9 =	sadd.s32 s1, s2;
	s1 =	spop (v2sf);
	v16 =	vmov v12;
	v12 =	vmov v29  }
0x40c: {  	_ = 	snop  }
0x40d: {  	(v2sf) =	vpush v25, $0xF;
	v29, _, _ =	vpop (xrf0)  }
0x40e: {  	(v2sf) =	vpush v26, $0xF;
	v30, _, _ =	vpop (xrf0)  }
0x40f: {  	(v2sf) =	vpush v30, $0xF  }
0x410: {  	(xrf0) =	vadd.scan.msk.s32 $0xffff, v28  }
0x411: {  	(v2sf) =	vpush v12, $0xF;
	(xrf0) =	vadd.scan.msk.s32 $0xffff, v22;
	_ =	sdelay $0x1  }
0x412: {  	(v2sf) =	vpush v29, $0xF;
	_ =	sdelay $0x1  }
0x413: {  	s2 =	spop (v2sf)  }
0x414: {  	s5 =	spop (v2sf);
	v31, _, _ =	vpop (xrf0)  }
0x415: {  	s1 =	sadd.s32 s10, s1;
	s10 =	spop (v2sf);
	v32, _, _ =	vpop (xrf0);
	(v2sf) =	vpush v31, $0xF  }
0x416: {  	[tilespmem:s7+$0x6030] =	vst v0;
	v5 =	vsub.s32 s9, v5;
	s11 =	spop (v2sf);
	(v2sf) =	vpush v32, $0xF  }
0x417: {  	[tilespmem:s7+$0x9430] =	vst v0;
	s2 =	sadd.s32 s1, s2;
	v8 =	vsub.s32 s1, v8;
	v5 =	vadd.s32 v16, v5;
	s30 =	spop (v2sf)  }
0x418: {  	s5 =	sadd.s32 s2, s5;
	v8 =	vadd.s32 v14, v8;
	v10 =	vsub.s32 s2, v10;
	[tilespmem:s4+$0x6210] =	vst v5;
	s1 =	sadd.s32 s9, s10;
	s10 =	spop (v2sf)  }
0x419: {  	v17 =	vsub.s32 s5, v17;
	[tilespmem:s4+$0x9610] =	vst v8;
	v56 =	vadd.s32 v20, v10;
	s2 =	spop (v2sf)  }
0x41a: {  	v17 =	vadd.s32 v27, v17;
	[tilespmem:s4+$0x9620] =	vst v56;
	v9 =	vsub.s32 s1, v9;
	s1 =	sadd.s32 s1, s11;
	s5 =	sadd.s32 s5, s30;
	s30 =	spop (v2sf)  }
0x41b: {  	[tilespmem:s4+$0x9630] =	vst v17;
	v55 =	vadd.s32 v19, v9;
	v57 =	vsub.s32 s1, v13;
	s9 =	sadd.s32 s5, s30;
	s30 =	spop (v2sf)  }
0x41c: {  	[tilespmem:s4+$0x6220] =	vst v55;
	v58 =	vadd.s32 v23, v57;
	v59 =	vsub.s32 s5, v18;
	s1 =	sadd.s32 s1, s10;
	s5 =	sadd.s32 s9, s30;
	s11 =	spop (v2sf)  }
0x41d: {  	[tilespmem:s4+$0x6230] =	vst v58;
	v5 =	vsub.s32 s1, v11;
	v60 =	vadd.s32 v25, v59;
	s30 =	sadd.s32 s5, s11  }
0x41e: {  	v5 =	vadd.s32 v21, v5;
	[tilespmem:s7+$0x9600] =	vst v60;
	s1 =	sadd.s32 s1, s2;
	s4 =	spop (v2sf);
	v61 =	vsub.s32 s30, v28  }
0x41f: {  	[tilespmem:s7+$0x6200] =	vst v5;
	v5 =	vsub.s32 s9, v6;
	s2 =	sadd.s32 s1, s4;
	v6 =	vadd.s32 v31, v61  }
0x420: {  	v5 =	vadd.s32 v26, v5;
	s10 =	spop (v2sf);
	[tilespmem:s7+$0x9630] =	vst v6;
	v6 =	vsub.s32 s2, v24  }
0x421: {  	v62 =	vsub.s32 s5, v15;
	[tilespmem:s7+$0x9610] =	vst v5;
	s2 =	sadd.s32 s2, s10;
	v5 =	vadd.s32 v29, v6  }
0x422: {  	v6 =	vadd.s32 v30, v62;
	v63 =	vsub.s32 s2, v22;
	[tilespmem:s7+$0x6220] =	vst v5  }
0x423: {  	[tilespmem:s7+$0x9620] =	vst v6;
	v5 =	vadd.s32 v32, v63;
	v6 =	vsub.s32 s1, v7  }
0x424: {  	[tilespmem:s7+$0x6230] =	vst v5;
	v5 =	vadd.s32 v12, v6;
	s11 =	spop (v2sf)  }
0x425: {  	[tilespmem:s7+$0x6210] =	vst v5;
	s30 =	spop (v2sf)  }
.LBB2_40:
0x426: {  	v5 =	vor.u32 s8, v2;
	_ =	sdelay $0x4  }
0x427: {  	v6 =	vld.idx.msk [tilespmem:v5+s17+$0x0], $0xffff  }
0x428: {  	v7 =	vld.idx.msk [tilespmem:v5+s18+$0x0], $0xffff;
	_ =	sdelay $0x3  }
0x429: {  	v8 =	vshrl.u32 v6, $0x15  }
0x42a: {  	v9 =	vshrl.u32 v7, $0x15;
	v8 =	vand.u32 $0x1F0, v8  }
0x42b: {  	v9 =	vand.u32 $0x1F0, v9;
	v8 =	vor.u32 v1, v8  }
0x42c: {  	v9 =	vor.u32 v1, v9;
	_ =	sdelay $0x3  }
0x42d: {  	v10 =	vld.idx.msk [tilespmem:v8+s15+$0x0], $0xffff  }
0x42e: {  	v11 =	vld.idx.msk [tilespmem:v9+s16+$0x0], $0xffff;
	_ =	sdelay $0x3  }
0x42f: {  	v12 =	vld.idx.msk [tilespmem:v5+s19+$0x0], $0xffff  }
0x430: {  	v5 =	vld.idx.msk [tilespmem:v5+s20+$0x0], $0xffff;
	_ =	sdelay $0x1  }
0x431: {  	p3 =	sne.s32 s8, $0x7F;
	[tilespmem:v10+s21+$0x0] =	vst.idx.msk $0xffff, v6  }
.Ltmp18:
0x432: {  	[tilespmem:v11+s22+$0x0] =	vst.idx.msk $0xffff, v7;
	(pc) =	sbr.rel @p3 .LBB2_40-.Ltmp18, $4  }
0x433: {  	[tilespmem:v10+s23+$0x0] =	vst.idx.msk $0xffff, v12  }
0x434: {  	[tilespmem:v11+s24+$0x0] =	vst.idx.msk $0xffff, v5  }
0x435: {  	[tilespmem:v8+s15+$0x0] =	vst.idx.add.s32.msk $0xffff, v3  }
0x436: {  	s8 =	sadd.s32 $0x1, s8;
	[tilespmem:v9+s16+$0x0] =	vst.idx.add.s32.msk $0xffff, v3  }
0x437: {  	s1 =	simm.s32 $0x0  }
0x438: {  	v5 =	vmov s1  }
0x439: {  	s7 =	simm.s32 $0x1;
	s2 =	simm.s32 $0x3;
	v5 =	vand.u32 $0x7C, v5  }
0x43a: {  	v6 =	vmov s7;
	v7 =	vor.u32 s2, v2;
	v5 =	vbroadcast v5, $0x0  }
0x43b: {  	s8 =	simm.s32 $0x2;
	v6 =	vand.u32 $0x7D, v6  }
0x43c: {  	v8 =	vmov s8;
	v6 =	vbroadcast v6, $0x0;
	v5 =	vor.u32 v2, v5  }
0x43d: {  	v8 =	vand.u32 $0x7E, v8  }
0x43e: {  	v8 =	vbroadcast v8, $0x0;
	v6 =	vor.u32 v2, v6  }
0x43f: {  	v9 =	vld.idx.msk [tilespmem:v7+s21+$0x0], $0xffff  }
0x440: {  	v10 =	vld.idx.msk [tilespmem:v7+s22+$0x0], $0xffff;
	v7 =	vor.u32 v2, v8  }
0x441: {  	s10 =	simm.s32 $0x5;
	v12 =	vld.idx.msk [tilespmem:v5+s21+$0x0], $0xffff  }
0x442: {  	s9 =	simm.s32 $0x4;
	v11 =	vmov s10;
	v5 =	vld.idx.msk [tilespmem:v5+s22+$0x0], $0xffff  }
0x443: {  	v11 =	vand.u32 $0x7D, v11;
	v8 =	vmov s9;
	v13 =	vld.idx.msk [tilespmem:v6+s21+$0x0], $0xffff  }
0x444: {  	s11 =	simm.s32 $0x7;
	s30 =	simm.s32 $0x6;
	v14 =	vbroadcast v11, $0x0;
	v8 =	vand.u32 $0x7C, v8;
	v6 =	vld.idx.msk [tilespmem:v6+s22+$0x0], $0xffff  }
0x445: {  	v17 =	vmov s30;
	v11 =	vor.u32 s11, v2;
	v8 =	vbroadcast v8, $0x0;
	v16 =	vld.idx.msk [tilespmem:v7+s21+$0x0], $0xffff  }
0x446: {  	v19 =	vld.idx.msk [tilespmem:v7+s22+$0x0], $0xffff;
	v7 =	vor.u32 v2, v14;
	v9 =	vshrl.u32 v9, $0x1A;
	v14 =	vshrl.u32 v10, $0x1A  }
0x447: {  	v8 =	vor.u32 v2, v8;
	v10 =	vand.u32 $0x30, v9;
	v9 =	vand.u32 $0x30, v14  }
0x448: {  	v12 =	vshrl.u32 v12, $0x1A;
	v5 =	vshrl.u32 v5, $0x1A;
	v14 =	vshrl.u32 v13, $0x1A  }
0x449: {  	v6 =	vshrl.u32 v6, $0x1A;
	v12 =	vand.u32 $0x30, v12;
	v13 =	vand.u32 $0x30, v5  }
0x44a: {  	v14 =	vand.u32 $0x30, v14;
	v5 =	vor.u32 $0x20, v1;
	v16 =	vshrl.u32 v16, $0x1A  }
0x44b: {  	s4 =	simm.s32 $0x8;
	v15 =	vand.u32 $0x30, v6;
	v6 =	vld.idx.msk [tilespmem:v11+s21+$0x0], $0xffff;
	v18 =	vand.u32 $0x30, v16;
	v16 =	vshrl.u32 v19, $0x1A  }
.LBB2_42:
0x44c: {  	p3 =	slt.u32 s4, $0x7C;
	v17 =	vand.u32 $0x7E, v17;
	v19 =	vld.idx.msk [tilespmem:v11+s22+$0x0], $0xffff;
	v11 =	vxor.u32 v5, v18;
	v16 =	vand.u32 $0x30, v16  }
0x44d: {  	v14 =	vxor.u32 v5, v14;
	v18 =	vld.idx.msk [tilespmem:v8+s21+$0x0], $0xffff;
	v17 =	vbroadcast v17, $0x0;
	v16 =	vxor.u32 v5, v16  }
0x44e: {  	v12 =	vxor.u32 v5, v12;
	v13 =	vxor.u32 v5, v13;
	v15 =	vxor.u32 v5, v15;
	v20 =	vld.idx.msk [tilespmem:v8+s22+$0x0], $0xffff  }
0x44f: {  	v22 =	vxor.u32 v5, v10;
	v23 =	vxor.u32 v5, v9;
	v21 =	vld.idx.msk [tilespmem:v7+s21+$0x0], $0xffff;
	v17 =	vor.u32 v2, v17  }
0x450: {  	v24 =	vld.idx.msk [tilespmem:v7+s22+$0x0], $0xffff  }
0x451: {  	s1 =	sadd.s32 $0x1, s4;
	v7 =	vmov s4;
	[tilespmem:v11+s13+$0x0] =	vst.idx.add.s32.msk $0xffff, v3  }
0x452: {  	v8 =	vmov s1;
	v7 =	vand.u32 $0x7C, v7;
	[tilespmem:v16+s14+$0x0] =	vst.idx.add.s32.msk $0xffff, v3  }
0x453: {  	v8 =	vand.u32 $0x7D, v8;
	v7 =	vbroadcast v7, $0x0;
	[tilespmem:v14+s13+$0x0] =	vst.idx.add.s32.msk $0xffff, v3  }
0x454: {  	s1 =	sadd.s32 $0x3, s4;
	v9 =	vbroadcast v8, $0x0;
	v16 =	vld.idx.msk [tilespmem:v17+s21+$0x0], $0xffff  }
0x455: {  	v11 =	vor.u32 s1, v2;
	v8 =	vor.u32 v2, v7;
	v25 =	vld.idx.msk [tilespmem:v17+s22+$0x0], $0xffff  }
0x456: {  	v6 =	vshrl.u32 v6, $0x1A;
	v7 =	vor.u32 v2, v9;
	v9 =	vshrl.u32 v19, $0x1A;
	[tilespmem:v15+s14+$0x0] =	vst.idx.add.s32.msk $0xffff, v3  }
.Ltmp19:
0x457: {  	v10 =	vand.u32 $0x30, v6;
	v14 =	vshrl.u32 v18, $0x1A;
	v9 =	vand.u32 $0x30, v9;
	[tilespmem:v12+s13+$0x0] =	vst.idx.add.s32.msk $0xffff, v3;
	(pc) =	sbr.rel @p3 .LBB2_42-.Ltmp19, $4  }
0x458: {  	v6 =	vshrl.u32 v20, $0x1A;
	v12 =	vand.u32 $0x30, v14;
	v14 =	vshrl.u32 v21, $0x1A;
	[tilespmem:v13+s14+$0x0] =	vst.idx.add.s32.msk $0xffff, v3  }
0x459: {  	v13 =	vand.u32 $0x30, v6;
	v14 =	vand.u32 $0x30, v14;
	v6 =	vshrl.u32 v24, $0x1A;
	[tilespmem:v22+s13+$0x0] =	vst.idx.add.s32.msk $0xffff, v3  }
0x45a: {  	s1 =	sadd.s32 $0x2, s4;
	v15 =	vand.u32 $0x30, v6;
	v16 =	vshrl.u32 v16, $0x1A;
	[tilespmem:v23+s14+$0x0] =	vst.idx.add.s32.msk $0xffff, v3  }
0x45b: {  	s4 =	sadd.s32 $0x4, s4;
	v17 =	vmov s1;
	v18 =	vand.u32 $0x30, v16;
	v16 =	vshrl.u32 v25, $0x1A;
	v6 =	vld.idx.msk [tilespmem:v11+s21+$0x0], $0xffff  }
0x45c: {  	_ =	sdelay $0x3  }
0x45d: {  	v18 =	vxor.u32 v5, v18;
	v11 =	vld.idx.msk [tilespmem:v11+s22+$0x0], $0xffff  }
0x45e: {  	v17 =	vand.u32 $0x7E, v17;
	v19 =	vld.idx.msk [tilespmem:v8+s21+$0x0], $0xffff;
	v14 =	vxor.u32 v5, v14  }
0x45f: {  	v20 =	vld.idx.msk [tilespmem:v7+s21+$0x0], $0xffff;
	v12 =	vxor.u32 v5, v12;
	v17 =	vbroadcast v17, $0x0  }
0x460: {  	v7 =	vld.idx.msk [tilespmem:v7+s22+$0x0], $0xffff;
	v10 =	vxor.u32 v5, v10  }
0x461: {  	v8 =	vld.idx.msk [tilespmem:v8+s22+$0x0], $0xffff;
	v17 =	vor.u32 v2, v17  }
0x462: {  	v16 =	vand.u32 $0x30, v16;
	[tilespmem:v18+s13+$0x0] =	vst.idx.add.s32.msk $0xffff, v3  }
0x463: {  	v16 =	vxor.u32 v5, v16;
	[tilespmem:v14+s13+$0x0] =	vst.idx.add.s32.msk $0xffff, v3  }
0x464: {  	v15 =	vxor.u32 v5, v15;
	[tilespmem:v12+s13+$0x0] =	vst.idx.add.s32.msk $0xffff, v3  }
0x465: {  	v13 =	vxor.u32 v5, v13;
	v6 =	vshrl.u32 v6, $0x1A;
	[tilespmem:v10+s13+$0x0] =	vst.idx.add.s32.msk $0xffff, v3  }
0x466: {  	v9 =	vxor.u32 v5, v9;
	v42 =	vshrl.u32 v20, $0x1A;
	v6 =	vand.u32 $0x30, v6;
	v38 =	vld.idx.msk [tilespmem:v17+s21+$0x0], $0xffff  }
0x467: {  	v45 =	vshrl.u32 v19, $0x1A;
	v43 =	vand.u32 $0x30, v42;
	v6 =	vxor.u32 v5, v6;
	v17 =	vld.idx.msk [tilespmem:v17+s22+$0x0], $0xffff  }
0x468: {  	v48 =	vshrl.u32 v11, $0x1A;
	[tilespmem:v16+s14+$0x0] =	vst.idx.add.s32.msk $0xffff, v3;
	v46 =	vand.u32 $0x30, v45;
	v12 =	vxor.u32 v5, v43  }
0x469: {  	v7 =	vshrl.u32 v7, $0x1A;
	[tilespmem:v15+s14+$0x0] =	vst.idx.add.s32.msk $0xffff, v3;
	v10 =	vand.u32 $0x30, v48;
	v47 =	vxor.u32 v5, v46  }
0x46a: {  	v8 =	vshrl.u32 v8, $0x1A;
	[tilespmem:v13+s14+$0x0] =	vst.idx.add.s32.msk $0xffff, v3;
	v7 =	vand.u32 $0x30, v7;
	v10 =	vxor.u32 v5, v10  }
0x46b: {  	v8 =	vand.u32 $0x30, v8;
	[tilespmem:v9+s14+$0x0] =	vst.idx.add.s32.msk $0xffff, v3;
	v7 =	vxor.u32 v5, v7;
	v39 =	vshrl.u32 v38, $0x1A  }
0x46c: {  	v8 =	vxor.u32 v5, v8;
	[tilespmem:v6+s13+$0x0] =	vst.idx.add.s32.msk $0xffff, v3;
	v41 =	vshrl.u32 v17, $0x1A;
	v40 =	vand.u32 $0x30, v39  }
0x46d: {  	[tilespmem:v12+s13+$0x0] =	vst.idx.add.s32.msk $0xffff, v3;
	v16 =	vand.u32 $0x30, v41;
	v14 =	vxor.u32 v5, v40  }
0x46e: {  	[tilespmem:v47+s13+$0x0] =	vst.idx.add.s32.msk $0xffff, v3;
	v44 =	vxor.u32 v5, v16  }
0x46f: {  	[tilespmem:v10+s14+$0x0] =	vst.idx.add.s32.msk $0xffff, v3  }
0x470: {  	[tilespmem:v7+s14+$0x0] =	vst.idx.add.s32.msk $0xffff, v3  }
0x471: {  	[tilespmem:v8+s14+$0x0] =	vst.idx.add.s32.msk $0xffff, v3  }
0x472: {  	[tilespmem:v14+s13+$0x0] =	vst.idx.add.s32.msk $0xffff, v3  }
0x473: {  	[tilespmem:v44+s14+$0x0] =	vst.idx.add.s32.msk $0xffff, v3  }
0x474: {  	v6 =	vld [tilespmem:$0x6000]  }
0x475: {  	v7 =	vld [tilespmem:$0x9400]  }
0x476: {  	v8 =	vld [tilespmem:$0x6010]  }
0x477: {  	v9 =	vld [tilespmem:$0x9410];
	_ =	sdelay $0x1  }
0x478: {  	(xrf0) =	vadd.scan.msk.s32 $0xffff, v6  }
0x479: {  	(xrf0) =	vadd.scan.msk.s32 $0xffff, v7  }
0x47a: {  	v10 =	vld [tilespmem:$0x6020];
	(xrf0) =	vadd.scan.msk.s32 $0xffff, v8  }
0x47b: {  	v49 =	vld [tilespmem:$0x9420];
	(xrf0) =	vadd.scan.msk.s32 $0xffff, v9;
	_ =	sdelay $0x2  }
0x47c: {  	v50, _, _ =	vpop (xrf0)  }
0x47d: {  	(xrf0) =	vadd.scan.msk.s32 $0xffff, v10;
	v51, _, _ =	vpop (xrf0);
	(v2sf) =	vpush v50, $0xF  }
0x47e: {  	(xrf0) =	vadd.scan.msk.s32 $0xffff, v49;
	v52, _, _ =	vpop (xrf0);
	(v2sf) =	vpush v51, $0xF  }
0x47f: {  	v53, _, _ =	vpop (xrf0);
	(v2sf) =	vpush v52, $0xF  }
0x480: {  	(v2sf) =	vpush v53, $0xF;
	_ =	sdelay $0x2  }
0x481: {  	v54, _, _ =	vpop (xrf0)  }
0x482: {  	v55, _, _ =	vpop (xrf0);
	(v2sf) =	vpush v54, $0xF  }
0x483: {  	(v2sf) =	vpush v55, $0xF;
	_ =	sdelay $0x4  }
0x484: {  	v56 =	vld [tilespmem:$0x6030];
	v6 =	vsub.s32 v50, v6  }
0x485: {  	v57 =	vld [tilespmem:$0x9430];
	[tilespmem:$0x6200] =	vst v6;
	v6 =	vsub.s32 v51, v7  }
0x486: {  	[tilespmem:$0x9600] =	vst v6;
	v6 =	vbroadcast v51, $0xF;
	s1 =	spop (v2sf)  }
0x487: {  	v7 =	vbroadcast v50, $0xF;
	s2 =	spop (v2sf)  }
0x488: {  	v6 =	vsub.s32 v6, v9;
	s4 =	spop (v2sf)  }
0x489: {  	[tilespmem:$0x6000] =	vst v0;
	v7 =	vsub.s32 v7, v8;
	v6 =	vadd.s32 v53, v6;
	(xrf0) =	vadd.scan.msk.s32 $0xffff, v56;
	s1 =	sadd.s32 s1, s4;
	s8 =	spop (v2sf)  }
0x48a: {  	v7 =	vadd.s32 v52, v7;
	[tilespmem:$0x9610] =	vst v6;
	(xrf0) =	vadd.scan.msk.s32 $0xffff, v57;
	s2 =	sadd.s32 s2, s8;
	v6 =	vsub.s32 s1, v10  }
0x48b: {  	[tilespmem:$0x6210] =	vst v7;
	v6 =	vadd.s32 v54, v6;
	v7 =	vsub.s32 s2, v49  }
0x48c: {  	[tilespmem:$0x6220] =	vst v6;
	v6 =	vadd.s32 v55, v7  }
0x48d: {  	[tilespmem:$0x9400] =	vst v0;
	s9 =	spop (v2sf)  }
0x48e: {  	[tilespmem:$0x6010] =	vst v0;
	s1 =	sadd.s32 s1, s9;
	s10 =	spop (v2sf)  }
0x48f: {  	[tilespmem:$0x9620] =	vst v6;
	s2 =	sadd.s32 s2, s10;
	v7 =	vsub.s32 s1, v56;
	v6, _, _ =	vpop (xrf0)  }
0x490: {  	[tilespmem:$0x9410] =	vst v0;
	v8, _, _ =	vpop (xrf0);
	v6 =	vadd.s32 v6, v7;
	v7 =	vsub.s32 s2, v57  }
0x491: {  	s11 =	simm.s32 $0x0;
	[tilespmem:$0x6230] =	vst v6;
	v6 =	vadd.s32 v8, v7  }
0x492: {  	[tilespmem:$0x9630] =	vst v6;
	v6 =	vor.u32 s11, v2  }
0x493: {  	[tilespmem:$0x6020] =	vst v0  }
0x494: {  	[tilespmem:$0x9420] =	vst v0  }
0x495: {  	[tilespmem:$0x6030] =	vst v0  }
0x496: {  	[tilespmem:$0x9430] =	vst v0  }
0x497: {  	v8 =	vld.idx.msk [tilespmem:v6+s21+$0x0], $0xffff  }
0x498: {  	v58 =	vld.idx.msk [tilespmem:v6+s22+$0x0], $0xffff;
	_ =	sdelay $0x3  }
0x499: {  	v7 =	vshrl.u32 v8, $0x1A  }
0x49a: {  	v59 =	vshrl.u32 v58, $0x1A;
	v7 =	vand.u32 $0x30, v7  }
0x49b: {  	v60 =	vxor.u32 v5, v7;
	v7 =	vand.u32 $0x30, v59  }
0x49c: {  	v7 =	vxor.u32 v5, v7;
	_ =	sdelay $0x3  }
0x49d: {  	v61 =	vld.idx.msk [tilespmem:v60+s15+$0x0], $0xffff  }
0x49e: {  	v62 =	vld.idx.msk [tilespmem:v7+s16+$0x0], $0xffff;
	_ =	sdelay $0x3  }
0x49f: {  	v63 =	vld.idx.msk [tilespmem:v6+s23+$0x0], $0xffff  }
0x4a0: {  	v6 =	vld.idx.msk [tilespmem:v6+s24+$0x0], $0xffff;
	_ =	sdelay $0x1  }
0x4a1: {  	[tilespmem:v61+s17+$0x0] =	vst.idx.msk $0xffff, v8  }
0x4a2: {  	[tilespmem:v62+s18+$0x0] =	vst.idx.msk $0xffff, v58  }
0x4a3: {  	s30 =	simm.s32 $0x1;
	[tilespmem:v61+s19+$0x0] =	vst.idx.msk $0xffff, v63  }
0x4a4: {  	[tilespmem:v62+s20+$0x0] =	vst.idx.msk $0xffff, v6;
	v6 =	vor.u32 s30, v2;
	_ =	sdelay $0x2  }
0x4a5: {  	s4 =	simm.s32 $0x2;
	[tilespmem:v60+s15+$0x0] =	vst.idx.add.s32.msk $0xffff, v3  }
.LBB2_44:
0x4a6: {  	p3 =	seq.s32 s4, $0x7F;
	[tilespmem:v7+s16+$0x0] =	vst.idx.add.s32.msk $0xffff, v3;
	s1 =	smov.u32 s4;
	s4 =	sadd.s32 $0x1, s4  }
0x4a7: {  	v8 =	vld.idx.msk [tilespmem:v6+s21+$0x0], $0xffff  }
0x4a8: {  	v9 =	vld.idx.msk [tilespmem:v6+s22+$0x0], $0xffff;
	_ =	sdelay $0x4  }
0x4a9: {  	v7 =	vshrl.u32 v8, $0x1A  }
0x4aa: {  	v7 =	vand.u32 $0x30, v7;
	v10 =	vshrl.u32 v9, $0x1A  }
0x4ab: {  	v11 =	vxor.u32 v5, v7;
	v7 =	vand.u32 $0x30, v10  }
0x4ac: {  	v7 =	vxor.u32 v5, v7;
	_ =	sdelay $0x3  }
0x4ad: {  	v10 =	vld.idx.msk [tilespmem:v11+s15+$0x0], $0xffff  }
0x4ae: {  	v12 =	vld.idx.msk [tilespmem:v7+s16+$0x0], $0xffff;
	_ =	sdelay $0x2  }
0x4af: {  	v13 =	vld.idx.msk [tilespmem:v6+s23+$0x0], $0xffff  }
0x4b0: {  	v14 =	vld.idx.msk [tilespmem:v6+s24+$0x0], $0xffff;
	_ =	sdelay $0x2  }
.Ltmp20:
0x4b1: {  	[tilespmem:v10+s17+$0x0] =	vst.idx.msk $0xffff, v8;
	(pc) =	sbr.rel @!p3 .LBB2_44-.Ltmp20, $4  }
0x4b2: {  	v6 =	vor.u32 s1, v2;
	[tilespmem:v12+s18+$0x0] =	vst.idx.msk $0xffff, v9  }
0x4b3: {  	[tilespmem:v10+s19+$0x0] =	vst.idx.msk $0xffff, v13  }
0x4b4: {  	[tilespmem:v12+s20+$0x0] =	vst.idx.msk $0xffff, v14  }
0x4b5: {  	[tilespmem:v11+s15+$0x0] =	vst.idx.add.s32.msk $0xffff, v3  }
0x4b6: {  	_ =	sdelay $0x3  }
0x4b7: {  	[tilespmem:v7+s16+$0x0] =	vst.idx.add.s32.msk $0xffff, v3  }
0x4b8: {  	v7 =	vld.idx.msk [tilespmem:v6+s21+$0x0], $0xffff  }
0x4b9: {  	v8 =	vld.idx.msk [tilespmem:v6+s22+$0x0], $0xffff;
	_ =	sdelay $0x3  }
0x4ba: {  	v9 =	vshrl.u32 v7, $0x1A  }
0x4bb: {  	v10 =	vshrl.u32 v8, $0x1A;
	v9 =	vand.u32 $0x30, v9  }
0x4bc: {  	v10 =	vand.u32 $0x30, v10;
	v9 =	vxor.u32 v5, v9  }
0x4bd: {  	v5 =	vxor.u32 v5, v10;
	_ =	sdelay $0x3  }
0x4be: {  	v10 =	vld.idx.msk [tilespmem:v9+s15+$0x0], $0xffff  }
0x4bf: {  	v11 =	vld.idx.msk [tilespmem:v5+s16+$0x0], $0xffff;
	_ =	sdelay $0x3  }
0x4c0: {  	v12 =	vld.idx.msk [tilespmem:v6+s23+$0x0], $0xffff  }
0x4c1: {  	v6 =	vld.idx.msk [tilespmem:v6+s24+$0x0], $0xffff;
	_ =	sdelay $0x1  }
0x4c2: {  	[tilespmem:v10+s17+$0x0] =	vst.idx.msk $0xffff, v7  }
0x4c3: {  	[tilespmem:v11+s18+$0x0] =	vst.idx.msk $0xffff, v8  }
0x4c4: {  	[tilespmem:v10+s19+$0x0] =	vst.idx.msk $0xffff, v12  }
0x4c5: {  	[tilespmem:v11+s20+$0x0] =	vst.idx.msk $0xffff, v6  }
0x4c6: {  	s1 =	sshll.u32 s28, $0x1;
	[tilespmem:v9+s15+$0x0] =	vst.idx.add.s32.msk $0xffff, v3  }
0x4c7: {  	s5 =	simm.s32 $0x5840;
	s2 =	sor.u32 s0, s1;
	[tilespmem:v5+s16+$0x0] =	vst.idx.add.s32.msk $0xffff, v3  }
0x4c8: {  	s4 =	sor.u32 $0x1, s2;
	v7 =	vld [tilespmem:s5+$0x30]  }
0x4c9: {  	v6 =	vmov s4;
	s4 =	simm.s32 $0x8C40;
	v9 =	vld [tilespmem:s5+$0xFFFFFFC0]  }
0x4ca: {  	s30 =	simm.s32 $0x70;
	v8 =	vld [tilespmem:s4+$0x30]  }
0x4cb: {  	s11 =	simm.s32 $0x0;
	v10 =	vor.u32 s30, v1;
	v5 =	vmov s2;
	v11 =	vld [tilespmem:s4+$0xFFFFFFC0]  }
0x4cc: {  	vm13 =	vgt.u32 v10, v6;
	vm0 =	vgt.u32 v10, v5;
	v10 =	vor.u32 s11, v1  }
0x4cd: {  	s7 =	sadd.s32 $0x9800, s6;
	vm14 =	vgt.u32 v10, v5;
	v7 =	vsel vm0, $0x800, v7  }
0x4ce: {  	v9 =	vsel vm14, $0x800, v9;
	[tilespmem:s7+$0xFFFFF870] =	vst v7  }
0x4cf: {  	vm15 =	vgt.u32 v10, v6;
	v7 =	vsel vm13, $0x800, v8;
	v8 =	vld [tilespmem:s5+$0xFFFFFFD0];
	[tilespmem:s7+$0xFFFFF800] =	vst v9  }
0x4d0: {  	v10 =	vsel vm15, $0x800, v11;
	[tilespmem:s7+$0x70] =	vst v7;
	v7 =	vld [tilespmem:s4+$0xFFFFFFD0]  }
0x4d1: {  	s6 =	simm.s32 $0x6C00;
	s2 =	simm.s32 $0x10;
	[tilespmem:s7+$0x0] =	vst v10  }
0x4d2: {  	v9 =	vor.u32 s2, v1;
	[tilespmem:s6+$0xFFFFF800] =	vst v0  }
0x4d3: {  	v10 =	vld [tilespmem:s5+$0xFFFFFFE0];
	vm4 =	vgt.u32 v9, v5;
	[tilespmem:s6+$0x0] =	vst v0  }
0x4d4: {  	v11 =	vld [tilespmem:s4+$0xFFFFFFE0];
	vm5 =	vgt.u32 v9, v6;
	[tilespmem:s6+$0x70] =	vst v0;
	v8 =	vsel vm4, $0x800, v8  }
0x4d5: {  	s8 =	simm.s32 $0x20;
	v7 =	vsel vm5, $0x800, v7;
	[tilespmem:s7+$0xFFFFF810] =	vst v8  }
0x4d6: {  	v8 =	vor.u32 s8, v1;
	[tilespmem:s7+$0x10] =	vst v7  }
0x4d7: {  	v9 =	vld [tilespmem:s4+$0xFFFFFFF0];
	vm6 =	vgt.u32 v8, v5;
	[tilespmem:s6+$0xFFFFF810] =	vst v0  }
0x4d8: {  	v7 =	vld [tilespmem:s5+$0xFFFFFFF0];
	vm7 =	vgt.u32 v8, v6;
	v10 =	vsel vm6, $0x800, v10;
	[tilespmem:s6+$0x10] =	vst v0  }
0x4d9: {  	s9 =	simm.s32 $0x30;
	v8 =	vsel vm7, $0x800, v11;
	[tilespmem:s7+$0xFFFFF820] =	vst v10  }
0x4da: {  	v10 =	vor.u32 s9, v1;
	[tilespmem:s7+$0x20] =	vst v8  }
0x4db: {  	v8 =	vld [tilespmem:s5+$0x0];
	[tilespmem:s6+$0xFFFFF820] =	vst v0;
	vm9 =	vgt.u32 v10, v6  }
0x4dc: {  	v11 =	vld [tilespmem:s4+$0x0];
	vm8 =	vgt.u32 v10, v5;
	[tilespmem:s6+$0x20] =	vst v0;
	v9 =	vsel vm9, $0x800, v9  }
0x4dd: {  	s10 =	simm.s32 $0x40;
	v7 =	vsel vm8, $0x800, v7;
	[tilespmem:s7+$0x30] =	vst v9  }
0x4de: {  	[tilespmem:s7+$0xFFFFF830] =	vst v7;
	v7 =	vor.u32 s10, v1  }
0x4df: {  	v9 =	vld [tilespmem:s5+$0x10];
	vm10 =	vgt.u32 v7, v5;
	[tilespmem:s6+$0xFFFFF830] =	vst v0  }
0x4e0: {  	v10 =	vld [tilespmem:s4+$0x10];
	vm11 =	vgt.u32 v7, v6;
	[tilespmem:s6+$0x30] =	vst v0;
	v8 =	vsel vm10, $0x800, v8  }
0x4e1: {  	s11 =	simm.s32 $0x50;
	v7 =	vsel vm11, $0x800, v11;
	[tilespmem:s7+$0xFFFFF840] =	vst v8  }
0x4e2: {  	v8 =	vor.u32 s11, v1;
	[tilespmem:s7+$0x40] =	vst v7  }
0x4e3: {  	v7 =	vld [tilespmem:s5+$0x20];
	vm12 =	vgt.u32 v8, v5;
	[tilespmem:s6+$0xFFFFF840] =	vst v0  }
0x4e4: {  	v11 =	vld [tilespmem:s4+$0x20];
	vm13 =	vgt.u32 v8, v6;
	[tilespmem:s6+$0x40] =	vst v0;
	v9 =	vsel vm12, $0x800, v9  }
0x4e5: {  	s30 =	simm.s32 $0x60;
	v8 =	vsel vm13, $0x800, v10;
	[tilespmem:s7+$0xFFFFF850] =	vst v9  }
0x4e6: {  	v9 =	vor.u32 s30, v1;
	[tilespmem:s7+$0x50] =	vst v8  }
0x4e7: {  	s4 =	simm.s32 $0x58C0;
	vm14 =	vgt.u32 v9, v5;
	[tilespmem:s6+$0xFFFFF850] =	vst v0  }
0x4e8: {  	s8 =	simm.s32 $0x8CC0;
	vm15 =	vgt.u32 v9, v6;
	v9 =	vld [tilespmem:s4+$0x30];
	[tilespmem:s6+$0x50] =	vst v0;
	v7 =	vsel vm14, $0x800, v7  }
0x4e9: {  	v8 =	vld [tilespmem:s8+$0x30];
	v10 =	vsel vm15, $0x800, v11;
	[tilespmem:s7+$0xFFFFF860] =	vst v7  }
0x4ea: {  	s28 =	simm.s32 $0x80;
	s1 =	simm.s32 $0xF0;
	s9 =	simm.s32 $0x100;
	v7 =	vld [tilespmem:s4+$0xFFFFFFC0];
	[tilespmem:s7+$0x60] =	vst v10  }
.LBB2_46:
0x4eb: {  	p3 =	slt.u32 s9, $0x780;
	v10 =	vld [tilespmem:s8+$0xFFFFFFC0];
	v11 =	vor.u32 s1, v1;
	[tilespmem:s6+$0xFFFFF860] =	vst v0  }
0x4ec: {  	v12 =	vld [tilespmem:s4+$0xFFFFFFD0];
	vm0 =	vgt.u32 v11, v5;
	[tilespmem:s6+$0x60] =	vst v0  }
0x4ed: {  	v13 =	vor.u32 s28, v1;
	s7 =	sadd.s32 $0x80, s7;
	v14 =	vld [tilespmem:s8+$0xFFFFFFD0];
	v9 =	vsel vm0, $0x800, v9;
	vm0 =	vgt.u32 v11, v6;
	[tilespmem:s6+$0xFFFFF870] =	vst v0  }
0x4ee: {  	s1 =	sadd.s32 $0x10, s28;
	vm1 =	vgt.u32 v13, v5;
	v11 =	vld [tilespmem:s4+$0xFFFFFFE0];
	[tilespmem:s7+$0xFFFFF870] =	vst v9;
	v8 =	vsel vm0, $0x800, v8  }
0x4ef: {  	s6 =	sadd.s32 $0x80, s6;
	vm0 =	vgt.u32 v13, v6;
	v9 =	vor.u32 s1, v1;
	v7 =	vsel vm1, $0x800, v7;
	v13 =	vld [tilespmem:s8+$0xFFFFFFE0];
	[tilespmem:s7+$0x70] =	vst v8  }
0x4f0: {  	s1 =	sadd.s32 $0x20, s28;
	v8 =	vsel vm0, $0x800, v10;
	vm0 =	vgt.u32 v9, v5;
	v10 =	vld [tilespmem:s4+$0xFFFFFFF0];
	[tilespmem:s6+$0x70] =	vst v0  }
0x4f1: {  	[tilespmem:s7+$0xFFFFF800] =	vst v7;
	v7 =	vsel vm0, $0x800, v12;
	vm0 =	vgt.u32 v9, v6;
	v9 =	vor.u32 s1, v1;
	v12 =	vld [tilespmem:s8+$0xFFFFFFF0]  }
0x4f2: {  	s1 =	sadd.s32 $0x30, s28;
	[tilespmem:s7+$0x0] =	vst v8;
	v8 =	vsel vm0, $0x800, v14;
	vm0 =	vgt.u32 v9, v5;
	v14 =	vld [tilespmem:s4+$0x0]  }
0x4f3: {  	[tilespmem:s6+$0xFFFFF800] =	vst v0;
	v11 =	vsel vm0, $0x800, v11;
	vm0 =	vgt.u32 v9, v6;
	v9 =	vor.u32 s1, v1;
	v15 =	vld [tilespmem:s8+$0x0]  }
0x4f4: {  	s1 =	sadd.s32 $0x40, s28;
	[tilespmem:s6+$0x0] =	vst v0;
	v13 =	vsel vm0, $0x800, v13;
	vm0 =	vgt.u32 v9, v5;
	v16 =	vld [tilespmem:s4+$0x10]  }
0x4f5: {  	[tilespmem:s7+$0xFFFFF810] =	vst v7;
	v7 =	vsel vm0, $0x800, v10;
	vm0 =	vgt.u32 v9, v6;
	v9 =	vor.u32 s1, v1;
	v10 =	vld [tilespmem:s8+$0x10]  }
0x4f6: {  	s1 =	sadd.s32 $0x50, s28;
	[tilespmem:s7+$0x10] =	vst v8;
	v8 =	vsel vm0, $0x800, v12;
	vm0 =	vgt.u32 v9, v5;
	v12 =	vld [tilespmem:s4+$0x20]  }
0x4f7: {  	[tilespmem:s6+$0xFFFFF810] =	vst v0;
	v14 =	vsel vm0, $0x800, v14;
	vm0 =	vgt.u32 v9, v6;
	v9 =	vor.u32 s1, v1;
	v17 =	vld [tilespmem:s8+$0x20]  }
0x4f8: {  	s1 =	sadd.s32 $0x60, s28;
	s28 =	smov.u32 s9;
	[tilespmem:s6+$0x10] =	vst v0;
	v15 =	vsel vm0, $0x800, v15;
	vm0 =	vgt.u32 v9, v5  }
0x4f9: {  	[tilespmem:s7+$0xFFFFF820] =	vst v11;
	v11 =	vsel vm0, $0x800, v16;
	vm0 =	vgt.u32 v9, v6;
	v9 =	vor.u32 s1, v1  }
0x4fa: {  	[tilespmem:s7+$0x20] =	vst v13;
	v10 =	vsel vm0, $0x800, v10;
	vm0 =	vgt.u32 v9, v5  }
0x4fb: {  	[tilespmem:s6+$0xFFFFF820] =	vst v0;
	v12 =	vsel vm0, $0x800, v12;
	vm0 =	vgt.u32 v9, v6  }
0x4fc: {  	[tilespmem:s6+$0x20] =	vst v0;
	v13 =	vsel vm0, $0x800, v17  }
0x4fd: {  	[tilespmem:s7+$0xFFFFF830] =	vst v7  }
0x4fe: {  	[tilespmem:s7+$0x30] =	vst v8  }
0x4ff: {  	[tilespmem:s6+$0xFFFFF830] =	vst v0  }
0x500: {  	[tilespmem:s6+$0x30] =	vst v0  }
0x501: {  	[tilespmem:s7+$0xFFFFF840] =	vst v14  }
0x502: {  	[tilespmem:s7+$0x40] =	vst v15  }
0x503: {  	[tilespmem:s6+$0xFFFFF840] =	vst v0  }
0x504: {  	[tilespmem:s6+$0x40] =	vst v0  }
0x505: {  	[tilespmem:s7+$0xFFFFF850] =	vst v11  }
.Ltmp21:
0x506: {  	[tilespmem:s7+$0x50] =	vst v10;
	(pc) =	sbr.rel @p3 .LBB2_46-.Ltmp21, $4  }
0x507: {  	s4 =	sadd.s32 $0x80, s4;
	[tilespmem:s6+$0xFFFFF850] =	vst v0  }
0x508: {  	s8 =	sadd.s32 $0x80, s8;
	v9 =	vld [tilespmem:s4+$0x30];
	[tilespmem:s6+$0x50] =	vst v0  }
0x509: {  	v8 =	vld [tilespmem:s8+$0x30];
	[tilespmem:s7+$0xFFFFF860] =	vst v12  }
0x50a: {  	s9 =	sadd.s32 $0x80, s9;
	s1 =	sadd.s32 $0x70, s28;
	v7 =	vld [tilespmem:s4+$0xFFFFFFC0];
	[tilespmem:s7+$0x60] =	vst v13  }
0x50b: {  	v10 =	vor.u32 s1, v1;
	[tilespmem:s6+$0xFFFFF860] =	vst v0  }
0x50c: {  	[tilespmem:s6+$0x60] =	vst v0;
	vm0 =	vgt.u32 v10, v5  }
0x50d: {  	v11 =	vld [tilespmem:s8+$0xFFFFFFC0];
	[tilespmem:s6+$0xFFFFF870] =	vst v0;
	s5 =	sadd.s32 $0x80, s7;
	vm13 =	vgt.u32 v10, v6;
	v9 =	vsel vm0, $0x800, v9  }
0x50e: {  	v53 =	vor.u32 s28, v1;
	[tilespmem:s5+$0xFFFFF870] =	vst v9;
	v8 =	vsel vm13, $0x800, v8  }
0x50f: {  	s6 =	sadd.s32 $0x80, s6;
	vm14 =	vgt.u32 v53, v5;
	[tilespmem:s5+$0x70] =	vst v8  }
0x510: {  	v54 =	vld [tilespmem:s4+$0xFFFFFFD0];
	v7 =	vsel vm14, $0x800, v7;
	[tilespmem:s6+$0x70] =	vst v0  }
0x511: {  	vm15 =	vgt.u32 v53, v6;
	v8 =	vld [tilespmem:s8+$0xFFFFFFD0];
	[tilespmem:s5+$0xFFFFF800] =	vst v7  }
0x512: {  	s2 =	sadd.s32 $0x10, s28;
	v57 =	vld [tilespmem:s8+$0xFFFFFFF0];
	v10 =	vsel vm15, $0x800, v11;
	[tilespmem:s6+$0xFFFFF870] =	vst v0  }
0x513: {  	v7 =	vor.u32 s2, v1;
	[tilespmem:s5+$0x0] =	vst v10  }
0x514: {  	s9 =	sadd.s32 $0x30, s28;
	vm4 =	vgt.u32 v7, v5;
	[tilespmem:s6+$0xFFFFF800] =	vst v0  }
0x515: {  	v55 =	vld [tilespmem:s4+$0xFFFFFFE0];
	v58 =	vor.u32 s9, v1;
	vm5 =	vgt.u32 v7, v6;
	v9 =	vsel vm4, $0x800, v54;
	[tilespmem:s6+$0x0] =	vst v0  }
0x516: {  	v56 =	vld [tilespmem:s8+$0xFFFFFFE0];
	vm9 =	vgt.u32 v58, v6;
	[tilespmem:s5+$0xFFFFF810] =	vst v9;
	v7 =	vsel vm5, $0x800, v8  }
0x517: {  	s7 =	sadd.s32 $0x20, s28;
	v9 =	vsel vm9, $0x800, v57;
	[tilespmem:s5+$0x10] =	vst v7  }
0x518: {  	v8 =	vor.u32 s7, v1;
	v7 =	vld [tilespmem:s4+$0xFFFFFFF0];
	[tilespmem:s5+$0x30] =	vst v9  }
0x519: {  	vm6 =	vgt.u32 v8, v5;
	[tilespmem:s6+$0xFFFFF810] =	vst v0  }
0x51a: {  	vm7 =	vgt.u32 v8, v6;
	v10 =	vsel vm6, $0x800, v55;
	[tilespmem:s6+$0x10] =	vst v0  }
0x51b: {  	v8 =	vsel vm7, $0x800, v56;
	[tilespmem:s5+$0xFFFFF820] =	vst v10  }
0x51c: {  	[tilespmem:s5+$0x20] =	vst v8;
	v8 =	vld [tilespmem:s4+$0x0]  }
0x51d: {  	v59 =	vld [tilespmem:s8+$0x0];
	vm8 =	vgt.u32 v58, v5;
	[tilespmem:s6+$0xFFFFF820] =	vst v0  }
0x51e: {  	s10 =	sadd.s32 $0x40, s28;
	[tilespmem:s6+$0x20] =	vst v0;
	v7 =	vsel vm8, $0x800, v7  }
0x51f: {  	[tilespmem:s5+$0xFFFFF830] =	vst v7;
	v7 =	vor.u32 s10, v1  }
0x520: {  	v60 =	vld [tilespmem:s4+$0x10];
	vm10 =	vgt.u32 v7, v5;
	[tilespmem:s6+$0xFFFFF830] =	vst v0  }
0x521: {  	v61 =	vld [tilespmem:s8+$0x10];
	vm11 =	vgt.u32 v7, v6;
	[tilespmem:s6+$0x30] =	vst v0;
	v8 =	vsel vm10, $0x800, v8  }
0x522: {  	s11 =	sadd.s32 $0x50, s28;
	v7 =	vsel vm11, $0x800, v59;
	[tilespmem:s5+$0xFFFFF840] =	vst v8  }
0x523: {  	v8 =	vor.u32 s11, v1;
	[tilespmem:s5+$0x40] =	vst v7  }
0x524: {  	v62 =	vld [tilespmem:s8+$0x20];
	vm12 =	vgt.u32 v8, v5;
	[tilespmem:s6+$0xFFFFF840] =	vst v0  }
0x525: {  	v7 =	vld [tilespmem:s4+$0x20];
	vm13 =	vgt.u32 v8, v6;
	[tilespmem:s6+$0x40] =	vst v0;
	v9 =	vsel vm12, $0x800, v60  }
0x526: {  	s30 =	sadd.s32 $0x60, s28;
	v8 =	vsel vm13, $0x800, v61;
	[tilespmem:s5+$0xFFFFF850] =	vst v9  }
0x527: {  	v63 =	vor.u32 s30, v1;
	[tilespmem:s5+$0x50] =	vst v8  }
0x528: {  	vm15 =	vgt.u32 v63, v6;
	[tilespmem:s6+$0xFFFFF850] =	vst v0  }
.Ltmp22:
0x529: {  	vm14 =	vgt.u32 v63, v5;
	v8 =	vsel vm15, $0x800, v62;
	[tilespmem:s6+$0x50] =	vst v0;
	(pc) =	sbr.rel @p0 .LBB2_51-.Ltmp22, $4  }
0x52a: {  	[tilespmem:s5+$0x60] =	vst v8;
	v7 =	vsel vm14, $0x800, v7  }
0x52b: {  	[tilespmem:s5+$0xFFFFF860] =	vst v7  }
0x52c: {  	[tilespmem:s6+$0xFFFFF860] =	vst v0  }
0x52d: {  	[tilespmem:s6+$0x60] =	vst v0  }
0x52e: {  	s5 =	simm.s32 $0x8C40  }
0x52f: {  	s4 =	simm.s32 $0x5840;
	v10 =	vld [tilespmem:s5+$0x20]  }
0x530: {  	v15 =	vld [tilespmem:s4+$0xFFFFFFC0]  }
0x531: {  	v13 =	vld [tilespmem:s4+$0x30]  }
0x532: {  	v14 =	vld [tilespmem:s4+$0x0]  }
0x533: {  	s2 =	simm.s32 $0x40;
	v8 =	vld [tilespmem:s4+$0x20]  }
0x534: {  	s6 =	simm.s32 $0x70;
	v7 =	vor.u32 s2, v1;
	v19 =	vld [tilespmem:s4+$0x10]  }
0x535: {  	s9 =	simm.s32 $0x50;
	v11 =	vor.u32 s6, v1;
	v9 =	vld [tilespmem:s4+$0xFFFFFFF0];
	vm2 =	vle.u32 v7, v5  }
0x536: {  	s1 =	simm.s32 $0x0;
	v16 =	vor.u32 s9, v1;
	v17 =	vld [tilespmem:s5+$0x30];
	vm5 =	vle.u32 v11, v5  }
0x537: {  	s10 =	simm.s32 $0x60;
	v20 =	vor.u32 s1, v1;
	v21 =	vld [tilespmem:s5+$0x0];
	vm9 =	vle.u32 v16, v5  }
0x538: {  	s11 =	simm.s32 $0x30;
	v22 =	vld [tilespmem:s5+$0x10];
	v12 =	vor.u32 s10, v1;
	vm10 =	vle.u32 v20, v5  }
0x539: {  	p3 =	sgt.u32 s25, $0x80;
	v23 =	vor.u32 s11, v1;
	vm0 =	vle.u32 v7, v6;
	v7 =	vld [tilespmem:s4+$0xFFFFFFD0];
	vm8 =	vle.u32 v12, v5  }
.Ltmp23:
0x53a: {  	s28 =	simm.s32 $0x20;
	vm4 =	vle.u32 v12, v6;
	v12 =	vld [tilespmem:s5+$0xFFFFFFF0];
	vm1 =	vle.u32 v23, v5;
	(pc) =	sbr.rel @!p3 .LBB2_50-.Ltmp23, $4  }
0x53b: {  	v18 =	vor.u32 s28, v1;
	vm6 =	vle.u32 v11, v6;
	v11 =	vld [tilespmem:s4+$0xFFFFFFE0];
	[tilespmem:v14+s29+$0x0] =	vst.idx.msk vm2, v3  }
0x53c: {  	vm3 =	vle.u32 v16, v6;
	v16 =	vld [tilespmem:s5+$0xFFFFFFC0];
	vm7 =	vle.u32 v18, v5;
	v14 =	vadd.s32 $0x800, v17;
	[tilespmem:v13+s29+$0x0] =	vst.idx.msk vm5, v3  }
0x53d: {  	s30 =	simm.s32 $0x10;
	v10 =	vadd.s32 $0x800, v10;
	v13 =	vadd.s32 $0x800, v21;
	v17 =	vld [tilespmem:s5+$0xFFFFFFD0];
	vm2 =	vle.u32 v23, v6;
	[tilespmem:v19+s29+$0x0] =	vst.idx.msk vm9, v3  }
0x53e: {  	s7 =	simm.s32 $0x8CC0;
	s6 =	simm.s32 $0x58C0;
	s4 =	simm.s32 $0x80;
	[tilespmem:v15+s29+$0x0] =	vst.idx.msk vm10, v3;
	vm5 =	vle.u32 v20, v6;
	v20 =	vor.u32 s30, v1;
	v19 =	vld [tilespmem:s5+$0xFFFFFFE0];
	v15 =	vadd.s32 $0x800, v22  }
.LBB2_49:
0x53f: {  	s1 =	sadd.s32 $0x60, s4;
	v21 =	vld [tilespmem:s7+$0x20];
	vm12 =	vle.u32 v20, v5;
	vm10 =	vle.u32 v20, v6;
	[tilespmem:v8+s29+$0x0] =	vst.idx.msk vm8, v3;
	s5 =	smov.u32 s4;
	s4 =	sadd.s32 $0x80, s4  }
0x540: {  	vm11 =	vle.u32 v18, v6;
	v18 =	vadd.s32 $0x800, v12;
	v20 =	vld [tilespmem:s6+$0xFFFFFFC0];
	s2 =	sadd.s32 $0x30, s5;
	v22 =	vor.u32 s1, v1;
	p3 =	slt.u32 s4, s25;
	[tilespmem:v9+s29+$0x0] =	vst.idx.msk vm1, v3  }
0x541: {  	v23 =	vor.u32 s5, v1;
	s1 =	sadd.s32 $0x40, s5;
	s8 =	sadd.s32 $0x70, s5;
	v24 =	vor.u32 s2, v1;
	s2 =	sadd.s32 $0x50, s5;
	v25 =	vld [tilespmem:s6+$0x30];
	v12 =	vadd.s32 $0x800, v16;
	[tilespmem:v14+s29+$0x0] =	vst.idx.msk vm6, v3  }
0x542: {  	vm9 =	vle.u32 v23, v5;
	vm1 =	vle.u32 v24, v5;
	v14 =	vld [tilespmem:s6+$0x0];
	v16 =	vadd.s32 $0x800, v17;
	[tilespmem:v10+s29+$0x0] =	vst.idx.msk vm4, v3  }
0x543: {  	v17 =	vor.u32 s1, v1;
	v26 =	vor.u32 s2, v1;
	v8 =	vld [tilespmem:s6+$0x20];
	v19 =	vadd.s32 $0x800, v19;
	[tilespmem:v13+s29+$0x0] =	vst.idx.msk vm0, v3  }
0x544: {  	v13 =	vor.u32 s8, v1;
	v27 =	vld [tilespmem:s6+$0x10];
	[tilespmem:v11+s29+$0x0] =	vst.idx.msk vm7, v3  }
0x545: {  	vm7 =	vle.u32 v17, v5;
	v10 =	vadd.s32 $0x800, v21;
	vm14 =	vle.u32 v13, v5;
	v9 =	vld [tilespmem:s6+$0xFFFFFFF0];
	[tilespmem:v15+s29+$0x0] =	vst.idx.msk vm3, v3  }
0x546: {  	vm13 =	vle.u32 v26, v5;
	v15 =	vld [tilespmem:s7+$0x30];
	[tilespmem:v7+s29+$0x0] =	vst.idx.msk vm12, v3  }
0x547: {  	vm8 =	vle.u32 v22, v5;
	vm0 =	vle.u32 v17, v6;
	v21 =	vld [tilespmem:s7+$0x0];
	[tilespmem:v12+s29+$0x0] =	vst.idx.msk vm5, v3  }
0x548: {  	vm4 =	vle.u32 v22, v6;
	v28 =	vld [tilespmem:s7+$0x10];
	[tilespmem:v16+s29+$0x0] =	vst.idx.msk vm10, v3  }
0x549: {  	v7 =	vld [tilespmem:s6+$0xFFFFFFD0];
	[tilespmem:v19+s29+$0x0] =	vst.idx.msk vm11, v3  }
.Ltmp24:
0x54a: {  	vm6 =	vle.u32 v13, v6;
	v12 =	vld [tilespmem:s7+$0xFFFFFFF0];
	[tilespmem:v18+s29+$0x0] =	vst.idx.msk vm2, v3;
	(pc) =	sbr.rel @p3 .LBB2_49-.Ltmp24, $4  }
0x54b: {  	s1 =	sadd.s32 $0x20, s5;
	vm3 =	vle.u32 v26, v6;
	v11 =	vld [tilespmem:s6+$0xFFFFFFE0];
	[tilespmem:v14+s29+$0x0] =	vst.idx.msk vm7, v3;
	v14 =	vadd.s32 $0x800, v15  }
0x54c: {  	v18 =	vor.u32 s1, v1;
	v16 =	vld [tilespmem:s7+$0xFFFFFFC0];
	v13 =	vadd.s32 $0x800, v21;
	[tilespmem:v25+s29+$0x0] =	vst.idx.msk vm14, v3  }
0x54d: {  	s1 =	sadd.s32 $0x10, s5;
	vm2 =	vle.u32 v24, v6;
	vm7 =	vle.u32 v18, v5;
	v17 =	vld [tilespmem:s7+$0xFFFFFFD0];
	[tilespmem:v27+s29+$0x0] =	vst.idx.msk vm13, v3  }
0x54e: {  	vm5 =	vle.u32 v23, v6;
	s6 =	sadd.s32 $0x80, s6;
	v15 =	vadd.s32 $0x800, v28;
	[tilespmem:v20+s29+$0x0] =	vst.idx.msk vm9, v3;
	v20 =	vor.u32 s1, v1;
	v19 =	vld [tilespmem:s7+$0xFFFFFFE0];
	s7 =	sadd.s32 $0x80, s7  }
.LBB2_50:
0x54f: {  	_ =	sdelay $0x4  }
0x550: {  	[tilespmem:v8+s29+$0x0] =	vst.idx.msk vm8, v3  }
0x551: {  	[tilespmem:v9+s29+$0x0] =	vst.idx.msk vm1, v3  }
0x552: {  	vm13 =	vle.u32 v20, v5;
	[tilespmem:v14+s29+$0x0] =	vst.idx.msk vm6, v3;
	v63 =	vadd.s32 $0x800, v12  }
0x553: {  	[tilespmem:v13+s29+$0x0] =	vst.idx.msk vm0, v3  }
0x554: {  	vm14 =	vle.u32 v20, v6;
	[tilespmem:v15+s29+$0x0] =	vst.idx.msk vm3, v3;
	v8 =	vadd.s32 $0x800, v16  }
0x555: {  	vm15 =	vle.u32 v18, v6;
	[tilespmem:v10+s29+$0x0] =	vst.idx.msk vm4, v3;
	v61 =	vadd.s32 $0x800, v17  }
0x556: {  	[tilespmem:v11+s29+$0x0] =	vst.idx.msk vm7, v3;
	v62 =	vadd.s32 $0x800, v19  }
0x557: {  	[tilespmem:v63+s29+$0x0] =	vst.idx.msk vm2, v3  }
0x558: {  	[tilespmem:v7+s29+$0x0] =	vst.idx.msk vm13, v3  }
0x559: {  	[tilespmem:v8+s29+$0x0] =	vst.idx.msk vm5, v3  }
0x55a: {  	[tilespmem:v61+s29+$0x0] =	vst.idx.msk vm14, v3  }
0x55b: {  	[tilespmem:v62+s29+$0x0] =	vst.idx.msk vm15, v3  }
.LBB2_51:
.Ltmp25:
0x55c: {  	(pc) =	sbr.rel @!p1 .LBB2_52-.Ltmp25, $4  }
0x55d: {  	_ = 	snop  }
0x55e: {  	s1 =	rddreg [dreg:$0x10]  }
0x55f: {  	s4 =	rddreg [dreg:$0xf]  }
0x560: {  	s5 =	rddreg [dreg:$0xe]  }
.LBB2_58:
0x561: {  	v7 =	vld [tilespmem:s4+$0x0]  }
0x562: {  	s5 =	sadd.s32 $0x10, s5;
	v8 =	vld [tilespmem:s1+$0x0]  }
0x563: {  	v9 =	vor.u32 s5, v1  }
0x564: {  	vm0 =	vle.u32 v9, v5  }
0x565: {  	vm1 =	vle.u32 v9, v6  }
0x566: {  	p3 =	slt.u32 s5, s3;
	v7 =	vadd.s32 $0x800, v7  }
.Ltmp26:
0x567: {  	_ = 	snop;
	(pc) =	sbr.rel @p3 .LBB2_58-.Ltmp26, $3  }
0x568: {  	_ =	sdelay $0x1  }
0x569: {  	[tilespmem:v8+s29+$0x0] =	vst.idx.msk vm0, v3  }
0x56a: {  	s4 =	sadd.s32 $0x10, s4;
	s1 =	sadd.s32 $0x10, s1;
	[tilespmem:v7+s29+$0x0] =	vst.idx.msk vm1, v3  }
.LBB2_52:
0x56b: {  	s4 =	simm.s32 $0x6C00  }
0x56c: {  	v5 =	vld [tilespmem:s4+$0xFFFFF870]  }
0x56d: {  	v6 =	vld [tilespmem:s4+$0x70]  }
0x56e: {  	v7 =	vld [tilespmem:s4+$0x0]  }
0x56f: {  	v9 =	vld [tilespmem:s4+$0xFFFFF810]  }
0x570: {  	v10 =	vld [tilespmem:s4+$0x10]  }
0x571: {  	v11 =	vld [tilespmem:s4+$0xFFFFF820]  }
0x572: {  	v13 =	vld [tilespmem:s4+$0x20]  }
0x573: {  	v14 =	vld [tilespmem:s4+$0xFFFFF830]  }
0x574: {  	v15 =	vld [tilespmem:s4+$0x30]  }
0x575: {  	v16 =	vld [tilespmem:s4+$0xFFFFF840]  }
0x576: {  	s1 =	sand.u32 $0x3FFFF000, s26;
	v17 =	vld [tilespmem:s4+$0x40]  }
0x577: {  	s8 =	sor.u32 $0x800, s1;
	v20 =	vld [tilespmem:s4+$0xFFFFF800]  }
0x578: {  	v8 =	vld [tilespmem:s8+$0x70]  }
0x579: {  	v12 =	vld [tilespmem:s8+$0xFFFFF870]  }
0x57a: {  	v19 =	vld [tilespmem:s4+$0xFFFFF860];
	vm2 =	vgt.s32 v5, $0x0  }
0x57b: {  	s7 =	sadd.s32 $0xC000, s1;
	v23 =	vld [tilespmem:s4+$0x60];
	vm1 =	vgt.s32 v6, $0x0;
	v6 =	vsel vm2, $0x0, v4  }
0x57c: {  	v21 =	vld [tilespmem:s8+$0xFFFFF820];
	vm5 =	vgt.s32 v13, $0x0;
	[tilespmem:s7+$0xFFFFF870] =	vst v6;
	v6 =	vsel vm1, $0x0, v4  }
0x57d: {  	v5 =	vld [tilespmem:s4+$0x50];
	vm0 =	vgt.s32 v7, $0x0;
	v22 =	vsel vm5, $0x0, v4;
	[tilespmem:s7+$0x70] =	vst v6;
	v6 =	vnsel vm1, $0xFF7F0000, v8  }
0x57e: {  	s6 =	sadd.s32 $0xE000, s1;
	vm1 =	vgt.s32 v9, $0x0;
	v9 =	vnsel vm2, $0xFF7F0000, v12;
	vm2 =	vgt.s32 v20, $0x0;
	v20 =	vld [tilespmem:s8+$0x20];
	[tilespmem:s7+$0x20] =	vst v22  }
0x57f: {  	v7 =	vld [tilespmem:s8+$0xFFFFF800];
	v8 =	vsel vm0, $0x0, v4;
	[tilespmem:s6+$0x70] =	vst v6  }
0x580: {  	v6 =	vld [tilespmem:s8+$0x0];
	[tilespmem:s7+$0x0] =	vst v8  }
0x581: {  	vm3 =	vgt.s32 v10, $0x0;
	v12 =	vld [tilespmem:s8+$0x10];
	v10 =	vsel vm1, $0x0, v4;
	[tilespmem:s6+$0xFFFFF870] =	vst v9  }
0x582: {  	vm6 =	vgt.s32 v11, $0x0;
	v8 =	vld [tilespmem:s8+$0xFFFFF810];
	v9 =	vsel vm3, $0x0, v4;
	[tilespmem:s7+$0xFFFFF810] =	vst v10  }
0x583: {  	v25 =	vld [tilespmem:s8+$0x30];
	vm7 =	vgt.s32 v14, $0x0;
	vm8 =	vgt.s32 v15, $0x0;
	v10 =	vsel vm6, $0x0, v4;
	[tilespmem:s7+$0x10] =	vst v9  }
0x584: {  	v18 =	vld [tilespmem:s4+$0xFFFFF850];
	vm9 =	vgt.s32 v16, $0x0;
	vm4 =	vgt.s32 v23, $0x0;
	v9 =	vsel vm2, $0x0, v4;
	[tilespmem:s7+$0xFFFFF820] =	vst v10  }
0x585: {  	v24 =	vld [tilespmem:s8+$0xFFFFF830];
	v11 =	vsel vm8, $0x0, v4;
	v15 =	vnsel vm6, $0xFF7F0000, v21;
	v7 =	vnsel vm2, $0xFF7F0000, v7;
	[tilespmem:s7+$0xFFFFF800] =	vst v9  }
0x586: {  	vm2 =	vgt.s32 v5, $0x0;
	[tilespmem:s6+$0xFFFFF800] =	vst v7;
	v6 =	vnsel vm0, $0xFF7F0000, v6;
	vm0 =	vgt.s32 v17, $0x0;
	v17 =	vld [tilespmem:s8+$0xFFFFF840]  }
0x587: {  	v13 =	vld [tilespmem:s8+$0x40];
	v10 =	vsel vm7, $0x0, v4;
	v9 =	vsel vm9, $0x0, v4;
	[tilespmem:s6+$0xFFFFF820] =	vst v15;
	v5 =	vnsel vm3, $0xFF7F0000, v12  }
0x588: {  	v14 =	vld [tilespmem:s8+$0xFFFFF850];
	vm3 =	vgt.s32 v19, $0x0;
	v19 =	vnsel vm8, $0xFF7F0000, v25;
	v7 =	vnsel vm1, $0xFF7F0000, v8;
	[tilespmem:s6+$0x10] =	vst v5  }
0x589: {  	v16 =	vld [tilespmem:s8+$0x50];
	vm1 =	vgt.s32 v18, $0x0;
	v5 =	vsel vm4, $0x0, v4;
	v18 =	vnsel vm5, $0xFF7F0000, v20;
	[tilespmem:s6+$0x0] =	vst v6  }
0x58a: {  	s28 =	simm.s32 $0x0;
	v15 =	vld [tilespmem:s8+$0xFFFFF860];
	v20 =	vnsel vm7, $0xFF7F0000, v24;
	[tilespmem:s6+$0xFFFFF810] =	vst v7;
	v12 =	vsel vm0, $0x0, v4;
	v8 =	vsel vm1, $0x0, v4  }
0x58b: {  	s9 =	simm.s32 $0x6C80;
	s26 =	smov.u32 s7;
	s4 =	smov.u32 s6;
	v7 =	vsel vm2, $0x0, v4;
	v6 =	vsel vm3, $0x0, v4;
	[tilespmem:s6+$0x20] =	vst v18;
	v18 =	vnsel vm9, $0xFF7F0000, v17;
	v17 =	vld [tilespmem:s8+$0x60]  }
.LBB2_53:
0x58c: {  	v21 =	vld [tilespmem:s9+$0xFFFFF870];
	[tilespmem:s7+$0xFFFFF830] =	vst v10;
	v10 =	vnsel vm0, $0xFF7F0000, v13  }
0x58d: {  	v13 =	vld [tilespmem:s9+$0x70];
	[tilespmem:s7+$0x30] =	vst v11;
	v11 =	vnsel vm1, $0xFF7F0000, v14  }
0x58e: {  	s28 =	sadd.s32 $0x80, s28;
	s8 =	sadd.s32 $0x80, s8;
	v14 =	vld [tilespmem:s9+$0x0];
	[tilespmem:s6+$0xFFFFF830] =	vst v20;
	v16 =	vnsel vm2, $0xFF7F0000, v16  }
0x58f: {  	p3 =	slt.u32 s28, $0x780;
	v20 =	vld [tilespmem:s8+$0x70];
	[tilespmem:s6+$0x30] =	vst v19;
	v15 =	vnsel vm3, $0xFF7F0000, v15  }
0x590: {  	v19 =	vld [tilespmem:s9+$0xFFFFF810];
	[tilespmem:s7+$0xFFFFF840] =	vst v9;
	v17 =	vnsel vm4, $0xFF7F0000, v17  }
0x591: {  	v9 =	vld [tilespmem:s9+$0x10];
	vm0 =	vgt.s32 v21, $0x0;
	[tilespmem:s7+$0x40] =	vst v12  }
0x592: {  	s7 =	sadd.s32 $0x80, s7;
	v12 =	vld [tilespmem:s9+$0xFFFFF820];
	vm1 =	vgt.s32 v13, $0x0;
	v13 =	vsel vm0, $0x0, v4;
	[tilespmem:s6+$0xFFFFF840] =	vst v18  }
0x593: {  	vm5 =	vgt.s32 v14, $0x0;
	v14 =	vld [tilespmem:s8+$0xFFFFF870];
	[tilespmem:s7+$0xFFFFF870] =	vst v13;
	v13 =	vsel vm1, $0x0, v4  }
0x594: {  	s6 =	sadd.s32 $0x80, s6;
	v18 =	vsel vm5, $0x0, v4;
	v21 =	vld [tilespmem:s9+$0x20];
	[tilespmem:s7+$0x70] =	vst v13;
	v13 =	vnsel vm1, $0xFF7F0000, v20  }
0x595: {  	vm6 =	vgt.s32 v19, $0x0;
	v19 =	vld [tilespmem:s9+$0xFFFFF830];
	[tilespmem:s6+$0x70] =	vst v13  }
0x596: {  	vm7 =	vgt.s32 v9, $0x0;
	v13 =	vsel vm6, $0x0, v4;
	v9 =	vld [tilespmem:s9+$0x30];
	[tilespmem:s4+$0x40] =	vst v10  }
0x597: {  	v20 =	vsel vm7, $0x0, v4;
	vm8 =	vgt.s32 v12, $0x0;
	v12 =	vld [tilespmem:s9+$0xFFFFF840];
	[tilespmem:s26+$0xFFFFF850] =	vst v8  }
0x598: {  	v22 =	vsel vm8, $0x0, v4;
	v8 =	vld [tilespmem:s9+$0x40];
	v14 =	vnsel vm0, $0xFF7F0000, v14;
	[tilespmem:s26+$0x50] =	vst v7  }
0x599: {  	vm9 =	vgt.s32 v21, $0x0;
	v7 =	vld [tilespmem:s9+$0xFFFFF850];
	[tilespmem:s4+$0xFFFFF850] =	vst v11  }
0x59a: {  	v21 =	vsel vm9, $0x0, v4;
	vm10 =	vgt.s32 v19, $0x0;
	v19 =	vld [tilespmem:s9+$0x50];
	[tilespmem:s4+$0x50] =	vst v16  }
0x59b: {  	vm11 =	vgt.s32 v9, $0x0;
	v10 =	vsel vm10, $0x0, v4;
	v16 =	vld [tilespmem:s9+$0xFFFFF860];
	[tilespmem:s26+$0xFFFFF860] =	vst v6  }
0x59c: {  	v11 =	vsel vm11, $0x0, v4;
	vm12 =	vgt.s32 v12, $0x0;
	v6 =	vld [tilespmem:s9+$0x60];
	[tilespmem:s26+$0x60] =	vst v5;
	s26 =	smov.u32 s7  }
0x59d: {  	v5 =	vld [tilespmem:s9+$0xFFFFF800];
	vm0 =	vgt.s32 v8, $0x0;
	v9 =	vsel vm12, $0x0, v4;
	[tilespmem:s4+$0xFFFFF860] =	vst v15  }
0x59e: {  	v15 =	vld [tilespmem:s8+$0xFFFFF800];
	v12 =	vsel vm0, $0x0, v4;
	vm1 =	vgt.s32 v7, $0x0;
	[tilespmem:s4+$0x60] =	vst v17;
	s4 =	smov.u32 s6  }
0x59f: {  	v17 =	vld [tilespmem:s8+$0x0];
	[tilespmem:s7+$0x0] =	vst v18;
	vm2 =	vgt.s32 v19, $0x0;
	v8 =	vsel vm1, $0x0, v4  }
0x5a0: {  	v18 =	vld [tilespmem:s8+$0xFFFFF810];
	v7 =	vsel vm2, $0x0, v4;
	vm3 =	vgt.s32 v16, $0x0;
	[tilespmem:s6+$0xFFFFF870] =	vst v14  }
0x5a1: {  	v14 =	vld [tilespmem:s8+$0x10];
	[tilespmem:s7+$0xFFFFF810] =	vst v13;
	vm4 =	vgt.s32 v6, $0x0;
	v6 =	vsel vm3, $0x0, v4  }
0x5a2: {  	vm13 =	vgt.s32 v5, $0x0;
	[tilespmem:s7+$0x10] =	vst v20;
	v13 =	vld [tilespmem:s8+$0xFFFFF820];
	v5 =	vsel vm4, $0x0, v4  }
0x5a3: {  	v16 =	vsel vm13, $0x0, v4;
	v15 =	vnsel vm13, $0xFF7F0000, v15;
	v19 =	vld [tilespmem:s8+$0x20];
	[tilespmem:s7+$0xFFFFF820] =	vst v22  }
0x5a4: {  	[tilespmem:s7+$0xFFFFF800] =	vst v16;
	v16 =	vnsel vm5, $0xFF7F0000, v17;
	v17 =	vld [tilespmem:s8+$0xFFFFF830]  }
0x5a5: {  	[tilespmem:s6+$0xFFFFF800] =	vst v15;
	v15 =	vnsel vm6, $0xFF7F0000, v18;
	v18 =	vld [tilespmem:s8+$0x30]  }
0x5a6: {  	[tilespmem:s6+$0x0] =	vst v16;
	v14 =	vnsel vm7, $0xFF7F0000, v14;
	v22 =	vld [tilespmem:s8+$0xFFFFF840]  }
.Ltmp27:
0x5a7: {  	[tilespmem:s6+$0xFFFFF810] =	vst v15;
	v15 =	vnsel vm8, $0xFF7F0000, v13;
	v13 =	vld [tilespmem:s8+$0x40];
	(pc) =	sbr.rel @p3 .LBB2_53-.Ltmp27, $4  }
0x5a8: {  	[tilespmem:s6+$0x10] =	vst v14;
	v23 =	vnsel vm9, $0xFF7F0000, v19;
	v14 =	vld [tilespmem:s8+$0xFFFFF850]  }
0x5a9: {  	[tilespmem:s7+$0x20] =	vst v21;
	v20 =	vnsel vm10, $0xFF7F0000, v17;
	v16 =	vld [tilespmem:s8+$0x50]  }
0x5aa: {  	[tilespmem:s6+$0xFFFFF820] =	vst v15;
	v19 =	vnsel vm11, $0xFF7F0000, v18;
	v15 =	vld [tilespmem:s8+$0xFFFFF860]  }
0x5ab: {  	s9 =	sadd.s32 $0x80, s9;
	[tilespmem:s6+$0x20] =	vst v23;
	v18 =	vnsel vm12, $0xFF7F0000, v22;
	v17 =	vld [tilespmem:s8+$0x60]  }
0x5ac: {  	[tilespmem:s7+$0xFFFFF830] =	vst v10  }
0x5ad: {  	[tilespmem:s7+$0x30] =	vst v11  }
0x5ae: {  	[tilespmem:s7+$0xFFFFF840] =	vst v9  }
0x5af: {  	[tilespmem:s7+$0x40] =	vst v12  }
0x5b0: {  	[tilespmem:s26+$0xFFFFF850] =	vst v8  }
0x5b1: {  	[tilespmem:s26+$0x50] =	vst v7  }
0x5b2: {  	[tilespmem:s26+$0xFFFFF860] =	vst v6  }
0x5b3: {  	[tilespmem:s26+$0x60] =	vst v5  }
0x5b4: {  	[tilespmem:s6+$0xFFFFF830] =	vst v20  }
0x5b5: {  	[tilespmem:s6+$0x30] =	vst v19  }
0x5b6: {  	v62 =	vnsel vm0, $0xFF7F0000, v13;
	[tilespmem:s6+$0xFFFFF840] =	vst v18  }
.Ltmp28:
0x5b7: {  	v63 =	vnsel vm1, $0xFF7F0000, v14;
	[tilespmem:s4+$0x40] =	vst v62;
	(pc) =	sbr.rel @p2 .LBB2_5-.Ltmp28, $4  }
0x5b8: {  	v7 =	vnsel vm2, $0xFF7F0000, v16;
	[tilespmem:s4+$0xFFFFF850] =	vst v63  }
0x5b9: {  	[tilespmem:s4+$0x50] =	vst v7;
	v6 =	vnsel vm3, $0xFF7F0000, v15  }
0x5ba: {  	v5 =	vnsel vm4, $0xFF7F0000, v17;
	[tilespmem:s4+$0xFFFFF860] =	vst v6  }
0x5bb: {  	s28 =	simm.s32 $0x1;
	p3 =	por $0x0, $0x0;
	[tilespmem:s4+$0x60] =	vst v5  }
0x5bc: {  	s0 =	rddreg [dreg:$0x2]  }
0x5bd: {  	s4 =	rddreg [dreg:$0xd];
	s1 =	simm.s32 $0x0  }
0x5be: {  	s2 =	simm.s32 $0x9800;
	s3 =	simm.s32 $0x1;
	s0 =	sadd.s32 s0, s4  }
0x5bf: {  	[hbm4b:s0+s1] =	stream.linear.scatter [tilespmem:s2], [sflag:$0x1], $0x2000, $0x38;
	[tilespmem:$0xF800] =	vst v63  }
0x5c0: {  	_ =	swait.ge [sflag:s3], $0x2000  }
0x5c1: {  	[sflag:s3] =	ssyncset.done $0x0;
	s10 =	rddreg [dreg:$0x5]  }
0x5c2: {  	s11 =	simm.s32 $0xB800;
	[sflag:s3] =	ssyncadd.s32 $0xFFFFE000;
	s0 =	sadd.s32 s10, s4  }
0x5c3: {  	[hbm4b:s0+s1] =	stream.linear.scatter [tilespmem:s11], [sflag:$0x1], $0x2000, $0x38;
	[tilespmem:$0xF800] =	vst v63  }
0x5c4: {  	_ =	swait.ge [sflag:s3], $0x2000  }
0x5c5: {  	[sflag:s3] =	ssyncset.done $0x0;
	s25 =	rddreg [dreg:$0x6]  }
0x5c6: {  	s26 =	simm.s32 $0xD800;
	[sflag:s3] =	ssyncadd.s32 $0xFFFFE000;
	s0 =	sadd.s32 s25, s4  }
0x5c7: {  	[hbm4b:s0+s1] =	stream.linear.scatter [tilespmem:s26], [sflag:$0x1], $0x2000, $0x38;
	[tilespmem:$0xF800] =	vst v63  }
0x5c8: {  	_ =	swait.ge [sflag:s3], $0x2000  }
0x5c9: {  	s28 =	rddreg [dreg:$0xc]  }
0x5ca: {  	s0 =	sadd.s32 $0x1, s28  }
0x5cb: {  	p0 =	sne.s32 s0, $0x10  }
.Ltmp29:
0x5cc: {  	_ = 	snop;
	(pc) =	sbr.rel @p0 .LBB2_4-.Ltmp29, $3  }
0x5cd: {  	_ =	sdelay $0x1  }
0x5ce: {  	[sflag:s3] =	ssyncset.done $0x0;
	s30 =	rddreg [dreg:$0xb]  }
0x5cf: {  	[sflag:s3] =	ssyncadd.s32 $0xFFFFE000;
	s2 =	sadd.s32 $0x4, s30  }
0x5d0: {  	s1 =	rddreg [dreg:$0xa]  }
0x5d1: {  	s0 =	rddreg [dreg:$0x8];
	s1 =	sadd.s32 $0x1, s1  }
0x5d2: {  	p0 =	sne.s32 s1, s0  }
.Ltmp30:
0x5d3: {  	_ = 	snop;
	(pc) =	sbr.rel @p0 .LBB2_1-.Ltmp30, $1  }
0x5d4: {  	_ =	sdelay $0x3  }
0x5d5: {  	_ =	sfence.sel $0x180000  }
0x5d6: {  	[bflag:$0x0] =	sbarrier.arrive $0xFFFF  }
0x5d7: {  	_ =	strace $0x90000047  }
0x5d8: {  	s0 =	stileid.u32;
	[bflag:$0x2] =	sbarrier.arrive $0xFFFF  }
0x5d9: {  	p0 =	sne.s32 s0, $0x0;
	s0 =	rddreg [dreg:$0x4]  }
0x5da: {  	s0 =	sadd.s32 @!p0 $0x100000, s0  }
0x5db: {  	[sflag:s0] =	ssyncadd.tile.s32 @!p0 $0x1;
	_ =	shalt  }
.Lfunc_end2:
_tile_overlayer_lowered:
.L_overlay_start_2:
0x5dc: {  	(tag) =	ssettag $0x2  }
0x5dd: {  	s0 =	rddreg [dreg:$0x0];
	s2 =	stileid.u32  }
0x5de: {  	s1 =	rddreg [dreg:$0x1];
	p0 =	sne.s32 s2, $0x0  }
0x5df: {  	s3 =	rddreg [dreg:$0x2];
	[bflag:$0x3] =	sbarrier.arrive $0xFFFF;
	s2 =	simm.s32 @!p0 $0x1C01  }
0x5e0: {  	[timem:s3], [sflag:s2] =	dma.local @!p0 [hbm:s0], s1  }
0x5e1: {  	s0 =	simm.s32 @!p0 $0x1  }
0x5e2: {  	_ =	swait.ge @!p0 [sflag:s0], s1  }
0x5e3: {  	s1 =	ssub.s32 @!p0 $0x0, s1;
	[sflag:s0] =	ssyncset.done @!p0 $0x0  }
0x5e4: {  	[sflag:s0] =	ssyncadd.s32 @!p0 s1  }
0x5e5: {  	[bflag:$0x3] =	sbarrier.arrive $0xFFFF  }
0x5e6: {  	_ =	shalt  }

</sc_bundles>
